<compile_context>
chip_gen: v7x
topology: tpu7x:2x2x1
jax: 0.10.2.dev20260603
libtpu: 0.0.44.dev20260713+nightly
codegen_flags: <defaults>
</compile_context>

<pallas_src>
import functools

import jax
import jax.numpy as jnp
from jax import lax
from jax.experimental import pallas as pl
from jax.experimental.pallas import tpu as pltpu
from jax.experimental.pallas import tpu_sc as plsc

_EPS = 1e-12
_CHUNK = 128
_L = 16


def _tree_add(vs):
    vs = list(vs)
    while len(vs) > 1:
        vs = [a + b for a, b in zip(vs[::2], vs[1::2])] + ([vs[-1]] if len(vs) % 2 else [])
    return vs[0]


def _hsum16(x):
    lane = lax.iota(jnp.int32, _L)
    dnums = lax.GatherDimensionNumbers(
        offset_dims=(), collapsed_slice_dims=(0,), start_index_map=(0,))
    for k in (1, 2, 4, 8):
        perm = lax.gather(x, (lane ^ k)[:, None], dnums, (1,),
                          mode=lax.GatherScatterMode.PROMISE_IN_BOUNDS)
        x = x + perm
    return x


def _rsqrt_vec(v):
    i = lax.bitcast_convert_type(v, jnp.int32)
    i = jnp.int32(0x5F3759DF) - lax.shift_right_logical(i, 1)
    y = lax.bitcast_convert_type(i, jnp.float32)
    for _ in range(2):
        y = y * (1.5 - 0.5 * v * y * y)
    return y


@functools.cache
def _make_fused(n_rows: int, emb: int, seq: int):
    info = plsc.get_sparse_core_info()
    nw = info.num_cores * info.num_subcores
    rows_per_w = n_rows // nw
    chunks = rows_per_w // _CHUNK
    pos_blocks = seq // rows_per_w
    nlane = emb // _L
    mesh = plsc.VectorSubcoreMesh(core_axis_name="c", subcore_axis_name="s")

    @functools.partial(
        pl.kernel,
        mesh=mesh,
        out_type=jax.ShapeDtypeStruct((n_rows, emb), jnp.float32),
        scratch_types=[
            pltpu.VMEM((chunks, _CHUNK), jnp.int32),
            pltpu.VMEM((rows_per_w, emb), jnp.float32),
            pltpu.VMEM((rows_per_w, emb), jnp.float32),
            pltpu.VMEM((1, emb), jnp.float32),
            pltpu.VMEM((1, emb), jnp.float32),
            pltpu.VMEM((1, emb), jnp.float32),
            pltpu.SemaphoreType.DMA,
            pltpu.SemaphoreType.DMA,
            pltpu.SemaphoreType.DMA,
        ],
    )
    def fused(idx_hbm, table_hbm, pos_hbm, tok_hbm, g_hbm, b_hbm, out_hbm,
              idx_v, rows_v, bias_v, tok_v, g_v, b_v, gsem, osem, asem):
        wid = lax.axis_index("s") * info.num_cores + lax.axis_index("c")
        base = wid * rows_per_w
        pltpu.sync_copy(idx_hbm.at[pl.ds(wid * chunks, chunks)], idx_v)
        gathers = [
            pltpu.async_copy(
                table_hbm.at[idx_v.at[j]],
                rows_v.at[pl.ds(j * _CHUNK, _CHUNK)],
                gsem,
            )
            for j in range(chunks)
        ]
        pos0 = (wid % pos_blocks) * rows_per_w
        aux = [
            pltpu.async_copy(pos_hbm.at[pl.ds(pos0, rows_per_w)], bias_v, asem),
            pltpu.async_copy(tok_hbm.at[pl.ds(0, 1)], tok_v, asem),
            pltpu.async_copy(g_hbm, g_v, asem),
            pltpu.async_copy(b_hbm, b_v, asem),
        ]
        for cp in aux:
            cp.wait()
        tok = [tok_v[0, pl.ds(c * _L, _L)] for c in range(nlane)]
        gam = [g_v[0, pl.ds(c * _L, _L)] for c in range(nlane)]
        bet = [b_v[0, pl.ds(c * _L, _L)] for c in range(nlane)]
        inv_n = 1.0 / emb

        def row_body(r):
            x = [
                rows_v[r, pl.ds(c * _L, _L)] + bias_v[r, pl.ds(c * _L, _L)] + tok[c]
                for c in range(nlane)
            ]
            mean = _hsum16(_tree_add(x)) * inv_n
            ex2 = _hsum16(_tree_add([v * v for v in x])) * inv_n
            inv = _rsqrt_vec(ex2 - mean * mean + _EPS)
            for c in range(nlane):
                rows_v[r, pl.ds(c * _L, _L)] = (x[c] - mean) * inv * gam[c] + bet[c]

        outs = []
        for j in range(chunks):
            gathers[j].wait()
            plsc.parallel_loop(j * _CHUNK, (j + 1) * _CHUNK, unroll=8)(row_body)
            outs.append(
                pltpu.async_copy(
                    rows_v.at[pl.ds(j * _CHUNK, _CHUNK)],
                    out_hbm.at[pl.ds(base + j * _CHUNK, _CHUNK)],
                    osem,
                )
            )
        for cp in outs:
            cp.wait()

    return fused


def kernel(input_ids, word_embeddings, position_embeddings, token_type_embeddings, ln_gamma, ln_beta):
    batch, seq = input_ids.shape
    vocab, emb = word_embeddings.shape
    total = batch * seq
    ids = input_ids.astype(jnp.int32).reshape(total // _CHUNK, _CHUNK)
    out = _make_fused(total, emb, seq)(
        ids,
        word_embeddings,
        position_embeddings,
        token_type_embeddings,
        ln_gamma.reshape(1, emb),
        ln_beta.reshape(1, emb),
    )
    return out.reshape(batch, seq, emb)

# --- scband reference (transcript-rebuilt; emitter-appended) ---
"""Pipeline reference for scband-conv-bert-embeddings-55327768707584 (READ-ONLY COPY).

The authoritative reference and input builder live on the scoring server;
editing this copy changes nothing except your own understanding.
"""

import jax, jax.numpy as jnp
import numpy as np

VOCAB = 1000000
EMB = 128
MAX_POS = 2048
TYPE_VOCAB = 2
B, S = 4, 2048
EPS = 1e-12


def setup_inputs(seed: int = 0) -> dict:
    key = jax.random.key(seed)
    k1, k2, k3, k4 = jax.random.split(key, 4)
    input_ids = jax.random.randint(k1, (B, S), 0, VOCAB)
    word_embeddings = jax.random.normal(k2, (VOCAB, EMB), dtype=jnp.float32) * 0.02
    position_embeddings = jax.random.normal(k3, (MAX_POS, EMB), dtype=jnp.float32) * 0.02
    token_type_embeddings = jax.random.normal(k4, (TYPE_VOCAB, EMB), dtype=jnp.float32) * 0.02
    ln_gamma = jnp.ones((EMB,), dtype=jnp.float32)
    ln_beta = jnp.zeros((EMB,), dtype=jnp.float32)
    return {
        'input_ids': input_ids,
        'word_embeddings': word_embeddings,
        'position_embeddings': position_embeddings,
        'token_type_embeddings': token_type_embeddings,
        'ln_gamma': ln_gamma,
        'ln_beta': ln_beta,
    }


def reference(input_ids, word_embeddings, position_embeddings, token_type_embeddings, ln_gamma, ln_beta):
    batch, seq_len = input_ids.shape
    # default position_ids = buffered arange[:seq_len]
    position_ids = jnp.arange(seq_len, dtype=jnp.int32)
    # default token_type_ids = buffered zeros expanded to input shape
    token_type_ids = jnp.zeros((batch, seq_len), dtype=jnp.int32)
    inputs_embeds = jnp.take(word_embeddings, input_ids, axis=0)
    pos_emb = jnp.take(position_embeddings, position_ids, axis=0)[None, :, :]
    tok_emb = jnp.take(token_type_embeddings, token_type_ids, axis=0)
    embeddings = inputs_embeds + pos_emb + tok_emb
    mean = jnp.mean(embeddings, axis=-1, keepdims=True)
    var = jnp.var(embeddings, axis=-1, keepdims=True)
    normed = (embeddings - mean) / jnp.sqrt(var + EPS)
    out = normed * ln_gamma + ln_beta
    # dropout with p=0.0 is identity
    return out

if __name__ == "__main__":
    import jax
    _d = setup_inputs()
    print(jax.jit(kernel)(*tuple(_d.values())))

</pallas_src>

<mosaic_0001>
#map = affine_map<(d0, d1) -> (0, 0)>
module attributes {stable_mosaic.version = 14 : i64} {
  func.func @fused(%arg0: i32, %arg1: i32, %arg2: memref<64x128xi32, #tpu.memory_space<hbm>>, %arg3: memref<1000000x128xf32, #tpu.memory_space<hbm>>, %arg4: memref<2048x128xf32, #tpu.memory_space<hbm>>, %arg5: memref<2x128xf32, #tpu.memory_space<hbm>>, %arg6: memref<1x128xf32, #tpu.memory_space<hbm>>, %arg7: memref<1x128xf32, #tpu.memory_space<hbm>>, %arg8: memref<8192x128xf32, #tpu.memory_space<hbm>>, %arg9: memref<2x128xi32, #tpu.memory_space<vmem>>, %arg10: memref<256x128xf32, #tpu.memory_space<vmem>>, %arg11: memref<256x128xf32, #tpu.memory_space<vmem>>, %arg12: memref<1x128xf32, #tpu.memory_space<vmem>>, %arg13: memref<1x128xf32, #tpu.memory_space<vmem>>, %arg14: memref<1x128xf32, #tpu.memory_space<vmem>>, %arg15: memref<!tpu.dma_semaphore, #tpu.memory_space<semaphore_mem>>, %arg16: memref<!tpu.dma_semaphore, #tpu.memory_space<semaphore_mem>>, %arg17: memref<!tpu.dma_semaphore, #tpu.memory_space<semaphore_mem>>) attributes {dimension_semantics = [#tpu.dimension_semantics<core_parallel>, #tpu.dimension_semantics<subcore_parallel>], iteration_bounds = array<i64: 2, 16>, scalar_prefetch = 0 : i64, scratch_operands = 9 : i64, tpu.core_type = #tpu.core_type<sc_vector_subcore>, window_params = [{transform_indices = #map}, {transform_indices = #map}, {transform_indices = #map}, {transform_indices = #map}, {transform_indices = #map}, {transform_indices = #map}, {transform_indices = #map}]} {
    %mul3A = arith.constant 2 : i32
    %mul3A_0 = arith.muli %arg1, %mul3A : i32
    %add3A = arith.addi %mul3A_0, %arg0 : i32
    %mul3A_1 = arith.constant 256 : i32
    %mul3A_2 = arith.muli %add3A, %mul3A_1 : i32
    %mul3A_3 = arith.constant 2 : i32
    %mul3A_4 = arith.muli %add3A, %mul3A_3 : i32
    "tpu.region"() ({
      %run_scoped3A = tpu.sem_alloc : memref<!tpu.dma_semaphore, #tpu.memory_space<semaphore_mem>>
      %dma_start3A_242 = arith.constant 0 : i32
      %dma_start3A_243 = tpu.memref_slice %arg2[%mul3A_4, %dma_start3A_242] : memref<64x128xi32, #tpu.memory_space<hbm>> -> memref<2x128xi32, #tpu.memory_space<hbm>>
      %dma_start3A_244 = arith.constant 0 : i32
      %dma_start3A_245 = tpu.memref_slice %arg2[%mul3A_4, %dma_start3A_244] : memref<64x128xi32, #tpu.memory_space<hbm>> -> memref<2x128xi32, #tpu.memory_space<hbm>>
      tpu.enqueue_dma source(%dma_start3A_245 : memref<2x128xi32, #tpu.memory_space<hbm>>) target(%arg9 : memref<2x128xi32, #tpu.memory_space<vmem>>) target_semaphore(%run_scoped3A : memref<!tpu.dma_semaphore, #tpu.memory_space<semaphore_mem>>)
      %dma_wait3A_246 = arith.constant 0 : i32
      %dma_wait3A_247 = tpu.memref_slice %arg2[%mul3A_4, %dma_wait3A_246] : memref<64x128xi32, #tpu.memory_space<hbm>> -> memref<2x128xi32, #tpu.memory_space<hbm>>
      %dma_wait3A_248 = arith.constant 0 : i32
      %dma_wait3A_249 = tpu.memref_slice %arg2[%mul3A_4, %dma_wait3A_248] : memref<64x128xi32, #tpu.memory_space<hbm>> -> memref<2x128xi32, #tpu.memory_space<hbm>>
      tpu.wait_dma2 semaphore(%run_scoped3A : memref<!tpu.dma_semaphore, #tpu.memory_space<semaphore_mem>>) src(%dma_wait3A_249 : memref<2x128xi32, #tpu.memory_space<hbm>>) dst(%arg9 : memref<2x128xi32, #tpu.memory_space<vmem>>)
      tpu.yield
    }) : () -> ()
    %dma_start3A = arith.constant 0 : i32
    %dma_start3A_5 = arith.constant 0 : i32
    %dma_start3A_6 = arith.constant 0 : i32
    %dma_start3A_7 = tpu.memref_slice %arg10[%dma_start3A_5, %dma_start3A_6] : memref<256x128xf32, #tpu.memory_space<vmem>> -> memref<128x128xf32, #tpu.memory_space<vmem>>
    %dma_start3A_8 = arith.constant 0 : i32
    %dma_start3A_9 = tpu.memref_slice %arg9[%dma_start3A, %dma_start3A_8] : memref<2x128xi32, #tpu.memory_space<vmem>> -> memref<1x128xi32, #tpu.memory_space<vmem>>
    %dma_start3A_10 = tpu.memref_squeeze %dma_start3A_9 : memref<1x128xi32, #tpu.memory_space<vmem>> -> memref<128xi32, #tpu.memory_space<vmem>>
    %dma_start3A_11 = arith.constant 0 : i32
    %dma_start3A_12 = arith.constant 0 : i32
    %dma_start3A_13 = tpu.memref_slice %arg3[%dma_start3A_11, %dma_start3A_12] : memref<1000000x128xf32, #tpu.memory_space<hbm>> -> memref<1000000x128xf32, #tpu.memory_space<hbm>>
    tpu.enqueue_indirect_dma source(%dma_start3A_13 : memref<1000000x128xf32, #tpu.memory_space<hbm>>) target(%dma_start3A_7 : memref<128x128xf32, #tpu.memory_space<vmem>>) offsets(%dma_start3A_10 : memref<128xi32, #tpu.memory_space<vmem>>) semaphore(%arg15 : memref<!tpu.dma_semaphore, #tpu.memory_space<semaphore_mem>>)
    %dma_start3A_14 = arith.constant 1 : i32
    %dma_start3A_15 = arith.constant 128 : i32
    %dma_start3A_16 = arith.constant 0 : i32
    %dma_start3A_17 = tpu.memref_slice %arg10[%dma_start3A_15, %dma_start3A_16] : memref<256x128xf32, #tpu.memory_space<vmem>> -> memref<128x128xf32, #tpu.memory_space<vmem>>
    %dma_start3A_18 = arith.constant 0 : i32
    %dma_start3A_19 = tpu.memref_slice %arg9[%dma_start3A_14, %dma_start3A_18] : memref<2x128xi32, #tpu.memory_space<vmem>> -> memref<1x128xi32, #tpu.memory_space<vmem>>
    %dma_start3A_20 = tpu.memref_squeeze %dma_start3A_19 : memref<1x128xi32, #tpu.memory_space<vmem>> -> memref<128xi32, #tpu.memory_space<vmem>>
    %dma_start3A_21 = arith.constant 0 : i32
    %dma_start3A_22 = arith.constant 0 : i32
    %dma_start3A_23 = tpu.memref_slice %arg3[%dma_start3A_21, %dma_start3A_22] : memref<1000000x128xf32, #tpu.memory_space<hbm>> -> memref<1000000x128xf32, #tpu.memory_space<hbm>>
    tpu.enqueue_indirect_dma source(%dma_start3A_23 : memref<1000000x128xf32, #tpu.memory_space<hbm>>) target(%dma_start3A_17 : memref<128x128xf32, #tpu.memory_space<vmem>>) offsets(%dma_start3A_20 : memref<128xi32, #tpu.memory_space<vmem>>) semaphore(%arg15 : memref<!tpu.dma_semaphore, #tpu.memory_space<semaphore_mem>>)
    %jit3A = arith.constant 8 : i32
    %eq3A = arith.constant 0 : i32
    %eq3A_24 = arith.cmpi eq, %jit3A, %eq3A : i32
    %jit3A_25 = arith.constant 1 : i32
    %select_n3A = arith.select %eq3A_24, %jit3A_25, %jit3A : i32
    %rem3A = arith.remsi %add3A, %select_n3A : i32
    %ne3A = arith.constant 0 : i32
    %ne3A_26 = arith.cmpi ne, %rem3A, %ne3A : i32
    %lt3A = arith.constant 0 : i32
    %lt3A_27 = arith.cmpi slt, %rem3A, %lt3A : i32
    %lt3A_28 = arith.constant 0 : i32
    %lt3A_29 = arith.cmpi slt, %select_n3A, %lt3A_28 : i32
    %ne3A_30 = arith.xori %lt3A_27, %lt3A_29 : i1
    %and3A = arith.andi %ne3A_30, %ne3A_26 : i1
    %add3A_31 = arith.addi %rem3A, %select_n3A : i32
    %select_n3A_32 = arith.select %and3A, %add3A_31, %rem3A : i32
    %mul3A_33 = arith.constant 256 : i32
    %mul3A_34 = arith.muli %select_n3A_32, %mul3A_33 : i32
    %dma_start3A_35 = arith.constant 0 : i32
    %dma_start3A_36 = tpu.memref_slice %arg4[%mul3A_34, %dma_start3A_35] : memref<2048x128xf32, #tpu.memory_space<hbm>> -> memref<256x128xf32, #tpu.memory_space<hbm>>
    %dma_start3A_37 = arith.constant 0 : i32
    %dma_start3A_38 = tpu.memref_slice %arg4[%mul3A_34, %dma_start3A_37] : memref<2048x128xf32, #tpu.memory_space<hbm>> -> memref<256x128xf32, #tpu.memory_space<hbm>>
    tpu.enqueue_dma source(%dma_start3A_38 : memref<256x128xf32, #tpu.memory_space<hbm>>) target(%arg11 : memref<256x128xf32, #tpu.memory_space<vmem>>) target_semaphore(%arg17 : memref<!tpu.dma_semaphore, #tpu.memory_space<semaphore_mem>>)
    %dma_start3A_39 = arith.constant 0 : i32
    %dma_start3A_40 = arith.constant 0 : i32
    %dma_start3A_41 = tpu.memref_slice %arg5[%dma_start3A_39, %dma_start3A_40] : memref<2x128xf32, #tpu.memory_space<hbm>> -> memref<1x128xf32, #tpu.memory_space<hbm>>
    %dma_start3A_42 = arith.constant 0 : i32
    %dma_start3A_43 = arith.constant 0 : i32
    %dma_start3A_44 = tpu.memref_slice %arg5[%dma_start3A_42, %dma_start3A_43] : memref<2x128xf32, #tpu.memory_space<hbm>> -> memref<1x128xf32, #tpu.memory_space<hbm>>
    tpu.enqueue_dma source(%dma_start3A_44 : memref<1x128xf32, #tpu.memory_space<hbm>>) target(%arg12 : memref<1x128xf32, #tpu.memory_space<vmem>>) target_semaphore(%arg17 : memref<!tpu.dma_semaphore, #tpu.memory_space<semaphore_mem>>)
    tpu.enqueue_dma source(%arg6 : memref<1x128xf32, #tpu.memory_space<hbm>>) target(%arg13 : memref<1x128xf32, #tpu.memory_space<vmem>>) target_semaphore(%arg17 : memref<!tpu.dma_semaphore, #tpu.memory_space<semaphore_mem>>)
    tpu.enqueue_dma source(%arg7 : memref<1x128xf32, #tpu.memory_space<hbm>>) target(%arg14 : memref<1x128xf32, #tpu.memory_space<vmem>>) target_semaphore(%arg17 : memref<!tpu.dma_semaphore, #tpu.memory_space<semaphore_mem>>)
    %dma_wait3A = arith.constant 0 : i32
    %dma_wait3A_45 = tpu.memref_slice %arg4[%mul3A_34, %dma_wait3A] : memref<2048x128xf32, #tpu.memory_space<hbm>> -> memref<256x128xf32, #tpu.memory_space<hbm>>
    %dma_wait3A_46 = arith.constant 0 : i32
    %dma_wait3A_47 = tpu.memref_slice %arg4[%mul3A_34, %dma_wait3A_46] : memref<2048x128xf32, #tpu.memory_space<hbm>> -> memref<256x128xf32, #tpu.memory_space<hbm>>
    tpu.wait_dma2 semaphore(%arg17 : memref<!tpu.dma_semaphore, #tpu.memory_space<semaphore_mem>>) src(%dma_wait3A_47 : memref<256x128xf32, #tpu.memory_space<hbm>>) dst(%arg11 : memref<256x128xf32, #tpu.memory_space<vmem>>)
    %dma_wait3A_48 = arith.constant 0 : i32
    %dma_wait3A_49 = arith.constant 0 : i32
    %dma_wait3A_50 = tpu.memref_slice %arg5[%dma_wait3A_48, %dma_wait3A_49] : memref<2x128xf32, #tpu.memory_space<hbm>> -> memref<1x128xf32, #tpu.memory_space<hbm>>
    %dma_wait3A_51 = arith.constant 0 : i32
    %dma_wait3A_52 = arith.constant 0 : i32
    %dma_wait3A_53 = tpu.memref_slice %arg5[%dma_wait3A_51, %dma_wait3A_52] : memref<2x128xf32, #tpu.memory_space<hbm>> -> memref<1x128xf32, #tpu.memory_space<hbm>>
    tpu.wait_dma2 semaphore(%arg17 : memref<!tpu.dma_semaphore, #tpu.memory_space<semaphore_mem>>) src(%dma_wait3A_53 : memref<1x128xf32, #tpu.memory_space<hbm>>) dst(%arg12 : memref<1x128xf32, #tpu.memory_space<vmem>>)
    tpu.wait_dma2 semaphore(%arg17 : memref<!tpu.dma_semaphore, #tpu.memory_space<semaphore_mem>>) src(%arg6 : memref<1x128xf32, #tpu.memory_space<hbm>>) dst(%arg13 : memref<1x128xf32, #tpu.memory_space<vmem>>)
    tpu.wait_dma2 semaphore(%arg17 : memref<!tpu.dma_semaphore, #tpu.memory_space<semaphore_mem>>) src(%arg7 : memref<1x128xf32, #tpu.memory_space<hbm>>) dst(%arg14 : memref<1x128xf32, #tpu.memory_space<vmem>>)
    %get3A = arith.constant 0 : i32
    %get3A_54 = arith.index_cast %get3A : i32 to index
    %get3A_55 = arith.constant 0 : index
    %get3A_56 = tpu.vector_load %arg12[%get3A_54, %get3A_55] {strides = array<i32>} : memref<1x128xf32, #tpu.memory_space<vmem>>, vector<1x16xf32>,
    %get3A_57 = vector.shape_cast %get3A_56 : vector<1x16xf32> to vector<16xf32>
    %get3A_58 = arith.constant 0 : i32
    %get3A_59 = arith.index_cast %get3A_58 : i32 to index
    %get3A_60 = arith.constant 16 : index
    %get3A_61 = tpu.vector_load %arg12[%get3A_59, %get3A_60] {strides = array<i32>} : memref<1x128xf32, #tpu.memory_space<vmem>>, vector<1x16xf32>,
    %get3A_62 = vector.shape_cast %get3A_61 : vector<1x16xf32> to vector<16xf32>
    %get3A_63 = arith.constant 0 : i32
    %get3A_64 = arith.index_cast %get3A_63 : i32 to index
    %get3A_65 = arith.constant 32 : index
    %get3A_66 = tpu.vector_load %arg12[%get3A_64, %get3A_65] {strides = array<i32>} : memref<1x128xf32, #tpu.memory_space<vmem>>, vector<1x16xf32>,
    %get3A_67 = vector.shape_cast %get3A_66 : vector<1x16xf32> to vector<16xf32>
    %get3A_68 = arith.constant 0 : i32
    %get3A_69 = arith.index_cast %get3A_68 : i32 to index
    %get3A_70 = arith.constant 48 : index
    %get3A_71 = tpu.vector_load %arg12[%get3A_69, %get3A_70] {strides = array<i32>} : memref<1x128xf32, #tpu.memory_space<vmem>>, vector<1x16xf32>,
    %get3A_72 = vector.shape_cast %get3A_71 : vector<1x16xf32> to vector<16xf32>
    %get3A_73 = arith.constant 0 : i32
    %get3A_74 = arith.index_cast %get3A_73 : i32 to index
    %get3A_75 = arith.constant 64 : index
    %get3A_76 = tpu.vector_load %arg12[%get3A_74, %get3A_75] {strides = array<i32>} : memref<1x128xf32, #tpu.memory_space<vmem>>, vector<1x16xf32>,
    %get3A_77 = vector.shape_cast %get3A_76 : vector<1x16xf32> to vector<16xf32>
    %get3A_78 = arith.constant 0 : i32
    %get3A_79 = arith.index_cast %get3A_78 : i32 to index
    %get3A_80 = arith.constant 80 : index
    %get3A_81 = tpu.vector_load %arg12[%get3A_79, %get3A_80] {strides = array<i32>} : memref<1x128xf32, #tpu.memory_space<vmem>>, vector<1x16xf32>,
    %get3A_82 = vector.shape_cast %get3A_81 : vector<1x16xf32> to vector<16xf32>
    %get3A_83 = arith.constant 0 : i32
    %get3A_84 = arith.index_cast %get3A_83 : i32 to index
    %get3A_85 = arith.constant 96 : index
    %get3A_86 = tpu.vector_load %arg12[%get3A_84, %get3A_85] {strides = array<i32>} : memref<1x128xf32, #tpu.memory_space<vmem>>, vector<1x16xf32>,
    %get3A_87 = vector.shape_cast %get3A_86 : vector<1x16xf32> to vector<16xf32>
    %get3A_88 = arith.constant 0 : i32
    %get3A_89 = arith.index_cast %get3A_88 : i32 to index
    %get3A_90 = arith.constant 112 : index
    %get3A_91 = tpu.vector_load %arg12[%get3A_89, %get3A_90] {strides = array<i32>} : memref<1x128xf32, #tpu.memory_space<vmem>>, vector<1x16xf32>,
    %get3A_92 = vector.shape_cast %get3A_91 : vector<1x16xf32> to vector<16xf32>
    %get3A_93 = arith.constant 0 : i32
    %get3A_94 = arith.index_cast %get3A_93 : i32 to index
    %get3A_95 = arith.constant 0 : index
    %get3A_96 = tpu.vector_load %arg13[%get3A_94, %get3A_95] {strides = array<i32>} : memref<1x128xf32, #tpu.memory_space<vmem>>, vector<1x16xf32>,
    %get3A_97 = vector.shape_cast %get3A_96 : vector<1x16xf32> to vector<16xf32>
    %get3A_98 = arith.constant 0 : i32
    %get3A_99 = arith.index_cast %get3A_98 : i32 to index
    %get3A_100 = arith.constant 16 : index
    %get3A_101 = tpu.vector_load %arg13[%get3A_99, %get3A_100] {strides = array<i32>} : memref<1x128xf32, #tpu.memory_space<vmem>>, vector<1x16xf32>,
    %get3A_102 = vector.shape_cast %get3A_101 : vector<1x16xf32> to vector<16xf32>
    %get3A_103 = arith.constant 0 : i32
    %get3A_104 = arith.index_cast %get3A_103 : i32 to index
    %get3A_105 = arith.constant 32 : index
    %get3A_106 = tpu.vector_load %arg13[%get3A_104, %get3A_105] {strides = array<i32>} : memref<1x128xf32, #tpu.memory_space<vmem>>, vector<1x16xf32>,
    %get3A_107 = vector.shape_cast %get3A_106 : vector<1x16xf32> to vector<16xf32>
    %get3A_108 = arith.constant 0 : i32
    %get3A_109 = arith.index_cast %get3A_108 : i32 to index
    %get3A_110 = arith.constant 48 : index
    %get3A_111 = tpu.vector_load %arg13[%get3A_109, %get3A_110] {strides = array<i32>} : memref<1x128xf32, #tpu.memory_space<vmem>>, vector<1x16xf32>,
    %get3A_112 = vector.shape_cast %get3A_111 : vector<1x16xf32> to vector<16xf32>
    %get3A_113 = arith.constant 0 : i32
    %get3A_114 = arith.index_cast %get3A_113 : i32 to index
    %get3A_115 = arith.constant 64 : index
    %get3A_116 = tpu.vector_load %arg13[%get3A_114, %get3A_115] {strides = array<i32>} : memref<1x128xf32, #tpu.memory_space<vmem>>, vector<1x16xf32>,
    %get3A_117 = vector.shape_cast %get3A_116 : vector<1x16xf32> to vector<16xf32>
    %get3A_118 = arith.constant 0 : i32
    %get3A_119 = arith.index_cast %get3A_118 : i32 to index
    %get3A_120 = arith.constant 80 : index
    %get3A_121 = tpu.vector_load %arg13[%get3A_119, %get3A_120] {strides = array<i32>} : memref<1x128xf32, #tpu.memory_space<vmem>>, vector<1x16xf32>,
    %get3A_122 = vector.shape_cast %get3A_121 : vector<1x16xf32> to vector<16xf32>
    %get3A_123 = arith.constant 0 : i32
    %get3A_124 = arith.index_cast %get3A_123 : i32 to index
    %get3A_125 = arith.constant 96 : index
    %get3A_126 = tpu.vector_load %arg13[%get3A_124, %get3A_125] {strides = array<i32>} : memref<1x128xf32, #tpu.memory_space<vmem>>, vector<1x16xf32>,
    %get3A_127 = vector.shape_cast %get3A_126 : vector<1x16xf32> to vector<16xf32>
    %get3A_128 = arith.constant 0 : i32
    %get3A_129 = arith.index_cast %get3A_128 : i32 to index
    %get3A_130 = arith.constant 112 : index
    %get3A_131 = tpu.vector_load %arg13[%get3A_129, %get3A_130] {strides = array<i32>} : memref<1x128xf32, #tpu.memory_space<vmem>>, vector<1x16xf32>,
    %get3A_132 = vector.shape_cast %get3A_131 : vector<1x16xf32> to vector<16xf32>
    %get3A_133 = arith.constant 0 : i32
    %get3A_134 = arith.index_cast %get3A_133 : i32 to index
    %get3A_135 = arith.constant 0 : index
    %get3A_136 = tpu.vector_load %arg14[%get3A_134, %get3A_135] {strides = array<i32>} : memref<1x128xf32, #tpu.memory_space<vmem>>, vector<1x16xf32>,
    %get3A_137 = vector.shape_cast %get3A_136 : vector<1x16xf32> to vector<16xf32>
    %get3A_138 = arith.constant 0 : i32
    %get3A_139 = arith.index_cast %get3A_138 : i32 to index
    %get3A_140 = arith.constant 16 : index
    %get3A_141 = tpu.vector_load %arg14[%get3A_139, %get3A_140] {strides = array<i32>} : memref<1x128xf32, #tpu.memory_space<vmem>>, vector<1x16xf32>,
    %get3A_142 = vector.shape_cast %get3A_141 : vector<1x16xf32> to vector<16xf32>
    %get3A_143 = arith.constant 0 : i32
    %get3A_144 = arith.index_cast %get3A_143 : i32 to index
    %get3A_145 = arith.constant 32 : index
    %get3A_146 = tpu.vector_load %arg14[%get3A_144, %get3A_145] {strides = array<i32>} : memref<1x128xf32, #tpu.memory_space<vmem>>, vector<1x16xf32>,
    %get3A_147 = vector.shape_cast %get3A_146 : vector<1x16xf32> to vector<16xf32>
    %get3A_148 = arith.constant 0 : i32
    %get3A_149 = arith.index_cast %get3A_148 : i32 to index
    %get3A_150 = arith.constant 48 : index
    %get3A_151 = tpu.vector_load %arg14[%get3A_149, %get3A_150] {strides = array<i32>} : memref<1x128xf32, #tpu.memory_space<vmem>>, vector<1x16xf32>,
    %get3A_152 = vector.shape_cast %get3A_151 : vector<1x16xf32> to vector<16xf32>
    %get3A_153 = arith.constant 0 : i32
    %get3A_154 = arith.index_cast %get3A_153 : i32 to index
    %get3A_155 = arith.constant 64 : index
    %get3A_156 = tpu.vector_load %arg14[%get3A_154, %get3A_155] {strides = array<i32>} : memref<1x128xf32, #tpu.memory_space<vmem>>, vector<1x16xf32>,
    %get3A_157 = vector.shape_cast %get3A_156 : vector<1x16xf32> to vector<16xf32>
    %get3A_158 = arith.constant 0 : i32
    %get3A_159 = arith.index_cast %get3A_158 : i32 to index
    %get3A_160 = arith.constant 80 : index
    %get3A_161 = tpu.vector_load %arg14[%get3A_159, %get3A_160] {strides = array<i32>} : memref<1x128xf32, #tpu.memory_space<vmem>>, vector<1x16xf32>,
    %get3A_162 = vector.shape_cast %get3A_161 : vector<1x16xf32> to vector<16xf32>
    %get3A_163 = arith.constant 0 : i32
    %get3A_164 = arith.index_cast %get3A_163 : i32 to index
    %get3A_165 = arith.constant 96 : index
    %get3A_166 = tpu.vector_load %arg14[%get3A_164, %get3A_165] {strides = array<i32>} : memref<1x128xf32, #tpu.memory_space<vmem>>, vector<1x16xf32>,
    %get3A_167 = vector.shape_cast %get3A_166 : vector<1x16xf32> to vector<16xf32>
    %get3A_168 = arith.constant 0 : i32
    %get3A_169 = arith.index_cast %get3A_168 : i32 to index
    %get3A_170 = arith.constant 112 : index
    %get3A_171 = tpu.vector_load %arg14[%get3A_169, %get3A_170] {strides = array<i32>} : memref<1x128xf32, #tpu.memory_space<vmem>>, vector<1x16xf32>,
    %get3A_172 = vector.shape_cast %get3A_171 : vector<1x16xf32> to vector<16xf32>
    %dma_wait3A_173 = arith.constant 0 : i32
    %dma_wait3A_174 = arith.constant 0 : i32
    %dma_wait3A_175 = arith.constant 0 : i32
    %dma_wait3A_176 = tpu.memref_slice %arg10[%dma_wait3A_174, %dma_wait3A_175] : memref<256x128xf32, #tpu.memory_space<vmem>> -> memref<128x128xf32, #tpu.memory_space<vmem>>
    %dma_wait3A_177 = arith.constant 0 : i32
    %dma_wait3A_178 = tpu.memref_slice %arg9[%dma_wait3A_173, %dma_wait3A_177] : memref<2x128xi32, #tpu.memory_space<vmem>> -> memref<1x128xi32, #tpu.memory_space<vmem>>
    %dma_wait3A_179 = tpu.memref_squeeze %dma_wait3A_178 : memref<1x128xi32, #tpu.memory_space<vmem>> -> memref<128xi32, #tpu.memory_space<vmem>>
    %dma_wait3A_180 = arith.constant 0 : i32
    %dma_wait3A_181 = arith.constant 0 : i32
    %dma_wait3A_182 = tpu.memref_slice %arg3[%dma_wait3A_180, %dma_wait3A_181] : memref<1000000x128xf32, #tpu.memory_space<hbm>> -> memref<1000000x128xf32, #tpu.memory_space<hbm>>
    tpu.wait_indirect_dma semaphore(%arg15 : memref<!tpu.dma_semaphore, #tpu.memory_space<semaphore_mem>>) src(%dma_wait3A_182 : memref<1000000x128xf32, #tpu.memory_space<hbm>>) dst(%dma_wait3A_176 : memref<128x128xf32, #tpu.memory_space<vmem>>)
    %parallel_loop3A = arith.constant 0 : i32
    %parallel_loop3A_183 = arith.constant 128 : i32
    %parallel_loop3A_184 = arith.constant 1 : i32
    scf.for %parallel_loop3A_242 = %parallel_loop3A to %parallel_loop3A_183 step %parallel_loop3A_184  : i32 {
      %parallel_loop3A_243 = arith.index_cast %parallel_loop3A_242 : i32 to index
      %parallel_loop3A_244 = arith.constant 0 : index
      %parallel_loop3A_245 = tpu.vector_load %arg10[%parallel_loop3A_243, %parallel_loop3A_244] {strides = array<i32>} : memref<256x128xf32, #tpu.memory_space<vmem>>, vector<1x16xf32>,
      %parallel_loop3A_246 = vector.shape_cast %parallel_loop3A_245 : vector<1x16xf32> to vector<16xf32>
      %parallel_loop3A_247 = arith.index_cast %parallel_loop3A_242 : i32 to index
      %parallel_loop3A_248 = arith.constant 0 : index
      %parallel_loop3A_249 = tpu.vector_load %arg11[%parallel_loop3A_247, %parallel_loop3A_248] {strides = array<i32>} : memref<256x128xf32, #tpu.memory_space<vmem>>, vector<1x16xf32>,
      %parallel_loop3A_250 = vector.shape_cast %parallel_loop3A_249 : vector<1x16xf32> to vector<16xf32>
      %parallel_loop3A_251 = arith.addf %parallel_loop3A_246, %parallel_loop3A_250 : vector<16xf32>
      %parallel_loop3A_252 = arith.addf %parallel_loop3A_251, %get3A_57 : vector<16xf32>
      %parallel_loop3A_253 = arith.index_cast %parallel_loop3A_242 : i32 to index
      %parallel_loop3A_254 = arith.constant 16 : index
      %parallel_loop3A_255 = tpu.vector_load %arg10[%parallel_loop3A_253, %parallel_loop3A_254] {strides = array<i32>} : memref<256x128xf32, #tpu.memory_space<vmem>>, vector<1x16xf32>,
      %parallel_loop3A_256 = vector.shape_cast %parallel_loop3A_255 : vector<1x16xf32> to vector<16xf32>
      %parallel_loop3A_257 = arith.index_cast %parallel_loop3A_242 : i32 to index
      %parallel_loop3A_258 = arith.constant 16 : index
      %parallel_loop3A_259 = tpu.vector_load %arg11[%parallel_loop3A_257, %parallel_loop3A_258] {strides = array<i32>} : memref<256x128xf32, #tpu.memory_space<vmem>>, vector<1x16xf32>,
      %parallel_loop3A_260 = vector.shape_cast %parallel_loop3A_259 : vector<1x16xf32> to vector<16xf32>
      %parallel_loop3A_261 = arith.addf %parallel_loop3A_256, %parallel_loop3A_260 : vector<16xf32>
      %parallel_loop3A_262 = arith.addf %parallel_loop3A_261, %get3A_62 : vector<16xf32>
      %parallel_loop3A_263 = arith.index_cast %parallel_loop3A_242 : i32 to index
      %parallel_loop3A_264 = arith.constant 32 : index
      %parallel_loop3A_265 = tpu.vector_load %arg10[%parallel_loop3A_263, %parallel_loop3A_264] {strides = array<i32>} : memref<256x128xf32, #tpu.memory_space<vmem>>, vector<1x16xf32>,
      %parallel_loop3A_266 = vector.shape_cast %parallel_loop3A_265 : vector<1x16xf32> to vector<16xf32>
      %parallel_loop3A_267 = arith.index_cast %parallel_loop3A_242 : i32 to index
      %parallel_loop3A_268 = arith.constant 32 : index
      %parallel_loop3A_269 = tpu.vector_load %arg11[%parallel_loop3A_267, %parallel_loop3A_268] {strides = array<i32>} : memref<256x128xf32, #tpu.memory_space<vmem>>, vector<1x16xf32>,
      %parallel_loop3A_270 = vector.shape_cast %parallel_loop3A_269 : vector<1x16xf32> to vector<16xf32>
      %parallel_loop3A_271 = arith.addf %parallel_loop3A_266, %parallel_loop3A_270 : vector<16xf32>
      %parallel_loop3A_272 = arith.addf %parallel_loop3A_271, %get3A_67 : vector<16xf32>
      %parallel_loop3A_273 = arith.index_cast %parallel_loop3A_242 : i32 to index
      %parallel_loop3A_274 = arith.constant 48 : index
      %parallel_loop3A_275 = tpu.vector_load %arg10[%parallel_loop3A_273, %parallel_loop3A_274] {strides = array<i32>} : memref<256x128xf32, #tpu.memory_space<vmem>>, vector<1x16xf32>,
      %parallel_loop3A_276 = vector.shape_cast %parallel_loop3A_275 : vector<1x16xf32> to vector<16xf32>
      %parallel_loop3A_277 = arith.index_cast %parallel_loop3A_242 : i32 to index
      %parallel_loop3A_278 = arith.constant 48 : index
      %parallel_loop3A_279 = tpu.vector_load %arg11[%parallel_loop3A_277, %parallel_loop3A_278] {strides = array<i32>} : memref<256x128xf32, #tpu.memory_space<vmem>>, vector<1x16xf32>,
      %parallel_loop3A_280 = vector.shape_cast %parallel_loop3A_279 : vector<1x16xf32> to vector<16xf32>
      %parallel_loop3A_281 = arith.addf %parallel_loop3A_276, %parallel_loop3A_280 : vector<16xf32>
      %parallel_loop3A_282 = arith.addf %parallel_loop3A_281, %get3A_72 : vector<16xf32>
      %parallel_loop3A_283 = arith.index_cast %parallel_loop3A_242 : i32 to index
      %parallel_loop3A_284 = arith.constant 64 : index
      %parallel_loop3A_285 = tpu.vector_load %arg10[%parallel_loop3A_283, %parallel_loop3A_284] {strides = array<i32>} : memref<256x128xf32, #tpu.memory_space<vmem>>, vector<1x16xf32>,
      %parallel_loop3A_286 = vector.shape_cast %parallel_loop3A_285 : vector<1x16xf32> to vector<16xf32>
      %parallel_loop3A_287 = arith.index_cast %parallel_loop3A_242 : i32 to index
      %parallel_loop3A_288 = arith.constant 64 : index
      %parallel_loop3A_289 = tpu.vector_load %arg11[%parallel_loop3A_287, %parallel_loop3A_288] {strides = array<i32>} : memref<256x128xf32, #tpu.memory_space<vmem>>, vector<1x16xf32>,
      %parallel_loop3A_290 = vector.shape_cast %parallel_loop3A_289 : vector<1x16xf32> to vector<16xf32>
      %parallel_loop3A_291 = arith.addf %parallel_loop3A_286, %parallel_loop3A_290 : vector<16xf32>
      %parallel_loop3A_292 = arith.addf %parallel_loop3A_291, %get3A_77 : vector<16xf32>
      %parallel_loop3A_293 = arith.index_cast %parallel_loop3A_242 : i32 to index
      %parallel_loop3A_294 = arith.constant 80 : index
      %parallel_loop3A_295 = tpu.vector_load %arg10[%parallel_loop3A_293, %parallel_loop3A_294] {strides = array<i32>} : memref<256x128xf32, #tpu.memory_space<vmem>>, vector<1x16xf32>,
      %parallel_loop3A_296 = vector.shape_cast %parallel_loop3A_295 : vector<1x16xf32> to vector<16xf32>
      %parallel_loop3A_297 = arith.index_cast %parallel_loop3A_242 : i32 to index
      %parallel_loop3A_298 = arith.constant 80 : index
      %parallel_loop3A_299 = tpu.vector_load %arg11[%parallel_loop3A_297, %parallel_loop3A_298] {strides = array<i32>} : memref<256x128xf32, #tpu.memory_space<vmem>>, vector<1x16xf32>,
      %parallel_loop3A_300 = vector.shape_cast %parallel_loop3A_299 : vector<1x16xf32> to vector<16xf32>
      %parallel_loop3A_301 = arith.addf %parallel_loop3A_296, %parallel_loop3A_300 : vector<16xf32>
      %parallel_loop3A_302 = arith.addf %parallel_loop3A_301, %get3A_82 : vector<16xf32>
      %parallel_loop3A_303 = arith.index_cast %parallel_loop3A_242 : i32 to index
      %parallel_loop3A_304 = arith.constant 96 : index
      %parallel_loop3A_305 = tpu.vector_load %arg10[%parallel_loop3A_303, %parallel_loop3A_304] {strides = array<i32>} : memref<256x128xf32, #tpu.memory_space<vmem>>, vector<1x16xf32>,
      %parallel_loop3A_306 = vector.shape_cast %parallel_loop3A_305 : vector<1x16xf32> to vector<16xf32>
      %parallel_loop3A_307 = arith.index_cast %parallel_loop3A_242 : i32 to index
      %parallel_loop3A_308 = arith.constant 96 : index
      %parallel_loop3A_309 = tpu.vector_load %arg11[%parallel_loop3A_307, %parallel_loop3A_308] {strides = array<i32>} : memref<256x128xf32, #tpu.memory_space<vmem>>, vector<1x16xf32>,
      %parallel_loop3A_310 = vector.shape_cast %parallel_loop3A_309 : vector<1x16xf32> to vector<16xf32>
      %parallel_loop3A_311 = arith.addf %parallel_loop3A_306, %parallel_loop3A_310 : vector<16xf32>
      %parallel_loop3A_312 = arith.addf %parallel_loop3A_311, %get3A_87 : vector<16xf32>
      %parallel_loop3A_313 = arith.index_cast %parallel_loop3A_242 : i32 to index
      %parallel_loop3A_314 = arith.constant 112 : index
      %parallel_loop3A_315 = tpu.vector_load %arg10[%parallel_loop3A_313, %parallel_loop3A_314] {strides = array<i32>} : memref<256x128xf32, #tpu.memory_space<vmem>>, vector<1x16xf32>,
      %parallel_loop3A_316 = vector.shape_cast %parallel_loop3A_315 : vector<1x16xf32> to vector<16xf32>
      %parallel_loop3A_317 = arith.index_cast %parallel_loop3A_242 : i32 to index
      %parallel_loop3A_318 = arith.constant 112 : index
      %parallel_loop3A_319 = tpu.vector_load %arg11[%parallel_loop3A_317, %parallel_loop3A_318] {strides = array<i32>} : memref<256x128xf32, #tpu.memory_space<vmem>>, vector<1x16xf32>,
      %parallel_loop3A_320 = vector.shape_cast %parallel_loop3A_319 : vector<1x16xf32> to vector<16xf32>
      %parallel_loop3A_321 = arith.addf %parallel_loop3A_316, %parallel_loop3A_320 : vector<16xf32>
      %parallel_loop3A_322 = arith.addf %parallel_loop3A_321, %get3A_92 : vector<16xf32>
      %parallel_loop3A_323 = arith.addf %parallel_loop3A_252, %parallel_loop3A_262 : vector<16xf32>
      %parallel_loop3A_324 = arith.addf %parallel_loop3A_272, %parallel_loop3A_282 : vector<16xf32>
      %parallel_loop3A_325 = arith.addf %parallel_loop3A_292, %parallel_loop3A_302 : vector<16xf32>
      %parallel_loop3A_326 = arith.addf %parallel_loop3A_312, %parallel_loop3A_322 : vector<16xf32>
      %parallel_loop3A_327 = arith.addf %parallel_loop3A_323, %parallel_loop3A_324 : vector<16xf32>
      %parallel_loop3A_328 = arith.addf %parallel_loop3A_325, %parallel_loop3A_326 : vector<16xf32>
      %parallel_loop3A_329 = arith.addf %parallel_loop3A_327, %parallel_loop3A_328 : vector<16xf32>
      %parallel_loop3A_330 = tpu.iota {dimensions = array<i32: 0>} : vector<16xi32>
      %parallel_loop3A_331 = arith.constant 1 : i32
      %parallel_loop3A_332 = vector.broadcast %parallel_loop3A_331 : i32 to vector<16xi32>
      %parallel_loop3A_333 = arith.xori %parallel_loop3A_330, %parallel_loop3A_332 : vector<16xi32>
      %parallel_loop3A_334 = vector.shape_cast %parallel_loop3A_333 : vector<16xi32> to vector<16x1xi32>
      %parallel_loop3A_335 = vector.shape_cast %parallel_loop3A_334 : vector<16x1xi32> to vector<16xi32>
      %parallel_loop3A_336 = tpu.dynamic_gather %parallel_loop3A_329[%parallel_loop3A_335] in [0] : vector<16xf32>, vector<16xi32> -> vector<16xf32>
      %parallel_loop3A_337 = arith.addf %parallel_loop3A_329, %parallel_loop3A_336 : vector<16xf32>
      %parallel_loop3A_338 = arith.constant 2 : i32
      %parallel_loop3A_339 = vector.broadcast %parallel_loop3A_338 : i32 to vector<16xi32>
      %parallel_loop3A_340 = arith.xori %parallel_loop3A_330, %parallel_loop3A_339 : vector<16xi32>
      %parallel_loop3A_341 = vector.shape_cast %parallel_loop3A_340 : vector<16xi32> to vector<16x1xi32>
      %parallel_loop3A_342 = vector.shape_cast %parallel_loop3A_341 : vector<16x1xi32> to vector<16xi32>
      %parallel_loop3A_343 = tpu.dynamic_gather %parallel_loop3A_337[%parallel_loop3A_342] in [0] : vector<16xf32>, vector<16xi32> -> vector<16xf32>
      %parallel_loop3A_344 = arith.addf %parallel_loop3A_337, %parallel_loop3A_343 : vector<16xf32>
      %parallel_loop3A_345 = arith.constant 4 : i32
      %parallel_loop3A_346 = vector.broadcast %parallel_loop3A_345 : i32 to vector<16xi32>
      %parallel_loop3A_347 = arith.xori %parallel_loop3A_330, %parallel_loop3A_346 : vector<16xi32>
      %parallel_loop3A_348 = vector.shape_cast %parallel_loop3A_347 : vector<16xi32> to vector<16x1xi32>
      %parallel_loop3A_349 = vector.shape_cast %parallel_loop3A_348 : vector<16x1xi32> to vector<16xi32>
      %parallel_loop3A_350 = tpu.dynamic_gather %parallel_loop3A_344[%parallel_loop3A_349] in [0] : vector<16xf32>, vector<16xi32> -> vector<16xf32>
      %parallel_loop3A_351 = arith.addf %parallel_loop3A_344, %parallel_loop3A_350 : vector<16xf32>
      %parallel_loop3A_352 = arith.constant 8 : i32
      %parallel_loop3A_353 = vector.broadcast %parallel_loop3A_352 : i32 to vector<16xi32>
      %parallel_loop3A_354 = arith.xori %parallel_loop3A_330, %parallel_loop3A_353 : vector<16xi32>
      %parallel_loop3A_355 = vector.shape_cast %parallel_loop3A_354 : vector<16xi32> to vector<16x1xi32>
      %parallel_loop3A_356 = vector.shape_cast %parallel_loop3A_355 : vector<16x1xi32> to vector<16xi32>
      %parallel_loop3A_357 = tpu.dynamic_gather %parallel_loop3A_351[%parallel_loop3A_356] in [0] : vector<16xf32>, vector<16xi32> -> vector<16xf32>
      %parallel_loop3A_358 = arith.addf %parallel_loop3A_351, %parallel_loop3A_357 : vector<16xf32>
      %parallel_loop3A_359 = arith.constant 7.812500e-03 : f32
      %parallel_loop3A_360 = vector.broadcast %parallel_loop3A_359 : f32 to vector<16xf32>
      %parallel_loop3A_361 = arith.mulf %parallel_loop3A_358, %parallel_loop3A_360 : vector<16xf32>
      %parallel_loop3A_362 = arith.mulf %parallel_loop3A_252, %parallel_loop3A_252 : vector<16xf32>
      %parallel_loop3A_363 = arith.mulf %parallel_loop3A_262, %parallel_loop3A_262 : vector<16xf32>
      %parallel_loop3A_364 = arith.mulf %parallel_loop3A_272, %parallel_loop3A_272 : vector<16xf32>
      %parallel_loop3A_365 = arith.mulf %parallel_loop3A_282, %parallel_loop3A_282 : vector<16xf32>
      %parallel_loop3A_366 = arith.mulf %parallel_loop3A_292, %parallel_loop3A_292 : vector<16xf32>
      %parallel_loop3A_367 = arith.mulf %parallel_loop3A_302, %parallel_loop3A_302 : vector<16xf32>
      %parallel_loop3A_368 = arith.mulf %parallel_loop3A_312, %parallel_loop3A_312 : vector<16xf32>
      %parallel_loop3A_369 = arith.mulf %parallel_loop3A_322, %parallel_loop3A_322 : vector<16xf32>
      %parallel_loop3A_370 = arith.addf %parallel_loop3A_362, %parallel_loop3A_363 : vector<16xf32>
      %parallel_loop3A_371 = arith.addf %parallel_loop3A_364, %parallel_loop3A_365 : vector<16xf32>
      %parallel_loop3A_372 = arith.addf %parallel_loop3A_366, %parallel_loop3A_367 : vector<16xf32>
      %parallel_loop3A_373 = arith.addf %parallel_loop3A_368, %parallel_loop3A_369 : vector<16xf32>
      %parallel_loop3A_374 = arith.addf %parallel_loop3A_370, %parallel_loop3A_371 : vector<16xf32>
      %parallel_loop3A_375 = arith.addf %parallel_loop3A_372, %parallel_loop3A_373 : vector<16xf32>
      %parallel_loop3A_376 = arith.addf %parallel_loop3A_374, %parallel_loop3A_375 : vector<16xf32>
      %parallel_loop3A_377 = tpu.iota {dimensions = array<i32: 0>} : vector<16xi32>
      %parallel_loop3A_378 = arith.constant 1 : i32
      %parallel_loop3A_379 = vector.broadcast %parallel_loop3A_378 : i32 to vector<16xi32>
      %parallel_loop3A_380 = arith.xori %parallel_loop3A_377, %parallel_loop3A_379 : vector<16xi32>
      %parallel_loop3A_381 = vector.shape_cast %parallel_loop3A_380 : vector<16xi32> to vector<16x1xi32>
      %parallel_loop3A_382 = vector.shape_cast %parallel_loop3A_381 : vector<16x1xi32> to vector<16xi32>
      %parallel_loop3A_383 = tpu.dynamic_gather %parallel_loop3A_376[%parallel_loop3A_382] in [0] : vector<16xf32>, vector<16xi32> -> vector<16xf32>
      %parallel_loop3A_384 = arith.addf %parallel_loop3A_376, %parallel_loop3A_383 : vector<16xf32>
      %parallel_loop3A_385 = arith.constant 2 : i32
      %parallel_loop3A_386 = vector.broadcast %parallel_loop3A_385 : i32 to vector<16xi32>
      %parallel_loop3A_387 = arith.xori %parallel_loop3A_377, %parallel_loop3A_386 : vector<16xi32>
      %parallel_loop3A_388 = vector.shape_cast %parallel_loop3A_387 : vector<16xi32> to vector<16x1xi32>
      %parallel_loop3A_389 = vector.shape_cast %parallel_loop3A_388 : vector<16x1xi32> to vector<16xi32>
      %parallel_loop3A_390 = tpu.dynamic_gather %parallel_loop3A_384[%parallel_loop3A_389] in [0] : vector<16xf32>, vector<16xi32> -> vector<16xf32>
      %parallel_loop3A_391 = arith.addf %parallel_loop3A_384, %parallel_loop3A_390 : vector<16xf32>
      %parallel_loop3A_392 = arith.constant 4 : i32
      %parallel_loop3A_393 = vector.broadcast %parallel_loop3A_392 : i32 to vector<16xi32>
      %parallel_loop3A_394 = arith.xori %parallel_loop3A_377, %parallel_loop3A_393 : vector<16xi32>
      %parallel_loop3A_395 = vector.shape_cast %parallel_loop3A_394 : vector<16xi32> to vector<16x1xi32>
      %parallel_loop3A_396 = vector.shape_cast %parallel_loop3A_395 : vector<16x1xi32> to vector<16xi32>
      %parallel_loop3A_397 = tpu.dynamic_gather %parallel_loop3A_391[%parallel_loop3A_396] in [0] : vector<16xf32>, vector<16xi32> -> vector<16xf32>
      %parallel_loop3A_398 = arith.addf %parallel_loop3A_391, %parallel_loop3A_397 : vector<16xf32>
      %parallel_loop3A_399 = arith.constant 8 : i32
      %parallel_loop3A_400 = vector.broadcast %parallel_loop3A_399 : i32 to vector<16xi32>
      %parallel_loop3A_401 = arith.xori %parallel_loop3A_377, %parallel_loop3A_400 : vector<16xi32>
      %parallel_loop3A_402 = vector.shape_cast %parallel_loop3A_401 : vector<16xi32> to vector<16x1xi32>
      %parallel_loop3A_403 = vector.shape_cast %parallel_loop3A_402 : vector<16x1xi32> to vector<16xi32>
      %parallel_loop3A_404 = tpu.dynamic_gather %parallel_loop3A_398[%parallel_loop3A_403] in [0] : vector<16xf32>, vector<16xi32> -> vector<16xf32>
      %parallel_loop3A_405 = arith.addf %parallel_loop3A_398, %parallel_loop3A_404 : vector<16xf32>
      %parallel_loop3A_406 = arith.constant 7.812500e-03 : f32
      %parallel_loop3A_407 = vector.broadcast %parallel_loop3A_406 : f32 to vector<16xf32>
      %parallel_loop3A_408 = arith.mulf %parallel_loop3A_405, %parallel_loop3A_407 : vector<16xf32>
      %parallel_loop3A_409 = arith.mulf %parallel_loop3A_361, %parallel_loop3A_361 : vector<16xf32>
      %parallel_loop3A_410 = arith.subf %parallel_loop3A_408, %parallel_loop3A_409 : vector<16xf32>
      %parallel_loop3A_411 = arith.constant 9.99999996E-13 : f32
      %parallel_loop3A_412 = vector.broadcast %parallel_loop3A_411 : f32 to vector<16xf32>
      %parallel_loop3A_413 = arith.addf %parallel_loop3A_410, %parallel_loop3A_412 : vector<16xf32>
      %parallel_loop3A_414 = tpu.bitcast %parallel_loop3A_413 : vector<16xf32> -> vector<16xi32>
      %parallel_loop3A_415 = arith.constant 1 : i32
      %parallel_loop3A_416 = vector.broadcast %parallel_loop3A_415 : i32 to vector<16xi32>
      %parallel_loop3A_417 = arith.shrui %parallel_loop3A_414, %parallel_loop3A_416 : vector<16xi32>
      %parallel_loop3A_418 = arith.constant 1597463007 : i32
      %parallel_loop3A_419 = vector.broadcast %parallel_loop3A_418 : i32 to vector<16xi32>
      %parallel_loop3A_420 = arith.subi %parallel_loop3A_419, %parallel_loop3A_417 : vector<16xi32>
      %parallel_loop3A_421 = tpu.bitcast %parallel_loop3A_420 : vector<16xi32> -> vector<16xf32>
      %parallel_loop3A_422 = arith.constant 5.000000e-01 : f32
      %parallel_loop3A_423 = vector.broadcast %parallel_loop3A_422 : f32 to vector<16xf32>
      %parallel_loop3A_424 = arith.mulf %parallel_loop3A_423, %parallel_loop3A_413 : vector<16xf32>
      %parallel_loop3A_425 = arith.mulf %parallel_loop3A_424, %parallel_loop3A_421 : vector<16xf32>
      %parallel_loop3A_426 = arith.mulf %parallel_loop3A_425, %parallel_loop3A_421 : vector<16xf32>
      %parallel_loop3A_427 = arith.constant 1.500000e+00 : f32
      %parallel_loop3A_428 = vector.broadcast %parallel_loop3A_427 : f32 to vector<16xf32>
      %parallel_loop3A_429 = arith.subf %parallel_loop3A_428, %parallel_loop3A_426 : vector<16xf32>
      %parallel_loop3A_430 = arith.mulf %parallel_loop3A_421, %parallel_loop3A_429 : vector<16xf32>
      %parallel_loop3A_431 = arith.constant 5.000000e-01 : f32
      %parallel_loop3A_432 = vector.broadcast %parallel_loop3A_431 : f32 to vector<16xf32>
      %parallel_loop3A_433 = arith.mulf %parallel_loop3A_432, %parallel_loop3A_413 : vector<16xf32>
      %parallel_loop3A_434 = arith.mulf %parallel_loop3A_433, %parallel_loop3A_430 : vector<16xf32>
      %parallel_loop3A_435 = arith.mulf %parallel_loop3A_434, %parallel_loop3A_430 : vector<16xf32>
      %parallel_loop3A_436 = arith.constant 1.500000e+00 : f32
      %parallel_loop3A_437 = vector.broadcast %parallel_loop3A_436 : f32 to vector<16xf32>
      %parallel_loop3A_438 = arith.subf %parallel_loop3A_437, %parallel_loop3A_435 : vector<16xf32>
      %parallel_loop3A_439 = arith.mulf %parallel_loop3A_430, %parallel_loop3A_438 : vector<16xf32>
      %parallel_loop3A_440 = arith.subf %parallel_loop3A_252, %parallel_loop3A_361 : vector<16xf32>
      %parallel_loop3A_441 = arith.mulf %parallel_loop3A_440, %parallel_loop3A_439 : vector<16xf32>
      %parallel_loop3A_442 = arith.mulf %parallel_loop3A_441, %get3A_97 : vector<16xf32>
      %parallel_loop3A_443 = arith.addf %parallel_loop3A_442, %get3A_137 : vector<16xf32>
      %parallel_loop3A_444 = arith.index_cast %parallel_loop3A_242 : i32 to index
      %parallel_loop3A_445 = arith.constant 0 : index
      %parallel_loop3A_446 = tpu.vector_load %arg10[%parallel_loop3A_444, %parallel_loop3A_445] {strides = array<i32>} : memref<256x128xf32, #tpu.memory_space<vmem>>, vector<1x16xf32>,
      %parallel_loop3A_447 = vector.shape_cast %parallel_loop3A_446 : vector<1x16xf32> to vector<16xf32>
      %parallel_loop3A_448 = vector.shape_cast %parallel_loop3A_443 : vector<16xf32> to vector<1x16xf32>
      tpu.vector_store %arg10[%parallel_loop3A_444, %parallel_loop3A_445], %parallel_loop3A_448 {strides = array<i32>} : memref<256x128xf32, #tpu.memory_space<vmem>>, vector<1x16xf32>,
      %parallel_loop3A_449 = arith.subf %parallel_loop3A_262, %parallel_loop3A_361 : vector<16xf32>
      %parallel_loop3A_450 = arith.mulf %parallel_loop3A_449, %parallel_loop3A_439 : vector<16xf32>
      %parallel_loop3A_451 = arith.mulf %parallel_loop3A_450, %get3A_102 : vector<16xf32>
      %parallel_loop3A_452 = arith.addf %parallel_loop3A_451, %get3A_142 : vector<16xf32>
      %parallel_loop3A_453 = arith.index_cast %parallel_loop3A_242 : i32 to index
      %parallel_loop3A_454 = arith.constant 16 : index
      %parallel_loop3A_455 = tpu.vector_load %arg10[%parallel_loop3A_453, %parallel_loop3A_454] {strides = array<i32>} : memref<256x128xf32, #tpu.memory_space<vmem>>, vector<1x16xf32>,
      %parallel_loop3A_456 = vector.shape_cast %parallel_loop3A_455 : vector<1x16xf32> to vector<16xf32>
      %parallel_loop3A_457 = vector.shape_cast %parallel_loop3A_452 : vector<16xf32> to vector<1x16xf32>
      tpu.vector_store %arg10[%parallel_loop3A_453, %parallel_loop3A_454], %parallel_loop3A_457 {strides = array<i32>} : memref<256x128xf32, #tpu.memory_space<vmem>>, vector<1x16xf32>,
      %parallel_loop3A_458 = arith.subf %parallel_loop3A_272, %parallel_loop3A_361 : vector<16xf32>
      %parallel_loop3A_459 = arith.mulf %parallel_loop3A_458, %parallel_loop3A_439 : vector<16xf32>
      %parallel_loop3A_460 = arith.mulf %parallel_loop3A_459, %get3A_107 : vector<16xf32>
      %parallel_loop3A_461 = arith.addf %parallel_loop3A_460, %get3A_147 : vector<16xf32>
      %parallel_loop3A_462 = arith.index_cast %parallel_loop3A_242 : i32 to index
      %parallel_loop3A_463 = arith.constant 32 : index
      %parallel_loop3A_464 = tpu.vector_load %arg10[%parallel_loop3A_462, %parallel_loop3A_463] {strides = array<i32>} : memref<256x128xf32, #tpu.memory_space<vmem>>, vector<1x16xf32>,
      %parallel_loop3A_465 = vector.shape_cast %parallel_loop3A_464 : vector<1x16xf32> to vector<16xf32>
      %parallel_loop3A_466 = vector.shape_cast %parallel_loop3A_461 : vector<16xf32> to vector<1x16xf32>
      tpu.vector_store %arg10[%parallel_loop3A_462, %parallel_loop3A_463], %parallel_loop3A_466 {strides = array<i32>} : memref<256x128xf32, #tpu.memory_space<vmem>>, vector<1x16xf32>,
      %parallel_loop3A_467 = arith.subf %parallel_loop3A_282, %parallel_loop3A_361 : vector<16xf32>
      %parallel_loop3A_468 = arith.mulf %parallel_loop3A_467, %parallel_loop3A_439 : vector<16xf32>
      %parallel_loop3A_469 = arith.mulf %parallel_loop3A_468, %get3A_112 : vector<16xf32>
      %parallel_loop3A_470 = arith.addf %parallel_loop3A_469, %get3A_152 : vector<16xf32>
      %parallel_loop3A_471 = arith.index_cast %parallel_loop3A_242 : i32 to index
      %parallel_loop3A_472 = arith.constant 48 : index
      %parallel_loop3A_473 = tpu.vector_load %arg10[%parallel_loop3A_471, %parallel_loop3A_472] {strides = array<i32>} : memref<256x128xf32, #tpu.memory_space<vmem>>, vector<1x16xf32>,
      %parallel_loop3A_474 = vector.shape_cast %parallel_loop3A_473 : vector<1x16xf32> to vector<16xf32>
      %parallel_loop3A_475 = vector.shape_cast %parallel_loop3A_470 : vector<16xf32> to vector<1x16xf32>
      tpu.vector_store %arg10[%parallel_loop3A_471, %parallel_loop3A_472], %parallel_loop3A_475 {strides = array<i32>} : memref<256x128xf32, #tpu.memory_space<vmem>>, vector<1x16xf32>,
      %parallel_loop3A_476 = arith.subf %parallel_loop3A_292, %parallel_loop3A_361 : vector<16xf32>
      %parallel_loop3A_477 = arith.mulf %parallel_loop3A_476, %parallel_loop3A_439 : vector<16xf32>
      %parallel_loop3A_478 = arith.mulf %parallel_loop3A_477, %get3A_117 : vector<16xf32>
      %parallel_loop3A_479 = arith.addf %parallel_loop3A_478, %get3A_157 : vector<16xf32>
      %parallel_loop3A_480 = arith.index_cast %parallel_loop3A_242 : i32 to index
      %parallel_loop3A_481 = arith.constant 64 : index
      %parallel_loop3A_482 = tpu.vector_load %arg10[%parallel_loop3A_480, %parallel_loop3A_481] {strides = array<i32>} : memref<256x128xf32, #tpu.memory_space<vmem>>, vector<1x16xf32>,
      %parallel_loop3A_483 = vector.shape_cast %parallel_loop3A_482 : vector<1x16xf32> to vector<16xf32>
      %parallel_loop3A_484 = vector.shape_cast %parallel_loop3A_479 : vector<16xf32> to vector<1x16xf32>
      tpu.vector_store %arg10[%parallel_loop3A_480, %parallel_loop3A_481], %parallel_loop3A_484 {strides = array<i32>} : memref<256x128xf32, #tpu.memory_space<vmem>>, vector<1x16xf32>,
      %parallel_loop3A_485 = arith.subf %parallel_loop3A_302, %parallel_loop3A_361 : vector<16xf32>
      %parallel_loop3A_486 = arith.mulf %parallel_loop3A_485, %parallel_loop3A_439 : vector<16xf32>
      %parallel_loop3A_487 = arith.mulf %parallel_loop3A_486, %get3A_122 : vector<16xf32>
      %parallel_loop3A_488 = arith.addf %parallel_loop3A_487, %get3A_162 : vector<16xf32>
      %parallel_loop3A_489 = arith.index_cast %parallel_loop3A_242 : i32 to index
      %parallel_loop3A_490 = arith.constant 80 : index
      %parallel_loop3A_491 = tpu.vector_load %arg10[%parallel_loop3A_489, %parallel_loop3A_490] {strides = array<i32>} : memref<256x128xf32, #tpu.memory_space<vmem>>, vector<1x16xf32>,
      %parallel_loop3A_492 = vector.shape_cast %parallel_loop3A_491 : vector<1x16xf32> to vector<16xf32>
      %parallel_loop3A_493 = vector.shape_cast %parallel_loop3A_488 : vector<16xf32> to vector<1x16xf32>
      tpu.vector_store %arg10[%parallel_loop3A_489, %parallel_loop3A_490], %parallel_loop3A_493 {strides = array<i32>} : memref<256x128xf32, #tpu.memory_space<vmem>>, vector<1x16xf32>,
      %parallel_loop3A_494 = arith.subf %parallel_loop3A_312, %parallel_loop3A_361 : vector<16xf32>
      %parallel_loop3A_495 = arith.mulf %parallel_loop3A_494, %parallel_loop3A_439 : vector<16xf32>
      %parallel_loop3A_496 = arith.mulf %parallel_loop3A_495, %get3A_127 : vector<16xf32>
      %parallel_loop3A_497 = arith.addf %parallel_loop3A_496, %get3A_167 : vector<16xf32>
      %parallel_loop3A_498 = arith.index_cast %parallel_loop3A_242 : i32 to index
      %parallel_loop3A_499 = arith.constant 96 : index
      %parallel_loop3A_500 = tpu.vector_load %arg10[%parallel_loop3A_498, %parallel_loop3A_499] {strides = array<i32>} : memref<256x128xf32, #tpu.memory_space<vmem>>, vector<1x16xf32>,
      %parallel_loop3A_501 = vector.shape_cast %parallel_loop3A_500 : vector<1x16xf32> to vector<16xf32>
      %parallel_loop3A_502 = vector.shape_cast %parallel_loop3A_497 : vector<16xf32> to vector<1x16xf32>
      tpu.vector_store %arg10[%parallel_loop3A_498, %parallel_loop3A_499], %parallel_loop3A_502 {strides = array<i32>} : memref<256x128xf32, #tpu.memory_space<vmem>>, vector<1x16xf32>,
      %parallel_loop3A_503 = arith.subf %parallel_loop3A_322, %parallel_loop3A_361 : vector<16xf32>
      %parallel_loop3A_504 = arith.mulf %parallel_loop3A_503, %parallel_loop3A_439 : vector<16xf32>
      %parallel_loop3A_505 = arith.mulf %parallel_loop3A_504, %get3A_132 : vector<16xf32>
      %parallel_loop3A_506 = arith.addf %parallel_loop3A_505, %get3A_172 : vector<16xf32>
      %parallel_loop3A_507 = arith.index_cast %parallel_loop3A_242 : i32 to index
      %parallel_loop3A_508 = arith.constant 112 : index
      %parallel_loop3A_509 = tpu.vector_load %arg10[%parallel_loop3A_507, %parallel_loop3A_508] {strides = array<i32>} : memref<256x128xf32, #tpu.memory_space<vmem>>, vector<1x16xf32>,
      %parallel_loop3A_510 = vector.shape_cast %parallel_loop3A_509 : vector<1x16xf32> to vector<16xf32>
      %parallel_loop3A_511 = vector.shape_cast %parallel_loop3A_506 : vector<16xf32> to vector<1x16xf32>
      tpu.vector_store %arg10[%parallel_loop3A_507, %parallel_loop3A_508], %parallel_loop3A_511 {strides = array<i32>} : memref<256x128xf32, #tpu.memory_space<vmem>>, vector<1x16xf32>,
    } {sc.loop_unroll_factor = 8 : i64, sc.parallel_access}
    %add3A_185 = arith.constant 0 : i32
    %add3A_186 = arith.addi %mul3A_2, %add3A_185 : i32
    %dma_start3A_187 = arith.constant 0 : i32
    %dma_start3A_188 = arith.constant 0 : i32
    %dma_start3A_189 = tpu.memref_slice %arg10[%dma_start3A_187, %dma_start3A_188] : memref<256x128xf32, #tpu.memory_space<vmem>> -> memref<128x128xf32, #tpu.memory_space<vmem>>
    %dma_start3A_190 = arith.constant 0 : i32
    %dma_start3A_191 = tpu.memref_slice %arg8[%add3A_186, %dma_start3A_190] : memref<8192x128xf32, #tpu.memory_space<hbm>> -> memref<128x128xf32, #tpu.memory_space<hbm>>
    %dma_start3A_192 = arith.constant 0 : i32
    %dma_start3A_193 = tpu.memref_slice %arg8[%add3A_186, %dma_start3A_192] : memref<8192x128xf32, #tpu.memory_space<hbm>> -> memref<128x128xf32, #tpu.memory_space<hbm>>
    %dma_start3A_194 = arith.constant 0 : i32
    %dma_start3A_195 = arith.constant 0 : i32
    %dma_start3A_196 = tpu.memref_slice %arg10[%dma_start3A_194, %dma_start3A_195] : memref<256x128xf32, #tpu.memory_space<vmem>> -> memref<128x128xf32, #tpu.memory_space<vmem>>
    tpu.enqueue_dma source(%dma_start3A_196 : memref<128x128xf32, #tpu.memory_space<vmem>>) target(%dma_start3A_193 : memref<128x128xf32, #tpu.memory_space<hbm>>) target_semaphore(%arg16 : memref<!tpu.dma_semaphore, #tpu.memory_space<semaphore_mem>>)
    %dma_wait3A_197 = arith.constant 1 : i32
    %dma_wait3A_198 = arith.constant 128 : i32
    %dma_wait3A_199 = arith.constant 0 : i32
    %dma_wait3A_200 = tpu.memref_slice %arg10[%dma_wait3A_198, %dma_wait3A_199] : memref<256x128xf32, #tpu.memory_space<vmem>> -> memref<128x128xf32, #tpu.memory_space<vmem>>
    %dma_wait3A_201 = arith.constant 0 : i32
    %dma_wait3A_202 = tpu.memref_slice %arg9[%dma_wait3A_197, %dma_wait3A_201] : memref<2x128xi32, #tpu.memory_space<vmem>> -> memref<1x128xi32, #tpu.memory_space<vmem>>
    %dma_wait3A_203 = tpu.memref_squeeze %dma_wait3A_202 : memref<1x128xi32, #tpu.memory_space<vmem>> -> memref<128xi32, #tpu.memory_space<vmem>>
    %dma_wait3A_204 = arith.constant 0 : i32
    %dma_wait3A_205 = arith.constant 0 : i32
    %dma_wait3A_206 = tpu.memref_slice %arg3[%dma_wait3A_204, %dma_wait3A_205] : memref<1000000x128xf32, #tpu.memory_space<hbm>> -> memref<1000000x128xf32, #tpu.memory_space<hbm>>
    tpu.wait_indirect_dma semaphore(%arg15 : memref<!tpu.dma_semaphore, #tpu.memory_space<semaphore_mem>>) src(%dma_wait3A_206 : memref<1000000x128xf32, #tpu.memory_space<hbm>>) dst(%dma_wait3A_200 : memref<128x128xf32, #tpu.memory_space<vmem>>)
    %parallel_loop3A_207 = arith.constant 128 : i32
    %parallel_loop3A_208 = arith.constant 256 : i32
    %parallel_loop3A_209 = arith.constant 1 : i32
    scf.for %parallel_loop3A_242 = %parallel_loop3A_207 to %parallel_loop3A_208 step %parallel_loop3A_209  : i32 {
      %parallel_loop3A_243 = arith.index_cast %parallel_loop3A_242 : i32 to index
      %parallel_loop3A_244 = arith.constant 0 : index
      %parallel_loop3A_245 = tpu.vector_load %arg10[%parallel_loop3A_243, %parallel_loop3A_244] {strides = array<i32>} : memref<256x128xf32, #tpu.memory_space<vmem>>, vector<1x16xf32>,
      %parallel_loop3A_246 = vector.shape_cast %parallel_loop3A_245 : vector<1x16xf32> to vector<16xf32>
      %parallel_loop3A_247 = arith.index_cast %parallel_loop3A_242 : i32 to index
      %parallel_loop3A_248 = arith.constant 0 : index
      %parallel_loop3A_249 = tpu.vector_load %arg11[%parallel_loop3A_247, %parallel_loop3A_248] {strides = array<i32>} : memref<256x128xf32, #tpu.memory_space<vmem>>, vector<1x16xf32>,
      %parallel_loop3A_250 = vector.shape_cast %parallel_loop3A_249 : vector<1x16xf32> to vector<16xf32>
      %parallel_loop3A_251 = arith.addf %parallel_loop3A_246, %parallel_loop3A_250 : vector<16xf32>
      %parallel_loop3A_252 = arith.addf %parallel_loop3A_251, %get3A_57 : vector<16xf32>
      %parallel_loop3A_253 = arith.index_cast %parallel_loop3A_242 : i32 to index
      %parallel_loop3A_254 = arith.constant 16 : index
      %parallel_loop3A_255 = tpu.vector_load %arg10[%parallel_loop3A_253, %parallel_loop3A_254] {strides = array<i32>} : memref<256x128xf32, #tpu.memory_space<vmem>>, vector<1x16xf32>,
      %parallel_loop3A_256 = vector.shape_cast %parallel_loop3A_255 : vector<1x16xf32> to vector<16xf32>
      %parallel_loop3A_257 = arith.index_cast %parallel_loop3A_242 : i32 to index
      %parallel_loop3A_258 = arith.constant 16 : index
      %parallel_loop3A_259 = tpu.vector_load %arg11[%parallel_loop3A_257, %parallel_loop3A_258] {strides = array<i32>} : memref<256x128xf32, #tpu.memory_space<vmem>>, vector<1x16xf32>,
      %parallel_loop3A_260 = vector.shape_cast %parallel_loop3A_259 : vector<1x16xf32> to vector<16xf32>
      %parallel_loop3A_261 = arith.addf %parallel_loop3A_256, %parallel_loop3A_260 : vector<16xf32>
      %parallel_loop3A_262 = arith.addf %parallel_loop3A_261, %get3A_62 : vector<16xf32>
      %parallel_loop3A_263 = arith.index_cast %parallel_loop3A_242 : i32 to index
      %parallel_loop3A_264 = arith.constant 32 : index
      %parallel_loop3A_265 = tpu.vector_load %arg10[%parallel_loop3A_263, %parallel_loop3A_264] {strides = array<i32>} : memref<256x128xf32, #tpu.memory_space<vmem>>, vector<1x16xf32>,
      %parallel_loop3A_266 = vector.shape_cast %parallel_loop3A_265 : vector<1x16xf32> to vector<16xf32>
      %parallel_loop3A_267 = arith.index_cast %parallel_loop3A_242 : i32 to index
      %parallel_loop3A_268 = arith.constant 32 : index
      %parallel_loop3A_269 = tpu.vector_load %arg11[%parallel_loop3A_267, %parallel_loop3A_268] {strides = array<i32>} : memref<256x128xf32, #tpu.memory_space<vmem>>, vector<1x16xf32>,
      %parallel_loop3A_270 = vector.shape_cast %parallel_loop3A_269 : vector<1x16xf32> to vector<16xf32>
      %parallel_loop3A_271 = arith.addf %parallel_loop3A_266, %parallel_loop3A_270 : vector<16xf32>
      %parallel_loop3A_272 = arith.addf %parallel_loop3A_271, %get3A_67 : vector<16xf32>
      %parallel_loop3A_273 = arith.index_cast %parallel_loop3A_242 : i32 to index
      %parallel_loop3A_274 = arith.constant 48 : index
      %parallel_loop3A_275 = tpu.vector_load %arg10[%parallel_loop3A_273, %parallel_loop3A_274] {strides = array<i32>} : memref<256x128xf32, #tpu.memory_space<vmem>>, vector<1x16xf32>,
      %parallel_loop3A_276 = vector.shape_cast %parallel_loop3A_275 : vector<1x16xf32> to vector<16xf32>
      %parallel_loop3A_277 = arith.index_cast %parallel_loop3A_242 : i32 to index
      %parallel_loop3A_278 = arith.constant 48 : index
      %parallel_loop3A_279 = tpu.vector_load %arg11[%parallel_loop3A_277, %parallel_loop3A_278] {strides = array<i32>} : memref<256x128xf32, #tpu.memory_space<vmem>>, vector<1x16xf32>,
      %parallel_loop3A_280 = vector.shape_cast %parallel_loop3A_279 : vector<1x16xf32> to vector<16xf32>
      %parallel_loop3A_281 = arith.addf %parallel_loop3A_276, %parallel_loop3A_280 : vector<16xf32>
      %parallel_loop3A_282 = arith.addf %parallel_loop3A_281, %get3A_72 : vector<16xf32>
      %parallel_loop3A_283 = arith.index_cast %parallel_loop3A_242 : i32 to index
      %parallel_loop3A_284 = arith.constant 64 : index
      %parallel_loop3A_285 = tpu.vector_load %arg10[%parallel_loop3A_283, %parallel_loop3A_284] {strides = array<i32>} : memref<256x128xf32, #tpu.memory_space<vmem>>, vector<1x16xf32>,
      %parallel_loop3A_286 = vector.shape_cast %parallel_loop3A_285 : vector<1x16xf32> to vector<16xf32>
      %parallel_loop3A_287 = arith.index_cast %parallel_loop3A_242 : i32 to index
      %parallel_loop3A_288 = arith.constant 64 : index
      %parallel_loop3A_289 = tpu.vector_load %arg11[%parallel_loop3A_287, %parallel_loop3A_288] {strides = array<i32>} : memref<256x128xf32, #tpu.memory_space<vmem>>, vector<1x16xf32>,
      %parallel_loop3A_290 = vector.shape_cast %parallel_loop3A_289 : vector<1x16xf32> to vector<16xf32>
      %parallel_loop3A_291 = arith.addf %parallel_loop3A_286, %parallel_loop3A_290 : vector<16xf32>
      %parallel_loop3A_292 = arith.addf %parallel_loop3A_291, %get3A_77 : vector<16xf32>
      %parallel_loop3A_293 = arith.index_cast %parallel_loop3A_242 : i32 to index
      %parallel_loop3A_294 = arith.constant 80 : index
      %parallel_loop3A_295 = tpu.vector_load %arg10[%parallel_loop3A_293, %parallel_loop3A_294] {strides = array<i32>} : memref<256x128xf32, #tpu.memory_space<vmem>>, vector<1x16xf32>,
      %parallel_loop3A_296 = vector.shape_cast %parallel_loop3A_295 : vector<1x16xf32> to vector<16xf32>
      %parallel_loop3A_297 = arith.index_cast %parallel_loop3A_242 : i32 to index
      %parallel_loop3A_298 = arith.constant 80 : index
      %parallel_loop3A_299 = tpu.vector_load %arg11[%parallel_loop3A_297, %parallel_loop3A_298] {strides = array<i32>} : memref<256x128xf32, #tpu.memory_space<vmem>>, vector<1x16xf32>,
      %parallel_loop3A_300 = vector.shape_cast %parallel_loop3A_299 : vector<1x16xf32> to vector<16xf32>
      %parallel_loop3A_301 = arith.addf %parallel_loop3A_296, %parallel_loop3A_300 : vector<16xf32>
      %parallel_loop3A_302 = arith.addf %parallel_loop3A_301, %get3A_82 : vector<16xf32>
      %parallel_loop3A_303 = arith.index_cast %parallel_loop3A_242 : i32 to index
      %parallel_loop3A_304 = arith.constant 96 : index
      %parallel_loop3A_305 = tpu.vector_load %arg10[%parallel_loop3A_303, %parallel_loop3A_304] {strides = array<i32>} : memref<256x128xf32, #tpu.memory_space<vmem>>, vector<1x16xf32>,
      %parallel_loop3A_306 = vector.shape_cast %parallel_loop3A_305 : vector<1x16xf32> to vector<16xf32>
      %parallel_loop3A_307 = arith.index_cast %parallel_loop3A_242 : i32 to index
      %parallel_loop3A_308 = arith.constant 96 : index
      %parallel_loop3A_309 = tpu.vector_load %arg11[%parallel_loop3A_307, %parallel_loop3A_308] {strides = array<i32>} : memref<256x128xf32, #tpu.memory_space<vmem>>, vector<1x16xf32>,
      %parallel_loop3A_310 = vector.shape_cast %parallel_loop3A_309 : vector<1x16xf32> to vector<16xf32>
      %parallel_loop3A_311 = arith.addf %parallel_loop3A_306, %parallel_loop3A_310 : vector<16xf32>
      %parallel_loop3A_312 = arith.addf %parallel_loop3A_311, %get3A_87 : vector<16xf32>
      %parallel_loop3A_313 = arith.index_cast %parallel_loop3A_242 : i32 to index
      %parallel_loop3A_314 = arith.constant 112 : index
      %parallel_loop3A_315 = tpu.vector_load %arg10[%parallel_loop3A_313, %parallel_loop3A_314] {strides = array<i32>} : memref<256x128xf32, #tpu.memory_space<vmem>>, vector<1x16xf32>,
      %parallel_loop3A_316 = vector.shape_cast %parallel_loop3A_315 : vector<1x16xf32> to vector<16xf32>
      %parallel_loop3A_317 = arith.index_cast %parallel_loop3A_242 : i32 to index
      %parallel_loop3A_318 = arith.constant 112 : index
      %parallel_loop3A_319 = tpu.vector_load %arg11[%parallel_loop3A_317, %parallel_loop3A_318] {strides = array<i32>} : memref<256x128xf32, #tpu.memory_space<vmem>>, vector<1x16xf32>,
      %parallel_loop3A_320 = vector.shape_cast %parallel_loop3A_319 : vector<1x16xf32> to vector<16xf32>
      %parallel_loop3A_321 = arith.addf %parallel_loop3A_316, %parallel_loop3A_320 : vector<16xf32>
      %parallel_loop3A_322 = arith.addf %parallel_loop3A_321, %get3A_92 : vector<16xf32>
      %parallel_loop3A_323 = arith.addf %parallel_loop3A_252, %parallel_loop3A_262 : vector<16xf32>
      %parallel_loop3A_324 = arith.addf %parallel_loop3A_272, %parallel_loop3A_282 : vector<16xf32>
      %parallel_loop3A_325 = arith.addf %parallel_loop3A_292, %parallel_loop3A_302 : vector<16xf32>
      %parallel_loop3A_326 = arith.addf %parallel_loop3A_312, %parallel_loop3A_322 : vector<16xf32>
      %parallel_loop3A_327 = arith.addf %parallel_loop3A_323, %parallel_loop3A_324 : vector<16xf32>
      %parallel_loop3A_328 = arith.addf %parallel_loop3A_325, %parallel_loop3A_326 : vector<16xf32>
      %parallel_loop3A_329 = arith.addf %parallel_loop3A_327, %parallel_loop3A_328 : vector<16xf32>
      %parallel_loop3A_330 = tpu.iota {dimensions = array<i32: 0>} : vector<16xi32>
      %parallel_loop3A_331 = arith.constant 1 : i32
      %parallel_loop3A_332 = vector.broadcast %parallel_loop3A_331 : i32 to vector<16xi32>
      %parallel_loop3A_333 = arith.xori %parallel_loop3A_330, %parallel_loop3A_332 : vector<16xi32>
      %parallel_loop3A_334 = vector.shape_cast %parallel_loop3A_333 : vector<16xi32> to vector<16x1xi32>
      %parallel_loop3A_335 = vector.shape_cast %parallel_loop3A_334 : vector<16x1xi32> to vector<16xi32>
      %parallel_loop3A_336 = tpu.dynamic_gather %parallel_loop3A_329[%parallel_loop3A_335] in [0] : vector<16xf32>, vector<16xi32> -> vector<16xf32>
      %parallel_loop3A_337 = arith.addf %parallel_loop3A_329, %parallel_loop3A_336 : vector<16xf32>
      %parallel_loop3A_338 = arith.constant 2 : i32
      %parallel_loop3A_339 = vector.broadcast %parallel_loop3A_338 : i32 to vector<16xi32>
      %parallel_loop3A_340 = arith.xori %parallel_loop3A_330, %parallel_loop3A_339 : vector<16xi32>
      %parallel_loop3A_341 = vector.shape_cast %parallel_loop3A_340 : vector<16xi32> to vector<16x1xi32>
      %parallel_loop3A_342 = vector.shape_cast %parallel_loop3A_341 : vector<16x1xi32> to vector<16xi32>
      %parallel_loop3A_343 = tpu.dynamic_gather %parallel_loop3A_337[%parallel_loop3A_342] in [0] : vector<16xf32>, vector<16xi32> -> vector<16xf32>
      %parallel_loop3A_344 = arith.addf %parallel_loop3A_337, %parallel_loop3A_343 : vector<16xf32>
      %parallel_loop3A_345 = arith.constant 4 : i32
      %parallel_loop3A_346 = vector.broadcast %parallel_loop3A_345 : i32 to vector<16xi32>
      %parallel_loop3A_347 = arith.xori %parallel_loop3A_330, %parallel_loop3A_346 : vector<16xi32>
      %parallel_loop3A_348 = vector.shape_cast %parallel_loop3A_347 : vector<16xi32> to vector<16x1xi32>
      %parallel_loop3A_349 = vector.shape_cast %parallel_loop3A_348 : vector<16x1xi32> to vector<16xi32>
      %parallel_loop3A_350 = tpu.dynamic_gather %parallel_loop3A_344[%parallel_loop3A_349] in [0] : vector<16xf32>, vector<16xi32> -> vector<16xf32>
      %parallel_loop3A_351 = arith.addf %parallel_loop3A_344, %parallel_loop3A_350 : vector<16xf32>
      %parallel_loop3A_352 = arith.constant 8 : i32
      %parallel_loop3A_353 = vector.broadcast %parallel_loop3A_352 : i32 to vector<16xi32>
      %parallel_loop3A_354 = arith.xori %parallel_loop3A_330, %parallel_loop3A_353 : vector<16xi32>
      %parallel_loop3A_355 = vector.shape_cast %parallel_loop3A_354 : vector<16xi32> to vector<16x1xi32>
      %parallel_loop3A_356 = vector.shape_cast %parallel_loop3A_355 : vector<16x1xi32> to vector<16xi32>
      %parallel_loop3A_357 = tpu.dynamic_gather %parallel_loop3A_351[%parallel_loop3A_356] in [0] : vector<16xf32>, vector<16xi32> -> vector<16xf32>
      %parallel_loop3A_358 = arith.addf %parallel_loop3A_351, %parallel_loop3A_357 : vector<16xf32>
      %parallel_loop3A_359 = arith.constant 7.812500e-03 : f32
      %parallel_loop3A_360 = vector.broadcast %parallel_loop3A_359 : f32 to vector<16xf32>
      %parallel_loop3A_361 = arith.mulf %parallel_loop3A_358, %parallel_loop3A_360 : vector<16xf32>
      %parallel_loop3A_362 = arith.mulf %parallel_loop3A_252, %parallel_loop3A_252 : vector<16xf32>
      %parallel_loop3A_363 = arith.mulf %parallel_loop3A_262, %parallel_loop3A_262 : vector<16xf32>
      %parallel_loop3A_364 = arith.mulf %parallel_loop3A_272, %parallel_loop3A_272 : vector<16xf32>
      %parallel_loop3A_365 = arith.mulf %parallel_loop3A_282, %parallel_loop3A_282 : vector<16xf32>
      %parallel_loop3A_366 = arith.mulf %parallel_loop3A_292, %parallel_loop3A_292 : vector<16xf32>
      %parallel_loop3A_367 = arith.mulf %parallel_loop3A_302, %parallel_loop3A_302 : vector<16xf32>
      %parallel_loop3A_368 = arith.mulf %parallel_loop3A_312, %parallel_loop3A_312 : vector<16xf32>
      %parallel_loop3A_369 = arith.mulf %parallel_loop3A_322, %parallel_loop3A_322 : vector<16xf32>
      %parallel_loop3A_370 = arith.addf %parallel_loop3A_362, %parallel_loop3A_363 : vector<16xf32>
      %parallel_loop3A_371 = arith.addf %parallel_loop3A_364, %parallel_loop3A_365 : vector<16xf32>
      %parallel_loop3A_372 = arith.addf %parallel_loop3A_366, %parallel_loop3A_367 : vector<16xf32>
      %parallel_loop3A_373 = arith.addf %parallel_loop3A_368, %parallel_loop3A_369 : vector<16xf32>
      %parallel_loop3A_374 = arith.addf %parallel_loop3A_370, %parallel_loop3A_371 : vector<16xf32>
      %parallel_loop3A_375 = arith.addf %parallel_loop3A_372, %parallel_loop3A_373 : vector<16xf32>
      %parallel_loop3A_376 = arith.addf %parallel_loop3A_374, %parallel_loop3A_375 : vector<16xf32>
      %parallel_loop3A_377 = tpu.iota {dimensions = array<i32: 0>} : vector<16xi32>
      %parallel_loop3A_378 = arith.constant 1 : i32
      %parallel_loop3A_379 = vector.broadcast %parallel_loop3A_378 : i32 to vector<16xi32>
      %parallel_loop3A_380 = arith.xori %parallel_loop3A_377, %parallel_loop3A_379 : vector<16xi32>
      %parallel_loop3A_381 = vector.shape_cast %parallel_loop3A_380 : vector<16xi32> to vector<16x1xi32>
      %parallel_loop3A_382 = vector.shape_cast %parallel_loop3A_381 : vector<16x1xi32> to vector<16xi32>
      %parallel_loop3A_383 = tpu.dynamic_gather %parallel_loop3A_376[%parallel_loop3A_382] in [0] : vector<16xf32>, vector<16xi32> -> vector<16xf32>
      %parallel_loop3A_384 = arith.addf %parallel_loop3A_376, %parallel_loop3A_383 : vector<16xf32>
      %parallel_loop3A_385 = arith.constant 2 : i32
      %parallel_loop3A_386 = vector.broadcast %parallel_loop3A_385 : i32 to vector<16xi32>
      %parallel_loop3A_387 = arith.xori %parallel_loop3A_377, %parallel_loop3A_386 : vector<16xi32>
      %parallel_loop3A_388 = vector.shape_cast %parallel_loop3A_387 : vector<16xi32> to vector<16x1xi32>
      %parallel_loop3A_389 = vector.shape_cast %parallel_loop3A_388 : vector<16x1xi32> to vector<16xi32>
      %parallel_loop3A_390 = tpu.dynamic_gather %parallel_loop3A_384[%parallel_loop3A_389] in [0] : vector<16xf32>, vector<16xi32> -> vector<16xf32>
      %parallel_loop3A_391 = arith.addf %parallel_loop3A_384, %parallel_loop3A_390 : vector<16xf32>
      %parallel_loop3A_392 = arith.constant 4 : i32
      %parallel_loop3A_393 = vector.broadcast %parallel_loop3A_392 : i32 to vector<16xi32>
      %parallel_loop3A_394 = arith.xori %parallel_loop3A_377, %parallel_loop3A_393 : vector<16xi32>
      %parallel_loop3A_395 = vector.shape_cast %parallel_loop3A_394 : vector<16xi32> to vector<16x1xi32>
      %parallel_loop3A_396 = vector.shape_cast %parallel_loop3A_395 : vector<16x1xi32> to vector<16xi32>
      %parallel_loop3A_397 = tpu.dynamic_gather %parallel_loop3A_391[%parallel_loop3A_396] in [0] : vector<16xf32>, vector<16xi32> -> vector<16xf32>
      %parallel_loop3A_398 = arith.addf %parallel_loop3A_391, %parallel_loop3A_397 : vector<16xf32>
      %parallel_loop3A_399 = arith.constant 8 : i32
      %parallel_loop3A_400 = vector.broadcast %parallel_loop3A_399 : i32 to vector<16xi32>
      %parallel_loop3A_401 = arith.xori %parallel_loop3A_377, %parallel_loop3A_400 : vector<16xi32>
      %parallel_loop3A_402 = vector.shape_cast %parallel_loop3A_401 : vector<16xi32> to vector<16x1xi32>
      %parallel_loop3A_403 = vector.shape_cast %parallel_loop3A_402 : vector<16x1xi32> to vector<16xi32>
      %parallel_loop3A_404 = tpu.dynamic_gather %parallel_loop3A_398[%parallel_loop3A_403] in [0] : vector<16xf32>, vector<16xi32> -> vector<16xf32>
      %parallel_loop3A_405 = arith.addf %parallel_loop3A_398, %parallel_loop3A_404 : vector<16xf32>
      %parallel_loop3A_406 = arith.constant 7.812500e-03 : f32
      %parallel_loop3A_407 = vector.broadcast %parallel_loop3A_406 : f32 to vector<16xf32>
      %parallel_loop3A_408 = arith.mulf %parallel_loop3A_405, %parallel_loop3A_407 : vector<16xf32>
      %parallel_loop3A_409 = arith.mulf %parallel_loop3A_361, %parallel_loop3A_361 : vector<16xf32>
      %parallel_loop3A_410 = arith.subf %parallel_loop3A_408, %parallel_loop3A_409 : vector<16xf32>
      %parallel_loop3A_411 = arith.constant 9.99999996E-13 : f32
      %parallel_loop3A_412 = vector.broadcast %parallel_loop3A_411 : f32 to vector<16xf32>
      %parallel_loop3A_413 = arith.addf %parallel_loop3A_410, %parallel_loop3A_412 : vector<16xf32>
      %parallel_loop3A_414 = tpu.bitcast %parallel_loop3A_413 : vector<16xf32> -> vector<16xi32>
      %parallel_loop3A_415 = arith.constant 1 : i32
      %parallel_loop3A_416 = vector.broadcast %parallel_loop3A_415 : i32 to vector<16xi32>
      %parallel_loop3A_417 = arith.shrui %parallel_loop3A_414, %parallel_loop3A_416 : vector<16xi32>
      %parallel_loop3A_418 = arith.constant 1597463007 : i32
      %parallel_loop3A_419 = vector.broadcast %parallel_loop3A_418 : i32 to vector<16xi32>
      %parallel_loop3A_420 = arith.subi %parallel_loop3A_419, %parallel_loop3A_417 : vector<16xi32>
      %parallel_loop3A_421 = tpu.bitcast %parallel_loop3A_420 : vector<16xi32> -> vector<16xf32>
      %parallel_loop3A_422 = arith.constant 5.000000e-01 : f32
      %parallel_loop3A_423 = vector.broadcast %parallel_loop3A_422 : f32 to vector<16xf32>
      %parallel_loop3A_424 = arith.mulf %parallel_loop3A_423, %parallel_loop3A_413 : vector<16xf32>
      %parallel_loop3A_425 = arith.mulf %parallel_loop3A_424, %parallel_loop3A_421 : vector<16xf32>
      %parallel_loop3A_426 = arith.mulf %parallel_loop3A_425, %parallel_loop3A_421 : vector<16xf32>
      %parallel_loop3A_427 = arith.constant 1.500000e+00 : f32
      %parallel_loop3A_428 = vector.broadcast %parallel_loop3A_427 : f32 to vector<16xf32>
      %parallel_loop3A_429 = arith.subf %parallel_loop3A_428, %parallel_loop3A_426 : vector<16xf32>
      %parallel_loop3A_430 = arith.mulf %parallel_loop3A_421, %parallel_loop3A_429 : vector<16xf32>
      %parallel_loop3A_431 = arith.constant 5.000000e-01 : f32
      %parallel_loop3A_432 = vector.broadcast %parallel_loop3A_431 : f32 to vector<16xf32>
      %parallel_loop3A_433 = arith.mulf %parallel_loop3A_432, %parallel_loop3A_413 : vector<16xf32>
      %parallel_loop3A_434 = arith.mulf %parallel_loop3A_433, %parallel_loop3A_430 : vector<16xf32>
      %parallel_loop3A_435 = arith.mulf %parallel_loop3A_434, %parallel_loop3A_430 : vector<16xf32>
      %parallel_loop3A_436 = arith.constant 1.500000e+00 : f32
      %parallel_loop3A_437 = vector.broadcast %parallel_loop3A_436 : f32 to vector<16xf32>
      %parallel_loop3A_438 = arith.subf %parallel_loop3A_437, %parallel_loop3A_435 : vector<16xf32>
      %parallel_loop3A_439 = arith.mulf %parallel_loop3A_430, %parallel_loop3A_438 : vector<16xf32>
      %parallel_loop3A_440 = arith.subf %parallel_loop3A_252, %parallel_loop3A_361 : vector<16xf32>
      %parallel_loop3A_441 = arith.mulf %parallel_loop3A_440, %parallel_loop3A_439 : vector<16xf32>
      %parallel_loop3A_442 = arith.mulf %parallel_loop3A_441, %get3A_97 : vector<16xf32>
      %parallel_loop3A_443 = arith.addf %parallel_loop3A_442, %get3A_137 : vector<16xf32>
      %parallel_loop3A_444 = arith.index_cast %parallel_loop3A_242 : i32 to index
      %parallel_loop3A_445 = arith.constant 0 : index
      %parallel_loop3A_446 = tpu.vector_load %arg10[%parallel_loop3A_444, %parallel_loop3A_445] {strides = array<i32>} : memref<256x128xf32, #tpu.memory_space<vmem>>, vector<1x16xf32>,
      %parallel_loop3A_447 = vector.shape_cast %parallel_loop3A_446 : vector<1x16xf32> to vector<16xf32>
      %parallel_loop3A_448 = vector.shape_cast %parallel_loop3A_443 : vector<16xf32> to vector<1x16xf32>
      tpu.vector_store %arg10[%parallel_loop3A_444, %parallel_loop3A_445], %parallel_loop3A_448 {strides = array<i32>} : memref<256x128xf32, #tpu.memory_space<vmem>>, vector<1x16xf32>,
      %parallel_loop3A_449 = arith.subf %parallel_loop3A_262, %parallel_loop3A_361 : vector<16xf32>
      %parallel_loop3A_450 = arith.mulf %parallel_loop3A_449, %parallel_loop3A_439 : vector<16xf32>
      %parallel_loop3A_451 = arith.mulf %parallel_loop3A_450, %get3A_102 : vector<16xf32>
      %parallel_loop3A_452 = arith.addf %parallel_loop3A_451, %get3A_142 : vector<16xf32>
      %parallel_loop3A_453 = arith.index_cast %parallel_loop3A_242 : i32 to index
      %parallel_loop3A_454 = arith.constant 16 : index
      %parallel_loop3A_455 = tpu.vector_load %arg10[%parallel_loop3A_453, %parallel_loop3A_454] {strides = array<i32>} : memref<256x128xf32, #tpu.memory_space<vmem>>, vector<1x16xf32>,
      %parallel_loop3A_456 = vector.shape_cast %parallel_loop3A_455 : vector<1x16xf32> to vector<16xf32>
      %parallel_loop3A_457 = vector.shape_cast %parallel_loop3A_452 : vector<16xf32> to vector<1x16xf32>
      tpu.vector_store %arg10[%parallel_loop3A_453, %parallel_loop3A_454], %parallel_loop3A_457 {strides = array<i32>} : memref<256x128xf32, #tpu.memory_space<vmem>>, vector<1x16xf32>,
      %parallel_loop3A_458 = arith.subf %parallel_loop3A_272, %parallel_loop3A_361 : vector<16xf32>
      %parallel_loop3A_459 = arith.mulf %parallel_loop3A_458, %parallel_loop3A_439 : vector<16xf32>
      %parallel_loop3A_460 = arith.mulf %parallel_loop3A_459, %get3A_107 : vector<16xf32>
      %parallel_loop3A_461 = arith.addf %parallel_loop3A_460, %get3A_147 : vector<16xf32>
      %parallel_loop3A_462 = arith.index_cast %parallel_loop3A_242 : i32 to index
      %parallel_loop3A_463 = arith.constant 32 : index
      %parallel_loop3A_464 = tpu.vector_load %arg10[%parallel_loop3A_462, %parallel_loop3A_463] {strides = array<i32>} : memref<256x128xf32, #tpu.memory_space<vmem>>, vector<1x16xf32>,
      %parallel_loop3A_465 = vector.shape_cast %parallel_loop3A_464 : vector<1x16xf32> to vector<16xf32>
      %parallel_loop3A_466 = vector.shape_cast %parallel_loop3A_461 : vector<16xf32> to vector<1x16xf32>
      tpu.vector_store %arg10[%parallel_loop3A_462, %parallel_loop3A_463], %parallel_loop3A_466 {strides = array<i32>} : memref<256x128xf32, #tpu.memory_space<vmem>>, vector<1x16xf32>,
      %parallel_loop3A_467 = arith.subf %parallel_loop3A_282, %parallel_loop3A_361 : vector<16xf32>
      %parallel_loop3A_468 = arith.mulf %parallel_loop3A_467, %parallel_loop3A_439 : vector<16xf32>
      %parallel_loop3A_469 = arith.mulf %parallel_loop3A_468, %get3A_112 : vector<16xf32>
      %parallel_loop3A_470 = arith.addf %parallel_loop3A_469, %get3A_152 : vector<16xf32>
      %parallel_loop3A_471 = arith.index_cast %parallel_loop3A_242 : i32 to index
      %parallel_loop3A_472 = arith.constant 48 : index
      %parallel_loop3A_473 = tpu.vector_load %arg10[%parallel_loop3A_471, %parallel_loop3A_472] {strides = array<i32>} : memref<256x128xf32, #tpu.memory_space<vmem>>, vector<1x16xf32>,
      %parallel_loop3A_474 = vector.shape_cast %parallel_loop3A_473 : vector<1x16xf32> to vector<16xf32>
      %parallel_loop3A_475 = vector.shape_cast %parallel_loop3A_470 : vector<16xf32> to vector<1x16xf32>
      tpu.vector_store %arg10[%parallel_loop3A_471, %parallel_loop3A_472], %parallel_loop3A_475 {strides = array<i32>} : memref<256x128xf32, #tpu.memory_space<vmem>>, vector<1x16xf32>,
      %parallel_loop3A_476 = arith.subf %parallel_loop3A_292, %parallel_loop3A_361 : vector<16xf32>
      %parallel_loop3A_477 = arith.mulf %parallel_loop3A_476, %parallel_loop3A_439 : vector<16xf32>
      %parallel_loop3A_478 = arith.mulf %parallel_loop3A_477, %get3A_117 : vector<16xf32>
      %parallel_loop3A_479 = arith.addf %parallel_loop3A_478, %get3A_157 : vector<16xf32>
      %parallel_loop3A_480 = arith.index_cast %parallel_loop3A_242 : i32 to index
      %parallel_loop3A_481 = arith.constant 64 : index
      %parallel_loop3A_482 = tpu.vector_load %arg10[%parallel_loop3A_480, %parallel_loop3A_481] {strides = array<i32>} : memref<256x128xf32, #tpu.memory_space<vmem>>, vector<1x16xf32>,
      %parallel_loop3A_483 = vector.shape_cast %parallel_loop3A_482 : vector<1x16xf32> to vector<16xf32>
      %parallel_loop3A_484 = vector.shape_cast %parallel_loop3A_479 : vector<16xf32> to vector<1x16xf32>
      tpu.vector_store %arg10[%parallel_loop3A_480, %parallel_loop3A_481], %parallel_loop3A_484 {strides = array<i32>} : memref<256x128xf32, #tpu.memory_space<vmem>>, vector<1x16xf32>,
      %parallel_loop3A_485 = arith.subf %parallel_loop3A_302, %parallel_loop3A_361 : vector<16xf32>
      %parallel_loop3A_486 = arith.mulf %parallel_loop3A_485, %parallel_loop3A_439 : vector<16xf32>
      %parallel_loop3A_487 = arith.mulf %parallel_loop3A_486, %get3A_122 : vector<16xf32>
      %parallel_loop3A_488 = arith.addf %parallel_loop3A_487, %get3A_162 : vector<16xf32>
      %parallel_loop3A_489 = arith.index_cast %parallel_loop3A_242 : i32 to index
      %parallel_loop3A_490 = arith.constant 80 : index
      %parallel_loop3A_491 = tpu.vector_load %arg10[%parallel_loop3A_489, %parallel_loop3A_490] {strides = array<i32>} : memref<256x128xf32, #tpu.memory_space<vmem>>, vector<1x16xf32>,
      %parallel_loop3A_492 = vector.shape_cast %parallel_loop3A_491 : vector<1x16xf32> to vector<16xf32>
      %parallel_loop3A_493 = vector.shape_cast %parallel_loop3A_488 : vector<16xf32> to vector<1x16xf32>
      tpu.vector_store %arg10[%parallel_loop3A_489, %parallel_loop3A_490], %parallel_loop3A_493 {strides = array<i32>} : memref<256x128xf32, #tpu.memory_space<vmem>>, vector<1x16xf32>,
      %parallel_loop3A_494 = arith.subf %parallel_loop3A_312, %parallel_loop3A_361 : vector<16xf32>
      %parallel_loop3A_495 = arith.mulf %parallel_loop3A_494, %parallel_loop3A_439 : vector<16xf32>
      %parallel_loop3A_496 = arith.mulf %parallel_loop3A_495, %get3A_127 : vector<16xf32>
      %parallel_loop3A_497 = arith.addf %parallel_loop3A_496, %get3A_167 : vector<16xf32>
      %parallel_loop3A_498 = arith.index_cast %parallel_loop3A_242 : i32 to index
      %parallel_loop3A_499 = arith.constant 96 : index
      %parallel_loop3A_500 = tpu.vector_load %arg10[%parallel_loop3A_498, %parallel_loop3A_499] {strides = array<i32>} : memref<256x128xf32, #tpu.memory_space<vmem>>, vector<1x16xf32>,
      %parallel_loop3A_501 = vector.shape_cast %parallel_loop3A_500 : vector<1x16xf32> to vector<16xf32>
      %parallel_loop3A_502 = vector.shape_cast %parallel_loop3A_497 : vector<16xf32> to vector<1x16xf32>
      tpu.vector_store %arg10[%parallel_loop3A_498, %parallel_loop3A_499], %parallel_loop3A_502 {strides = array<i32>} : memref<256x128xf32, #tpu.memory_space<vmem>>, vector<1x16xf32>,
      %parallel_loop3A_503 = arith.subf %parallel_loop3A_322, %parallel_loop3A_361 : vector<16xf32>
      %parallel_loop3A_504 = arith.mulf %parallel_loop3A_503, %parallel_loop3A_439 : vector<16xf32>
      %parallel_loop3A_505 = arith.mulf %parallel_loop3A_504, %get3A_132 : vector<16xf32>
      %parallel_loop3A_506 = arith.addf %parallel_loop3A_505, %get3A_172 : vector<16xf32>
      %parallel_loop3A_507 = arith.index_cast %parallel_loop3A_242 : i32 to index
      %parallel_loop3A_508 = arith.constant 112 : index
      %parallel_loop3A_509 = tpu.vector_load %arg10[%parallel_loop3A_507, %parallel_loop3A_508] {strides = array<i32>} : memref<256x128xf32, #tpu.memory_space<vmem>>, vector<1x16xf32>,
      %parallel_loop3A_510 = vector.shape_cast %parallel_loop3A_509 : vector<1x16xf32> to vector<16xf32>
      %parallel_loop3A_511 = vector.shape_cast %parallel_loop3A_506 : vector<16xf32> to vector<1x16xf32>
      tpu.vector_store %arg10[%parallel_loop3A_507, %parallel_loop3A_508], %parallel_loop3A_511 {strides = array<i32>} : memref<256x128xf32, #tpu.memory_space<vmem>>, vector<1x16xf32>,
    } {sc.loop_unroll_factor = 8 : i64, sc.parallel_access}
    %add3A_210 = arith.constant 128 : i32
    %add3A_211 = arith.addi %mul3A_2, %add3A_210 : i32
    %dma_start3A_212 = arith.constant 128 : i32
    %dma_start3A_213 = arith.constant 0 : i32
    %dma_start3A_214 = tpu.memref_slice %arg10[%dma_start3A_212, %dma_start3A_213] : memref<256x128xf32, #tpu.memory_space<vmem>> -> memref<128x128xf32, #tpu.memory_space<vmem>>
    %dma_start3A_215 = arith.constant 0 : i32
    %dma_start3A_216 = tpu.memref_slice %arg8[%add3A_211, %dma_start3A_215] : memref<8192x128xf32, #tpu.memory_space<hbm>> -> memref<128x128xf32, #tpu.memory_space<hbm>>
    %dma_start3A_217 = arith.constant 0 : i32
    %dma_start3A_218 = tpu.memref_slice %arg8[%add3A_211, %dma_start3A_217] : memref<8192x128xf32, #tpu.memory_space<hbm>> -> memref<128x128xf32, #tpu.memory_space<hbm>>
    %dma_start3A_219 = arith.constant 128 : i32
    %dma_start3A_220 = arith.constant 0 : i32
    %dma_start3A_221 = tpu.memref_slice %arg10[%dma_start3A_219, %dma_start3A_220] : memref<256x128xf32, #tpu.memory_space<vmem>> -> memref<128x128xf32, #tpu.memory_space<vmem>>
    tpu.enqueue_dma source(%dma_start3A_221 : memref<128x128xf32, #tpu.memory_space<vmem>>) target(%dma_start3A_218 : memref<128x128xf32, #tpu.memory_space<hbm>>) target_semaphore(%arg16 : memref<!tpu.dma_semaphore, #tpu.memory_space<semaphore_mem>>)
    %dma_wait3A_222 = arith.constant 0 : i32
    %dma_wait3A_223 = arith.constant 0 : i32
    %dma_wait3A_224 = tpu.memref_slice %arg10[%dma_wait3A_222, %dma_wait3A_223] : memref<256x128xf32, #tpu.memory_space<vmem>> -> memref<128x128xf32, #tpu.memory_space<vmem>>
    %dma_wait3A_225 = arith.constant 0 : i32
    %dma_wait3A_226 = tpu.memref_slice %arg8[%add3A_186, %dma_wait3A_225] : memref<8192x128xf32, #tpu.memory_space<hbm>> -> memref<128x128xf32, #tpu.memory_space<hbm>>
    %dma_wait3A_227 = arith.constant 0 : i32
    %dma_wait3A_228 = tpu.memref_slice %arg8[%add3A_186, %dma_wait3A_227] : memref<8192x128xf32, #tpu.memory_space<hbm>> -> memref<128x128xf32, #tpu.memory_space<hbm>>
    %dma_wait3A_229 = arith.constant 0 : i32
    %dma_wait3A_230 = arith.constant 0 : i32
    %dma_wait3A_231 = tpu.memref_slice %arg10[%dma_wait3A_229, %dma_wait3A_230] : memref<256x128xf32, #tpu.memory_space<vmem>> -> memref<128x128xf32, #tpu.memory_space<vmem>>
    tpu.wait_dma2 semaphore(%arg16 : memref<!tpu.dma_semaphore, #tpu.memory_space<semaphore_mem>>) src(%dma_wait3A_231 : memref<128x128xf32, #tpu.memory_space<vmem>>) dst(%dma_wait3A_228 : memref<128x128xf32, #tpu.memory_space<hbm>>)
    %dma_wait3A_232 = arith.constant 128 : i32
    %dma_wait3A_233 = arith.constant 0 : i32
    %dma_wait3A_234 = tpu.memref_slice %arg10[%dma_wait3A_232, %dma_wait3A_233] : memref<256x128xf32, #tpu.memory_space<vmem>> -> memref<128x128xf32, #tpu.memory_space<vmem>>
    %dma_wait3A_235 = arith.constant 0 : i32
    %dma_wait3A_236 = tpu.memref_slice %arg8[%add3A_211, %dma_wait3A_235] : memref<8192x128xf32, #tpu.memory_space<hbm>> -> memref<128x128xf32, #tpu.memory_space<hbm>>
    %dma_wait3A_237 = arith.constant 0 : i32
    %dma_wait3A_238 = tpu.memref_slice %arg8[%add3A_211, %dma_wait3A_237] : memref<8192x128xf32, #tpu.memory_space<hbm>> -> memref<128x128xf32, #tpu.memory_space<hbm>>
    %dma_wait3A_239 = arith.constant 128 : i32
    %dma_wait3A_240 = arith.constant 0 : i32
    %dma_wait3A_241 = tpu.memref_slice %arg10[%dma_wait3A_239, %dma_wait3A_240] : memref<256x128xf32, #tpu.memory_space<vmem>> -> memref<128x128xf32, #tpu.memory_space<vmem>>
    tpu.wait_dma2 semaphore(%arg16 : memref<!tpu.dma_semaphore, #tpu.memory_space<semaphore_mem>>) src(%dma_wait3A_241 : memref<128x128xf32, #tpu.memory_space<vmem>>) dst(%dma_wait3A_238 : memref<128x128xf32, #tpu.memory_space<hbm>>)
    return
  }
}

</mosaic_0001>

<sc_bundles>
// kernel: kernel.3.cloned.1.call-start
scs
__scs_entry_jumppad:
0x0: {  	(pc) =	sbr.rel $0x88, $3  }
0x1: {  	(tag) =	ssettag $0x0;
	lr =	simm.s32 $0x1  }
0x2: {  	[smem:$0x3F9B] =	sst lr;
	_ =	strace $0xD0000000  }
0x3: {  	_ = 	snop  }
0x4: {  	_ = 	snop  }
0x5: {  	_ = 	snop  }
0x6: {  	_ = 	snop  }
0x7: {  	_ = 	snop  }
__scs_overlays_trampoline_lowered:
0x8: {  	[smem:$0x3FAA] =	sst s0  }
0x9: {  	[smem:$0x3FAB] =	sst s1  }
0xa: {  	[smem:$0x3FAC] =	sst s2  }
0xb: {  	[smem:$0x3FAD] =	sst s3  }
0xc: {  	[smem:$0x3FAE] =	sst s4  }
0xd: {  	[smem:$0x3FAF] =	sst s5  }
0xe: {  	[smem:$0x3FB0] =	sst s6  }
0xf: {  	[smem:$0x3FB1] =	sst s7  }
0x10: {  	[smem:$0x3FB2] =	sst s8  }
0x11: {  	[smem:$0x3FB3] =	sst s9;
	s0 =	simm.s32 @!p0 $0x0  }
0x12: {  	s1 =	sld [smem:$0x3F99];
	s0 =	simm.s32 @p0 $0x1  }
0x13: {  	[smem:$0x3FB4] =	sst s0;
	s0 =	simm.s32 @!p1 $0x0  }
0x14: {  	s2 =	sld [smem:$0x3F98];
	s0 =	simm.s32 @p1 $0x1  }
0x15: {  	[smem:$0x3FB5] =	sst s0;
	s0 =	simm.s32 @!p2 $0x0  }
0x16: {  	s3 =	sld [smem:$0x3FDB];
	s0 =	simm.s32 @p2 $0x1  }
0x17: {  	s4 =	simm.s32 $0x1BF5;
	[smem:$0x3FB7] =	sst s0  }
0x18: {  	s0 =	sld [smem:$0x3F9A];
	_ =	swait.ge [sflag:s4], $0x0  }
0x19: {  	s7 =	sld [smem:$0x3F9B]  }
0x1a: {  	s8 =	sadd.s32 $0xFFFFE003, lr  }
0x1b: {  	s9 =	sadd.s32 $0xFFFFFEF7, lr;
	s5 =	simm.s32 $0xFFFFFFFF;
	p2 =	slt.u32 s8, $0xFFFFF086  }
0x1c: {  	p1 =	slt.u32 s9, $0xF7A;
	s5 =	simm.s32 @!p2 $0x0  }
0x1d: {  	s5 =	simm.s32 @p1 $0x1;
	p0 =	seq.s32 s7, s2  }
0x1e: {  	s7 =	smul.u32 @!p0 $0xF7A, s2;
	p2 =	seq.s32 @!p0 s5, $0x0  }
0x1f: {  	s9 =	smul.u32 $0xF7A, s1;
	s8 =	simm.s32 @!p0 $0x1BF5;
	p2 =	por !p2, p0  }
0x20: {  	[sflag:s8] =	ssyncset.s32 @!p0 $0xFFFFF086;
	s6 =	sadd.s32 @!p0 s3, s7;
	s7 =	simm.s32 @!p0 $0x108  }
0x21: {  	s3 =	sadd.s32 s3, s9;
	s6 =	sadd.s32 @!p0 $0x88, s6;
	s7 =	simm.s32 @p2 $0x1082  }
0x22: {  	[simem:s7], [sflag:s8] =	dma.local @!p0 [hbm:s6], $0xF7A  }
0x23: {  	s9 =	sor.u32 $0xD0000000, s2;
	s6 =	simm.s32 $0x108;
	_ =	swait.ge @!p0 [sflag:s8], $0x0  }
0x24: {  	s3 =	sadd.s32 $0x88, s3;
	s6 =	simm.s32 @!p1 $0x1082;
	[sflag:s4] =	ssyncset.s32 $0xFFFFF086  }
0x25: {  	[simem:s6], [sflag:s4] =	dma.local [hbm:s3], $0xF7A  }
0x26: {  	[smem:$0x3F9B] =	sst s1;
	(tag) =	ssettag s2;
	_ =	strace s9  }
0x27: {  	s1 =	sld [smem:$0x3FAB]  }
0x28: {  	s2 =	sld [smem:$0x3FAC]  }
0x29: {  	s4 =	sld [smem:$0x3FAE]  }
0x2a: {  	p0 =	seq.s32 s5, $0x0;
	s5 =	sld [smem:$0x3FAF]  }
0x2b: {  	s6 =	sld [smem:$0x3FB0]  }
0x2c: {  	s7 =	sld [smem:$0x3FB1]  }
0x2d: {  	s3 =	simm.s32 $0x108;
	s8 =	sld [smem:$0x3FB2]  }
0x2e: {  	s3 =	simm.s32 @!p0 $0x1082;
	s9 =	sld [smem:$0x3FB3]  }
0x2f: {  	lr =	sadd.s32 s0, s3;
	s0 =	sld [smem:$0x3FAA]  }
0x30: {  	s3 =	sld [smem:$0x3FAD]  }
0x31: {  	[smem:$0x3FB6] =	sst s10  }
0x32: {  	s10 =	sld [smem:$0x3FB4];
	_ =	sdelay $0x3  }
0x33: {  	p0 =	seq.s32 s10, $0x1;
	s10 =	sld [smem:$0x3FB6];
	_ =	sdelay $0x3  }
0x34: {  	[smem:$0x3FB6] =	sst s10  }
0x35: {  	s10 =	sld [smem:$0x3FB5];
	_ =	sdelay $0x3  }
0x36: {  	p1 =	seq.s32 s10, $0x1;
	s10 =	sld [smem:$0x3FB6];
	_ =	sdelay $0x3  }
0x37: {  	[smem:$0x3FB6] =	sst s10  }
0x38: {  	s10 =	sld [smem:$0x3FB7]  }
0x39: {  	_ = 	snop;
	(pc) =	sbr.ind lr, $3  }
0x3a: {  	_ = 	snop  }
0x3b: {  	_ = 	snop  }
0x3c: {  	p2 =	seq.s32 s10, $0x1;
	s10 =	sld [smem:$0x3FB6]  }
0x3d: {  	_ =	shalt  }
0x3e: {  	_ =	shalt  }
0x3f: {  	_ =	shalt  }
0x40: {  	_ =	shalt  }
0x41: {  	_ =	shalt  }
0x42: {  	_ =	shalt  }
0x43: {  	_ =	shalt  }
0x44: {  	_ =	shalt  }
0x45: {  	_ =	shalt  }
0x46: {  	_ =	shalt  }
0x47: {  	_ =	shalt  }
0x48: {  	_ =	shalt  }
0x49: {  	_ =	shalt  }
0x4a: {  	_ =	shalt  }
0x4b: {  	_ =	shalt  }
0x4c: {  	_ =	shalt  }
0x4d: {  	_ =	shalt  }
0x4e: {  	_ =	shalt  }
0x4f: {  	_ =	shalt  }
0x50: {  	_ =	shalt  }
0x51: {  	_ =	shalt  }
0x52: {  	_ =	shalt  }
0x53: {  	_ =	shalt  }
0x54: {  	_ =	shalt  }
0x55: {  	_ =	shalt  }
0x56: {  	_ =	shalt  }
0x57: {  	_ =	shalt  }
0x58: {  	_ =	shalt  }
0x59: {  	_ =	shalt  }
0x5a: {  	_ =	shalt  }
0x5b: {  	_ =	shalt  }
0x5c: {  	_ =	shalt  }
0x5d: {  	_ =	shalt  }
0x5e: {  	_ =	shalt  }
0x5f: {  	_ =	shalt  }
0x60: {  	_ =	shalt  }
0x61: {  	_ =	shalt  }
0x62: {  	_ =	shalt  }
0x63: {  	_ =	shalt  }
0x64: {  	_ =	shalt  }
0x65: {  	_ =	shalt  }
0x66: {  	_ =	shalt  }
0x67: {  	_ =	shalt  }
0x68: {  	_ =	shalt  }
0x69: {  	_ =	shalt  }
0x6a: {  	_ =	shalt  }
0x6b: {  	_ =	shalt  }
0x6c: {  	_ =	shalt  }
0x6d: {  	_ =	shalt  }
0x6e: {  	_ =	shalt  }
0x6f: {  	_ =	shalt  }
0x70: {  	_ =	shalt  }
0x71: {  	_ =	shalt  }
0x72: {  	_ =	shalt  }
0x73: {  	_ =	shalt  }
0x74: {  	_ =	shalt  }
0x75: {  	_ =	shalt  }
0x76: {  	_ =	shalt  }
0x77: {  	_ =	shalt  }
0x78: {  	_ =	shalt  }
0x79: {  	_ =	shalt  }
0x7a: {  	_ =	shalt  }
0x7b: {  	_ =	shalt  }
0x7c: {  	_ =	shalt  }
0x7d: {  	_ =	shalt  }
0x7e: {  	_ =	shalt  }
0x7f: {  	_ =	shalt  }
0x80: {  	_ =	shalt  }
0x81: {  	_ =	shalt  }
0x82: {  	_ =	shalt  }
0x83: {  	_ =	shalt  }
0x84: {  	_ =	shalt  }
0x85: {  	_ =	shalt  }
0x86: {  	_ =	shalt  }
0x87: {  	_ =	shalt  }
.Lfunc_end0:
.L_simem_size_0:
called_computation_lowered:
.L_overlay_start_0:
0x88: {  	s2 =	sld [smem:$0x3FD9]  }
0x89: {  	s3 =	sld [smem:$0x3FFE];
	_ =	sdelay $0x1  }
0x8a: {  	s1 =	srdreg.scid  }
0x8b: {  	s0 =	sand.u32 $0x1, s1  }
0x8c: {  	s17 =	sshll.u32 s0, $0xA;
	s2 =	sadd.s32 s3, s2  }
0x8d: {  	s2 =	sadd.s32 s2, s17  }
0x8e: {  	[smem:$0x3FC2] =	sst s2  }
0x8f: {  	_ = 	snop  }
0x90: {  	s2 =	sld [smem:$0x3FC8]  }
0x91: {  	s18 =	sld [smem:$0x3FC7]  }
0x92: {  	s4 =	sld [smem:$0x3FC6]  }
0x93: {  	s5 =	sld [smem:$0x3FC5]  }
0x94: {  	s6 =	sld [smem:$0x3FC4]  }
0x95: {  	s7 =	sld [smem:$0x3FD0];
	(tm) =	ssettm $0x1  }
0x96: {  	s8 =	sld [smem:$0x3FFB];
	_ =	sdelay $0x3  }
0x97: {  	_ =	strace s8  }
0x98: {  	s8 =	sld [smem:$0x3FFC];
	_ =	sdelay $0x3  }
0x99: {  	_ =	strace s8  }
0x9a: {  	s8 =	sld [smem:$0x3FFD];
	_ =	sdelay $0x3  }
0x9b: {  	_ =	strace s8  }
0x9c: {  	_ =	strace $0x8FFFFFFF  }
0x9d: {  	s19 =	sld [smem:$0x3FDB];
	_ =	sdelay $0x1  }
0x9e: {  	s9 =	simm.s32 $_scs_section_size  }
0x9f: {  	s10 =	simm.s32 $_size__tile_overlayer_lowered;
	s11 =	simm.s32 $_tile_overlayer_lowered  }
0xa0: {  	s22 =	simm.s32 $0x1BFF;
	s21 =	sshll.u32 s11, $0x1;
	s8 =	sadd.s32 s9, s19  }
0xa1: {  	s12 =	simm.s32 $0x0;
	s20 =	sshll.u32 s10, $0x1;
	s10 =	sadd.s32 s21, s8  }
0xa2: {  	[timem:s12], [sflag:s22] =	dma.local [hbm:s10], s20  }
0xa3: {  	_ =	swait.ge [sflag:s22], s20  }
0xa4: {  	s9 =	ssub.s32 $0x0, s20;
	[sflag:s22] =	ssyncset.done $0x0  }
0xa5: {  	[sflag:s22] =	ssyncadd.s32 s9;
	_ =	sdelay $0x1  }
0xa6: {  	s23 =	simm.s32 $0x1B8B  }
0xa7: {  	_ =	swait.ge [sflag:s23], $0x1  }
0xa8: {  	[sflag:s23] =	ssyncset.done $0x0  }
0xa9: {  	s25 =	simm.s32 $0x1B8E;
	s24 =	sld [smem:$0x3FFE];
	[sflag:s23] =	ssyncadd.s32 $0xFFFFFFFF  }
0xaa: {  	s26 =	simm.s32 $execute0_lowered;
	[smem:$0x3FD2] =	sst s25  }
0xab: {  	s10 =	sshll.u32 s26, $0x1;
	_ =	strace $0x80000046;
	[dreg:$0x1] =	wrdreg $0xFFFFFFFF  }
0xac: {  	s28 =	simm.s32 $_size_execute0_lowered;
	s8 =	sadd.s32 s8, s10;
	[dreg:$0x0] =	wrdreg $0x0  }
0xad: {  	s10 =	sshll.u32 s28, $0x1;
	[dreg:$0x2] =	wrdreg s8  }
0xae: {  	[dreg:$0x3] =	wrdreg s10  }
0xaf: {  	[dreg:$0x4] =	wrdreg $0xC0  }
0xb0: {  	_ =	task [dreg:s12], $0x5FFFF  }
0xb1: {  	[dreg:$0x1] =	wrdreg $0xFFFFFFFF  }
0xb2: {  	[dreg:$0x0] =	wrdreg $0x60  }
0xb3: {  	[dreg:$0x2] =	wrdreg s24  }
0xb4: {  	[dreg:$0x3] =	wrdreg s2  }
0xb5: {  	[dreg:$0x4] =	wrdreg s18  }
0xb6: {  	[dreg:$0x5] =	wrdreg s4  }
0xb7: {  	[dreg:$0x6] =	wrdreg s5  }
0xb8: {  	[dreg:$0x7] =	wrdreg s6  }
0xb9: {  	[dreg:$0x8] =	wrdreg s7  }
0xba: {  	[dreg:$0x9] =	wrdreg $0x9  }
0xbb: {  	_ =	task.clear_ibuf [dreg:s12], $0xAFFFF;
	_ =	strace $0x90000046  }
0xbc: {  	s29 =	simm.s32 $0x9;
	_ =	strace $0x80000048  }
0xbd: {  	_ =	swait.ge [sflag:s29], $0x1  }
0xbe: {  	[sflag:s29] =	ssyncadd.s32 $0xFFFFFFFF  }
0xbf: {  	_ =	strace $0x90000048  }
0xc0: {  	_ =	sfence  }
0xc1: {  	s30 =	sld [smem:$0x0];
	_ =	sdelay $0x2  }
0xc2: {  	s31 =	sshll.u32 s1, $0xD;
	s1 =	sshrl.u32 s1, $0x2  }
0xc3: {  	s3 =	sand.u32 $0x4000, s31;
	s1 =	sadd.s32 s1, s30  }
0xc4: {  	s0 =	sor.u32 s3, s0;
	s1 =	sshll.u32 s1, $0x11  }
0xc5: {  	s0 =	sor.u32 s1, s0  }
0xc6: {  	s0 =	sadd.s32 $0x8F2B, s0  }
0xc7: {  	[sflag:s0] =	ssyncadd.remote.s32 $0x1  }
0xc8: {  	_ =	sfence.sel $0xFFFF  }
0xc9: {  	[dreg:$0x0] =	wrdreg $0xFFFFFFFF;
	(pc) =	sbr.abs _section_cstart, $3  }
0xca: {  	[dreg:$0x1] =	wrdreg $0xFFFFFFFF  }
0xcb: {  	_ =	task.clear_ibuf [dreg:s12], $0x2FFFF;
	_ =	strace $0x9FFFFFFF  }
0xcc: {  	(tm) =	ssettm $0x7FFFFFFF  }
0xcd: {  	_ =	shalt  }
tec
execute0_lowered:
.L_overlay_start_1:
0x0: {  	(tag) =	ssettag $0x1  }
0x1: {  	s7 =	rddreg [dreg:$0x0]  }
0x2: {  	s0 =	rddreg [dreg:$0x1]  }
0x3: {  	s9 =	rddreg [dreg:$0x2]  }
0x4: {  	s2 =	rddreg [dreg:$0x3]  }
0x5: {  	s3 =	rddreg [dreg:$0x4]  }
0x6: {  	s4 =	rddreg [dreg:$0x5];
	v0 =	vimm.s32 $0xEFCDAB89;
	v1 =	vimm.s32 $0x67452301  }
0x7: {  	s8 =	rddreg [dreg:$0x6];
	v2 =	vimm.s32 $0xDCFE98BA;
	v3 =	vimm.s32 $0x54761032;
	v4 =	vimm.s32 $0xBA98FEDC  }
0x8: {  	s1 =	rddreg [dreg:$0x7];
	v5 =	vimm.s32 $0x32107654;
	v6 =	vimm.s32 $0xFEDCBA98;
	v7 =	vimm.s32 $0x76543210  }
0x9: {  	s10 =	srdreg.scid;
	s5 =	stileid.u32;
	v0 =	vunpack.c.l.s4.s8 v0;
	v2 =	vunpack.c.l.s4.s8 v2;
	v3 =	vunpack.c.l.s4.s8 v3  }
0xa: {  	s6 =	simm.s32 $0x0;
	s14 =	simm.s32 $0x100;
	s15 =	simm.s32 $0x4100;
	v1 =	vunpack.c.l.s4.s8 v1;
	v4 =	vunpack.c.l.s4.s8 v4;
	v5 =	vunpack.c.l.s4.s8 v5  }
0xb: {  	s16 =	simm.s32 $0x8100;
	s17 =	simm.s32 $0x10100;
	s18 =	simm.s32 $0x10180;
	v6 =	vunpack.c.l.s4.s8 v6;
	v2 =	vunpack.c.0.s8.s32 v2;
	v3 =	vunpack.c.0.s8.s32 v3  }
0xc: {  	s19 =	simm.s32 $0x10200;
	s20 =	simm.s32 $0x3;
	s21 =	simm.s32 $0x1;
	v7 =	vunpack.c.l.s4.s8 v7;
	v4 =	vunpack.c.0.s8.s32 v4;
	v5 =	vunpack.c.0.s8.s32 v5  }
0xd: {  	s22 =	simm.s32 $0x2;
	s10 =	sand.u32 $0x1, s10;
	s11 =	sshll.u32 s5, $0x1;
	v0 =	vunpack.c.0.s8.s32 v0;
	v1 =	vunpack.c.0.s8.s32 v1;
	v2 =	vcombine.low v3, v2  }
0xe: {  	s23 =	simm.s32 $0x0;
	[smem:$0x7FF] =	sst s6;
	s11 =	sor.u32 s10, s11;
	v60 =	vunpack.c.0.s8.s32 v6;
	v61 =	vcombine.low v5, v4  }
0xf: {  	s10 =	ssub.s32 $0x2, s10;
	_ =	strace $0x80000047;
	s12 =	sshll.u32 s11, $0x5;
	v62 =	vunpack.c.0.s8.s32 v7;
	v0 =	vcombine.low v1, v0;
	v59 =	vand.u32 $0xF, v2  }
0x10: {  	s13 =	sshrl.u32 s10, $0x1;
	s31 =	sshll.u32 s11, $0xC;
	s7 =	sadd.s32 s12, s7;
	v63 =	vand.u32 $0xF, v60;
	v40 =	vand.u32 $0xF, v61;
	[tilespmem:$0x1FFC0] =	vst v59  }
0x11: {  	s30 =	ssub.s32 s10, s13;
	s11 =	sand.u32 $0x7000, s31;
	s8 =	sadd.s32 s8, s31;
	v41 =	vcombine.low v63, v62;
	v33 =	vand.u32 $0xF, v0;
	[tilespmem:$0x1FFD0] =	vst v40  }
0x12: {  	s12 =	simm.s32 $0x4;
	s13 =	simm.s32 $0x80;
	s7 =	sadd.s32 $0x400, s7;
	[tilespmem:$0x1FFE0] =	vst v33  }
0x13: {  	s9 =	sadd.s32 s9, s11;
	s10 =	sadd.s32 $0x800, s8;
	s11 =	smax.u32 s30, $0x1;
	[tilespmem:$0x1FFF0] =	vst v41  }
.LBB2_1:
0x14: {  	[tilespmem:s6], [sflag:$0x4] =	stream.linear.gather [hbm4b:s7+s6], $0x100, $0x38;
	[tilespmem:$0x10280] =	vst v63  }
0x15: {  	_ =	swait.ge [sflag:s12], $0x100  }
0x16: {  	[sflag:s12] =	ssyncset.done $0x0  }
0x17: {  	[sflag:s12] =	ssyncadd.s32 $0xFFFFFF00  }
0x18: {  	[tilespmem:s14], [sflag:$0x1] =	stream.indirect.gather [hbm4b:s0+s13], $0x80, s6, s13, $0xb8;
	[tilespmem:$0x10280] =	vst v63  }
0x19: {  	_ = 	snop  }
0x1a: {  	[tilespmem:s15], [sflag:$0x1] =	stream.indirect.gather [hbm4b:s0+s13], $0x80, s13, s13, $0xb8;
	[tilespmem:$0x10280] =	vst v63  }
0x1b: {  	_ = 	snop  }
0x1c: {  	[tilespmem:s16], [sflag:$0x3] =	stream.linear.gather [hbm4b:s9+s6], $0x8000, $0x38;
	[tilespmem:$0x10280] =	vst v63  }
0x1d: {  	_ = 	snop  }
0x1e: {  	[tilespmem:s17], [sflag:$0x3] =	stream.linear.gather [hbm4b:s2+s6], $0x80, $0x38;
	[tilespmem:$0x10280] =	vst v63  }
0x1f: {  	_ = 	snop  }
0x20: {  	[tilespmem:s18], [sflag:$0x3] =	stream.linear.gather [hbm4b:s3+s6], $0x80, $0x38;
	[tilespmem:$0x10280] =	vst v63  }
0x21: {  	_ = 	snop  }
0x22: {  	[tilespmem:s19], [sflag:$0x3] =	stream.linear.gather [hbm4b:s4+s6], $0x80, $0x38;
	[tilespmem:$0x10280] =	vst v63  }
0x23: {  	_ =	swait.ge [sflag:s20], $0x8000  }
0x24: {  	[sflag:s20] =	ssyncset.done $0x0  }
0x25: {  	[sflag:s20] =	ssyncadd.s32 $0xFFFF8000  }
0x26: {  	_ =	swait.ge [sflag:s20], $0x80  }
0x27: {  	[sflag:s20] =	ssyncset.done $0x0  }
0x28: {  	[sflag:s20] =	ssyncadd.s32 $0xFFFFFF80  }
0x29: {  	_ =	swait.ge [sflag:s20], $0x80  }
0x2a: {  	[sflag:s20] =	ssyncset.done $0x0  }
0x2b: {  	[sflag:s20] =	ssyncadd.s32 $0xFFFFFF80  }
0x2c: {  	_ =	swait.ge [sflag:s20], $0x80  }
0x2d: {  	[sflag:s20] =	ssyncset.done $0x0  }
0x2e: {  	[sflag:s20] =	ssyncadd.s32 $0xFFFFFF80  }
0x2f: {  	v0 =	vld [tilespmem:$0x10180];
	_ =	sdelay $0x4  }
0x30: {  	[tilespmem:$0x1FE70] =	vst v0;
	v0 =	vld [tilespmem:$0x10190];
	_ =	sdelay $0x4  }
0x31: {  	[tilespmem:$0x1FE90] =	vst v0;
	v0 =	vld [tilespmem:$0x101A0];
	_ =	sdelay $0x4  }
0x32: {  	[tilespmem:$0x1FEA0] =	vst v0;
	v0 =	vld [tilespmem:$0x101B0];
	_ =	sdelay $0x4  }
0x33: {  	[tilespmem:$0x1FEC0] =	vst v0;
	v0 =	vld [tilespmem:$0x101C0];
	_ =	sdelay $0x4  }
0x34: {  	[tilespmem:$0x1FED0] =	vst v0;
	v0 =	vld [tilespmem:$0x101D0];
	_ =	sdelay $0x4  }
0x35: {  	[tilespmem:$0x1FEF0] =	vst v0;
	v0 =	vld [tilespmem:$0x101E0];
	_ =	sdelay $0x4  }
0x36: {  	[tilespmem:$0x1FF00] =	vst v0;
	v0 =	vld [tilespmem:$0x101F0];
	_ =	sdelay $0x4  }
0x37: {  	[tilespmem:$0x1FDB0] =	vst v0;
	v0 =	vld [tilespmem:$0x10200];
	_ =	sdelay $0x4  }
0x38: {  	[tilespmem:$0x1FEB0] =	vst v0;
	v0 =	vld [tilespmem:$0x10210];
	_ =	sdelay $0x4  }
0x39: {  	[tilespmem:$0x1FEE0] =	vst v0;
	v0 =	vld [tilespmem:$0x10220];
	_ =	sdelay $0x4  }
0x3a: {  	[tilespmem:$0x1FF10] =	vst v0;
	v0 =	vld [tilespmem:$0x10230];
	_ =	sdelay $0x4  }
0x3b: {  	[tilespmem:$0x1FF20] =	vst v0;
	v0 =	vld [tilespmem:$0x10240];
	_ =	sdelay $0x4  }
0x3c: {  	[tilespmem:$0x1FF30] =	vst v0;
	v0 =	vld [tilespmem:$0x10250];
	_ =	sdelay $0x4  }
0x3d: {  	[tilespmem:$0x1FF40] =	vst v0;
	v0 =	vld [tilespmem:$0x10260];
	_ =	sdelay $0x2  }
0x3e: {  	v57 =	vld [tilespmem:$0x10100]  }
0x3f: {  	v60 =	vld [tilespmem:$0x10110]  }
0x40: {  	[tilespmem:$0x1FF50] =	vst v0;
	v0 =	vld [tilespmem:$0x10270]  }
0x41: {  	v44 =	vld [tilespmem:$0x10120]  }
0x42: {  	v43 =	vld [tilespmem:$0x10130]  }
0x43: {  	v48 =	vld [tilespmem:$0x10140]  }
0x44: {  	v58 =	vld [tilespmem:$0x10150]  }
0x45: {  	v62 =	vld [tilespmem:$0x10160];
	[tilespmem:$0x1FE80] =	vst v0  }
0x46: {  	v63 =	vld [tilespmem:$0x10170];
	_ =	swait.ge [sflag:s21], $0x4000  }
0x47: {  	[sflag:s21] =	ssyncset.done $0x0  }
0x48: {  	s24 =	simm.s32 $0x300;
	[sflag:s21] =	ssyncadd.s32 $0xFFFFC000  }
0x49: {  	s25 =	simm.s32 $0x8300;
	v0 =	vld [tilespmem:s24+$0x180]  }
0x4a: {  	v1 =	vld [tilespmem:s25+$0x180]  }
0x4b: {  	v2 =	vld [tilespmem:s24+$0x190]  }
0x4c: {  	v3 =	vld [tilespmem:s25+$0x190]  }
0x4d: {  	v4 =	vld [tilespmem:s24+$0x1A0]  }
0x4e: {  	v5 =	vld [tilespmem:s25+$0x1A0]  }
0x4f: {  	v6 =	vld [tilespmem:s24+$0x1B0]  }
0x50: {  	v7 =	vld [tilespmem:s25+$0x1B0]  }
0x51: {  	v8 =	vld [tilespmem:s24+$0x1C0]  }
0x52: {  	v9 =	vld [tilespmem:s25+$0x1C0]  }
0x53: {  	v10 =	vld [tilespmem:s24+$0x1D0]  }
0x54: {  	v11 =	vld [tilespmem:s25+$0x1D0]  }
0x55: {  	v12 =	vld [tilespmem:s24+$0x1E0]  }
0x56: {  	v13 =	vld [tilespmem:s25+$0x1E0]  }
0x57: {  	v14 =	vld [tilespmem:s24+$0x1F0]  }
0x58: {  	v15 =	vld [tilespmem:s25+$0x1F0]  }
0x59: {  	v16 =	vld [tilespmem:s24+$0xFFFFFE10]  }
0x5a: {  	v17 =	vld [tilespmem:s25+$0xFFFFFE10]  }
0x5b: {  	v18 =	vld [tilespmem:s24+$0xFFFFFE20]  }
0x5c: {  	v19 =	vld [tilespmem:s25+$0xFFFFFE20]  }
0x5d: {  	v20 =	vld [tilespmem:s24+$0xFFFFFE30]  }
0x5e: {  	v21 =	vld [tilespmem:s25+$0xFFFFFE30]  }
0x5f: {  	v22 =	vld [tilespmem:s24+$0xFFFFFE40]  }
0x60: {  	v23 =	vld [tilespmem:s25+$0xFFFFFE40]  }
0x61: {  	v24 =	vld [tilespmem:s24+$0xFFFFFE50];
	v0 =	vadd.f32 v1, v0  }
0x62: {  	v25 =	vld [tilespmem:s25+$0xFFFFFE50];
	v1 =	vadd.f32 v3, v2;
	v3 =	vadd.f32 v5, v4  }
0x63: {  	v2 =	vld [tilespmem:s24+$0xFFFFFE60];
	v4 =	vadd.f32 v7, v6;
	v6 =	vadd.f32 v9, v8  }
0x64: {  	v5 =	vld [tilespmem:s25+$0xFFFFFE60];
	v9 =	vadd.f32 v13, v12;
	v12 =	vadd.f32 v0, v57  }
0x65: {  	v7 =	vadd.f32 v11, v10;
	v8 =	vld [tilespmem:s24+$0xFFFFFE70];
	v13 =	vadd.f32 v1, v60  }
0x66: {  	v10 =	vadd.f32 v15, v14;
	v11 =	vld [tilespmem:s25+$0xFFFFFE70];
	v15 =	vadd.f32 v3, v44;
	[tilespmem:$0x1FD50] =	vst v12  }
0x67: {  	v27 =	vadd.f32 v4, v43;
	[tilespmem:$0x1FD90] =	vst v13  }
0x68: {  	v29 =	vadd.f32 v6, v48;
	v0 =	vld [tilespmem:s24+$0xFFFFFE80];
	[tilespmem:$0x1FDA0] =	vst v15  }
0x69: {  	v30 =	vadd.f32 v7, v58;
	[tilespmem:$0x1FDC0] =	vst v27  }
0x6a: {  	v32 =	vadd.f32 v9, v62;
	v34 =	vadd.f32 v10, v63;
	v1 =	vld [tilespmem:s25+$0xFFFFFE80];
	[tilespmem:$0x1FDD0] =	vst v29  }
0x6b: {  	v6 =	vadd.f32 v13, v12;
	v7 =	vadd.f32 v27, v15;
	v10 =	vmul.f32 v12, v12;
	[tilespmem:$0x1FDE0] =	vst v30  }
0x6c: {  	v12 =	vadd.f32 v30, v29;
	v13 =	vmul.f32 v13, v13;
	v31 =	vmul.f32 v32, v32;
	v3 =	vld [tilespmem:s24+$0xFFFFFE90];
	[tilespmem:$0x1FCE0] =	vst v34  }
0x6d: {  	v26 =	vadd.f32 v34, v32;
	v15 =	vmul.f32 v15, v15;
	v27 =	vmul.f32 v27, v27;
	v4 =	vld [tilespmem:s25+$0xFFFFFE90]  }
0x6e: {  	v29 =	vmul.f32 v29, v29;
	v30 =	vmul.f32 v30, v30;
	v9 =	vld [tilespmem:s24+$0xFFFFFEA0]  }
0x6f: {  	v6 =	vadd.f32 v7, v6;
	v12 =	vadd.f32 v26, v12;
	v26 =	vmul.f32 v34, v34;
	v14 =	vld [tilespmem:s25+$0xFFFFFEA0];
	[tilespmem:$0x1FE10] =	vst v32  }
0x70: {  	v10 =	vadd.f32 v13, v10;
	v13 =	vadd.f32 v27, v15;
	v28 =	vld [tilespmem:s24+$0xFFFFFEB0]  }
0x71: {  	v27 =	vadd.f32 v30, v29;
	v26 =	vadd.f32 v26, v31;
	v7 =	vld [tilespmem:s25+$0xFFFFFEB0]  }
0x72: {  	v6 =	vadd.f32 v12, v6;
	v49 =	vld [tilespmem:s24+$0xFFFFFEC0]  }
0x73: {  	v15 =	vld [tilespmem:s25+$0xFFFFFEC0];
	v10 =	vadd.f32 v13, v10;
	v13 =	vadd.f32 v26, v27  }
0x74: {  	v29 =	vld [tilespmem:s24+$0xFFFFFED0]  }
0x75: {  	v12 =	vld [tilespmem:s25+$0xFFFFFED0];
	v30 =	vperm.xlane v6, v33;
	v10 =	vadd.f32 v13, v10  }
0x76: {  	v31 =	vld [tilespmem:s25+$0xFFFFFEF0]  }
0x77: {  	v50 =	vld [tilespmem:s24+$0xFFFFFF00];
	v6 =	vadd.f32 v6, v30;
	v30 =	vperm.xlane v10, v33  }
0x78: {  	v35 =	vld [tilespmem:s25+$0xFFFFFF00]  }
0x79: {  	v36 =	vld [tilespmem:s24+$0xFFFFFF10];
	v10 =	vadd.f32 v10, v30;
	v30 =	vperm.xlane v6, v59  }
0x7a: {  	v37 =	vld [tilespmem:s25+$0xFFFFFF10]  }
0x7b: {  	v38 =	vld [tilespmem:s24+$0xFFFFFF20];
	v6 =	vadd.f32 v6, v30;
	v30 =	vperm.xlane v10, v59  }
0x7c: {  	v39 =	vld [tilespmem:s25+$0xFFFFFF20]  }
0x7d: {  	v42 =	vld [tilespmem:s24+$0xFFFFFF30];
	v10 =	vadd.f32 v10, v30;
	v30 =	vperm.xlane v6, v40  }
0x7e: {  	v16 =	vadd.f32 v17, v16;
	v26 =	vld [tilespmem:s24+$0xFFFFFEE0]  }
0x7f: {  	v17 =	vadd.f32 v19, v18;
	v27 =	vld [tilespmem:s25+$0xFFFFFEE0];
	v6 =	vadd.f32 v6, v30;
	v18 =	vperm.xlane v10, v40  }
0x80: {  	v13 =	vld [tilespmem:s24+$0xFFFFFEF0];
	[tilespmem:$0x1F9E0] =	vst v16  }
0x81: {  	v20 =	vadd.f32 v21, v20;
	v16 =	vld [tilespmem:s25+$0xFFFFFF30];
	v10 =	vadd.f32 v10, v18;
	v18 =	vperm.xlane v6, v41  }
0x82: {  	v21 =	vadd.f32 v23, v22;
	v2 =	vadd.f32 v5, v2;
	v19 =	vld [tilespmem:s24+$0xFFFFFF40]  }
0x83: {  	v0 =	vadd.f32 v1, v0;
	v22 =	vld [tilespmem:s25+$0xFFFFFF40];
	v1 =	vadd.f32 v6, v18;
	v5 =	vperm.xlane v10, v41  }
0x84: {  	v23 =	vadd.f32 v25, v24;
	v24 =	vld [tilespmem:s24+$0xFFFFFF50]  }
0x85: {  	v8 =	vadd.f32 v11, v8;
	v11 =	vld [tilespmem:s25+$0xFFFFFF50];
	v10 =	vadd.f32 v10, v5;
	v5 =	vmul.f32 $7.812500000e-03, v1  }
0x86: {  	v3 =	vadd.f32 v4, v3;
	v4 =	vadd.f32 v14, v9;
	v9 =	vld [tilespmem:s25+$0xFFFFFF60]  }
0x87: {  	v6 =	vld [tilespmem:s24+$0xFFFFFF60];
	[tilespmem:$0x1FCF0] =	vst v5;
	v10 =	vmul.f32 $7.812500000e-03, v10;
	v18 =	vmul.f32 v5, v5  }
0x88: {  	v1 =	vld [tilespmem:s24+$0xFFFFFF70]  }
0x89: {  	v14 =	vadd.f32 v15, v49;
	v15 =	vld [tilespmem:s25+$0xFFFFFF70];
	v5 =	vsub.f32 v10, v18  }
0x8a: {  	v54 =	vadd.f32 v2, v62;
	v25 =	vadd.f32 v27, v26;
	v26 =	vld [tilespmem:s24+$0xFFFFFF80]  }
0x8b: {  	v7 =	vadd.f32 v7, v28;
	v13 =	vadd.f32 v31, v13;
	v28 =	vld [tilespmem:s25+$0xFFFFFF80];
	[tilespmem:$0x1FA00] =	vst v5  }
0x8c: {  	v31 =	vadd.f32 v8, v63;
	v18 =	vadd.f32 v21, v48;
	v10 =	vld [tilespmem:s24+$0xFFFFFF90]  }
0x8d: {  	v52 =	vadd.f32 v16, v42;
	v30 =	vadd.f32 v23, v58;
	v16 =	vld [tilespmem:s25+$0xFFFFFF90]  }
0x8e: {  	v22 =	vadd.f32 v22, v19;
	v53 =	vadd.f32 v11, v24;
	v11 =	vld [tilespmem:s24+$0xFFFFFFA0];
	[tilespmem:$0x1FA50] =	vst v18  }
0x8f: {  	v23 =	vadd.f32 v17, v44;
	v6 =	vadd.f32 v9, v6;
	v9 =	vld [tilespmem:s25+$0xFFFFFFA0];
	[tilespmem:$0x1FA60] =	vst v30  }
0x90: {  	v24 =	vadd.f32 v20, v43;
	v1 =	vadd.f32 v15, v1;
	v15 =	vld [tilespmem:s24+$0xFFFFFFB0]  }
0x91: {  	v20 =	vadd.f32 v31, v54;
	v19 =	vadd.f32 v30, v18;
	v2 =	vld [tilespmem:s25+$0xFFFFFFB0];
	[tilespmem:$0x1FA10] =	vst v23  }
0x92: {  	[tilespmem:$0x1FA20] =	vst v24  }
0x93: {  	v5 =	vadd.f32 v20, v19;
	v23 =	vmul.f32 v23, v23;
	v24 =	vmul.f32 v24, v24;
	v8 =	vld [tilespmem:s24+$0xFFFFFFC0];
	[tilespmem:$0x1FA70] =	vst v54  }
0x94: {  	[tilespmem:$0x1FA80] =	vst v31  }
0x95: {  	v19 =	vmul.f32 v18, v18;
	v20 =	vmul.f32 v30, v30;
	v21 =	vld [tilespmem:s25+$0xFFFFFFC0];
	[tilespmem:$0x1FA30] =	vst v5;
	v5 =	vadd.f32 v24, v23;
	_ =	sdelay $0x1  }
0x96: {  	[tilespmem:$0x1FA40] =	vst v5;
	v5 =	vadd.f32 v20, v19;
	_ =	sdelay $0x1  }
0x97: {  	v12 =	vadd.f32 v12, v29;
	[tilespmem:$0x1F950] =	vst v5;
	v5 =	vadd.f32 v0, v57  }
0x98: {  	v17 =	vadd.f32 v28, v26;
	v30 =	vadd.f32 v4, v44  }
0x99: {  	v18 =	vadd.f32 v16, v10;
	v16 =	vadd.f32 v9, v11;
	v9 =	vld [tilespmem:s24+$0xFFFFFFD0];
	[tilespmem:$0x1FA90] =	vst v5  }
0x9a: {  	v26 =	vadd.f32 v7, v43;
	v11 =	vadd.f32 v3, v60;
	v0 =	vld [tilespmem:s25+$0xFFFFFFD0]  }
0x9b: {  	v4 =	vmul.f32 v54, v54;
	v23 =	vadd.f32 v12, v58;
	v3 =	vld [tilespmem:s24+$0xFFFFFFE0]  }
0x9c: {  	v10 =	vmul.f32 v31, v31;
	v20 =	vadd.f32 v26, v30;
	v12 =	vadd.f32 v11, v5;
	v7 =	vld [tilespmem:s25+$0xFFFFFFE0];
	[tilespmem:$0x1FAA0] =	vst v11  }
0x9d: {  	[tilespmem:$0x1FAC0] =	vst v26  }
0x9e: {  	v28 =	vadd.f32 v10, v4;
	[tilespmem:$0x1FAB0] =	vst v30;
	v4 =	vadd.f32 v20, v12  }
0x9f: {  	v14 =	vadd.f32 v14, v48;
	v8 =	vadd.f32 v21, v8;
	v21 =	vld [tilespmem:s24+$0xFFFFFFF0]  }
0xa0: {  	v55 =	vadd.f32 v25, v62;
	v19 =	vadd.f32 v13, v63;
	v13 =	vld [tilespmem:s25+$0xFFFFFFF0];
	[tilespmem:$0x1F960] =	vst v4  }
0xa1: {  	v29 =	vadd.f32 v37, v36;
	v51 =	vadd.f32 v39, v38;
	v4 =	vld [tilespmem:s24+$0x0];
	[tilespmem:$0x1FAD0] =	vst v14  }
0xa2: {  	v10 =	vadd.f32 v23, v14;
	v12 =	vadd.f32 v19, v55;
	[tilespmem:$0x1FAE0] =	vst v23  }
0xa3: {  	v27 =	vadd.f32 v35, v50;
	v2 =	vadd.f32 v2, v15;
	v15 =	vmov v23;
	[tilespmem:$0x1FAF0] =	vst v55  }
0xa4: {  	[tilespmem:$0x1FB00] =	vst v19;
	v23 =	vmul.f32 v11, v11;
	v11 =	vadd.f32 v12, v10;
	v10 =	vmul.f32 v30, v30  }
0xa5: {  	v20 =	vld [tilespmem:s25+$0x0];
	v0 =	vadd.f32 v0, v9;
	v9 =	vmul.f32 v5, v5;
	v3 =	vadd.f32 v7, v3  }
0xa6: {  	v24 =	vld [tilespmem:s24+$0x10];
	v56 =	vadd.f32 v13, v21;
	v13 =	vmul.f32 v14, v14;
	v21 =	vmul.f32 v15, v15  }
0xa7: {  	v12 =	vmul.f32 v26, v26;
	v7 =	vld [tilespmem:s25+$0x10];
	v25 =	vadd.f32 v23, v9;
	v23 =	vadd.f32 v27, v57  }
0xa8: {  	v38 =	vmov v33;
	v33 =	vadd.f32 v21, v13;
	v13 =	vadd.f32 v29, v60  }
0xa9: {  	v30 =	vadd.f32 v12, v10;
	v10 =	vmul.f32 v55, v55;
	[tilespmem:$0x1FB10] =	vst v23  }
0xaa: {  	v12 =	vmul.f32 v19, v19;
	v15 =	vadd.f32 v51, v44;
	v19 =	vadd.f32 v52, v43;
	[tilespmem:$0x1FB20] =	vst v13  }
0xab: {  	v14 =	vadd.f32 v6, v62;
	v5 =	vadd.f32 v20, v4;
	v4 =	vld [tilespmem:s24+$0x20]  }
0xac: {  	v32 =	vadd.f32 v12, v10;
	v9 =	vadd.f32 v7, v24;
	v7 =	vld [tilespmem:s25+$0x20]  }
0xad: {  	v12 =	vadd.f32 v1, v63;
	v29 =	vadd.f32 v19, v15;
	v10 =	vld [tilespmem:s24+$0x30]  }
0xae: {  	v20 =	vadd.f32 v53, v58;
	v6 =	vadd.f32 v13, v23;
	v1 =	vld [tilespmem:s25+$0x30];
	[tilespmem:$0x1FB40] =	vst v19  }
0xaf: {  	v21 =	vadd.f32 v22, v48;
	[tilespmem:$0x1FB30] =	vst v15  }
0xb0: {  	v51 =	vld [tilespmem:s24+$0x40];
	[tilespmem:$0x1FB60] =	vst v20;
	v61 =	vadd.f32 v29, v6;
	v6 =	vmul.f32 v23, v23;
	v29 =	vmul.f32 v13, v13  }
0xb1: {  	[tilespmem:$0x1FB50] =	vst v21  }
0xb2: {  	[tilespmem:$0x1FB70] =	vst v14;
	v37 =	vadd.f32 v29, v6  }
0xb3: {  	[tilespmem:$0x1FB80] =	vst v12;
	v6 =	vmul.f32 v19, v19;
	v46 =	vadd.f32 v7, v4;
	v4 =	vmul.f32 v15, v15  }
0xb4: {  	v53 =	vadd.f32 v12, v14;
	v13 =	vadd.f32 v17, v57;
	v54 =	vld [tilespmem:s25+$0x40]  }
0xb5: {  	v45 =	vld [tilespmem:s24+$0x50];
	v23 =	vadd.f32 v6, v4;
	v6 =	vmul.f32 v14, v14;
	v14 =	vadd.f32 v18, v60  }
0xb6: {  	v55 =	vmul.f32 v12, v12;
	v7 =	vld [tilespmem:s25+$0x50];
	[tilespmem:$0x1FB90] =	vst v13  }
0xb7: {  	[tilespmem:$0x1FBA0] =	vst v14  }
0xb8: {  	v12 =	vadd.f32 v0, v58;
	v36 =	vadd.f32 v55, v6;
	v6 =	vld [tilespmem:s24+$0x60]  }
0xb9: {  	v15 =	vadd.f32 v16, v44;
	v16 =	vadd.f32 v2, v43;
	v2 =	vld [tilespmem:s25+$0x60]  }
0xba: {  	v29 =	vmul.f32 v20, v20;
	v1 =	vadd.f32 v1, v10;
	v10 =	vmul.f32 v21, v21;
	v0 =	vld [tilespmem:s24+$0x70]  }
0xbb: {  	v17 =	vadd.f32 v8, v48;
	v45 =	vadd.f32 v7, v45;
	v7 =	vld [tilespmem:s25+$0x70];
	[tilespmem:$0x1FBC0] =	vst v16  }
0xbc: {  	v39 =	vmov v41;
	v41 =	vadd.f32 v29, v10;
	[tilespmem:$0x1FBB0] =	vst v15  }
0xbd: {  	v10 =	vadd.f32 v3, v62;
	v4 =	vadd.f32 v56, v63;
	v42 =	vld [tilespmem:s24+$0x80];
	[tilespmem:$0x1FBD0] =	vst v17  }
0xbe: {  	v52 =	vadd.f32 v20, v21;
	[tilespmem:$0x1FBE0] =	vst v12  }
0xbf: {  	v47 =	vadd.f32 v12, v17;
	v49 =	vadd.f32 v4, v10;
	[tilespmem:$0x1FBF0] =	vst v10  }
0xc0: {  	v34 =	vadd.f32 v53, v52;
	v52 =	vmul.f32 v13, v13;
	v53 =	vmul.f32 v14, v14;
	[tilespmem:$0x1FC00] =	vst v4  }
0xc1: {  	v35 =	vmul.f32 v12, v12;
	v51 =	vadd.f32 v54, v51;
	v26 =	vadd.f32 v49, v47;
	v54 =	vld [tilespmem:s24+$0x90]  }
0xc2: {  	v22 =	vadd.f32 v53, v52;
	v47 =	vld [tilespmem:s25+$0x90];
	v52 =	vadd.f32 v7, v0;
	v7 =	vmul.f32 v17, v17;
	_ =	sdelay $0x1  }
0xc3: {  	v35 =	vadd.f32 v35, v7;
	v7 =	vadd.f32 v9, v60  }
0xc4: {  	v50 =	vld [tilespmem:s25+$0x80]  }
0xc5: {  	v56 =	vmul.f32 v16, v16;
	v3 =	vadd.f32 v14, v13;
	[tilespmem:$0x1FC10] =	vst v7  }
0xc6: {  	v55 =	vadd.f32 v2, v6;
	v6 =	vmul.f32 v15, v15;
	v53 =	vadd.f32 v47, v54;
	v54 =	vld [tilespmem:s24+$0xA0]  }
0xc7: {  	v14 =	vadd.f32 v46, v44;
	v13 =	vadd.f32 v51, v48;
	v49 =	vmul.f32 v4, v4;
	v4 =	vld [tilespmem:s25+$0xA0]  }
0xc8: {  	v21 =	vadd.f32 v56, v6;
	v6 =	vmul.f32 v10, v10;
	v10 =	vadd.f32 v45, v58;
	v51 =	vld [tilespmem:s24+$0xB0]  }
0xc9: {  	v56 =	vadd.f32 v50, v42;
	v42 =	vld [tilespmem:s25+$0xB0];
	[tilespmem:$0x1FC20] =	vst v14  }
0xca: {  	v8 =	vadd.f32 v16, v15;
	v12 =	vadd.f32 v55, v62;
	[tilespmem:$0x1FC40] =	vst v10  }
0xcb: {  	v50 =	vadd.f32 v5, v57;
	v9 =	vadd.f32 v52, v63;
	[tilespmem:$0x1FC30] =	vst v13  }
0xcc: {  	v29 =	vadd.f32 v8, v3;
	v47 =	vadd.f32 v1, v43;
	[tilespmem:$0x1FC50] =	vst v12  }
0xcd: {  	v31 =	vadd.f32 v49, v6;
	v1 =	vadd.f32 v7, v50;
	[tilespmem:$0x1FC60] =	vst v9  }
0xce: {  	v45 =	vadd.f32 v47, v14;
	v3 =	vadd.f32 v10, v13;
	v6 =	vld [tilespmem:s24+$0xC0]  }
0xcf: {  	v2 =	vadd.f32 v9, v12;
	v46 =	vmul.f32 v50, v50;
	v0 =	vmul.f32 v7, v7;
	v5 =	vld [tilespmem:s25+$0xC0]  }
0xd0: {  	v55 =	vmul.f32 v14, v14;
	v14 =	vadd.f32 v53, v60;
	v27 =	vadd.f32 v45, v1  }
0xd1: {  	v49 =	vmul.f32 v47, v47;
	v19 =	vadd.f32 v2, v3;
	v20 =	vadd.f32 v0, v46  }
0xd2: {  	v0 =	vadd.f32 v56, v57;
	v24 =	vadd.f32 v4, v54;
	v54 =	vld [tilespmem:s24+$0xD0]  }
0xd3: {  	v2 =	vmul.f32 v10, v10;
	v55 =	vadd.f32 v49, v55;
	v1 =	vmul.f32 v9, v9;
	v4 =	vld [tilespmem:s25+$0xD0];
	[tilespmem:$0x1FC80] =	vst v14  }
0xd4: {  	v46 =	vmovc v60;
	v60 =	vmul.f32 v13, v13;
	v8 =	vadd.f32 v42, v51;
	v7 =	vld [tilespmem:s24+$0xE0];
	v9 =	vadd.f32 v5, v6  }
0xd5: {  	v3 =	vld [tilespmem:s25+$0xE0];
	v5 =	vmov v0;
	[tilespmem:$0x1FC70] =	vst v0;
	v6 =	vmul.f32 v0, v0;
	v0 =	vmul.f32 v14, v14  }
0xd6: {  	v18 =	vadd.f32 v2, v60;
	v2 =	vadd.f32 v24, v44  }
0xd7: {  	v49 =	vld [tilespmem:s24+$0xF0];
	v17 =	vadd.f32 v0, v6;
	v0 =	vadd.f32 v8, v43  }
0xd8: {  	v45 =	vmul.f32 v12, v12;
	v6 =	vld [tilespmem:s25+$0xF0];
	[tilespmem:$0x1FC90] =	vst v2  }
0xd9: {  	[tilespmem:$0x1FCA0] =	vst v0  }
0xda: {  	v16 =	vadd.f32 v1, v45;
	v60 =	vadd.f32 v4, v54;
	v8 =	vld [tilespmem:s24+$0x100]  }
0xdb: {  	v10 =	vadd.f32 v3, v7;
	v7 =	vadd.f32 v14, v5;
	v5 =	vld [tilespmem:s25+$0x100]  }
0xdc: {  	v13 =	vadd.f32 v9, v48;
	v1 =	vmul.f32 v2, v2;
	v4 =	vmul.f32 v0, v0;
	v3 =	vld [tilespmem:s24+$0x110]  }
0xdd: {  	v0 =	vadd.f32 v0, v2;
	v2 =	vld [tilespmem:s25+$0x110];
	v12 =	vadd.f32 v60, v58  }
0xde: {  	v14 =	vadd.f32 v4, v1;
	v1 =	vld [tilespmem:s24+$0x120];
	[tilespmem:$0x1FCB0] =	vst v13  }
0xdf: {  	v15 =	vadd.f32 v0, v7;
	v4 =	vadd.f32 v6, v49;
	v7 =	vld [tilespmem:$0x1F950];
	[tilespmem:$0x1FCC0] =	vst v12  }
0xe0: {  	v6 =	vmul.f32 v13, v13;
	v0 =	vld [tilespmem:s25+$0x120]  }
0xe1: {  	v45 =	vmul.f32 v12, v12;
	v4 =	vadd.f32 v4, v63;
	v49 =	vadd.f32 v5, v8;
	v5 =	vld [tilespmem:$0x1F960]  }
0xe2: {  	v25 =	vadd.f32 v30, v25;
	v24 =	vadd.f32 v10, v62;
	v8 =	vld [tilespmem:s24+$0x130]  }
0xe3: {  	v53 =	vadd.f32 v45, v6;
	v3 =	vadd.f32 v2, v3;
	v6 =	vld [tilespmem:s25+$0x130];
	[tilespmem:$0x1FCD0] =	vst v4  }
0xe4: {  	v42 =	vmov v57;
	v2 =	vadd.f32 v12, v13;
	v28 =	vadd.f32 v28, v7;
	v7 =	vld [tilespmem:s24+$0x140]  }
0xe5: {  	v52 =	vld [tilespmem:s25+$0x140];
	v10 =	vadd.f32 v49, v42;
	v30 =	vadd.f32 v3, v46  }
0xe6: {  	v3 =	vld [tilespmem:s25+$0x150];
	v9 =	vadd.f32 v0, v1;
	v0 =	vadd.f32 v4, v24  }
0xe7: {  	v11 =	vadd.f32 v11, v5;
	v5 =	vmul.f32 v4, v4;
	v4 =	vld [tilespmem:s24+$0x150]  }
0xe8: {  	v1 =	vmul.f32 v24, v24;
	v12 =	vadd.f32 v0, v2;
	v0 =	vadd.f32 v6, v8;
	v6 =	vld [tilespmem:s25+$0xFFFFFE00];
	[tilespmem:$0x1FD00] =	vst v10  }
0xe9: {  	[tilespmem:$0x1FD10] =	vst v30  }
0xea: {  	v32 =	vadd.f32 v32, v33;
	v61 =	vadd.f32 v34, v61;
	v8 =	vmul.f32 v30, v30;
	v54 =	vld [tilespmem:s24+$0x160]  }
0xeb: {  	v2 =	vadd.f32 v9, v44;
	v13 =	vadd.f32 v5, v1;
	v5 =	vmul.f32 v10, v10;
	v34 =	vld [tilespmem:s25+$0x160]  }
0xec: {  	v26 =	vadd.f32 v26, v29;
	v1 =	vmov v10;
	v10 =	vadd.f32 v23, v37;
	v23 =	vld [tilespmem:s24+$0x170];
	[tilespmem:$0x1F970] =	vst v44  }
0xed: {  	[tilespmem:$0x1FD20] =	vst v2;
	v8 =	vadd.f32 v8, v5;
	v5 =	vadd.f32 v0, v43  }
0xee: {  	v21 =	vadd.f32 v21, v22;
	v31 =	vadd.f32 v31, v35;
	[tilespmem:$0x1F980] =	vst v43  }
0xef: {  	v20 =	vadd.f32 v55, v20;
	v16 =	vadd.f32 v16, v18;
	[tilespmem:$0x1FD30] =	vst v5  }
0xf0: {  	v7 =	vadd.f32 v52, v7;
	v3 =	vadd.f32 v3, v4;
	v4 =	vld [tilespmem:s25+$0x170]  }
0xf1: {  	v19 =	vadd.f32 v19, v27;
	v16 =	vadd.f32 v16, v20  }
0xf2: {  	v14 =	vadd.f32 v14, v17;
	v9 =	vadd.f32 v7, v48  }
0xf3: {  	v7 =	vadd.f32 v30, v1;
	v43 =	vmul.f32 v2, v2;
	v13 =	vadd.f32 v13, v53  }
0xf4: {  	v0 =	vadd.f32 v5, v2;
	v1 =	vmul.f32 v5, v5;
	[tilespmem:$0x1F990] =	vst v48;
	v45 =	vadd.f32 v3, v58  }
0xf5: {  	v2 =	vmul.f32 v9, v9;
	[tilespmem:$0x1F9A0] =	vst v58;
	v33 =	vadd.f32 v34, v54;
	v4 =	vadd.f32 v4, v23  }
0xf6: {  	v3 =	vld [tilespmem:s24+$0xFFFFFE00];
	v7 =	vadd.f32 v0, v7;
	v5 =	vadd.f32 v1, v43;
	v0 =	vmul.f32 v45, v45  }
0xf7: {  	v1 =	vld [tilespmem:$0x1F9E0];
	v49 =	vadd.f32 v33, v62;
	v57 =	vadd.f32 v4, v63  }
0xf8: {  	v13 =	vadd.f32 v13, v14;
	v14 =	vperm.xlane v19, v38;
	v2 =	vadd.f32 v0, v2  }
0xf9: {  	v30 =	vld [tilespmem:$0x1FA20];
	v0 =	vadd.f32 v45, v9;
	v23 =	vadd.f32 v57, v49  }
0xfa: {  	v12 =	vadd.f32 v12, v15;
	[tilespmem:$0x1F9B0] =	vst v62;
	v14 =	vadd.f32 v19, v14;
	v62 =	vmov v9;
	v9 =	vld [tilespmem:$0x1FA10]  }
0xfb: {  	v3 =	vadd.f32 v6, v3;
	v22 =	vadd.f32 v23, v0;
	v0 =	vld [tilespmem:$0x1FA00]  }
0xfc: {  	v19 =	vperm.xlane v16, v38;
	v5 =	vadd.f32 v5, v8;
	v44 =	vadd.f32 v1, v46  }
0xfd: {  	v8 =	vadd.f32 v32, v25;
	v6 =	vadd.f32 v3, v42  }
0xfe: {  	v16 =	vadd.f32 v16, v19;
	v29 =	vmul.f32 v49, v49;
	v3 =	vmul.f32 v44, v44  }
0xff: {  	v58 =	vld [tilespmem:$0x1FA40];
	[tilespmem:$0x1F9D0] =	vst v46;
	v4 =	vadd.f32 v36, v41;
	v46 =	vmul.f32 v57, v57;
	v1 =	vmul.f32 v6, v6  }
0x100: {  	v52 =	vadd.f32 v30, v9;
	v23 =	vadd.f32 $9.999999960e-13, v0  }
0x101: {  	v56 =	vld [tilespmem:$0x1FA30];
	v17 =	vperm.xlane v11, v38;
	v29 =	vadd.f32 v46, v29;
	v1 =	vadd.f32 v3, v1  }
0x102: {  	v0 =	vadd.f32 v44, v6;
	v54 =	vshrl.u32 v23, $0x1;
	v23 =	vmul.f32 $5.000000000e-01, v23  }
0x103: {  	v4 =	vadd.f32 v4, v10;
	v2 =	vadd.f32 v29, v2;
	v3 =	vsub.s32 $0x5F3759DF, v54  }
0x104: {  	v1 =	vadd.f32 v58, v1;
	v0 =	vadd.f32 v52, v0;
	v27 =	vmul.f32 v3, v23  }
0x105: {  	v2 =	vadd.f32 v2, v5;
	v5 =	vadd.f32 v11, v17;
	v17 =	vperm.xlane v12, v38  }
0x106: {  	v7 =	vadd.f32 v22, v7;
	v0 =	vadd.f32 v56, v0;
	v18 =	vmul.f32 v3, v27  }
0x107: {  	v11 =	vperm.xlane v26, v38;
	v1 =	vadd.f32 v28, v1;
	v12 =	vadd.f32 v12, v17  }
0x108: {  	v17 =	vperm.xlane v8, v38;
	v10 =	vperm.xlane v0, v38;
	v15 =	vsub.f32 $1.500000000e+00, v18  }
0x109: {  	v11 =	vadd.f32 v26, v11;
	v20 =	vperm.xlane v1, v38;
	v18 =	vperm.xlane v7, v38  }
0x10a: {  	v0 =	vadd.f32 v0, v10;
	v3 =	vmul.f32 v3, v15;
	v15 =	vadd.f32 v31, v21  }
0x10b: {  	v10 =	vperm.xlane v61, v38;
	v7 =	vadd.f32 v7, v18;
	v18 =	vperm.xlane v4, v38  }
0x10c: {  	v8 =	vadd.f32 v8, v17;
	v1 =	vadd.f32 v1, v20;
	v17 =	vperm.xlane v15, v38  }
0x10d: {  	v10 =	vadd.f32 v61, v10;
	v4 =	vadd.f32 v4, v18;
	v18 =	vperm.xlane v13, v38  }
0x10e: {  	v20 =	vperm.xlane v0, v59;
	v15 =	vadd.f32 v15, v17;
	v17 =	vperm.xlane v2, v38  }
0x10f: {  	v19 =	vperm.xlane v11, v59;
	v13 =	vadd.f32 v13, v18;
	v18 =	vperm.xlane v5, v59  }
0x110: {  	v0 =	vadd.f32 v0, v20;
	v2 =	vadd.f32 v2, v17;
	v17 =	vperm.xlane v10, v59  }
0x111: {  	v20 =	vperm.xlane v12, v59;
	v5 =	vadd.f32 v5, v18;
	v18 =	vperm.xlane v14, v59  }
0x112: {  	v11 =	vadd.f32 v11, v19;
	v10 =	vadd.f32 v10, v17;
	v17 =	vperm.xlane v7, v59  }
0x113: {  	v12 =	vadd.f32 v12, v20;
	v14 =	vadd.f32 v14, v18;
	v18 =	vperm.xlane v1, v59  }
0x114: {  	v19 =	vperm.xlane v4, v59;
	v7 =	vadd.f32 v7, v17;
	v17 =	vperm.xlane v8, v59  }
0x115: {  	v20 =	vperm.xlane v16, v59;
	v1 =	vadd.f32 v1, v18;
	v18 =	vperm.xlane v15, v59  }
0x116: {  	v4 =	vadd.f32 v4, v19;
	v8 =	vadd.f32 v8, v17;
	v17 =	vperm.xlane v13, v59  }
0x117: {  	v16 =	vadd.f32 v16, v20;
	v15 =	vadd.f32 v15, v18;
	v18 =	vperm.xlane v0, v40  }
0x118: {  	v20 =	vperm.xlane v11, v40;
	v13 =	vadd.f32 v13, v17;
	v17 =	vperm.xlane v2, v59  }
0x119: {  	v19 =	vperm.xlane v5, v40;
	v0 =	vadd.f32 v0, v18;
	v18 =	vperm.xlane v10, v40  }
0x11a: {  	v11 =	vadd.f32 v11, v20;
	v2 =	vadd.f32 v2, v17;
	v17 =	vperm.xlane v14, v40  }
0x11b: {  	v5 =	vadd.f32 v5, v19;
	v10 =	vadd.f32 v10, v18;
	v18 =	vperm.xlane v12, v40  }
0x11c: {  	v19 =	vperm.xlane v1, v40;
	v14 =	vadd.f32 v14, v17;
	v17 =	vperm.xlane v7, v40  }
0x11d: {  	v20 =	vperm.xlane v4, v40;
	v12 =	vadd.f32 v12, v18;
	v18 =	vperm.xlane v8, v40  }
0x11e: {  	v1 =	vadd.f32 v1, v19;
	v7 =	vadd.f32 v7, v17;
	v17 =	vperm.xlane v15, v40  }
0x11f: {  	v8 =	vadd.f32 v8, v18;
	v18 =	vadd.f32 v4, v20;
	v4 =	vperm.xlane v16, v40  }
0x120: {  	v19 =	vperm.xlane v2, v40;
	v15 =	vadd.f32 v15, v17;
	v17 =	vperm.xlane v13, v40  }
0x121: {  	v20 =	vperm.xlane v5, v39;
	v16 =	vadd.f32 v16, v4;
	v4 =	vperm.xlane v0, v39  }
0x122: {  	v13 =	vadd.f32 v13, v17;
	v17 =	vadd.f32 v2, v19;
	v2 =	vperm.xlane v10, v39  }
0x123: {  	v0 =	vadd.f32 v0, v4;
	v4 =	vadd.f32 v5, v20;
	v5 =	vperm.xlane v11, v39  }
0x124: {  	v19 =	vperm.xlane v12, v39;
	v20 =	vperm.xlane v7, v39  }
0x125: {  	v2 =	vadd.f32 v10, v2;
	v10 =	vperm.xlane v14, v39;
	v5 =	vadd.f32 v11, v5  }
0x126: {  	v11 =	vmul.f32 v3, v23;
	v12 =	vadd.f32 v12, v19;
	v19 =	vperm.xlane v8, v39  }
0x127: {  	v7 =	vadd.f32 v7, v20;
	v0 =	vmul.f32 $7.812500000e-03, v0;
	v4 =	vmul.f32 $7.812500000e-03, v4  }
0x128: {  	v10 =	vadd.f32 v14, v10;
	v14 =	vperm.xlane v1, v39;
	v11 =	vmul.f32 v11, v3  }
0x129: {  	v8 =	vadd.f32 v8, v19;
	v19 =	vperm.xlane v15, v39;
	v59 =	vmul.f32 $7.812500000e-03, v2  }
0x12a: {  	v2 =	vmul.f32 $7.812500000e-03, v5;
	v1 =	vadd.f32 v1, v14;
	v14 =	vperm.xlane v18, v39  }
0x12b: {  	v5 =	vperm.xlane v13, v39;
	v34 =	vmul.f32 $7.812500000e-03, v12  }
0x12c: {  	v31 =	vmul.f32 $7.812500000e-03, v7;
	v14 =	vadd.f32 v18, v14;
	v18 =	vperm.xlane v16, v39  }
0x12d: {  	v15 =	vadd.f32 v15, v19;
	v5 =	vadd.f32 v13, v5;
	v8 =	vmul.f32 $7.812500000e-03, v8  }
0x12e: {  	v1 =	vmul.f32 $7.812500000e-03, v1;
	v16 =	vadd.f32 v16, v18;
	v18 =	vmul.f32 v0, v0  }
0x12f: {  	v13 =	vmul.f32 v4, v4;
	v12 =	vmul.f32 v59, v59;
	v11 =	vsub.f32 $1.500000000e+00, v11  }
0x130: {  	v18 =	vsub.f32 v1, v18;
	v1 =	vmul.f32 $7.812500000e-03, v10;
	v10 =	vperm.xlane v17, v39  }
0x131: {  	v20 =	vmul.f32 v31, v31;
	v8 =	vsub.f32 v8, v13;
	v13 =	vmul.f32 $7.812500000e-03, v15  }
0x132: {  	v7 =	vadd.f32 v17, v10;
	v10 =	vmul.f32 $7.812500000e-03, v14;
	v14 =	vadd.f32 $9.999999960e-13, v18  }
0x133: {  	v5 =	vmul.f32 $7.812500000e-03, v5;
	v32 =	vmul.f32 v11, v3;
	v8 =	vadd.f32 $9.999999960e-13, v8  }
0x134: {  	v18 =	vmul.f32 v1, v1;
	v15 =	vshrl.u32 v14, $0x1;
	v14 =	vmul.f32 $5.000000000e-01, v14  }
0x135: {  	v10 =	vsub.f32 v10, v12;
	v12 =	vmul.f32 $7.812500000e-03, v16;
	v15 =	vsub.s32 $0x5F3759DF, v15  }
0x136: {  	v7 =	vmul.f32 $7.812500000e-03, v7;
	v19 =	vmul.f32 v15, v14  }
0x137: {  	v17 =	vmul.f32 v2, v2;
	v16 =	vshrl.u32 v8, $0x1;
	v8 =	vmul.f32 $5.000000000e-01, v8  }
0x138: {  	v12 =	vsub.f32 v12, v18;
	v3 =	vsub.f32 v7, v20;
	v18 =	vmul.f32 v15, v19  }
0x139: {  	v13 =	vsub.f32 v13, v17;
	v16 =	vsub.s32 $0x5F3759DF, v16;
	v19 =	vmul.f32 v34, v34  }
0x13a: {  	v17 =	vmul.f32 v16, v8;
	v3 =	vadd.f32 $9.999999960e-13, v3;
	v18 =	vsub.f32 $1.500000000e+00, v18  }
0x13b: {  	v10 =	vadd.f32 $9.999999960e-13, v10;
	v5 =	vsub.f32 v5, v19  }
0x13c: {  	v17 =	vmul.f32 v16, v17;
	v20 =	vshrl.u32 v3, $0x1;
	v11 =	vmul.f32 v15, v18  }
0x13d: {  	v5 =	vadd.f32 $9.999999960e-13, v5;
	v15 =	vshrl.u32 v10, $0x1;
	v10 =	vmul.f32 $5.000000000e-01, v10  }
0x13e: {  	v3 =	vmul.f32 $5.000000000e-01, v3;
	v20 =	vsub.s32 $0x5F3759DF, v20;
	v15 =	vsub.s32 $0x5F3759DF, v15  }
0x13f: {  	v18 =	vshrl.u32 v5, $0x1;
	v5 =	vmul.f32 $5.000000000e-01, v5;
	v19 =	vmul.f32 v15, v10  }
0x140: {  	v12 =	vadd.f32 $9.999999960e-13, v12;
	v25 =	vmul.f32 v20, v3;
	v18 =	vsub.s32 $0x5F3759DF, v18  }
0x141: {  	v19 =	vmul.f32 v15, v19;
	v23 =	vmul.f32 v18, v5  }
0x142: {  	v7 =	vsub.f32 $1.500000000e+00, v17;
	v17 =	vshrl.u32 v12, $0x1  }
0x143: {  	v25 =	vmul.f32 v20, v25;
	v23 =	vmul.f32 v18, v23;
	v19 =	vsub.f32 $1.500000000e+00, v19  }
0x144: {  	v12 =	vmul.f32 $5.000000000e-01, v12;
	v17 =	vsub.s32 $0x5F3759DF, v17  }
0x145: {  	v15 =	vmul.f32 v15, v19;
	v19 =	vsub.f32 $1.500000000e+00, v23;
	v23 =	vsub.f32 $1.500000000e+00, v25  }
0x146: {  	v22 =	vmul.f32 v17, v12  }
0x147: {  	v18 =	vmul.f32 v18, v19;
	v19 =	vmul.f32 v20, v23;
	v20 =	vsub.f32 v9, v0;
	v9 =	vld [tilespmem:$0x1FA50]  }
0x148: {  	v22 =	vmul.f32 v17, v22;
	_ =	sdelay $0x1  }
0x149: {  	v22 =	vsub.f32 $1.500000000e+00, v22;
	_ =	sdelay $0x1  }
0x14a: {  	v17 =	vmul.f32 v17, v22;
	v22 =	vsub.f32 v9, v0;
	v9 =	vld [tilespmem:$0x1FA60];
	_ =	sdelay $0x4  }
0x14b: {  	v13 =	vadd.f32 $9.999999960e-13, v13;
	v23 =	vsub.f32 v9, v0;
	v9 =	vld [tilespmem:$0x1FA70];
	_ =	sdelay $0x1  }
0x14c: {  	v7 =	vmul.f32 v16, v7;
	v16 =	vshrl.u32 v13, $0x1;
	v13 =	vmul.f32 $5.000000000e-01, v13  }
0x14d: {  	v16 =	vsub.s32 $0x5F3759DF, v16;
	v14 =	vmul.f32 v11, v14  }
0x14e: {  	v21 =	vmul.f32 v16, v13  }
0x14f: {  	v14 =	vmul.f32 v14, v11;
	v25 =	vsub.f32 v9, v0;
	v9 =	vld [tilespmem:$0x1FA80]  }
0x150: {  	v21 =	vmul.f32 v16, v21  }
0x151: {  	v14 =	vsub.f32 $1.500000000e+00, v14  }
0x152: {  	v6 =	vsub.f32 v6, v0;
	v21 =	vsub.f32 $1.500000000e+00, v21  }
0x153: {  	v8 =	vmul.f32 v7, v8;
	v11 =	vmul.f32 v14, v11;
	v14 =	vsub.f32 v44, v0  }
0x154: {  	v16 =	vmul.f32 v16, v21;
	v21 =	vsub.f32 v30, v0;
	v0 =	vsub.f32 v9, v0  }
0x155: {  	v8 =	vmul.f32 v8, v7  }
0x156: {  	[tilespmem:$0x1F9F0] =	vst v42;
	v10 =	vmul.f32 v15, v10;
	v42 =	vmul.f32 v11, v0;
	v0 =	vld [tilespmem:$0x1FB20]  }
0x157: {  	v13 =	vmul.f32 v16, v13;
	v26 =	vmul.f32 v11, v6  }
0x158: {  	v27 =	vmul.f32 v11, v14;
	v29 =	vmul.f32 v11, v21  }
0x159: {  	v10 =	vmul.f32 v10, v15;
	v13 =	vmul.f32 v13, v16;
	v9 =	vld [tilespmem:$0x1FA90]  }
0x15a: {  	v8 =	vsub.f32 $1.500000000e+00, v8;
	v28 =	vmul.f32 v11, v20;
	v33 =	vmul.f32 v11, v22  }
0x15b: {  	v35 =	vmul.f32 v11, v23;
	v25 =	vmul.f32 v11, v25;
	v11 =	vsub.f32 v0, v59;
	v0 =	vld [tilespmem:$0x1FB30]  }
0x15c: {  	v10 =	vsub.f32 $1.500000000e+00, v10;
	v13 =	vsub.f32 $1.500000000e+00, v13  }
0x15d: {  	v7 =	vmul.f32 v8, v7  }
0x15e: {  	v8 =	vmul.f32 v10, v15;
	v10 =	vmul.f32 v13, v16;
	v13 =	vsub.f32 v9, v4;
	v9 =	vld [tilespmem:$0x1FAA0];
	_ =	sdelay $0x1  }
0x15f: {  	v20 =	vsub.f32 v0, v59;
	v0 =	vld [tilespmem:$0x1FB40];
	_ =	sdelay $0x2  }
0x160: {  	v15 =	vsub.f32 v9, v4;
	v9 =	vld [tilespmem:$0x1FAB0];
	_ =	sdelay $0x1  }
0x161: {  	v21 =	vsub.f32 v0, v59;
	v0 =	vld [tilespmem:$0x1FB50];
	_ =	sdelay $0x1  }
0x162: {  	v12 =	vmul.f32 v17, v12  }
0x163: {  	v16 =	vsub.f32 v9, v4;
	v9 =	vld [tilespmem:$0x1FAC0]  }
0x164: {  	v12 =	vmul.f32 v12, v17  }
0x165: {  	v22 =	vsub.f32 v0, v59;
	v0 =	vld [tilespmem:$0x1FB60]  }
0x166: {  	v12 =	vsub.f32 $1.500000000e+00, v12  }
0x167: {  	v5 =	vmul.f32 v18, v5  }
0x168: {  	v12 =	vmul.f32 v12, v17;
	v17 =	vsub.f32 v9, v4;
	v9 =	vld [tilespmem:$0x1FAD0]  }
0x169: {  	v5 =	vmul.f32 v5, v18  }
0x16a: {  	v53 =	vmul.f32 v7, v13;
	v13 =	vsub.f32 v0, v59;
	v0 =	vld [tilespmem:$0x1FB70]  }
0x16b: {  	v5 =	vsub.f32 $1.500000000e+00, v5  }
0x16c: {  	v3 =	vmul.f32 v19, v3  }
0x16d: {  	v5 =	vmul.f32 v5, v18;
	v18 =	vsub.f32 v9, v4;
	v9 =	vld [tilespmem:$0x1FAE0]  }
0x16e: {  	v3 =	vmul.f32 v3, v19  }
0x16f: {  	v55 =	vmul.f32 v7, v15;
	v15 =	vsub.f32 v0, v59;
	v0 =	vld [tilespmem:$0x1FB80]  }
0x170: {  	v3 =	vsub.f32 $1.500000000e+00, v3  }
0x171: {  	v6 =	vld [tilespmem:$0x1FAF0]  }
0x172: {  	v3 =	vmul.f32 v3, v19;
	v19 =	vsub.f32 v9, v4;
	v9 =	vld [tilespmem:$0x1FB00];
	_ =	sdelay $0x1  }
0x173: {  	v61 =	vmul.f32 v7, v16;
	v16 =	vsub.f32 v0, v59;
	v0 =	vld [tilespmem:$0x1FB90];
	_ =	sdelay $0x2  }
0x174: {  	v6 =	vsub.f32 v6, v4;
	v4 =	vsub.f32 v9, v4;
	_ =	sdelay $0x1  }
0x175: {  	v44 =	vmul.f32 v7, v4;
	v4 =	vsub.f32 v0, v2;
	v0 =	vld [tilespmem:$0x1FBA0];
	_ =	sdelay $0x3  }
0x176: {  	v9 =	vld [tilespmem:$0x1FB10]  }
0x177: {  	v39 =	vmul.f32 v7, v6;
	v6 =	vsub.f32 v0, v2;
	v0 =	vld [tilespmem:$0x1FBB0];
	_ =	sdelay $0x3  }
0x178: {  	v36 =	vmul.f32 v7, v17;
	v14 =	vsub.f32 v9, v59;
	v9 =	vld [tilespmem:$0x1FBD0]  }
0x179: {  	v30 =	vmul.f32 v7, v18;
	v19 =	vmul.f32 v7, v19;
	v7 =	vsub.f32 v0, v2;
	v0 =	vld [tilespmem:$0x1FBC0];
	_ =	sdelay $0x4  }
0x17a: {  	v17 =	vsub.f32 v0, v2;
	v0 =	vmul.f32 v8, v14;
	v14 =	vsub.f32 v9, v2;
	v9 =	vld [tilespmem:$0x1FBE0];
	_ =	sdelay $0x4  }
0x17b: {  	v37 =	vmul.f32 v8, v11;
	v11 =	vsub.f32 v9, v2;
	v9 =	vld [tilespmem:$0x1FBF0];
	_ =	sdelay $0x4  }
0x17c: {  	v18 =	vsub.f32 v9, v2;
	v9 =	vld [tilespmem:$0x1FC00];
	_ =	sdelay $0x4  }
0x17d: {  	v2 =	vsub.f32 v9, v2;
	_ =	sdelay $0x1  }
0x17e: {  	v2 =	vmul.f32 v10, v2;
	_ =	sdelay $0x1  }
0x17f: {  	[tilespmem:$0x1FF60] =	vst v2;
	v2 =	vld [tilespmem:$0x1FC30];
	_ =	sdelay $0x1  }
0x180: {  	v58 =	vmul.f32 v10, v4  }
0x181: {  	v4 =	vsub.f32 v50, v1;
	v50 =	vmul.f32 v10, v6;
	v51 =	vmul.f32 v10, v7  }
0x182: {  	v52 =	vmul.f32 v10, v17;
	v54 =	vmul.f32 v10, v14  }
0x183: {  	v60 =	vmul.f32 v10, v11;
	v18 =	vmul.f32 v10, v18;
	v10 =	vsub.f32 v2, v1;
	v2 =	vld [tilespmem:$0x1FC40];
	_ =	sdelay $0x4  }
0x184: {  	v11 =	vsub.f32 v2, v1;
	v2 =	vld [tilespmem:$0x1FC50];
	_ =	sdelay $0x2  }
0x185: {  	v6 =	vld [tilespmem:$0x1FC10]  }
0x186: {  	v7 =	vld [tilespmem:$0x1FC20]  }
0x187: {  	v43 =	vmul.f32 v8, v13;
	v13 =	vsub.f32 v2, v1;
	v2 =	vmul.f32 v12, v4;
	v4 =	vld [tilespmem:$0x1FC60];
	_ =	sdelay $0x1  }
0x188: {  	v38 =	vmul.f32 v8, v20;
	v40 =	vmul.f32 v8, v21  }
0x189: {  	v41 =	vmul.f32 v8, v22;
	v48 =	vmul.f32 v8, v15  }
0x18a: {  	v46 =	vmul.f32 v8, v16;
	v6 =	vsub.f32 v6, v1;
	v8 =	vsub.f32 v47, v1  }
0x18b: {  	v7 =	vsub.f32 v7, v1;
	v1 =	vsub.f32 v4, v1;
	_ =	sdelay $0x1  }
0x18c: {  	v1 =	vmul.f32 v12, v1;
	_ =	sdelay $0x1  }
0x18d: {  	[tilespmem:$0x1FFB0] =	vst v1;
	v1 =	vld [tilespmem:$0x1FC90]  }
0x18e: {  	v17 =	vmul.f32 v12, v7;
	v7 =	vmul.f32 v12, v11;
	_ =	sdelay $0x1  }
0x18f: {  	[tilespmem:$0x1FF90] =	vst v7;
	v7 =	vmul.f32 v12, v13;
	_ =	sdelay $0x1  }
0x190: {  	[tilespmem:$0x1FFA0] =	vst v7;
	v7 =	vsub.f32 v1, v34;
	v1 =	vld [tilespmem:$0x1FCA0];
	_ =	sdelay $0x3  }
0x191: {  	v56 =	vmul.f32 v12, v6;
	v6 =	vmul.f32 v12, v8  }
0x192: {  	v8 =	vsub.f32 v1, v34;
	v1 =	vld [tilespmem:$0x1FCB0]  }
0x193: {  	[tilespmem:$0x1FF70] =	vst v6;
	v6 =	vmul.f32 v12, v10;
	_ =	sdelay $0x1  }
0x194: {  	[tilespmem:$0x1FF80] =	vst v6;
	v6 =	vld [tilespmem:$0x1FC80]  }
0x195: {  	v4 =	vld [tilespmem:$0x1FC70]  }
0x196: {  	v10 =	vsub.f32 v1, v34;
	v1 =	vld [tilespmem:$0x1FCC0];
	_ =	sdelay $0x2  }
0x197: {  	v6 =	vsub.f32 v6, v34  }
0x198: {  	v20 =	vld [tilespmem:$0x1FCF0];
	v4 =	vsub.f32 v4, v34  }
0x199: {  	v23 =	vmul.f32 v5, v6;
	v6 =	vld [tilespmem:$0x1FCD0];
	v11 =	vsub.f32 v1, v34  }
0x19a: {  	v1 =	vmul.f32 v5, v4;
	v4 =	vsub.f32 v24, v34;
	v24 =	vmul.f32 v5, v7;
	v7 =	vld [tilespmem:$0x1FCE0];
	_ =	sdelay $0x4  }
0x19b: {  	v6 =	vsub.f32 v6, v34;
	v22 =	vmul.f32 v5, v10;
	v10 =	vsub.f32 v7, v20;
	_ =	sdelay $0x1  }
0x19c: {  	v14 =	vmul.f32 v5, v6;
	v6 =	vmul.f32 v32, v10;
	v10 =	vld [tilespmem:$0x1FD20];
	_ =	sdelay $0x2  }
0x19d: {  	v9 =	vmul.f32 v5, v8  }
0x19e: {  	v8 =	vmul.f32 v5, v4;
	v7 =	vmul.f32 v5, v11;
	v5 =	vld [tilespmem:$0x1FD10]  }
0x19f: {  	v15 =	vsub.f32 v10, v31;
	v10 =	vld [tilespmem:$0x1FD30];
	_ =	sdelay $0x4  }
0x1a0: {  	v5 =	vsub.f32 v5, v31;
	v13 =	vsub.f32 v10, v31;
	_ =	sdelay $0x1  }
0x1a1: {  	v16 =	vmul.f32 v3, v5;
	v5 =	vmul.f32 v3, v13;
	_ =	sdelay $0x1  }
0x1a2: {  	[tilespmem:$0x1FD40] =	vst v5;
	v5 =	vld [tilespmem:$0x1FD50];
	_ =	sdelay $0x1  }
0x1a3: {  	v4 =	vld [tilespmem:$0x1FD00]  }
0x1a4: {  	v11 =	vsub.f32 v45, v31;
	v10 =	vsub.f32 v62, v31  }
0x1a5: {  	[tilespmem:$0x1F9C0] =	vst v63;
	v63 =	vmul.f32 v3, v15  }
0x1a6: {  	v15 =	vmul.f32 v3, v10;
	v10 =	vsub.f32 v5, v20;
	v5 =	vmul.f32 v3, v11;
	_ =	sdelay $0x1  }
0x1a7: {  	v4 =	vsub.f32 v4, v31;
	[tilespmem:$0x1FD60] =	vst v5;
	v5 =	vld [tilespmem:$0x1FDB0];
	_ =	sdelay $0x1  }
0x1a8: {  	v12 =	vmul.f32 v3, v4;
	v4 =	vsub.f32 v49, v31  }
0x1a9: {  	v21 =	vsub.f32 v57, v31  }
0x1aa: {  	v4 =	vmul.f32 v3, v4  }
0x1ab: {  	v3 =	vmul.f32 v3, v21;
	v31 =	vmul.f32 v6, v5;
	v6 =	vld [tilespmem:$0x1FDC0]  }
0x1ac: {  	[tilespmem:$0x1FD70] =	vst v4;
	v4 =	vld [tilespmem:$0x1FDA0]  }
0x1ad: {  	[tilespmem:$0x1FD80] =	vst v3;
	v3 =	vld [tilespmem:$0x1FD90];
	_ =	sdelay $0x2  }
0x1ae: {  	v13 =	vsub.f32 v6, v20;
	v6 =	vld [tilespmem:$0x1FDD0]  }
0x1af: {  	v4 =	vsub.f32 v4, v20  }
0x1b0: {  	v11 =	vld [tilespmem:$0x1FDE0];
	v3 =	vsub.f32 v3, v20  }
0x1b1: {  	v4 =	vmul.f32 v32, v4  }
0x1b2: {  	v3 =	vmul.f32 v32, v3  }
0x1b3: {  	[tilespmem:$0x1FE20] =	vst v4;
	v4 =	vmul.f32 v32, v13;
	v6 =	vsub.f32 v6, v20  }
0x1b4: {  	[tilespmem:$0x1FE00] =	vst v3  }
0x1b5: {  	v62 =	vsub.f32 v11, v20;
	v3 =	vld [tilespmem:$0x1FE10];
	[tilespmem:$0x1FE30] =	vst v4;
	v4 =	vmul.f32 v32, v6;
	_ =	sdelay $0x1  }
0x1b6: {  	[tilespmem:$0x1FE40] =	vst v4;
	v4 =	vmul.f32 v32, v62  }
0x1b7: {  	v49 =	vld [tilespmem:$0x1FE80]  }
0x1b8: {  	[tilespmem:$0x1FE50] =	vst v4;
	v4 =	vld [tilespmem:$0x1FE70]  }
0x1b9: {  	v3 =	vsub.f32 v3, v20;
	_ =	sdelay $0x1  }
0x1ba: {  	v47 =	vld [tilespmem:$0x1FEB0];
	v3 =	vmul.f32 v32, v3  }
0x1bb: {  	v34 =	vld [tilespmem:$0x1FE90];
	v10 =	vmul.f32 v32, v10  }
0x1bc: {  	v21 =	vld [tilespmem:$0x1FEA0];
	[tilespmem:$0x1FE60] =	vst v3;
	v3 =	vmul.f32 v26, v4;
	v26 =	vadd.f32 v31, v49  }
0x1bd: {  	[tilespmem:$0x1FDF0] =	vst v10;
	v13 =	vld [tilespmem:$0x1FED0]  }
0x1be: {  	v20 =	vld [tilespmem:$0x1FEC0];
	[tilespmem:s24+$0x1F0] =	vst v26  }
0x1bf: {  	v3 =	vadd.f32 v3, v47;
	v45 =	vld [tilespmem:$0x1FEE0]  }
0x1c0: {  	v10 =	vld [tilespmem:$0x1FEF0]  }
0x1c1: {  	v6 =	vld [tilespmem:$0x1FF00];
	[tilespmem:s24+$0xFFFFFE00] =	vst v3  }
0x1c2: {  	v11 =	vld [tilespmem:$0x1FF10];
	_ =	sdelay $0x1  }
0x1c3: {  	v27 =	vmul.f32 v27, v34  }
0x1c4: {  	v28 =	vmul.f32 v28, v21  }
0x1c5: {  	v26 =	vadd.f32 v27, v45  }
0x1c6: {  	v3 =	vadd.f32 v28, v11  }
0x1c7: {  	[tilespmem:s24+$0xFFFFFE10] =	vst v26  }
0x1c8: {  	v62 =	vld [tilespmem:$0x1FF20];
	[tilespmem:s24+$0xFFFFFE20] =	vst v3  }
0x1c9: {  	v59 =	vld [tilespmem:$0x1FF30];
	_ =	sdelay $0x1  }
0x1ca: {  	v29 =	vmul.f32 v29, v20  }
0x1cb: {  	v31 =	vmul.f32 v33, v13  }
0x1cc: {  	v26 =	vadd.f32 v29, v62  }
0x1cd: {  	v3 =	vadd.f32 v31, v59  }
0x1ce: {  	[tilespmem:s24+$0xFFFFFE30] =	vst v26  }
0x1cf: {  	v29 =	vmul.f32 v55, v34;
	v55 =	vld [tilespmem:$0x1FF40];
	[tilespmem:s24+$0xFFFFFE40] =	vst v3  }
0x1d0: {  	v28 =	vmul.f32 v42, v5;
	v42 =	vmul.f32 v53, v4;
	v53 =	vld [tilespmem:$0x1FF50];
	_ =	sdelay $0x2  }
0x1d1: {  	v27 =	vmul.f32 v35, v10;
	v25 =	vmul.f32 v25, v6  }
0x1d2: {  	v35 =	vmul.f32 v39, v6;
	v39 =	vmul.f32 v0, v4;
	v0 =	vadd.f32 v28, v49  }
0x1d3: {  	v3 =	vadd.f32 v25, v53  }
0x1d4: {  	v31 =	vmul.f32 v36, v20;
	[tilespmem:s24+$0xFFFFFE70] =	vst v0;
	v0 =	vadd.f32 v29, v45  }
0x1d5: {  	v33 =	vmul.f32 v61, v21;
	[tilespmem:s24+$0xFFFFFE60] =	vst v3;
	v3 =	vadd.f32 v42, v47  }
0x1d6: {  	[tilespmem:s24+$0xFFFFFE90] =	vst v0;
	v0 =	vadd.f32 v31, v62  }
0x1d7: {  	v30 =	vmul.f32 v30, v13;
	[tilespmem:s24+$0xFFFFFE80] =	vst v3;
	v3 =	vadd.f32 v33, v11  }
0x1d8: {  	v26 =	vadd.f32 v27, v55;
	[tilespmem:s24+$0xFFFFFEB0] =	vst v0  }
0x1d9: {  	[tilespmem:s24+$0xFFFFFEA0] =	vst v3;
	v3 =	vadd.f32 v30, v59  }
0x1da: {  	[tilespmem:s24+$0xFFFFFE50] =	vst v26  }
0x1db: {  	v27 =	vmul.f32 v19, v10;
	[tilespmem:s24+$0xFFFFFEC0] =	vst v3  }
0x1dc: {  	v3 =	vld [tilespmem:$0x1FF60]  }
0x1dd: {  	v28 =	vadd.f32 v27, v55  }
0x1de: {  	v29 =	vadd.f32 v35, v53  }
0x1df: {  	[tilespmem:s24+$0xFFFFFED0] =	vst v28  }
0x1e0: {  	[tilespmem:s24+$0xFFFFFEE0] =	vst v29  }
0x1e1: {  	v27 =	vmul.f32 v3, v5;
	v3 =	vmul.f32 v17, v21;
	v17 =	vld [tilespmem:$0x1FF70];
	_ =	sdelay $0x4  }
0x1e2: {  	v25 =	vmul.f32 v44, v5;
	v29 =	vmul.f32 v17, v20;
	v17 =	vld [tilespmem:$0x1FF80];
	_ =	sdelay $0x1  }
0x1e3: {  	v30 =	vadd.f32 v25, v49  }
0x1e4: {  	v61 =	vmul.f32 v38, v21  }
0x1e5: {  	v38 =	vmul.f32 v50, v34;
	v50 =	vmul.f32 v54, v13;
	[tilespmem:s24+$0xFFFFFEF0] =	vst v30  }
0x1e6: {  	v44 =	vmul.f32 v41, v13;
	v25 =	vmul.f32 v17, v13;
	v13 =	vld [tilespmem:$0x1FF90];
	_ =	sdelay $0x3  }
0x1e7: {  	v43 =	vmul.f32 v43, v10  }
0x1e8: {  	v32 =	vmul.f32 v60, v10;
	v30 =	vmul.f32 v13, v10;
	v10 =	vld [tilespmem:$0x1FFA0];
	_ =	sdelay $0x1  }
0x1e9: {  	v31 =	vadd.f32 v39, v47  }
0x1ea: {  	v26 =	vmul.f32 v37, v34  }
0x1eb: {  	v0 =	vmul.f32 v18, v6;
	[tilespmem:s24+$0xFFFFFF00] =	vst v31  }
0x1ec: {  	v42 =	vmul.f32 v48, v6;
	v35 =	vadd.f32 v26, v45;
	v26 =	vmul.f32 v10, v6;
	v6 =	vld [tilespmem:$0x1FFB0]  }
0x1ed: {  	v57 =	vmul.f32 v40, v20  }
0x1ee: {  	v40 =	vmul.f32 v58, v4;
	v2 =	vmul.f32 v2, v4  }
0x1ef: {  	v1 =	vmul.f32 v1, v4;
	v36 =	vmul.f32 v51, v21  }
0x1f0: {  	v51 =	vmul.f32 v52, v20;
	v41 =	vmul.f32 v46, v5  }
0x1f1: {  	s26 =	simm.s32 $0x0;
	s28 =	simm.s32 $0x700;
	v37 =	vadd.f32 v61, v11;
	v48 =	vmul.f32 v56, v34;
	v31 =	vmul.f32 v6, v5  }
.LBB2_2:
0x1f2: {  	v10 =	vld [tilespmem:$0x1FE90]  }
0x1f3: {  	v58 =	vld [tilespmem:$0x1FEF0]  }
0x1f4: {  	v4 =	vld [tilespmem:$0x1FE70];
	_ =	sdelay $0x1  }
0x1f5: {  	v13 =	vld [tilespmem:$0x1FEA0]  }
0x1f6: {  	v6 =	vld [tilespmem:$0x1FF20]  }
0x1f7: {  	v11 =	vmul.f32 v7, v58  }
0x1f8: {  	v7 =	vmul.f32 v12, v4;
	v5 =	vmov v4;
	v4 =	vmul.f32 v16, v10;
	_ =	sdelay $0x1  }
0x1f9: {  	[tilespmem:$0x1F720] =	vst v4;
	v4 =	vmul.f32 v63, v13  }
0x1fa: {  	v55 =	vadd.f32 v57, v6;
	v57 =	vld [tilespmem:$0x1FEC0]  }
0x1fb: {  	[tilespmem:$0x1F730] =	vst v4;
	v4 =	vld [tilespmem:$0x1FD40];
	_ =	sdelay $0x1  }
0x1fc: {  	v45 =	vld [tilespmem:$0x1FED0];
	_ =	sdelay $0x2  }
0x1fd: {  	v4 =	vmul.f32 v4, v57;
	_ =	sdelay $0x1  }
0x1fe: {  	[tilespmem:$0x1F740] =	vst v4;
	v4 =	vmul.f32 v15, v45;
	_ =	sdelay $0x1  }
0x1ff: {  	[tilespmem:$0x1F750] =	vst v4;
	v4 =	vld [tilespmem:$0x1FD60];
	_ =	sdelay $0x4  }
0x200: {  	v4 =	vmul.f32 v4, v58  }
0x201: {  	v59 =	vld [tilespmem:$0x1FF00]  }
0x202: {  	[tilespmem:$0x1F760] =	vst v4;
	v4 =	vld [tilespmem:$0x1FD70];
	_ =	sdelay $0x4  }
0x203: {  	v4 =	vmul.f32 v4, v59  }
0x204: {  	v60 =	vld [tilespmem:$0x1FDB0]  }
0x205: {  	[tilespmem:$0x1F770] =	vst v4;
	v4 =	vld [tilespmem:$0x1FD80];
	_ =	sdelay $0x4  }
0x206: {  	v4 =	vmul.f32 v4, v60;
	_ =	sdelay $0x1  }
0x207: {  	[tilespmem:$0x1F780] =	vst v4;
	v4 =	vld [tilespmem:$0x1FDF0];
	_ =	sdelay $0x4  }
0x208: {  	v39 =	vld [tilespmem:s28+$0x180];
	v4 =	vmul.f32 v4, v5  }
0x209: {  	v28 =	vld [tilespmem:$0x1FF30]  }
0x20a: {  	[tilespmem:$0x1F790] =	vst v4;
	v4 =	vld [tilespmem:$0x1FE00]  }
0x20b: {  	v21 =	vld [tilespmem:s28+$0x190]  }
0x20c: {  	v33 =	vld [tilespmem:$0x1FF40];
	v17 =	vmul.f32 v22, v45  }
0x20d: {  	v34 =	vld [tilespmem:$0x1FF50]  }
0x20e: {  	v61 =	vld [tilespmem:$0x1FE80];
	[tilespmem:$0x1F6D0] =	vst v17;
	v17 =	vmul.f32 v8, v59;
	v8 =	vmov v10  }
0x20f: {  	v53 =	vld [tilespmem:$0x1F9F0];
	v4 =	vmul.f32 v4, v8  }
0x210: {  	v47 =	vld [tilespmem:$0x1F9D0]  }
0x211: {  	[tilespmem:$0x1F7A0] =	vst v4;
	v4 =	vld [tilespmem:$0x1FE20]  }
0x212: {  	s25 =	sadd.s32 $0x400, s25;
	v49 =	vld [tilespmem:$0x1F970]  }
0x213: {  	v18 =	vld [tilespmem:s25+$0x190]  }
0x214: {  	[tilespmem:s24+$0xFFFFFF20] =	vst v37;
	v37 =	vld [tilespmem:$0x1F980]  }
0x215: {  	v20 =	vmul.f32 v24, v13;
	v24 =	vld [tilespmem:s25+$0x180];
	v46 =	vmul.f32 v9, v57;
	v9 =	vmov v13  }
0x216: {  	v16 =	vld [tilespmem:s25+$0x1A0];
	v4 =	vmul.f32 v4, v9  }
0x217: {  	v19 =	vadd.f32 v42, v34;
	v42 =	vld [tilespmem:$0x1FEB0]  }
0x218: {  	[tilespmem:$0x1F7B0] =	vst v4;
	v4 =	vld [tilespmem:$0x1FE30]  }
0x219: {  	v56 =	vadd.f32 v44, v28;
	v44 =	vld [tilespmem:$0x1F9B0];
	[tilespmem:$0x1F6B0] =	vst v20  }
0x21a: {  	v18 =	vadd.f32 v18, v21;
	v21 =	vld [tilespmem:s25+$0xFFFFFE10];
	[tilespmem:$0x1F6E0] =	vst v11  }
0x21b: {  	v22 =	vadd.f32 v43, v33;
	v11 =	vmul.f32 v14, v60;
	[tilespmem:$0x1F710] =	vst v7;
	v14 =	vld [tilespmem:s28+$0x1A0]  }
0x21c: {  	[tilespmem:s24+$0xFFFFFF60] =	vst v19;
	v19 =	vld [tilespmem:$0x1FEE0]  }
0x21d: {  	v23 =	vmul.f32 v23, v10;
	[tilespmem:s24+$0xFFFFFF50] =	vst v22;
	v10 =	vld [tilespmem:s25+$0x1B0];
	v4 =	vmul.f32 v4, v57  }
0x21e: {  	v20 =	vadd.f32 v41, v61;
	v22 =	vld [tilespmem:s25+$0xFFFFFE00];
	[tilespmem:$0x1F6F0] =	vst v17  }
0x21f: {  	[tilespmem:$0x1F7C0] =	vst v4;
	v4 =	vld [tilespmem:$0x1FE40]  }
0x220: {  	v7 =	vld [tilespmem:s28+$0x1C0];
	[tilespmem:s24+$0xFFFFFF70] =	vst v20;
	v20 =	vadd.f32 v31, v61  }
0x221: {  	v41 =	vld [tilespmem:$0x1F9A0];
	[tilespmem:$0x1F700] =	vst v11;
	v17 =	vadd.f32 v40, v42  }
0x222: {  	v13 =	vld [tilespmem:s28+$0x1B0];
	[tilespmem:s24+$0x70] =	vst v20  }
0x223: {  	v1 =	vadd.f32 v1, v42;
	[tilespmem:s24+$0xFFFFFF80] =	vst v17;
	v17 =	vld [tilespmem:$0x1FF10]  }
0x224: {  	v20 =	vld [tilespmem:s25+$0xFFFFFE60];
	[tilespmem:$0x1F310] =	vst v22;
	v4 =	vmul.f32 v4, v45  }
0x225: {  	v12 =	vadd.f32 v38, v19;
	v22 =	vld [tilespmem:s28+$0xFFFFFE10];
	[tilespmem:s24+$0x80] =	vst v1  }
0x226: {  	v2 =	vadd.f32 v2, v42;
	[tilespmem:$0x1F7D0] =	vst v4;
	v4 =	vld [tilespmem:$0x1FE50]  }
0x227: {  	v1 =	vld [tilespmem:s25+$0xFFFFFE40];
	[tilespmem:s24+$0xFFFFFF90] =	vst v12;
	v12 =	vadd.f32 v51, v6  }
0x228: {  	[tilespmem:s24+$0x0] =	vst v2;
	v2 =	vadd.f32 v26, v34;
	v26 =	vld [tilespmem:$0x1FFC0];
	v11 =	vadd.f32 v36, v17  }
0x229: {  	v0 =	vadd.f32 v0, v34;
	[tilespmem:s24+$0xFFFFFFB0] =	vst v12;
	v12 =	vld [tilespmem:s25+$0x1E0]  }
0x22a: {  	[tilespmem:s24+$0xFFFFFFA0] =	vst v11;
	v11 =	vld [tilespmem:s28+$0x1E0]  }
0x22b: {  	[tilespmem:s24+$0xFFFFFFE0] =	vst v0;
	v8 =	vld [tilespmem:s25+$0x1C0];
	v4 =	vmul.f32 v4, v58  }
0x22c: {  	[tilespmem:s24+$0x60] =	vst v2;
	v2 =	vld [tilespmem:s25+$0xFFFFFE30];
	v10 =	vadd.f32 v10, v13;
	v15 =	vmov v6;
	v6 =	vadd.f32 v32, v33  }
0x22d: {  	v0 =	vadd.f32 v3, v17;
	v17 =	vadd.f32 v30, v33;
	[tilespmem:$0x1F7F0] =	vst v4;
	v4 =	vld [tilespmem:$0x1FE60]  }
0x22e: {  	v51 =	vld [tilespmem:$0x1F9C0];
	[tilespmem:s24+$0xFFFFFFD0] =	vst v6  }
0x22f: {  	v6 =	vadd.f32 v48, v19;
	[tilespmem:s24+$0x50] =	vst v17;
	v17 =	vadd.f32 v10, v37;
	v10 =	vld [tilespmem:s28+$0xFFFFFE40]  }
0x230: {  	v7 =	vadd.f32 v8, v7;
	v8 =	vadd.f32 v12, v11;
	v11 =	vld [tilespmem:s28+$0xFFFFFE30]  }
0x231: {  	v3 =	vadd.f32 v29, v15;
	v15 =	vld [tilespmem:s28+$0x1F0];
	[tilespmem:s24+$0x20] =	vst v0;
	v9 =	vadd.f32 v50, v28  }
0x232: {  	v13 =	vadd.f32 v18, v47;
	[tilespmem:s24+$0x10] =	vst v6;
	v5 =	vld [tilespmem:s28+$0x1D0];
	v4 =	vmul.f32 v4, v59  }
0x233: {  	v0 =	vadd.f32 v16, v14;
	[tilespmem:s24+$0xFFFFFFC0] =	vst v9;
	v9 =	vadd.f32 v27, v61;
	v27 =	vmov v19;
	v19 =	vld [tilespmem:s25+$0x1F0]  }
0x234: {  	v1 =	vadd.f32 v1, v10;
	v6 =	vadd.f32 v23, v27;
	[tilespmem:$0x1F820] =	vst v4;
	v4 =	vld [tilespmem:s25+$0x1D0]  }
0x235: {  	v23 =	vadd.f32 v24, v39;
	v39 =	vld [tilespmem:$0x1F990];
	v2 =	vadd.f32 v2, v11  }
0x236: {  	v38 =	vld [tilespmem:$0x1FFF0];
	v24 =	vadd.f32 v8, v44;
	[tilespmem:s24+$0xFFFFFFF0] =	vst v9;
	v9 =	vadd.f32 v25, v28  }
0x237: {  	v36 =	vld [tilespmem:$0x1FFD0];
	[tilespmem:s24+$0x30] =	vst v3;
	v12 =	vadd.f32 v23, v53;
	v28 =	vadd.f32 v2, v37  }
0x238: {  	v3 =	vld [tilespmem:s28+$0xFFFFFE20];
	[tilespmem:s24+$0x40] =	vst v9;
	v9 =	vadd.f32 v19, v15;
	v15 =	vadd.f32 v0, v49  }
0x239: {  	v10 =	vld [tilespmem:s25+$0xFFFFFE90];
	[tilespmem:s24+$0x90] =	vst v6;
	v6 =	vadd.f32 v13, v12;
	v8 =	vmul.f32 v12, v12;
	v4 =	vadd.f32 v4, v5  }
0x23a: {  	[tilespmem:$0x1F650] =	vst v13;
	v25 =	vld [tilespmem:$0x1FFE0];
	v13 =	vmul.f32 v13, v13;
	v19 =	vadd.f32 v7, v39;
	v0 =	vadd.f32 v9, v51  }
0x23b: {  	v7 =	vadd.f32 v17, v15;
	v14 =	vmul.f32 v15, v15;
	v5 =	vld [tilespmem:s25+$0xFFFFFE20];
	v23 =	vadd.f32 v4, v41  }
0x23c: {  	[tilespmem:$0x1F670] =	vst v17;
	v2 =	vld [tilespmem:s25+$0xFFFFFEC0];
	v17 =	vmul.f32 v17, v17;
	v8 =	vadd.f32 v13, v8;
	v16 =	vadd.f32 v0, v24  }
0x23d: {  	[tilespmem:$0x1F640] =	vst v12;
	v9 =	vld [tilespmem:s25+$0xFFFFFE50];
	v18 =	vmul.f32 v19, v19;
	v6 =	vadd.f32 v7, v6;
	v12 =	vadd.f32 v23, v19  }
0x23e: {  	[tilespmem:$0x1F680] =	vst v19;
	v13 =	vadd.f32 v17, v14;
	v14 =	vld [tilespmem:s28+$0xFFFFFE80];
	v19 =	vadd.f32 v21, v22;
	v21 =	vmul.f32 v23, v23  }
0x23f: {  	v4 =	vld [tilespmem:s28+$0xFFFFFE50];
	v22 =	vmul.f32 v24, v24;
	v7 =	vadd.f32 v16, v12;
	v12 =	vmul.f32 v0, v0  }
0x240: {  	v3 =	vadd.f32 v5, v3;
	v5 =	vld [tilespmem:s25+$0xFFFFFE80]  }
0x241: {  	[tilespmem:$0x1F660] =	vst v15;
	v15 =	vld [tilespmem:s28+$0xFFFFFE60];
	v17 =	vadd.f32 v21, v18;
	v12 =	vadd.f32 v12, v22  }
0x242: {  	[tilespmem:$0x1F690] =	vst v23;
	v23 =	vld [tilespmem:s28+$0xFFFFFE70];
	v6 =	vadd.f32 v7, v6  }
0x243: {  	v8 =	vadd.f32 v13, v8;
	v16 =	vld [tilespmem:s25+$0xFFFFFE70];
	v12 =	vadd.f32 v12, v17  }
0x244: {  	v4 =	vadd.f32 v9, v4;
	v9 =	vld [tilespmem:s28+$0xFFFFFEA0];
	v27 =	vadd.f32 v3, v49;
	v11 =	vperm.xlane v6, v25  }
0x245: {  	[tilespmem:s24+$0xFFFFFF10] =	vst v35;
	v7 =	vld [tilespmem:s28+$0xFFFFFE90];
	v5 =	vadd.f32 v5, v14;
	v8 =	vadd.f32 v12, v8  }
0x246: {  	[tilespmem:s24+$0xFFFFFF30] =	vst v55;
	v12 =	vadd.f32 v20, v15;
	v15 =	vld [tilespmem:s25+$0xFFFFFEA0];
	v6 =	vadd.f32 v6, v11  }
0x247: {  	[tilespmem:s24+$0xFFFFFF40] =	vst v56;
	v3 =	vld [tilespmem:s25+$0xFFFFFEB0];
	v17 =	vadd.f32 v19, v47;
	v19 =	vadd.f32 v1, v39;
	v11 =	vperm.xlane v8, v25  }
0x248: {  	[tilespmem:$0x1F6C0] =	vst v46;
	v14 =	vld [tilespmem:s28+$0xFFFFFEB0];
	v13 =	vadd.f32 v16, v23;
	v23 =	vadd.f32 v4, v41;
	v16 =	vperm.xlane v6, v26  }
0x249: {  	[tilespmem:$0x1F6A0] =	vst v24;
	v4 =	vld [tilespmem:s25+$0xFFFFFED0];
	v20 =	vadd.f32 v5, v53;
	v8 =	vadd.f32 v8, v11  }
0x24a: {  	[tilespmem:$0x1F380] =	vst v28;
	v1 =	vmul.f32 v17, v17;
	v7 =	vadd.f32 v10, v7;
	v10 =	vld [tilespmem:s28+$0xFFFFFEC0];
	v6 =	vadd.f32 v6, v16  }
0x24b: {  	[tilespmem:$0x1F320] =	vst v17;
	v18 =	vadd.f32 v13, v51;
	v11 =	vld [tilespmem:s28+$0xFFFFFED0];
	v9 =	vadd.f32 v15, v9;
	v15 =	vperm.xlane v8, v26  }
0x24c: {  	v5 =	vld [tilespmem:s25+$0xFFFFFEE0];
	[tilespmem:$0x1F340] =	vst v1;
	v17 =	vadd.f32 v12, v44;
	v1 =	vmul.f32 v27, v27;
	v21 =	vperm.xlane v6, v36  }
0x24d: {  	[tilespmem:$0x1F370] =	vst v27;
	v12 =	vadd.f32 v3, v14;
	v3 =	vmul.f32 v28, v28;
	v8 =	vadd.f32 v8, v15;
	v15 =	vld [tilespmem:s28+$0xFFFFFEF0]  }
0x24e: {  	[tilespmem:$0x1F390] =	vst v19;
	v6 =	vadd.f32 v6, v21;
	v21 =	vadd.f32 v7, v47;
	v7 =	vld [tilespmem:s25+$0xFFFFFEF0]  }
0x24f: {  	[tilespmem:$0x1F3A0] =	vst v23;
	v14 =	vld [tilespmem:s28+$0xFFFFFEE0];
	v1 =	vadd.f32 v3, v1;
	v13 =	vadd.f32 v2, v10;
	v10 =	vperm.xlane v8, v36  }
0x250: {  	v33 =	vld [tilespmem:s28+$0xFFFFFFD0];
	[tilespmem:$0x1F3D0] =	vst v20;
	v22 =	vadd.f32 v9, v49;
	v9 =	vadd.f32 v4, v11;
	v4 =	vperm.xlane v6, v38  }
0x251: {  	[tilespmem:$0x1F3C0] =	vst v18;
	v43 =	vmul.f32 v18, v18;
	v24 =	vadd.f32 v13, v39;
	v13 =	vld [tilespmem:s28+$0xFFFFFF10];
	v8 =	vadd.f32 v8, v10  }
0x252: {  	v16 =	vmovc v19;
	v2 =	vmul.f32 v19, v19;
	v11 =	vld [tilespmem:s28+$0xFFFFFF00];
	v6 =	vadd.f32 v6, v4;
	v4 =	vadd.f32 v28, v27  }
0x253: {  	v19 =	vmovc v23;
	v10 =	vmul.f32 v23, v23;
	v23 =	vadd.f32 v12, v37;
	v12 =	vld [tilespmem:s25+$0xFFFFFF00];
	v7 =	vadd.f32 v7, v15  }
0x254: {  	[tilespmem:$0x1F3B0] =	vst v17;
	v5 =	vadd.f32 v5, v14;
	v28 =	vadd.f32 v9, v41;
	v9 =	vld [tilespmem:s25+$0xFFFFFF10];
	v14 =	vperm.xlane v8, v38  }
0x255: {  	[tilespmem:$0x1F360] =	vst v1;
	v15 =	vld [tilespmem:s28+$0xFFFFFF20];
	v56 =	vmul.f32 $7.812500000e-03, v6;
	v1 =	vadd.f32 v10, v2;
	v27 =	vadd.f32 v7, v51  }
0x256: {  	[tilespmem:$0x1F330] =	vst v4;
	v2 =	vld [tilespmem:s25+$0xFFFFFFD0];
	v4 =	vmov v17;
	v6 =	vadd.f32 v8, v14;
	v14 =	vadd.f32 v19, v16  }
0x257: {  	v40 =	vmul.f32 v17, v17;
	v8 =	vmovc v18;
	v16 =	vadd.f32 v5, v44;
	v17 =	vld [tilespmem:s25+$0xFFFFFF20];
	v0 =	vsub.f32 v0, v56  }
0x258: {  	[tilespmem:$0x1F3E0] =	vst v21;
	v18 =	vmul.f32 v56, v56;
	v11 =	vadd.f32 v12, v11;
	v12 =	vld [tilespmem:s28+$0xFFFFFF30];
	v19 =	vadd.f32 v8, v4  }
0x259: {  	v5 =	vmovc v21;
	v8 =	vmul.f32 v21, v21;
	v13 =	vadd.f32 v9, v13;
	v21 =	vld [tilespmem:s28+$0xFFFFFF40];
	v6 =	vmul.f32 $7.812500000e-03, v6;
	v4 =	vmovc v20  }
0x25a: {  	v45 =	vmul.f32 v20, v20;
	[tilespmem:$0x1F3F0] =	vst v22;
	v42 =	vadd.f32 v27, v16;
	v20 =	vld [tilespmem:s25+$0xFFFFFF30];
	v30 =	vadd.f32 v11, v53  }
0x25b: {  	[tilespmem:$0x1F410] =	vst v24;
	v11 =	vld [tilespmem:s25+$0xFFFFFF40];
	v7 =	vsub.f32 v6, v18;
	v18 =	vadd.f32 v5, v4  }
0x25c: {  	v31 =	vmul.f32 v24, v24;
	v6 =	vadd.f32 v13, v47;
	v13 =	vld [tilespmem:s25+$0xFFFFFF50];
	v15 =	vadd.f32 v17, v15;
	v4 =	vmovc v22  }
0x25d: {  	[tilespmem:$0x1F400] =	vst v23;
	v9 =	vmul.f32 v23, v23;
	v14 =	vadd.f32 v19, v14;
	v2 =	vadd.f32 v2, v33;
	v17 =	vld [tilespmem:s28+$0xFFFFFF50]  }
0x25e: {  	[tilespmem:$0x1F420] =	vst v28;
	v5 =	vmul.f32 v22, v22;
	v22 =	vadd.f32 $9.999999960e-13, v7;
	v46 =	vadd.f32 v15, v49;
	v15 =	vld [tilespmem:s25+$0xFFFFFF60]  }
0x25f: {  	v29 =	vmul.f32 v16, v16;
	v23 =	vadd.f32 v23, v4;
	v12 =	vadd.f32 v20, v12;
	v20 =	vld [tilespmem:s28+$0xFFFFFF60];
	v4 =	vmovc v24  }
0x260: {  	[tilespmem:$0x1F440] =	vst v27;
	v11 =	vadd.f32 v11, v21;
	v24 =	vshrl.u32 v22, $0x1;
	v22 =	vmul.f32 $5.000000000e-01, v22  }
0x261: {  	[tilespmem:$0x1F430] =	vst v16;
	v7 =	vadd.f32 v28, v4;
	v24 =	vsub.s32 $0x5F3759DF, v24;
	v62 =	vadd.f32 v12, v37;
	v12 =	vld [tilespmem:s28+$0xFFFFFF70]  }
0x262: {  	v63 =	vadd.f32 v11, v39;
	v11 =	vadd.f32 v13, v17;
	v13 =	vld [tilespmem:s28+$0xFFFFFF80];
	v21 =	vmul.f32 v24, v22;
	v4 =	vmovc v27  }
0x263: {  	v34 =	vadd.f32 v8, v45;
	[tilespmem:$0x1F450] =	vst v30;
	v27 =	vmul.f32 v28, v28;
	v28 =	vld [tilespmem:s25+$0xFFFFFF70];
	v55 =	vadd.f32 v62, v46  }
0x264: {  	[tilespmem:$0x1F480] =	vst v62;
	v48 =	vmul.f32 v62, v62;
	v62 =	vld [tilespmem:s25+$0xFFFFFFA0];
	v17 =	vmul.f32 v24, v21;
	v15 =	vadd.f32 v15, v20  }
0x265: {  	v59 =	vadd.f32 v6, v30;
	v11 =	vadd.f32 v11, v41;
	v21 =	vmul.f32 v4, v4;
	v4 =	vmovc v30;
	v30 =	vld [tilespmem:s25+$0xFFFFFF80]  }
0x266: {  	[tilespmem:$0x1F470] =	vst v46;
	v46 =	vmul.f32 v46, v46;
	v17 =	vsub.f32 $1.500000000e+00, v17;
	v52 =	vadd.f32 v15, v44;
	v15 =	vld [tilespmem:s28+$0xFFFFFFA0]  }
0x267: {  	v57 =	vld [tilespmem:s28+$0xFFFFFF90];
	[tilespmem:$0x1F460] =	vst v6;
	v16 =	vmul.f32 v6, v6;
	v32 =	vadd.f32 v42, v7;
	v55 =	vadd.f32 v55, v59  }
0x268: {  	v58 =	vld [tilespmem:s25+$0xFFFFFF90];
	v6 =	vmovc v11;
	v33 =	vadd.f32 v48, v46;
	v12 =	vadd.f32 v28, v12;
	v17 =	vmul.f32 v24, v17  }
0x269: {  	v19 =	vld [tilespmem:s25+$0xFFFFFFB0];
	[tilespmem:$0x1F4A0] =	vst v11;
	v20 =	vmul.f32 v6, v6;
	v45 =	vadd.f32 v21, v29;
	v24 =	vadd.f32 v11, v63  }
0x26a: {  	v28 =	vmovc v63;
	v11 =	vadd.f32 v12, v51;
	v22 =	vmul.f32 v17, v22;
	v12 =	vadd.f32 v30, v13;
	v13 =	vld [tilespmem:s28+$0xFFFFFFB0]  }
0x26b: {  	v48 =	vld [tilespmem:s25+$0x60];
	v35 =	vmul.f32 v4, v4;
	v50 =	vmul.f32 v28, v28;
	v4 =	vmovc v52;
	v15 =	vadd.f32 v62, v15  }
0x26c: {  	[tilespmem:$0x1F490] =	vst v63;
	v63 =	vld [tilespmem:s25+$0xFFFFFFC0];
	v62 =	vadd.f32 v9, v5;
	v22 =	vmul.f32 v22, v17;
	v4 =	vadd.f32 v11, v4  }
0x26d: {  	[tilespmem:$0x1F4B0] =	vst v52;
	v52 =	vmul.f32 v52, v52;
	v30 =	vld [tilespmem:s28+$0xFFFFFFC0];
	v28 =	vadd.f32 v12, v53;
	v12 =	vadd.f32 v58, v57  }
0x26e: {  	[tilespmem:$0x1F350] =	vst v14;
	v14 =	vmul.f32 v11, v11;
	v6 =	vadd.f32 v15, v49;
	v15 =	vld [tilespmem:s25+$0xFFFFFFE0];
	v22 =	vsub.f32 $1.500000000e+00, v22  }
0x26f: {  	[tilespmem:$0x1F300] =	vst v1;
	v1 =	vadd.f32 v12, v47;
	v12 =	vld [tilespmem:s28+$0xFFFFFFE0];
	v10 =	vadd.f32 v19, v13  }
0x270: {  	v34 =	vadd.f32 v62, v34;
	v59 =	vadd.f32 v14, v52;
	v57 =	vmul.f32 v22, v17;
	v17 =	vld [tilespmem:s28+$0xFFFFFFF0]  }
0x271: {  	v19 =	vld [tilespmem:s25+$0x0];
	v58 =	vadd.f32 v1, v28;
	v3 =	vadd.f32 v10, v37  }
0x272: {  	[tilespmem:$0x1F4E0] =	vst v1;
	v10 =	vadd.f32 v63, v30;
	v63 =	vadd.f32 v23, v18;
	v18 =	vld [tilespmem:s25+$0xFFFFFFF0]  }
0x273: {  	v22 =	vld [tilespmem:s28+$0x10];
	v13 =	vmul.f32 v1, v1;
	v30 =	vadd.f32 v43, v40;
	v40 =	vadd.f32 v16, v35;
	v1 =	vmovc v6  }
0x274: {  	[tilespmem:$0x1F4C0] =	vst v11;
	v0 =	vmul.f32 v57, v0;
	v11 =	vadd.f32 v10, v39;
	v10 =	vld [tilespmem:s28+$0x0];
	v23 =	vadd.f32 v3, v1  }
0x275: {  	v54 =	vmul.f32 v28, v28;
	v12 =	vadd.f32 v15, v12;
	v1 =	vadd.f32 v2, v41;
	v2 =	vld [tilespmem:s25+$0x10]  }
0x276: {  	v9 =	vld [tilespmem:s25+$0x20];
	[tilespmem:$0x1F4D0] =	vst v28;
	v0 =	vmul.f32 v0, v60;
	v60 =	vadd.f32 v27, v31;
	v40 =	vadd.f32 v33, v40  }
0x277: {  	[tilespmem:$0x1F500] =	vst v3;
	v43 =	vmul.f32 v3, v3;
	v28 =	vadd.f32 v12, v44;
	v12 =	vld [tilespmem:s28+$0x20];
	v8 =	vadd.f32 v18, v17  }
0x278: {  	v21 =	vld [tilespmem:s25+$0x30];
	[tilespmem:$0x1F510] =	vst v11;
	v15 =	vmul.f32 v11, v11;
	v0 =	vadd.f32 v0, v61;
	v3 =	vadd.f32 v1, v11  }
0x279: {  	v16 =	vld [tilespmem:s28+$0x60];
	[tilespmem:$0x1F520] =	vst v1;
	v11 =	vmul.f32 v1, v1;
	v1 =	vadd.f32 v8, v51;
	v8 =	vadd.f32 v19, v10  }
0x27a: {  	[tilespmem:$0x1F4F0] =	vst v6;
	v61 =	vadd.f32 v20, v50;
	v10 =	vld [tilespmem:s28+$0x30];
	v2 =	vadd.f32 v2, v22  }
0x27b: {  	v6 =	vmul.f32 v6, v6;
	v42 =	vadd.f32 v23, v58;
	[tilespmem:s28+$0x1F0] =	vst v0;
	v22 =	vld [tilespmem:s25+$0x40];
	v0 =	vadd.f32 v8, v53  }
0x27c: {  	v8 =	vld [tilespmem:s28+$0x40];
	v17 =	vadd.f32 v2, v47;
	v2 =	vadd.f32 v9, v12  }
0x27d: {  	v31 =	vld [tilespmem:s28+$0x50];
	v23 =	vadd.f32 v43, v6;
	v5 =	vmul.f32 v28, v28;
	v29 =	vadd.f32 v1, v28  }
0x27e: {  	[tilespmem:$0x1F530] =	vst v28;
	v27 =	vmul.f32 v1, v1;
	v28 =	vadd.f32 v4, v24;
	v4 =	vld [tilespmem:s25+$0x50];
	v7 =	vadd.f32 v2, v49  }
0x27f: {  	v20 =	vld [tilespmem:s25+$0x70];
	[tilespmem:$0x1F540] =	vst v1;
	v1 =	vmul.f32 v0, v0;
	v46 =	vadd.f32 v17, v0;
	v2 =	vadd.f32 v21, v10  }
0x280: {  	v58 =	vld [tilespmem:s25+$0x80];
	v24 =	vmul.f32 v17, v17;
	v28 =	vadd.f32 v28, v55;
	v21 =	vadd.f32 v27, v5  }
0x281: {  	[tilespmem:$0x1F550] =	vst v0;
	v0 =	vld [tilespmem:s28+$0x70];
	v9 =	vadd.f32 v2, v37;
	v2 =	vadd.f32 v22, v8  }
0x282: {  	v43 =	vld [tilespmem:s28+$0xB0];
	v18 =	vadd.f32 v24, v1;
	v24 =	vadd.f32 v32, v63  }
0x283: {  	v8 =	vadd.f32 v2, v39;
	v2 =	vadd.f32 v4, v31;
	v4 =	vld [tilespmem:s28+$0x80]  }
0x284: {  	v52 =	vadd.f32 v9, v7;
	v31 =	vadd.f32 v29, v3;
	v3 =	vld [tilespmem:s25+$0x90]  }
0x285: {  	[tilespmem:$0x1F580] =	vst v9;
	v50 =	vmul.f32 v9, v9;
	v29 =	vld [tilespmem:s25+$0xA0];
	v9 =	vadd.f32 v2, v41;
	v2 =	vadd.f32 v48, v16  }
0x286: {  	v22 =	vadd.f32 v11, v15;
	v0 =	vadd.f32 v20, v0;
	v16 =	vld [tilespmem:s28+$0x90]  }
0x287: {  	[tilespmem:$0x1F560] =	vst v17;
	v35 =	vmul.f32 v7, v7;
	v48 =	vadd.f32 v13, v54;
	v10 =	vadd.f32 v2, v44;
	v2 =	vld [tilespmem:s28+$0xA0]  }
0x288: {  	v27 =	vld [tilespmem:s25+$0xB0];
	[tilespmem:$0x1F570] =	vst v7;
	v0 =	vadd.f32 v0, v51;
	v19 =	vadd.f32 v52, v46  }
0x289: {  	v11 =	vld [tilespmem:s28+$0xC0];
	[tilespmem:$0x1F590] =	vst v8;
	v7 =	vmul.f32 v8, v8;
	v17 =	vadd.f32 v50, v35;
	v4 =	vadd.f32 v58, v4  }
0x28a: {  	v52 =	vld [tilespmem:s25+$0xC0];
	v54 =	vadd.f32 v9, v8;
	[tilespmem:$0x1F5C0] =	vst v0;
	v5 =	vmul.f32 v0, v0;
	v8 =	vmov v10  }
0x28b: {  	v50 =	vld [tilespmem:s25+$0xE0];
	[tilespmem:$0x1F5B0] =	vst v10;
	v6 =	vmul.f32 v10, v10;
	v10 =	vadd.f32 v4, v53;
	v0 =	vadd.f32 v0, v8  }
0x28c: {  	v4 =	vadd.f32 v3, v16;
	v2 =	vadd.f32 v29, v2;
	v29 =	vld [tilespmem:s28+$0xD0]  }
0x28d: {  	v21 =	vadd.f32 v21, v22;
	v46 =	vadd.f32 v0, v54;
	v54 =	vld [tilespmem:s25+$0xD0]  }
0x28e: {  	v35 =	vld [tilespmem:s28+$0x110];
	v20 =	vmul.f32 v9, v9;
	v23 =	vadd.f32 v23, v48;
	v8 =	vadd.f32 v4, v47  }
0x28f: {  	v58 =	vld [tilespmem:s28+$0x130];
	v52 =	vadd.f32 v52, v11;
	v0 =	vadd.f32 v27, v43  }
0x290: {  	v16 =	vadd.f32 v20, v7;
	v27 =	vld [tilespmem:s28+$0xE0];
	v1 =	vadd.f32 v2, v49  }
0x291: {  	v11 =	vld [tilespmem:s28+$0xF0];
	v15 =	vadd.f32 v5, v6;
	v4 =	vmul.f32 v10, v10;
	[tilespmem:$0x1F5E0] =	vst v8;
	v0 =	vadd.f32 v0, v37  }
0x292: {  	v6 =	vld [tilespmem:s25+$0xF0];
	v43 =	vmul.f32 v8, v8;
	v2 =	vadd.f32 v8, v10;
	v8 =	vmovc v1;
	v20 =	vadd.f32 v54, v29  }
0x293: {  	v17 =	vadd.f32 v17, v18;
	v3 =	vld [tilespmem:s28+$0x100];
	[tilespmem:$0x1F600] =	vst v0;
	v29 =	vmul.f32 v0, v0;
	v0 =	vadd.f32 v0, v8  }
0x294: {  	[tilespmem:$0x1F5F0] =	vst v1;
	v1 =	vmul.f32 v1, v1;
	v14 =	vadd.f32 v43, v4;
	v4 =	vld [tilespmem:s25+$0x120];
	v43 =	vadd.f32 v20, v41  }
0x295: {  	v20 =	vadd.f32 v50, v27;
	v12 =	vadd.f32 v0, v2;
	v2 =	vld [tilespmem:s25+$0x110]  }
0x296: {  	v5 =	vadd.f32 v52, v39;
	v13 =	vadd.f32 v29, v1;
	v1 =	vld [tilespmem:$0x1F300]  }
0x297: {  	v6 =	vadd.f32 v6, v11;
	v0 =	vadd.f32 v20, v44;
	v20 =	vld [tilespmem:s28+$0x120]  }
0x298: {  	v15 =	vadd.f32 v15, v16;
	v54 =	vld [tilespmem:s25+$0x100];
	v27 =	vmul.f32 v5, v5;
	v11 =	vmul.f32 v43, v43  }
0x299: {  	v8 =	vadd.f32 v6, v51;
	v50 =	vld [tilespmem:s25+$0x130];
	v7 =	vadd.f32 v43, v5  }
0x29a: {  	[tilespmem:$0x1F610] =	vst v5;
	v5 =	vld [tilespmem:s28+$0x140];
	v6 =	vmul.f32 v0, v0;
	v27 =	vadd.f32 v11, v27;
	v2 =	vadd.f32 v2, v35  }
0x29b: {  	[tilespmem:$0x1F620] =	vst v0;
	v0 =	vadd.f32 v8, v0;
	v11 =	vld [tilespmem:s25+$0x140];
	v30 =	vadd.f32 v30, v1;
	v1 =	vmul.f32 v8, v8  }
0x29c: {  	[tilespmem:$0x1F630] =	vst v8;
	v8 =	vld [tilespmem:s28+$0x150];
	v62 =	vadd.f32 v2, v47;
	v2 =	vadd.f32 v4, v20  }
0x29d: {  	[tilespmem:$0x1F5D0] =	vst v10;
	v19 =	vadd.f32 v46, v19;
	v10 =	vadd.f32 v1, v6;
	v6 =	vld [tilespmem:s25+$0x150]  }
0x29e: {  	v52 =	vadd.f32 v2, v49;
	v2 =	vadd.f32 v50, v58  }
0x29f: {  	v63 =	vld [tilespmem:s25+$0x170];
	[tilespmem:$0x1F5A0] =	vst v9;
	v15 =	vadd.f32 v15, v17;
	v9 =	vadd.f32 v0, v7  }
0x2a0: {  	v46 =	vperm.xlane v19, v25;
	v7 =	vld [tilespmem:s28+$0x160];
	v50 =	vadd.f32 v2, v37;
	v2 =	vadd.f32 v11, v5  }
0x2a1: {  	v3 =	vadd.f32 v54, v3;
	v20 =	vadd.f32 v45, v60;
	v60 =	vld [tilespmem:s25+$0x160];
	v0 =	vmul.f32 v52, v52  }
0x2a2: {  	v1 =	vld [tilespmem:s28+$0xFFFFFE00];
	v49 =	vadd.f32 v2, v39;
	v2 =	vadd.f32 v6, v8;
	v6 =	vmul.f32 v50, v50  }
0x2a3: {  	v19 =	vadd.f32 v19, v46;
	v54 =	vadd.f32 v3, v53;
	v5 =	vld [tilespmem:s28+$0x170]  }
0x2a4: {  	v9 =	vadd.f32 v9, v12;
	v0 =	vadd.f32 v6, v0;
	v6 =	vld [tilespmem:$0x1F310]  }
0x2a5: {  	v12 =	vadd.f32 v13, v14;
	v14 =	vadd.f32 v21, v23  }
0x2a6: {  	v3 =	vmul.f32 v54, v54;
	v58 =	vadd.f32 v2, v41;
	v2 =	vadd.f32 v60, v7  }
0x2a7: {  	v32 =	vmul.f32 v62, v62;
	v4 =	vadd.f32 v62, v54;
	v7 =	vmul.f32 v49, v49  }
0x2a8: {  	v29 =	vld [tilespmem:$0x1F320];
	v47 =	vadd.f32 v2, v44;
	v2 =	vadd.f32 v63, v5;
	v5 =	vmul.f32 v58, v58  }
0x2a9: {  	v3 =	vadd.f32 v32, v3;
	v1 =	vadd.f32 v6, v1  }
0x2aa: {  	v11 =	vld [tilespmem:$0x1F330];
	v32 =	vadd.f32 v2, v51;
	v5 =	vadd.f32 v5, v7  }
0x2ab: {  	v7 =	vadd.f32 v31, v42;
	v45 =	vadd.f32 v1, v53  }
0x2ac: {  	v6 =	vadd.f32 v58, v49;
	v31 =	vadd.f32 v32, v47  }
0x2ad: {  	v1 =	vadd.f32 v59, v61;
	v61 =	vadd.f32 v29, v45  }
0x2ae: {  	v10 =	vadd.f32 v10, v27;
	v55 =	vadd.f32 v50, v52  }
0x2af: {  	v21 =	vperm.xlane v14, v25;
	v6 =	vadd.f32 v31, v6;
	v31 =	vadd.f32 v11, v61;
	v11 =	vld [tilespmem:$0x1F340]  }
0x2b0: {  	v10 =	vadd.f32 v10, v12;
	v2 =	vmul.f32 v47, v47;
	v60 =	vmul.f32 v32, v32  }
0x2b1: {  	v35 =	vperm.xlane v24, v25;
	v14 =	vadd.f32 v14, v21;
	v4 =	vadd.f32 v55, v4  }
0x2b2: {  	v21 =	vperm.xlane v19, v26;
	v2 =	vadd.f32 v60, v2;
	v63 =	vmul.f32 v45, v45  }
0x2b3: {  	v8 =	vperm.xlane v28, v25;
	v0 =	vadd.f32 v0, v3;
	v4 =	vadd.f32 v6, v4  }
0x2b4: {  	v33 =	vperm.xlane v7, v25;
	v2 =	vadd.f32 v2, v5;
	v44 =	vadd.f32 v11, v63;
	v11 =	vld [tilespmem:$0x1F350]  }
0x2b5: {  	v8 =	vadd.f32 v28, v8;
	v1 =	vadd.f32 v1, v40;
	v6 =	vperm.xlane v9, v25  }
0x2b6: {  	v7 =	vadd.f32 v7, v33;
	v13 =	vperm.xlane v4, v25;
	v0 =	vadd.f32 v2, v0  }
0x2b7: {  	v5 =	vadd.f32 v20, v34;
	v17 =	vperm.xlane v1, v25;
	v6 =	vadd.f32 v9, v6  }
0x2b8: {  	v9 =	vperm.xlane v10, v25;
	v4 =	vadd.f32 v4, v13;
	v13 =	vperm.xlane v0, v25  }
0x2b9: {  	v1 =	vadd.f32 v1, v17;
	v17 =	vperm.xlane v7, v26;
	v22 =	vadd.f32 v11, v31;
	v11 =	vld [tilespmem:$0x1F360]  }
0x2ba: {  	v9 =	vadd.f32 v10, v9;
	v10 =	vperm.xlane v4, v26;
	v0 =	vadd.f32 v0, v13  }
0x2bb: {  	v7 =	vadd.f32 v7, v17;
	v17 =	vperm.xlane v14, v26;
	v16 =	vperm.xlane v22, v25  }
0x2bc: {  	v2 =	vadd.f32 v24, v35;
	v4 =	vadd.f32 v4, v10;
	v10 =	vperm.xlane v0, v26  }
0x2bd: {  	v14 =	vadd.f32 v14, v17;
	v12 =	vadd.f32 v22, v16;
	v16 =	vperm.xlane v5, v25  }
0x2be: {  	v0 =	vadd.f32 v0, v10;
	v22 =	vperm.xlane v15, v25;
	v31 =	vadd.f32 v11, v44  }
0x2bf: {  	v23 =	vperm.xlane v12, v26;
	v5 =	vadd.f32 v5, v16;
	v16 =	vperm.xlane v8, v26  }
0x2c0: {  	v15 =	vadd.f32 v15, v22;
	v22 =	vperm.xlane v6, v26;
	v3 =	vadd.f32 v30, v31  }
0x2c1: {  	v12 =	vadd.f32 v12, v23;
	v13 =	vperm.xlane v5, v26;
	v8 =	vadd.f32 v8, v16  }
0x2c2: {  	v16 =	vperm.xlane v1, v26;
	v6 =	vadd.f32 v6, v22;
	v18 =	vperm.xlane v3, v25  }
0x2c3: {  	v22 =	vperm.xlane v12, v36;
	v5 =	vadd.f32 v5, v13;
	v13 =	vperm.xlane v8, v36  }
0x2c4: {  	v1 =	vadd.f32 v1, v16;
	v16 =	vperm.xlane v7, v36;
	v3 =	vadd.f32 v3, v18  }
0x2c5: {  	v18 =	vperm.xlane v2, v26;
	v12 =	vadd.f32 v12, v22;
	v22 =	vperm.xlane v5, v36  }
0x2c6: {  	v8 =	vadd.f32 v8, v13;
	v13 =	vperm.xlane v1, v36;
	v7 =	vadd.f32 v7, v16  }
0x2c7: {  	v16 =	vperm.xlane v14, v36;
	v23 =	vperm.xlane v3, v26;
	v2 =	vadd.f32 v2, v18  }
0x2c8: {  	v18 =	vadd.f32 v19, v21;
	v19 =	vperm.xlane v15, v26;
	v21 =	vperm.xlane v9, v26  }
0x2c9: {  	v5 =	vadd.f32 v5, v22;
	v22 =	vperm.xlane v8, v38;
	v3 =	vadd.f32 v3, v23  }
0x2ca: {  	v13 =	vadd.f32 v1, v13;
	v9 =	vadd.f32 v9, v21;
	v21 =	vperm.xlane v4, v36  }
0x2cb: {  	v1 =	vperm.xlane v7, v38;
	v14 =	vadd.f32 v14, v16;
	v10 =	vperm.xlane v3, v36  }
0x2cc: {  	v23 =	vperm.xlane v2, v36;
	v17 =	vperm.xlane v18, v36;
	v4 =	vadd.f32 v4, v21  }
0x2cd: {  	v21 =	vperm.xlane v12, v38;
	v10 =	vadd.f32 v3, v10;
	v3 =	vperm.xlane v0, v36  }
0x2ce: {  	v20 =	vld [tilespmem:$0x1F380];
	v15 =	vadd.f32 v15, v19;
	v19 =	vperm.xlane v6, v36;
	v8 =	vadd.f32 v8, v22  }
0x2cf: {  	v22 =	vperm.xlane v13, v38;
	v0 =	vadd.f32 v0, v3;
	v3 =	vadd.f32 v12, v21  }
0x2d0: {  	v17 =	vadd.f32 v18, v17;
	v18 =	vperm.xlane v15, v36;
	v6 =	vadd.f32 v6, v19  }
0x2d1: {  	v7 =	vadd.f32 v7, v1;
	v19 =	vperm.xlane v9, v36;
	v3 =	vmul.f32 $7.812500000e-03, v3  }
0x2d2: {  	v2 =	vadd.f32 v2, v23;
	v15 =	vadd.f32 v15, v18;
	v18 =	vperm.xlane v6, v38  }
0x2d3: {  	v9 =	vadd.f32 v9, v19;
	v12 =	vperm.xlane v10, v38;
	v35 =	vsub.f32 v20, v3;
	v20 =	vld [tilespmem:$0x1F390]  }
0x2d4: {  	v1 =	vmul.f32 $7.812500000e-03, v8;
	v21 =	vperm.xlane v5, v38;
	v6 =	vadd.f32 v6, v18  }
0x2d5: {  	v8 =	vadd.f32 v13, v22;
	v18 =	vperm.xlane v9, v38;
	v10 =	vadd.f32 v10, v12  }
0x2d6: {  	v46 =	vmul.f32 $7.812500000e-03, v7;
	v12 =	vadd.f32 v5, v21;
	v5 =	vmul.f32 $7.812500000e-03, v6  }
0x2d7: {  	v6 =	vadd.f32 v9, v18;
	v9 =	vmul.f32 $7.812500000e-03, v10;
	v10 =	vmul.f32 v3, v3  }
0x2d8: {  	v23 =	vperm.xlane v2, v38;
	v16 =	vperm.xlane v17, v38;
	v39 =	vsub.f32 v20, v3;
	v20 =	vld [tilespmem:$0x1F3A0]  }
0x2d9: {  	v8 =	vmul.f32 $7.812500000e-03, v8;
	v9 =	vsub.f32 v9, v10;
	v10 =	vmul.f32 v1, v1  }
0x2da: {  	v19 =	vperm.xlane v4, v38;
	v2 =	vadd.f32 v2, v23;
	v23 =	vperm.xlane v14, v38  }
0x2db: {  	v16 =	vadd.f32 v17, v16;
	v17 =	vperm.xlane v15, v38;
	v8 =	vsub.f32 v8, v10  }
0x2dc: {  	v4 =	vadd.f32 v4, v19;
	v19 =	vperm.xlane v0, v38;
	v7 =	vadd.f32 v14, v23  }
0x2dd: {  	v2 =	vmul.f32 $7.812500000e-03, v2;
	v8 =	vadd.f32 $9.999999960e-13, v8;
	v40 =	vsub.f32 v20, v3;
	v20 =	vld [tilespmem:$0x1F3B0]  }
0x2de: {  	v53 =	vmul.f32 $7.812500000e-03, v16;
	v13 =	vadd.f32 v15, v17;
	v12 =	vmul.f32 $7.812500000e-03, v12  }
0x2df: {  	v15 =	vmul.f32 v2, v2;
	v16 =	vshrl.u32 v8, $0x1;
	v8 =	vmul.f32 $5.000000000e-01, v8  }
0x2e0: {  	v14 =	vadd.f32 v0, v19;
	v7 =	vmul.f32 $7.812500000e-03, v7;
	v16 =	vsub.s32 $0x5F3759DF, v16  }
0x2e1: {  	v0 =	vld [tilespmem:$0x1F370];
	v12 =	vsub.f32 v12, v15;
	v15 =	vmul.f32 v46, v46;
	v28 =	vmul.f32 v16, v8  }
0x2e2: {  	v11 =	vsub.f32 v45, v3;
	v6 =	vmul.f32 $7.812500000e-03, v6;
	v61 =	vsub.f32 v20, v3;
	v20 =	vld [tilespmem:$0x1F3C0]  }
0x2e3: {  	v7 =	vsub.f32 v7, v15;
	v15 =	vmul.f32 v5, v5;
	v28 =	vmul.f32 v16, v28  }
0x2e4: {  	v23 =	vsub.f32 v29, v3;
	v12 =	vadd.f32 $9.999999960e-13, v12  }
0x2e5: {  	v6 =	vsub.f32 v6, v15;
	v28 =	vsub.f32 $1.500000000e+00, v28  }
0x2e6: {  	v0 =	vsub.f32 v0, v3;
	v15 =	vshrl.u32 v12, $0x1;
	v12 =	vmul.f32 $5.000000000e-01, v12  }
0x2e7: {  	v6 =	vadd.f32 $9.999999960e-13, v6;
	v16 =	vmul.f32 v16, v28;
	v28 =	vsub.f32 v20, v3;
	v3 =	vld [tilespmem:$0x1F3D0]  }
0x2e8: {  	v15 =	vsub.s32 $0x5F3759DF, v15  }
0x2e9: {  	v27 =	vmul.f32 v15, v12;
	v19 =	vshrl.u32 v6, $0x1;
	v6 =	vmul.f32 $5.000000000e-01, v6  }
0x2ea: {  	v19 =	vsub.s32 $0x5F3759DF, v19  }
0x2eb: {  	v27 =	vmul.f32 v15, v27;
	v55 =	vmul.f32 v19, v6  }
0x2ec: {  	v63 =	vsub.f32 v3, v2;
	v3 =	vld [tilespmem:$0x1F3E0]  }
0x2ed: {  	v27 =	vsub.f32 $1.500000000e+00, v27;
	v36 =	vmul.f32 v19, v55  }
0x2ee: {  	v10 =	vmul.f32 $7.812500000e-03, v13;
	v13 =	vmul.f32 v53, v53  }
0x2ef: {  	v4 =	vmul.f32 $7.812500000e-03, v4;
	v15 =	vmul.f32 v15, v27;
	v27 =	vsub.f32 $1.500000000e+00, v36  }
0x2f0: {  	v10 =	vsub.f32 v10, v13;
	v13 =	vmul.f32 $7.812500000e-03, v14  }
0x2f1: {  	v14 =	vmul.f32 v4, v4;
	v19 =	vmul.f32 v19, v27;
	v27 =	vsub.f32 v3, v2;
	v3 =	vld [tilespmem:$0x1F3F0];
	_ =	sdelay $0x1  }
0x2f2: {  	v13 =	vsub.f32 v13, v14;
	_ =	sdelay $0x1  }
0x2f3: {  	v13 =	vadd.f32 $9.999999960e-13, v13  }
0x2f4: {  	v55 =	vsub.f32 v3, v2;
	v3 =	vld [tilespmem:$0x1F400]  }
0x2f5: {  	v21 =	vshrl.u32 v13, $0x1;
	v13 =	vmul.f32 $5.000000000e-01, v13  }
0x2f6: {  	v9 =	vadd.f32 $9.999999960e-13, v9;
	v21 =	vsub.s32 $0x5F3759DF, v21  }
0x2f7: {  	v59 =	vmul.f32 v21, v13  }
0x2f8: {  	v14 =	vshrl.u32 v9, $0x1;
	v9 =	vmul.f32 $5.000000000e-01, v9  }
0x2f9: {  	v14 =	vsub.s32 $0x5F3759DF, v14;
	v38 =	vmul.f32 v21, v59;
	v59 =	vsub.f32 v3, v2;
	v3 =	vld [tilespmem:$0x1F410]  }
0x2fa: {  	v22 =	vmul.f32 v14, v9;
	_ =	sdelay $0x1  }
0x2fb: {  	v22 =	vmul.f32 v14, v22  }
0x2fc: {  	v7 =	vadd.f32 $9.999999960e-13, v7  }
0x2fd: {  	v22 =	vsub.f32 $1.500000000e+00, v22;
	v30 =	vsub.f32 v3, v2;
	v3 =	vld [tilespmem:$0x1F420];
	_ =	sdelay $0x1  }
0x2fe: {  	v10 =	vadd.f32 $9.999999960e-13, v10;
	v17 =	vshrl.u32 v7, $0x1;
	v14 =	vmul.f32 v14, v22  }
0x2ff: {  	v7 =	vmul.f32 $5.000000000e-01, v7;
	v17 =	vsub.s32 $0x5F3759DF, v17  }
0x300: {  	v18 =	vshrl.u32 v10, $0x1;
	v10 =	vmul.f32 $5.000000000e-01, v10;
	v9 =	vmul.f32 v14, v9  }
0x301: {  	v31 =	vmul.f32 v17, v7;
	v18 =	vsub.s32 $0x5F3759DF, v18;
	v26 =	vsub.f32 v3, v2;
	v3 =	vld [tilespmem:$0x1F430]  }
0x302: {  	v51 =	vmul.f32 v18, v10;
	v9 =	vmul.f32 v9, v14  }
0x303: {  	v31 =	vmul.f32 v17, v31  }
0x304: {  	v34 =	vmul.f32 v18, v51;
	v9 =	vsub.f32 $1.500000000e+00, v9  }
0x305: {  	v22 =	vsub.f32 $1.500000000e+00, v31;
	v8 =	vmul.f32 v16, v8  }
0x306: {  	v31 =	vsub.f32 $1.500000000e+00, v34;
	v9 =	vmul.f32 v9, v14;
	v14 =	vsub.f32 v3, v2;
	v3 =	vld [tilespmem:$0x1F440]  }
0x307: {  	v8 =	vmul.f32 v8, v16  }
0x308: {  	v17 =	vmul.f32 v17, v22;
	v18 =	vmul.f32 v18, v31  }
0x309: {  	v12 =	vmul.f32 v15, v12;
	v8 =	vsub.f32 $1.500000000e+00, v8  }
0x30a: {  	v7 =	vmul.f32 v17, v7;
	v10 =	vmul.f32 v18, v10  }
0x30b: {  	v12 =	vmul.f32 v12, v15;
	v8 =	vmul.f32 v8, v16;
	v16 =	vsub.f32 v3, v2;
	v2 =	vld [tilespmem:$0x1F450]  }
0x30c: {  	v7 =	vmul.f32 v7, v17;
	v10 =	vmul.f32 v10, v18  }
0x30d: {  	v12 =	vsub.f32 $1.500000000e+00, v12  }
0x30e: {  	v7 =	vsub.f32 $1.500000000e+00, v7;
	v10 =	vsub.f32 $1.500000000e+00, v10  }
0x30f: {  	v12 =	vmul.f32 v12, v15  }
0x310: {  	v15 =	vmul.f32 v7, v17;
	v7 =	vmul.f32 v10, v18;
	v10 =	vsub.f32 v2, v1;
	v2 =	vld [tilespmem:$0x1F460];
	_ =	sdelay $0x1  }
0x311: {  	v60 =	vsub.f32 $1.500000000e+00, v38;
	_ =	sdelay $0x1  }
0x312: {  	v21 =	vmul.f32 v21, v60  }
0x313: {  	v17 =	vsub.f32 v2, v1;
	v2 =	vmul.f32 v9, v11  }
0x314: {  	v13 =	vmul.f32 v21, v13  }
0x315: {  	[tilespmem:$0x1F7E0] =	vst v2;
	v2 =	vld [tilespmem:$0x1F470]  }
0x316: {  	v13 =	vmul.f32 v13, v21;
	_ =	sdelay $0x1  }
0x317: {  	v13 =	vsub.f32 $1.500000000e+00, v13;
	_ =	sdelay $0x1  }
0x318: {  	v45 =	vmul.f32 v13, v21;
	v13 =	vsub.f32 v2, v1;
	v2 =	vld [tilespmem:$0x1F480];
	_ =	sdelay $0x3  }
0x319: {  	v0 =	vmul.f32 v9, v0  }
0x31a: {  	v18 =	vsub.f32 v2, v1;
	v2 =	vmul.f32 v9, v23  }
0x31b: {  	v6 =	vmul.f32 v19, v6;
	[tilespmem:$0x1F810] =	vst v0;
	v0 =	vld [tilespmem:$0x1F4B0]  }
0x31c: {  	[tilespmem:$0x1F800] =	vst v2;
	v2 =	vld [tilespmem:$0x1F490]  }
0x31d: {  	v6 =	vmul.f32 v6, v19;
	_ =	sdelay $0x1  }
0x31e: {  	v6 =	vsub.f32 $1.500000000e+00, v6  }
0x31f: {  	v23 =	vsub.f32 v0, v1;
	v0 =	vld [tilespmem:$0x1F4C0]  }
0x320: {  	v6 =	vmul.f32 v6, v19;
	v19 =	vsub.f32 v2, v1;
	v2 =	vld [tilespmem:$0x1F4A0];
	_ =	sdelay $0x3  }
0x321: {  	v20 =	vmul.f32 v9, v61;
	v3 =	vmul.f32 v9, v40  }
0x322: {  	v0 =	vsub.f32 v0, v1;
	v21 =	vsub.f32 v2, v1;
	v1 =	vmul.f32 v9, v35  }
0x323: {  	v2 =	vmul.f32 v9, v39;
	v9 =	vmul.f32 v9, v28;
	v28 =	vld [tilespmem:$0x1F5A0];
	_ =	sdelay $0x4  }
0x324: {  	v24 =	vmul.f32 v12, v63;
	v63 =	vsub.f32 v28, v53;
	v28 =	vmul.f32 v12, v55;
	_ =	sdelay $0x1  }
0x325: {  	[tilespmem:$0x1F8A0] =	vst v28;
	v28 =	vld [tilespmem:$0x1F5B0];
	_ =	sdelay $0x4  }
0x326: {  	v61 =	vsub.f32 v28, v53;
	v28 =	vld [tilespmem:$0x1F5C0];
	_ =	sdelay $0x4  }
0x327: {  	v25 =	vld [tilespmem:$0x1F580];
	v29 =	vsub.f32 v28, v53;
	v28 =	vmul.f32 v12, v59  }
0x328: {  	v22 =	vld [tilespmem:$0x1F540]  }
0x329: {  	[tilespmem:$0x1F8B0] =	vst v28;
	v28 =	vld [tilespmem:$0x1F5D0]  }
0x32a: {  	[tilespmem:$0x1F860] =	vst v20;
	v20 =	vld [tilespmem:$0x1F530];
	v27 =	vmul.f32 v12, v27  }
0x32b: {  	[tilespmem:$0x1F880] =	vst v24;
	v24 =	vld [tilespmem:$0x1F570]  }
0x32c: {  	[tilespmem:$0x1F890] =	vst v27;
	v27 =	vld [tilespmem:$0x1F590]  }
0x32d: {  	[tilespmem:$0x1F830] =	vst v1;
	v1 =	vld [tilespmem:$0x1F4D0]  }
0x32e: {  	v26 =	vmul.f32 v12, v26;
	v33 =	vsub.f32 v28, v5;
	v28 =	vld [tilespmem:$0x1F5E0]  }
0x32f: {  	[tilespmem:$0x1F840] =	vst v2;
	v2 =	vld [tilespmem:$0x1F4F0]  }
0x330: {  	[tilespmem:$0x1F8D0] =	vst v26;
	v26 =	vld [tilespmem:$0x1F610]  }
0x331: {  	[tilespmem:$0x1F850] =	vst v3;
	v3 =	vld [tilespmem:$0x1F510]  }
0x332: {  	v37 =	vsub.f32 v50, v4;
	v11 =	vld [tilespmem:$0x1F520]  }
0x333: {  	v35 =	vsub.f32 v1, v46;
	v1 =	vld [tilespmem:$0x1F4E0];
	v31 =	vsub.f32 v28, v5;
	v28 =	vmul.f32 v12, v30  }
0x334: {  	v48 =	vsub.f32 v49, v4;
	v14 =	vmul.f32 v12, v14;
	v39 =	vsub.f32 v2, v46;
	v2 =	vld [tilespmem:$0x1F500]  }
0x335: {  	v49 =	vsub.f32 v58, v4;
	v36 =	vsub.f32 v43, v5;
	[tilespmem:$0x1F8C0] =	vst v28;
	v28 =	vld [tilespmem:$0x1F5F0]  }
0x336: {  	v20 =	vsub.f32 v20, v46;
	[tilespmem:$0x1F8E0] =	vst v14;
	v14 =	vld [tilespmem:$0x1F620];
	v3 =	vsub.f32 v3, v46  }
0x337: {  	v43 =	vmul.f32 v8, v10;
	v10 =	vsub.f32 v52, v4;
	v44 =	vmul.f32 v8, v17;
	v17 =	vld [tilespmem:$0x1F640]  }
0x338: {  	v11 =	vsub.f32 v11, v46;
	[tilespmem:$0x1F870] =	vst v9;
	v9 =	vld [tilespmem:$0x1F550];
	v1 =	vsub.f32 v1, v46  }
0x339: {  	v2 =	vsub.f32 v2, v46;
	v46 =	vsub.f32 v22, v46;
	v22 =	vld [tilespmem:$0x1F560]  }
0x33a: {  	v42 =	vmul.f32 v8, v13;
	v12 =	vmul.f32 v12, v16;
	v30 =	vsub.f32 v28, v5;
	v28 =	vld [tilespmem:$0x1F600]  }
0x33b: {  	v13 =	vsub.f32 v47, v4;
	v50 =	vmul.f32 v15, v1;
	v1 =	vld [tilespmem:$0x1F6B0];
	v16 =	vsub.f32 v62, v4  }
0x33c: {  	[tilespmem:$0x1F8F0] =	vst v12;
	v12 =	vsub.f32 v54, v4;
	v4 =	vsub.f32 v32, v4;
	v32 =	vld [tilespmem:$0x1FF10]  }
0x33d: {  	v47 =	vld [tilespmem:$0x1FF30]  }
0x33e: {  	v25 =	vsub.f32 v25, v53;
	v24 =	vsub.f32 v24, v53;
	v41 =	vmul.f32 v8, v18;
	v18 =	vld [tilespmem:$0x1F660]  }
0x33f: {  	v27 =	vsub.f32 v27, v53;
	v40 =	vmul.f32 v8, v23;
	v34 =	vsub.f32 v28, v5;
	v28 =	vld [tilespmem:$0x1F630]  }
0x340: {  	v51 =	vmul.f32 v8, v19;
	v19 =	vld [tilespmem:$0x1F670];
	v52 =	vmul.f32 v8, v21;
	v9 =	vsub.f32 v9, v53  }
0x341: {  	v21 =	vld [tilespmem:$0x1F680];
	v22 =	vsub.f32 v22, v53;
	v53 =	vmul.f32 v8, v0;
	v1 =	vadd.f32 v1, v32  }
0x342: {  	v8 =	vld [tilespmem:$0x1F6C0];
	v54 =	vmul.f32 v15, v3;
	v3 =	vmul.f32 v15, v11  }
0x343: {  	v26 =	vsub.f32 v26, v5;
	[tilespmem:s24+$0xA0] =	vst v1;
	v1 =	vld [tilespmem:$0x1F6D0]  }
0x344: {  	v14 =	vsub.f32 v14, v5;
	[tilespmem:$0x1F900] =	vst v3;
	v3 =	vmul.f32 v15, v46;
	v5 =	vsub.f32 v28, v5;
	v28 =	vld [tilespmem:$0x1FF20]  }
0x345: {  	v55 =	vmul.f32 v15, v20;
	v20 =	vld [tilespmem:$0x1FF40]  }
0x346: {  	[tilespmem:$0x1F910] =	vst v3;
	v3 =	vld [tilespmem:$0x1F6E0]  }
0x347: {  	v38 =	vsub.f32 v21, v56;
	v21 =	vld [tilespmem:$0x1F690]  }
0x348: {  	v59 =	vsub.f32 v17, v56;
	v17 =	vld [tilespmem:$0x1F650];
	v1 =	vadd.f32 v1, v47  }
0x349: {  	v0 =	vld [tilespmem:$0x1F6A0];
	v8 =	vadd.f32 v8, v28  }
0x34a: {  	[tilespmem:s24+$0xC0] =	vst v1;
	v1 =	vld [tilespmem:$0x1F6F0]  }
0x34b: {  	[tilespmem:s24+$0xB0] =	vst v8;
	v8 =	vadd.f32 v3, v20;
	v3 =	vld [tilespmem:$0x1FF50];
	_ =	sdelay $0x2  }
0x34c: {  	v18 =	vsub.f32 v18, v56;
	v19 =	vsub.f32 v19, v56  }
0x34d: {  	v21 =	vsub.f32 v21, v56;
	v17 =	vsub.f32 v17, v56  }
0x34e: {  	v0 =	vsub.f32 v0, v56;
	v56 =	vmul.f32 v7, v9;
	v1 =	vadd.f32 v1, v3  }
0x34f: {  	v9 =	vmul.f32 v7, v25;
	v25 =	vmul.f32 v7, v27;
	v27 =	vld [tilespmem:$0x1FEB0]  }
0x350: {  	[tilespmem:s24+$0xE0] =	vst v1;
	v1 =	vld [tilespmem:$0x1F710];
	_ =	sdelay $0x2  }
0x351: {  	[tilespmem:$0x1F920] =	vst v9;
	v9 =	vmul.f32 v7, v63;
	_ =	sdelay $0x1  }
0x352: {  	[tilespmem:$0x1F930] =	vst v9;
	v9 =	vadd.f32 v1, v27;
	v1 =	vmul.f32 v7, v29  }
0x353: {  	v29 =	vld [tilespmem:$0x1FEE0]  }
0x354: {  	[tilespmem:$0x1F940] =	vst v1;
	v1 =	vld [tilespmem:$0x1F720];
	_ =	sdelay $0x1  }
0x355: {  	v46 =	vld [tilespmem:$0x1FE80]  }
0x356: {  	[tilespmem:s24+$0xD0] =	vst v8;
	v8 =	vld [tilespmem:$0x1F700]  }
0x357: {  	v58 =	vmul.f32 v7, v24;
	v60 =	vmul.f32 v7, v61  }
0x358: {  	v62 =	vmul.f32 v15, v39;
	v39 =	vmul.f32 v7, v22;
	v7 =	vadd.f32 v1, v29;
	v1 =	vld [tilespmem:$0x1F730];
	_ =	sdelay $0x2  }
0x359: {  	v8 =	vadd.f32 v8, v46;
	_ =	sdelay $0x1  }
0x35a: {  	[tilespmem:s24+$0xF0] =	vst v8;
	v8 =	vadd.f32 v1, v32;
	v1 =	vld [tilespmem:$0x1F740];
	_ =	sdelay $0x4  }
0x35b: {  	v11 =	vadd.f32 v1, v28;
	v1 =	vld [tilespmem:$0x1F750];
	_ =	sdelay $0x4  }
0x35c: {  	v35 =	vmul.f32 v15, v35;
	v2 =	vmul.f32 v15, v2;
	v15 =	vadd.f32 v1, v47;
	v1 =	vld [tilespmem:$0x1F760];
	_ =	sdelay $0x1  }
0x35d: {  	v61 =	vmul.f32 v6, v33;
	v22 =	vmul.f32 v6, v26  }
0x35e: {  	v23 =	vmul.f32 v6, v31;
	v24 =	vmul.f32 v6, v30;
	[tilespmem:s24+$0x100] =	vst v9  }
0x35f: {  	v9 =	vmul.f32 v6, v34;
	[tilespmem:s24+$0x110] =	vst v7;
	v7 =	vmul.f32 v6, v36  }
0x360: {  	[tilespmem:s24+$0x120] =	vst v8;
	v8 =	vmul.f32 v6, v14;
	v14 =	vmul.f32 v6, v5;
	v6 =	vadd.f32 v1, v20;
	v1 =	vld [tilespmem:$0x1F770];
	_ =	sdelay $0x3  }
0x361: {  	v4 =	vmul.f32 v45, v4  }
0x362: {  	[tilespmem:s24+$0x130] =	vst v11;
	v11 =	vadd.f32 v1, v3;
	v1 =	vmul.f32 v45, v37  }
0x363: {  	[tilespmem:$0x1FD80] =	vst v4  }
0x364: {  	v4 =	vmul.f32 v57, v59;
	[tilespmem:$0x1FD40] =	vst v1;
	v1 =	vld [tilespmem:$0x1F780];
	_ =	sdelay $0x1  }
0x365: {  	[tilespmem:$0x1FDF0] =	vst v4;
	v4 =	vmul.f32 v57, v17;
	_ =	sdelay $0x1  }
0x366: {  	[tilespmem:$0x1FE00] =	vst v4;
	v4 =	vmul.f32 v57, v18  }
0x367: {  	[tilespmem:s24+$0x150] =	vst v6;
	v6 =	vadd.f32 v1, v46  }
0x368: {  	[tilespmem:$0x1FE20] =	vst v4  }
0x369: {  	v4 =	vmul.f32 v57, v19;
	[tilespmem:s24+$0x170] =	vst v6;
	v6 =	vld [tilespmem:$0x1F7A0]  }
0x36a: {  	v63 =	vmul.f32 v45, v10;
	v10 =	vmul.f32 v45, v13  }
0x36b: {  	[tilespmem:$0x1FE30] =	vst v4;
	v4 =	vmul.f32 v57, v38  }
0x36c: {  	[tilespmem:$0x1FD70] =	vst v10  }
0x36d: {  	v10 =	vld [tilespmem:$0x1F7B0];
	[tilespmem:$0x1FE40] =	vst v4;
	v4 =	vmul.f32 v57, v21  }
0x36e: {  	v6 =	vadd.f32 v6, v29  }
0x36f: {  	[tilespmem:$0x1FE50] =	vst v4;
	v4 =	vld [tilespmem:$0x1F7D0]  }
0x370: {  	[tilespmem:s24+$0x190] =	vst v6;
	v6 =	vld [tilespmem:$0x1F7C0];
	_ =	sdelay $0x1  }
0x371: {  	v13 =	vadd.f32 v10, v32;
	_ =	sdelay $0x1  }
0x372: {  	[tilespmem:s24+$0x1A0] =	vst v13;
	v13 =	vadd.f32 v4, v47;
	v4 =	vld [tilespmem:$0x1F7E0]  }
0x373: {  	v37 =	vmov v28;
	v17 =	vadd.f32 v6, v28;
	v28 =	vld [tilespmem:$0x1FE70]  }
0x374: {  	v1 =	vmul.f32 v45, v49;
	_ =	sdelay $0x1  }
0x375: {  	[tilespmem:$0x1FD60] =	vst v1;
	v1 =	vld [tilespmem:$0x1F790]  }
0x376: {  	v6 =	vld [tilespmem:$0x1F800]  }
0x377: {  	v18 =	vmul.f32 v4, v28;
	v4 =	vld [tilespmem:$0x1FE90];
	_ =	sdelay $0x3  }
0x378: {  	v26 =	vadd.f32 v1, v27;
	v1 =	vmov v27;
	v27 =	vmov v29;
	v29 =	vld [tilespmem:$0x1FEA0]  }
0x379: {  	[tilespmem:s24+$0x1B0] =	vst v17;
	v17 =	vmul.f32 v6, v4;
	v6 =	vld [tilespmem:$0x1F810];
	_ =	sdelay $0x3  }
0x37a: {  	v0 =	vmul.f32 v57, v0  }
0x37b: {  	v19 =	vmul.f32 v6, v29;
	v6 =	vld [tilespmem:$0x1F820]  }
0x37c: {  	[tilespmem:$0x1FE60] =	vst v0;
	v0 =	vld [tilespmem:$0x1F7F0]  }
0x37d: {  	v31 =	vld [tilespmem:$0x1FEF0]  }
0x37e: {  	v30 =	vld [tilespmem:$0x1FEC0]  }
0x37f: {  	[tilespmem:s24+$0x160] =	vst v11;
	v11 =	vld [tilespmem:$0x1F850]  }
0x380: {  	[tilespmem:s24+$0x1C0] =	vst v13;
	v13 =	vadd.f32 v6, v3;
	v6 =	vld [tilespmem:$0x1F830];
	_ =	sdelay $0x1  }
0x381: {  	v33 =	vld [tilespmem:$0x1FF00];
	v0 =	vadd.f32 v0, v20  }
0x382: {  	v10 =	vld [tilespmem:$0x1F840]  }
0x383: {  	[tilespmem:s24+$0x1D0] =	vst v0;
	v0 =	vadd.f32 v17, v27;
	v17 =	vmul.f32 v11, v31;
	v11 =	vld [tilespmem:$0x1F860]  }
0x384: {  	v21 =	vmul.f32 v6, v30;
	v6 =	vld [tilespmem:$0x1FED0];
	_ =	sdelay $0x3  }
0x385: {  	v34 =	vld [tilespmem:$0x1FDB0]  }
0x386: {  	[tilespmem:s24+$0x180] =	vst v26;
	v26 =	vmul.f32 v10, v6;
	v10 =	vmov v27;
	v27 =	vmul.f32 v11, v33;
	v11 =	vld [tilespmem:$0x1F870];
	_ =	sdelay $0x2  }
0x387: {  	v18 =	vadd.f32 v18, v1;
	_ =	sdelay $0x1  }
0x388: {  	[tilespmem:s28+$0xFFFFFE00] =	vst v18;
	v18 =	vmul.f32 v11, v34;
	v11 =	vld [tilespmem:$0x1F880];
	_ =	sdelay $0x4  }
0x389: {  	[tilespmem:s24+$0x1E0] =	vst v13;
	v13 =	vadd.f32 v19, v32;
	v19 =	vmul.f32 v11, v28;
	v11 =	vld [tilespmem:$0x1F890];
	_ =	sdelay $0x4  }
0x38a: {  	[tilespmem:s28+$0xFFFFFE10] =	vst v0;
	v0 =	vadd.f32 v21, v37;
	v21 =	vmul.f32 v11, v4;
	v11 =	vld [tilespmem:$0x1F8A0];
	_ =	sdelay $0x4  }
0x38b: {  	v38 =	vmul.f32 v11, v29;
	v11 =	vld [tilespmem:$0x1F8B0];
	_ =	sdelay $0x4  }
0x38c: {  	[tilespmem:s28+$0xFFFFFE20] =	vst v13;
	v13 =	vadd.f32 v26, v47;
	v26 =	vmul.f32 v11, v30;
	v11 =	vld [tilespmem:$0x1F8C0];
	_ =	sdelay $0x4  }
0x38d: {  	v5 =	vmov v46;
	v46 =	vmov v32;
	v32 =	vmul.f32 v11, v6;
	v11 =	vld [tilespmem:$0x1F8D0];
	_ =	sdelay $0x4  }
0x38e: {  	[tilespmem:s28+$0xFFFFFE30] =	vst v0;
	v0 =	vadd.f32 v17, v20;
	v17 =	vmul.f32 v11, v31;
	v11 =	vld [tilespmem:$0x1F8E0];
	_ =	sdelay $0x1  }
0x38f: {  	[tilespmem:s28+$0xFFFFFE40] =	vst v13;
	v13 =	vadd.f32 v27, v3;
	_ =	sdelay $0x1  }
0x390: {  	[tilespmem:s28+$0xFFFFFE60] =	vst v13;
	v13 =	vadd.f32 v19, v1  }
0x391: {  	v49 =	vmul.f32 v11, v33;
	v11 =	vld [tilespmem:$0x1F8F0]  }
0x392: {  	[tilespmem:s28+$0xFFFFFE80] =	vst v13;
	v13 =	vadd.f32 v38, v46;
	_ =	sdelay $0x1  }
0x393: {  	[tilespmem:s28+$0xFFFFFEA0] =	vst v13;
	v13 =	vadd.f32 v32, v47  }
0x394: {  	[tilespmem:s24+$0x140] =	vst v15;
	v15 =	vmul.f32 v45, v48  }
0x395: {  	[tilespmem:s28+$0xFFFFFEC0] =	vst v13;
	v13 =	vadd.f32 v49, v3;
	v48 =	vmul.f32 v11, v34;
	v11 =	vmul.f32 v43, v28;
	_ =	sdelay $0x1  }
0x396: {  	[tilespmem:s28+$0xFFFFFEE0] =	vst v13;
	v13 =	vadd.f32 v11, v1;
	v1 =	vld [tilespmem:$0x1F920];
	_ =	sdelay $0x1  }
0x397: {  	v59 =	vmul.f32 v42, v29;
	[tilespmem:s28+$0xFFFFFE50] =	vst v0;
	v0 =	vadd.f32 v18, v5  }
0x398: {  	v36 =	vmul.f32 v62, v29;
	v18 =	vmul.f32 v44, v4  }
0x399: {  	v44 =	vmul.f32 v51, v6;
	v51 =	vmul.f32 v2, v30;
	v2 =	vld [tilespmem:$0x1F910];
	[tilespmem:s28+$0xFFFFFE70] =	vst v0;
	v0 =	vadd.f32 v21, v10  }
0x39a: {  	v3 =	vmul.f32 v58, v29;
	v29 =	vmul.f32 v1, v30;
	v1 =	vld [tilespmem:$0x1F930]  }
0x39b: {  	v16 =	vmul.f32 v45, v16;
	[tilespmem:s28+$0xFFFFFE90] =	vst v0;
	v0 =	vadd.f32 v26, v37  }
0x39c: {  	v12 =	vmul.f32 v45, v12;
	v57 =	vmul.f32 v41, v30  }
0x39d: {  	v41 =	vmul.f32 v53, v34;
	v42 =	vmul.f32 v40, v33;
	[tilespmem:s28+$0xFFFFFEB0] =	vst v0;
	v0 =	vld [tilespmem:$0x1F900]  }
0x39e: {  	s26 =	sadd.s32 $0x8, s26;
	v40 =	vmul.f32 v35, v28;
	v25 =	vmul.f32 v25, v6  }
0x39f: {  	p0 =	slt.u32 s26, $0x78;
	v27 =	vmul.f32 v2, v34;
	v17 =	vadd.f32 v17, v20;
	v30 =	vmul.f32 v1, v31;
	v1 =	vld [tilespmem:$0x1F940]  }
.Ltmp0:
0x3a0: {  	v2 =	vmul.f32 v56, v28;
	v38 =	vmul.f32 v50, v4;
	(pc) =	sbr.rel @p0 .LBB2_2-.Ltmp0, $4  }
0x3a1: {  	v50 =	vmul.f32 v54, v6;
	v26 =	vmul.f32 v60, v33;
	[tilespmem:s28+$0xFFFFFED0] =	vst v17;
	v17 =	vadd.f32 v48, v5  }
0x3a2: {  	v32 =	vmul.f32 v0, v31;
	v0 =	vmul.f32 v55, v33  }
0x3a3: {  	s24 =	smov.u32 s28;
	v35 =	vadd.f32 v18, v10;
	v43 =	vmul.f32 v52, v31;
	v48 =	vmul.f32 v39, v4;
	[tilespmem:s28+$0xFFFFFEF0] =	vst v17  }
0x3a4: {  	v37 =	vadd.f32 v59, v46;
	[tilespmem:s24+$0xFFFFFF00] =	vst v13;
	s28 =	sadd.s32 $0x400, s28;
	v31 =	vmul.f32 v1, v34;
	v1 =	vmul.f32 v61, v28  }
0x3a5: {  	[tilespmem:s24+$0xFFFFFF10] =	vst v35  }
0x3a6: {  	v19 =	vld [tilespmem:$0x1FF20]  }
0x3a7: {  	[tilespmem:s24+$0xFFFFFF20] =	vst v37  }
0x3a8: {  	v18 =	vld [tilespmem:$0x1FF30];
	_ =	sdelay $0x2  }
0x3a9: {  	v4 =	vadd.f32 v57, v19;
	_ =	sdelay $0x1  }
0x3aa: {  	v13 =	vadd.f32 v44, v18;
	[tilespmem:s24+$0xFFFFFF30] =	vst v4  }
0x3ab: {  	v17 =	vld [tilespmem:$0x1FF40]  }
0x3ac: {  	[tilespmem:s24+$0xFFFFFF40] =	vst v13  }
0x3ad: {  	v11 =	vld [tilespmem:$0x1FF50];
	_ =	sdelay $0x2  }
0x3ae: {  	v4 =	vadd.f32 v43, v17;
	_ =	sdelay $0x1  }
0x3af: {  	v13 =	vadd.f32 v42, v11;
	[tilespmem:s24+$0xFFFFFF50] =	vst v4  }
0x3b0: {  	v10 =	vld [tilespmem:$0x1FE80]  }
0x3b1: {  	[tilespmem:s24+$0xFFFFFF60] =	vst v13  }
0x3b2: {  	v6 =	vld [tilespmem:$0x1FEB0];
	_ =	sdelay $0x2  }
0x3b3: {  	v4 =	vadd.f32 v41, v10;
	_ =	sdelay $0x1  }
0x3b4: {  	v13 =	vadd.f32 v40, v6;
	[tilespmem:s24+$0xFFFFFF70] =	vst v4  }
0x3b5: {  	v5 =	vld [tilespmem:$0x1FEE0]  }
0x3b6: {  	[tilespmem:s24+$0xFFFFFF80] =	vst v13  }
0x3b7: {  	v2 =	vadd.f32 v2, v6;
	v20 =	vld [tilespmem:$0x1FF10]  }
0x3b8: {  	v0 =	vadd.f32 v0, v11  }
0x3b9: {  	[tilespmem:s24+$0x0] =	vst v2;
	v2 =	vadd.f32 v29, v19  }
0x3ba: {  	[tilespmem:s24+$0xFFFFFFE0] =	vst v0;
	v4 =	vadd.f32 v38, v5  }
0x3bb: {  	[tilespmem:s24+$0x30] =	vst v2;
	v0 =	vadd.f32 v48, v5  }
0x3bc: {  	v13 =	vadd.f32 v36, v20;
	[tilespmem:s24+$0xFFFFFF90] =	vst v4  }
0x3bd: {  	v3 =	vadd.f32 v3, v20;
	[tilespmem:s24+$0x10] =	vst v0  }
0x3be: {  	v4 =	vadd.f32 v51, v19;
	[tilespmem:s24+$0xFFFFFFA0] =	vst v13  }
0x3bf: {  	v0 =	vadd.f32 v25, v18;
	[tilespmem:s24+$0x20] =	vst v3  }
0x3c0: {  	v13 =	vadd.f32 v50, v18;
	[tilespmem:s24+$0xFFFFFFB0] =	vst v4  }
0x3c1: {  	v4 =	vadd.f32 v32, v17;
	[tilespmem:s24+$0x40] =	vst v0  }
0x3c2: {  	[tilespmem:s24+$0xFFFFFFC0] =	vst v13;
	v13 =	vadd.f32 v27, v10  }
0x3c3: {  	[tilespmem:s24+$0xFFFFFFD0] =	vst v4  }
0x3c4: {  	[tilespmem:s24+$0xFFFFFFF0] =	vst v13  }
0x3c5: {  	v21 =	vld [tilespmem:$0x1FE90];
	_ =	sdelay $0x1  }
0x3c6: {  	v3 =	vadd.f32 v30, v17  }
0x3c7: {  	v2 =	vadd.f32 v26, v11  }
0x3c8: {  	[tilespmem:s24+$0x50] =	vst v3  }
0x3c9: {  	v0 =	vmul.f32 v23, v21;
	v23 =	vld [tilespmem:$0x1FEA0];
	[tilespmem:s24+$0x60] =	vst v2  }
0x3ca: {  	v1 =	vadd.f32 v1, v6;
	v4 =	vadd.f32 v31, v10;
	v13 =	vmovc v11;
	v11 =	vmovc v10;
	v10 =	vmov v6;
	v6 =	vld [tilespmem:$0x1FEC0];
	_ =	sdelay $0x3  }
0x3cb: {  	[tilespmem:s24+$0x70] =	vst v4  }
0x3cc: {  	v2 =	vmul.f32 v9, v6;
	v9 =	vmov v6;
	v6 =	vld [tilespmem:$0x1FED0];
	_ =	sdelay $0x3  }
0x3cd: {  	[tilespmem:s24+$0x80] =	vst v1  }
0x3ce: {  	v4 =	vmul.f32 v22, v6;
	v22 =	vmov v6;
	v6 =	vld [tilespmem:$0x1FEF0];
	_ =	sdelay $0x1  }
0x3cf: {  	v0 =	vadd.f32 v0, v5  }
0x3d0: {  	v3 =	vmul.f32 v24, v23  }
0x3d1: {  	[tilespmem:s24+$0x90] =	vst v0  }
0x3d2: {  	v1 =	vadd.f32 v3, v20;
	v3 =	vmul.f32 v7, v6;
	v7 =	vmov v6;
	v6 =	vld [tilespmem:$0x1FF00];
	_ =	sdelay $0x3  }
0x3d3: {  	[tilespmem:s24+$0xA0] =	vst v1  }
0x3d4: {  	v0 =	vadd.f32 v2, v19;
	v2 =	vmul.f32 v8, v6;
	v8 =	vmov v6;
	v6 =	vld [tilespmem:$0x1FDB0];
	_ =	sdelay $0x3  }
0x3d5: {  	[tilespmem:s24+$0xB0] =	vst v0  }
0x3d6: {  	v1 =	vadd.f32 v4, v18;
	v4 =	vmul.f32 v14, v6;
	v14 =	vmov v6;
	v6 =	vld [tilespmem:$0x1FE70];
	_ =	sdelay $0x2  }
0x3d7: {  	v0 =	vadd.f32 v3, v17  }
0x3d8: {  	[tilespmem:s24+$0xC0] =	vst v1;
	v1 =	vadd.f32 v2, v13  }
0x3d9: {  	[tilespmem:s24+$0xD0] =	vst v0;
	v3 =	vmul.f32 v12, v6  }
0x3da: {  	v0 =	vadd.f32 v4, v11;
	[tilespmem:s24+$0xE0] =	vst v1  }
0x3db: {  	v1 =	vadd.f32 v3, v10;
	v3 =	vld [tilespmem:$0x1FD40]  }
0x3dc: {  	v4 =	vmul.f32 v63, v23;
	[tilespmem:s24+$0xF0] =	vst v0  }
0x3dd: {  	v2 =	vmul.f32 v16, v21;
	[tilespmem:s24+$0x100] =	vst v1  }
0x3de: {  	v1 =	vadd.f32 v4, v20;
	v4 =	vld [tilespmem:$0x1FD60]  }
0x3df: {  	v0 =	vadd.f32 v2, v5  }
0x3e0: {  	v3 =	vmul.f32 v3, v9  }
0x3e1: {  	[tilespmem:s24+$0x110] =	vst v0  }
0x3e2: {  	v2 =	vmul.f32 v15, v22;
	v0 =	vadd.f32 v3, v19;
	v3 =	vld [tilespmem:$0x1FD70]  }
0x3e3: {  	[tilespmem:s24+$0x120] =	vst v1;
	v4 =	vmul.f32 v4, v7  }
0x3e4: {  	v1 =	vadd.f32 v2, v18;
	v2 =	vld [tilespmem:$0x1FD80];
	[tilespmem:s24+$0x130] =	vst v0  }
0x3e5: {  	v0 =	vadd.f32 v4, v17;
	v4 =	vld [tilespmem:$0x1FDF0];
	_ =	sdelay $0x1  }
0x3e6: {  	v3 =	vmul.f32 v3, v8  }
0x3e7: {  	[tilespmem:s24+$0x140] =	vst v1  }
0x3e8: {  	v2 =	vmul.f32 v2, v14;
	v1 =	vadd.f32 v3, v13;
	v3 =	vld [tilespmem:$0x1FE00]  }
0x3e9: {  	[tilespmem:s24+$0x150] =	vst v0;
	v4 =	vmul.f32 v4, v6  }
0x3ea: {  	v0 =	vadd.f32 v2, v11;
	v2 =	vld [tilespmem:$0x1FE20];
	[tilespmem:s24+$0x160] =	vst v1  }
0x3eb: {  	v1 =	vadd.f32 v4, v10;
	v4 =	vld [tilespmem:$0x1FE30];
	_ =	sdelay $0x1  }
0x3ec: {  	v3 =	vmul.f32 v3, v21;
	_ =	sdelay $0x1  }
0x3ed: {  	[tilespmem:s24+$0x170] =	vst v0;
	v2 =	vmul.f32 v2, v23;
	v0 =	vadd.f32 v3, v5  }
0x3ee: {  	v3 =	vld [tilespmem:$0x1FE40];
	[tilespmem:s24+$0x180] =	vst v1;
	v4 =	vmul.f32 v4, v9  }
0x3ef: {  	v1 =	vadd.f32 v2, v20;
	v2 =	vld [tilespmem:$0x1FE50];
	[tilespmem:s24+$0x190] =	vst v0  }
0x3f0: {  	v0 =	vadd.f32 v4, v19;
	v4 =	vld [tilespmem:$0x1FE60];
	_ =	sdelay $0x2  }
0x3f1: {  	v3 =	vmul.f32 v3, v22  }
0x3f2: {  	v2 =	vmul.f32 v2, v7  }
0x3f3: {  	[tilespmem:s24+$0x1A0] =	vst v1;
	v1 =	vadd.f32 v3, v18;
	v4 =	vmul.f32 v4, v8  }
0x3f4: {  	[tilespmem:s24+$0x1B0] =	vst v0;
	v0 =	vadd.f32 v2, v17  }
0x3f5: {  	[tilespmem:s24+$0x1C0] =	vst v1;
	v1 =	vadd.f32 v4, v13  }
0x3f6: {  	[tilespmem:s24+$0x1D0] =	vst v0  }
0x3f7: {  	s31 =	simm.s32 $0x0;
	[tilespmem:s24+$0x1E0] =	vst v1  }
0x3f8: {  	[hbm4b:s8+s31] =	stream.linear.scatter [tilespmem:s14], [sflag:$0x2], $0x4000, $0x38;
	[tilespmem:$0x10280] =	vst v63  }
0x3f9: {  	_ =	swait.ge [sflag:s21], $0x4000  }
0x3fa: {  	v49 =	vld [tilespmem:$0x1F9F0]  }
0x3fb: {  	v50 =	vld [tilespmem:$0x1F9D0]  }
0x3fc: {  	v28 =	vld [tilespmem:$0x1F970]  }
0x3fd: {  	v30 =	vld [tilespmem:$0x1F980]  }
0x3fe: {  	v26 =	vld [tilespmem:$0x1F990]  }
0x3ff: {  	v51 =	vld [tilespmem:$0x1F9A0]  }
0x400: {  	[sflag:s21] =	ssyncset.done $0x0;
	v48 =	vld [tilespmem:$0x1F9B0]  }
0x401: {  	s24 =	simm.s32 $0x0;
	v27 =	vld [tilespmem:$0x1F9C0];
	[sflag:s21] =	ssyncadd.s32 $0xFFFFC000  }
0x402: {  	v0 =	vld [tilespmem:s24+$0x4480]  }
0x403: {  	v1 =	vld [tilespmem:s24+$0xC480]  }
0x404: {  	v2 =	vld [tilespmem:s24+$0x4490]  }
0x405: {  	v3 =	vld [tilespmem:s24+$0xC490]  }
0x406: {  	v4 =	vld [tilespmem:s24+$0x44A0]  }
0x407: {  	v5 =	vld [tilespmem:s24+$0xC4A0]  }
0x408: {  	v6 =	vld [tilespmem:s24+$0x44B0]  }
0x409: {  	v7 =	vld [tilespmem:s24+$0xC4B0]  }
0x40a: {  	v8 =	vld [tilespmem:s24+$0x44C0]  }
0x40b: {  	v9 =	vld [tilespmem:s24+$0xC4C0]  }
0x40c: {  	v10 =	vld [tilespmem:s24+$0x44D0]  }
0x40d: {  	v11 =	vld [tilespmem:s24+$0xC4D0]  }
0x40e: {  	v12 =	vld [tilespmem:s24+$0x44E0]  }
0x40f: {  	v13 =	vld [tilespmem:s24+$0xC4E0]  }
0x410: {  	v14 =	vld [tilespmem:s24+$0x44F0]  }
0x411: {  	v15 =	vld [tilespmem:s24+$0xC4F0]  }
0x412: {  	v16 =	vld [tilespmem:s24+$0x4100]  }
0x413: {  	v17 =	vld [tilespmem:s24+$0xC100]  }
0x414: {  	v18 =	vld [tilespmem:s24+$0x4110]  }
0x415: {  	v19 =	vld [tilespmem:s24+$0xC110]  }
0x416: {  	v20 =	vld [tilespmem:s24+$0x4120]  }
0x417: {  	v21 =	vld [tilespmem:s24+$0xC120]  }
0x418: {  	v22 =	vld [tilespmem:s24+$0x4130]  }
0x419: {  	v23 =	vld [tilespmem:s24+$0xC130]  }
0x41a: {  	v24 =	vld [tilespmem:s24+$0x4140]  }
0x41b: {  	v60 =	vld [tilespmem:s24+$0xC140]  }
0x41c: {  	v61 =	vld [tilespmem:s24+$0x4150]  }
0x41d: {  	v62 =	vld [tilespmem:s24+$0xC150]  }
0x41e: {  	v63 =	vld [tilespmem:s24+$0x4160];
	v0 =	vadd.f32 v1, v0  }
0x41f: {  	v29 =	vld [tilespmem:s24+$0xC160];
	v1 =	vadd.f32 v3, v2;
	v3 =	vadd.f32 v5, v4  }
0x420: {  	v39 =	vld [tilespmem:s24+$0x4170];
	v4 =	vadd.f32 v7, v6;
	v6 =	vadd.f32 v9, v8  }
0x421: {  	v2 =	vld [tilespmem:s24+$0xC170];
	v7 =	vadd.f32 v11, v10;
	v9 =	vadd.f32 v13, v12  }
0x422: {  	v5 =	vld [tilespmem:s24+$0x4180];
	v10 =	vadd.f32 v15, v14;
	v12 =	vadd.f32 v0, v49  }
0x423: {  	v8 =	vld [tilespmem:s24+$0xC180];
	v18 =	vadd.f32 v19, v18;
	v13 =	vadd.f32 v1, v50  }
0x424: {  	v11 =	vld [tilespmem:s24+$0x4190];
	v19 =	vadd.f32 v23, v22;
	v14 =	vadd.f32 v3, v28;
	[tilespmem:$0x1F180] =	vst v12  }
0x425: {  	v23 =	vadd.f32 v62, v61;
	v25 =	vadd.f32 v4, v30;
	[tilespmem:$0x1F1C0] =	vst v13  }
0x426: {  	v33 =	vadd.f32 v6, v26;
	v43 =	vadd.f32 v7, v51;
	v0 =	vld [tilespmem:s24+$0xC190];
	[tilespmem:$0x1F1D0] =	vst v14  }
0x427: {  	v57 =	vld [tilespmem:$0x1FFE0];
	v44 =	vadd.f32 v9, v48;
	v45 =	vadd.f32 v10, v27;
	[tilespmem:$0x1F1E0] =	vst v25  }
0x428: {  	v6 =	vadd.f32 v13, v12;
	v7 =	vadd.f32 v25, v14;
	v9 =	vmul.f32 v12, v12;
	v1 =	vld [tilespmem:s24+$0x41A0];
	[tilespmem:$0x1F1F0] =	vst v33  }
0x429: {  	v12 =	vadd.f32 v43, v33;
	v31 =	vadd.f32 v45, v44;
	v46 =	vmul.f32 v25, v25;
	v25 =	vld [tilespmem:$0x1FFF0];
	[tilespmem:$0x1F200] =	vst v43  }
0x42a: {  	v6 =	vadd.f32 v7, v6;
	v3 =	vld [tilespmem:s24+$0xC1A0];
	[tilespmem:$0x1F230] =	vst v44  }
0x42b: {  	v7 =	vadd.f32 v31, v12;
	v12 =	vmul.f32 v45, v45;
	[tilespmem:$0x1F0F0] =	vst v45;
	v45 =	vadd.f32 v23, v51;
	v23 =	vld [tilespmem:$0x1FFD0]  }
0x42c: {  	v4 =	vld [tilespmem:s24+$0x41B0]  }
0x42d: {  	v10 =	vld [tilespmem:s24+$0xC1B0]  }
0x42e: {  	v15 =	vld [tilespmem:s24+$0x41C0]  }
0x42f: {  	v34 =	vld [tilespmem:s24+$0xC1C0]  }
0x430: {  	v13 =	vmul.f32 v13, v13;
	v14 =	vmul.f32 v14, v14;
	v36 =	vld [tilespmem:s24+$0x41D0]  }
0x431: {  	v16 =	vadd.f32 v17, v16;
	v17 =	vmul.f32 v43, v43;
	v33 =	vmul.f32 v33, v33;
	v31 =	vld [tilespmem:s24+$0xC1D0]  }
0x432: {  	v47 =	vmul.f32 v44, v44;
	v9 =	vadd.f32 v13, v9;
	v13 =	vadd.f32 v46, v14;
	v14 =	vld [tilespmem:s24+$0x41E0]  }
0x433: {  	v17 =	vadd.f32 v17, v33;
	v37 =	vld [tilespmem:s24+$0xC1E0]  }
0x434: {  	v12 =	vadd.f32 v12, v47;
	v6 =	vadd.f32 v7, v6;
	v7 =	vld [tilespmem:s24+$0x41F0]  }
0x435: {  	v5 =	vadd.f32 v8, v5;
	v32 =	vld [tilespmem:s24+$0xC210]  }
0x436: {  	v8 =	vld [tilespmem:s24+$0x4220];
	v9 =	vadd.f32 v13, v9;
	v12 =	vadd.f32 v12, v17  }
0x437: {  	v2 =	vadd.f32 v2, v39;
	v47 =	vld [tilespmem:$0x1FFC0]  }
0x438: {  	v39 =	vadd.f32 v18, v50;
	v18 =	vld [tilespmem:s24+$0xC220];
	v22 =	vperm.xlane v6, v57;
	v9 =	vadd.f32 v12, v9  }
0x439: {  	v35 =	vadd.f32 v16, v49;
	v43 =	vadd.f32 v19, v30;
	v13 =	vld [tilespmem:s24+$0xC1F0]  }
0x43a: {  	v17 =	vadd.f32 v21, v20;
	v20 =	vld [tilespmem:s24+$0x4200];
	v6 =	vadd.f32 v6, v22;
	v22 =	vperm.xlane v9, v57  }
0x43b: {  	v21 =	vadd.f32 v60, v24;
	v24 =	vadd.f32 v29, v63;
	v29 =	vld [tilespmem:s24+$0x4210]  }
0x43c: {  	v0 =	vadd.f32 v0, v11;
	v11 =	vld [tilespmem:s24+$0x4230];
	v16 =	vperm.xlane v6, v47;
	v9 =	vadd.f32 v9, v22  }
0x43d: {  	v63 =	vadd.f32 v2, v27;
	v12 =	vld [tilespmem:s24+$0xC200];
	v41 =	vadd.f32 v17, v28  }
0x43e: {  	v17 =	vld [tilespmem:s24+$0xC230];
	v44 =	vadd.f32 v21, v26;
	v6 =	vadd.f32 v6, v16;
	v16 =	vperm.xlane v9, v47  }
0x43f: {  	v1 =	vadd.f32 v3, v1;
	v3 =	vld [tilespmem:s24+$0x4240];
	v52 =	vadd.f32 v24, v48  }
0x440: {  	v24 =	vadd.f32 v5, v49;
	v21 =	vld [tilespmem:s24+$0x4270];
	v19 =	vperm.xlane v6, v23;
	v9 =	vadd.f32 v9, v16  }
0x441: {  	v4 =	vadd.f32 v10, v4;
	v10 =	vld [tilespmem:s24+$0x4250];
	v5 =	vadd.f32 v34, v15  }
0x442: {  	v15 =	vld [tilespmem:s24+$0x4260];
	v38 =	vadd.f32 v1, v28;
	v2 =	vadd.f32 v6, v19;
	v6 =	vperm.xlane v9, v23  }
0x443: {  	v1 =	vadd.f32 v31, v36;
	v40 =	vadd.f32 v4, v30;
	v4 =	vld [tilespmem:s24+$0xC270]  }
0x444: {  	v61 =	vadd.f32 v0, v50;
	v22 =	vld [tilespmem:s24+$0x4280];
	v0 =	vperm.xlane v2, v25;
	v6 =	vadd.f32 v9, v6  }
0x445: {  	v46 =	vadd.f32 v1, v51;
	v1 =	vld [tilespmem:s24+$0xC280]  }
0x446: {  	v16 =	vld [tilespmem:s24+$0xC240];
	v0 =	vadd.f32 v2, v0;
	v2 =	vperm.xlane v6, v25  }
0x447: {  	v19 =	vld [tilespmem:s24+$0xC250]  }
0x448: {  	v9 =	vld [tilespmem:s24+$0xC260];
	v31 =	vmul.f32 $7.812500000e-03, v0;
	v0 =	vadd.f32 v6, v2  }
0x449: {  	v14 =	vadd.f32 v37, v14;
	v2 =	vadd.f32 v13, v7;
	v6 =	vld [tilespmem:s24+$0x4290];
	[tilespmem:$0x1EDF0] =	vst v35  }
0x44a: {  	[tilespmem:$0x1EE00] =	vst v39;
	v13 =	vmul.f32 v31, v31;
	v0 =	vmul.f32 $7.812500000e-03, v0  }
0x44b: {  	v54 =	vadd.f32 v14, v48;
	v14 =	vld [tilespmem:s24+$0xC290];
	v62 =	vadd.f32 v2, v27  }
0x44c: {  	v2 =	vadd.f32 v12, v20;
	v12 =	vld [tilespmem:s24+$0x42A0];
	[tilespmem:$0x1EE10] =	vst v41;
	v0 =	vsub.f32 v0, v13  }
0x44d: {  	[tilespmem:$0x1EE20] =	vst v43  }
0x44e: {  	[tilespmem:$0x1EDE0] =	vst v0  }
0x44f: {  	v0 =	vld [tilespmem:s24+$0xC2A0]  }
0x450: {  	v13 =	vld [tilespmem:s24+$0x42B0];
	[tilespmem:$0x1EE30] =	vst v44  }
0x451: {  	[tilespmem:$0x1EE40] =	vst v45  }
0x452: {  	v8 =	vadd.f32 v18, v8;
	v18 =	vld [tilespmem:s24+$0xC2B0];
	[tilespmem:$0x1EE50] =	vst v52  }
0x453: {  	[tilespmem:$0x1EE60] =	vst v63  }
0x454: {  	v36 =	vadd.f32 v61, v24;
	v34 =	vld [tilespmem:s24+$0x42C0]  }
0x455: {  	v59 =	vadd.f32 v8, v28;
	v8 =	vadd.f32 v17, v11;
	v11 =	vld [tilespmem:s24+$0xC2C0];
	[tilespmem:$0x1EE70] =	vst v24  }
0x456: {  	v42 =	vadd.f32 v5, v26;
	v37 =	vadd.f32 v40, v38;
	[tilespmem:$0x1EE80] =	vst v61  }
0x457: {  	v60 =	vadd.f32 v8, v30;
	v4 =	vadd.f32 v4, v21;
	[tilespmem:$0x1EE90] =	vst v38  }
0x458: {  	v3 =	vadd.f32 v16, v3;
	v10 =	vadd.f32 v19, v10;
	[tilespmem:$0x1EEA0] =	vst v40  }
0x459: {  	v5 =	vmovc v24;
	v7 =	vadd.f32 v39, v35;
	v20 =	vadd.f32 v43, v41;
	v24 =	vmov v38;
	v38 =	vld [tilespmem:s24+$0x42D0]  }
0x45a: {  	v56 =	vadd.f32 v2, v49;
	v2 =	vadd.f32 v32, v29;
	v8 =	vld [tilespmem:s24+$0xC2D0];
	[tilespmem:$0x1EEB0] =	vst v42  }
0x45b: {  	v55 =	vadd.f32 v10, v51;
	v29 =	vadd.f32 v45, v44;
	[tilespmem:$0x1EEC0] =	vst v46  }
0x45c: {  	v17 =	vmul.f32 v35, v35;
	v7 =	vadd.f32 v20, v7;
	v58 =	vadd.f32 v2, v50;
	v19 =	vld [tilespmem:s24+$0x42E0];
	[tilespmem:$0x1EED0] =	vst v54  }
0x45d: {  	v33 =	vmovc v42;
	v32 =	vmov v40;
	v2 =	vadd.f32 v63, v52;
	v40 =	vadd.f32 v46, v42;
	[tilespmem:$0x1EEE0] =	vst v62  }
0x45e: {  	v53 =	vmovc v54;
	v16 =	vmul.f32 v41, v41;
	v42 =	vadd.f32 v62, v54;
	v54 =	vadd.f32 v3, v26;
	v3 =	vld [tilespmem:s24+$0xC2E0]  }
0x45f: {  	v39 =	vmul.f32 v39, v39;
	v9 =	vadd.f32 v9, v15;
	v15 =	vmul.f32 v45, v45;
	v10 =	vld [tilespmem:s24+$0x42F0]  }
0x460: {  	v41 =	vmul.f32 v43, v43;
	v43 =	vmul.f32 v44, v44;
	v2 =	vadd.f32 v2, v29;
	v21 =	vld [tilespmem:s24+$0xC2F0];
	[tilespmem:$0x1ED50] =	vst v7  }
0x461: {  	v7 =	vld [tilespmem:s24+$0x4300];
	v45 =	vadd.f32 v18, v13;
	v13 =	vmul.f32 v5, v5;
	v5 =	vadd.f32 v39, v17  }
0x462: {  	v0 =	vadd.f32 v0, v12;
	v12 =	vld [tilespmem:s24+$0xC300];
	[tilespmem:$0x1ED60] =	vst v2  }
0x463: {  	v20 =	vmul.f32 v61, v61;
	v2 =	vadd.f32 v11, v34;
	v11 =	vld [tilespmem:s24+$0x4310];
	[tilespmem:$0x1ED70] =	vst v5;
	v5 =	vadd.f32 v15, v43  }
0x464: {  	v6 =	vadd.f32 v14, v6;
	v14 =	vmul.f32 v63, v63;
	v52 =	vmul.f32 v52, v52;
	v29 =	vld [tilespmem:s24+$0xC310]  }
0x465: {  	v35 =	vmov v46;
	v46 =	vadd.f32 v8, v38;
	v8 =	vld [tilespmem:s24+$0x4320];
	[tilespmem:$0x1ED80] =	vst v5;
	v5 =	vadd.f32 v37, v36  }
0x466: {  	v43 =	vadd.f32 v14, v52;
	v13 =	vadd.f32 v20, v13  }
0x467: {  	v14 =	vld [tilespmem:s24+$0xC320];
	[tilespmem:$0x1ED90] =	vst v5;
	v5 =	vadd.f32 v12, v7;
	v12 =	vadd.f32 v42, v40  }
0x468: {  	v32 =	vmul.f32 v32, v32;
	v63 =	vmul.f32 v24, v24;
	v7 =	vld [tilespmem:s24+$0x4330];
	[tilespmem:$0x1EDB0] =	vst v13  }
0x469: {  	v33 =	vmul.f32 v33, v33;
	[tilespmem:$0x1EDA0] =	vst v12  }
0x46a: {  	v15 =	vadd.f32 v32, v63;
	v44 =	vadd.f32 v21, v10;
	v10 =	vmul.f32 v35, v35;
	v52 =	vld [tilespmem:s24+$0xC330];
	[tilespmem:$0x1EEF0] =	vst v56  }
0x46b: {  	[tilespmem:$0x1EF00] =	vst v58  }
0x46c: {  	v10 =	vadd.f32 v10, v33;
	[tilespmem:$0x1EDC0] =	vst v15  }
0x46d: {  	v61 =	vld [tilespmem:s24+$0x4340]  }
0x46e: {  	v14 =	vadd.f32 v14, v8;
	v8 =	vld [tilespmem:s24+$0xC340];
	[tilespmem:$0x1EDD0] =	vst v10  }
0x46f: {  	[tilespmem:$0x1EF10] =	vst v59  }
0x470: {  	v12 =	vmul.f32 v53, v53;
	v13 =	vadd.f32 v29, v11;
	[tilespmem:$0x1EF20] =	vst v60  }
0x471: {  	v11 =	vmul.f32 v62, v62;
	v53 =	vadd.f32 v58, v56;
	v10 =	vadd.f32 v60, v59;
	v62 =	vld [tilespmem:s24+$0x4350]  }
0x472: {  	v1 =	vadd.f32 v1, v22;
	v20 =	vadd.f32 v4, v27;
	v4 =	vld [tilespmem:s24+$0xC350]  }
0x473: {  	v21 =	vadd.f32 v9, v48;
	v40 =	vadd.f32 v10, v53;
	v10 =	vld [tilespmem:s24+$0x4360];
	[tilespmem:$0x1EF30] =	vst v54  }
0x474: {  	[tilespmem:$0x1EF40] =	vst v55  }
0x475: {  	v18 =	vadd.f32 v1, v49;
	v17 =	vadd.f32 v6, v50;
	[tilespmem:$0x1EF50] =	vst v21  }
0x476: {  	v9 =	vadd.f32 v20, v21;
	v42 =	vadd.f32 v11, v12;
	[tilespmem:$0x1EF60] =	vst v20  }
0x477: {  	v58 =	vmul.f32 v58, v58;
	v63 =	vld [tilespmem:s24+$0xC360];
	v11 =	vadd.f32 v52, v7;
	v7 =	vadd.f32 v55, v54  }
0x478: {  	v53 =	vadd.f32 v8, v61;
	v8 =	vmul.f32 v56, v56;
	v61 =	vmul.f32 v20, v20  }
0x479: {  	v35 =	vadd.f32 v9, v7;
	v7 =	vmul.f32 v59, v59;
	v59 =	vmul.f32 v60, v60  }
0x47a: {  	v34 =	vadd.f32 v58, v8;
	v8 =	vmul.f32 v54, v54;
	v54 =	vadd.f32 v4, v62  }
0x47b: {  	v1 =	vld [tilespmem:s24+$0xC370];
	v4 =	vmul.f32 v21, v21;
	v32 =	vadd.f32 v59, v7;
	v7 =	vadd.f32 v46, v51  }
0x47c: {  	v60 =	vmul.f32 v55, v55;
	v55 =	vadd.f32 v63, v10;
	v10 =	vadd.f32 v0, v28;
	v0 =	vld [tilespmem:s24+$0x4380]  }
0x47d: {  	v33 =	vadd.f32 v61, v4;
	v4 =	vld [tilespmem:s24+$0x4370];
	[tilespmem:$0x1EFC0] =	vst v7  }
0x47e: {  	v15 =	vadd.f32 v2, v26;
	v2 =	vld [tilespmem:s24+$0xC380];
	[tilespmem:$0x1EF80] =	vst v17  }
0x47f: {  	v12 =	vadd.f32 v45, v30;
	[tilespmem:$0x1EF70] =	vst v18  }
0x480: {  	[tilespmem:$0x1EF90] =	vst v10  }
0x481: {  	v6 =	vadd.f32 v17, v18;
	v3 =	vadd.f32 v3, v19;
	[tilespmem:$0x1EFA0] =	vst v12  }
0x482: {  	v38 =	vadd.f32 v60, v8;
	v8 =	vadd.f32 v44, v27;
	v46 =	vld [tilespmem:s24+$0x4390]  }
0x483: {  	v9 =	vmovc v10;
	v45 =	vadd.f32 v12, v10;
	v10 =	vmov v12;
	v12 =	vadd.f32 v3, v48;
	v44 =	vld [tilespmem:s24+$0xC390]  }
0x484: {  	v56 =	vadd.f32 v1, v4;
	v1 =	vld [tilespmem:s24+$0x43A0];
	[tilespmem:$0x1EFB0] =	vst v15  }
0x485: {  	v52 =	vmul.f32 v9, v9;
	v63 =	vadd.f32 v45, v6;
	v58 =	vmul.f32 v10, v10;
	[tilespmem:$0x1EFD0] =	vst v12  }
0x486: {  	v36 =	vmul.f32 v8, v8;
	v3 =	vadd.f32 v7, v15;
	v10 =	vadd.f32 v5, v49;
	[tilespmem:$0x1EFE0] =	vst v8  }
0x487: {  	v4 =	vadd.f32 v8, v12;
	v62 =	vmul.f32 v12, v12;
	v45 =	vld [tilespmem:s24+$0xC3A0];
	v52 =	vadd.f32 v58, v52  }
0x488: {  	v6 =	vadd.f32 v2, v0;
	v0 =	vmul.f32 v18, v18;
	v2 =	vmul.f32 v17, v17  }
0x489: {  	v59 =	vmul.f32 v7, v7;
	v39 =	vadd.f32 v4, v3;
	v24 =	vadd.f32 v36, v62  }
0x48a: {  	v62 =	vld [tilespmem:s24+$0x43C0];
	v37 =	vadd.f32 v2, v0;
	v0 =	vmul.f32 v15, v15;
	v2 =	vadd.f32 v53, v26  }
0x48b: {  	v3 =	vadd.f32 v54, v51;
	v60 =	vadd.f32 v44, v46;
	v44 =	vld [tilespmem:s24+$0xC3B0]  }
0x48c: {  	v58 =	vadd.f32 v45, v1;
	v45 =	vadd.f32 v59, v0;
	v59 =	vld [tilespmem:s24+$0x43B0];
	[tilespmem:$0x1F030] =	vst v2  }
0x48d: {  	v9 =	vadd.f32 v13, v50;
	[tilespmem:$0x1F040] =	vst v3  }
0x48e: {  	v8 =	vadd.f32 v14, v28;
	v46 =	vld [tilespmem:s24+$0xC3C0];
	[tilespmem:$0x1EFF0] =	vst v10  }
0x48f: {  	v7 =	vadd.f32 v11, v30;
	[tilespmem:$0x1F000] =	vst v9  }
0x490: {  	[tilespmem:$0x1F010] =	vst v8  }
0x491: {  	[tilespmem:$0x1F020] =	vst v7  }
0x492: {  	v36 =	vadd.f32 v9, v10;
	v0 =	vadd.f32 v7, v8;
	v1 =	vld [tilespmem:s24+$0x43D0]  }
0x493: {  	v5 =	vadd.f32 v55, v48;
	v4 =	vadd.f32 v56, v27;
	v20 =	vld [tilespmem:s24+$0xC3D0]  }
0x494: {  	v55 =	vadd.f32 v3, v2;
	v36 =	vadd.f32 v0, v36;
	v0 =	vmul.f32 v9, v9  }
0x495: {  	v54 =	vld [tilespmem:s24+$0x43E0];
	[tilespmem:$0x1F050] =	vst v5;
	v9 =	vadd.f32 v6, v49;
	v62 =	vadd.f32 v46, v62;
	v46 =	vmul.f32 v10, v10  }
0x496: {  	v29 =	vmul.f32 v4, v4;
	[tilespmem:$0x1F060] =	vst v4;
	v56 =	vadd.f32 v44, v59;
	v44 =	vadd.f32 v4, v5  }
0x497: {  	v61 =	vld [tilespmem:s24+$0xC3E0];
	v21 =	vadd.f32 v0, v46;
	v46 =	vmul.f32 v2, v2;
	v0 =	vmul.f32 v3, v3  }
0x498: {  	v2 =	vld [tilespmem:s24+$0x43F0];
	v3 =	vadd.f32 v20, v1;
	v20 =	vmul.f32 v5, v5;
	v5 =	vadd.f32 v60, v50  }
0x499: {  	v22 =	vadd.f32 v44, v55;
	v55 =	vmul.f32 v8, v8;
	v8 =	vadd.f32 v56, v30;
	v1 =	vld [tilespmem:s24+$0xC3F0];
	[tilespmem:$0x1F070] =	vst v9  }
0x49a: {  	v18 =	vadd.f32 v0, v46;
	[tilespmem:$0x1F080] =	vst v5;
	v0 =	vadd.f32 v58, v28  }
0x49b: {  	v44 =	vmul.f32 v7, v7;
	v10 =	vadd.f32 v62, v26;
	v29 =	vadd.f32 v29, v20;
	v20 =	vld [tilespmem:s24+$0x4400];
	[tilespmem:$0x1F0A0] =	vst v8  }
0x49c: {  	[tilespmem:$0x1F090] =	vst v0  }
0x49d: {  	v19 =	vadd.f32 v44, v55;
	v44 =	vld [tilespmem:s24+$0xC400];
	[tilespmem:$0x1F0B0] =	vst v10  }
0x49e: {  	v41 =	vadd.f32 v41, v16;
	v11 =	vadd.f32 v3, v51;
	v6 =	vld [tilespmem:s24+$0x4410]  }
0x49f: {  	v59 =	vadd.f32 v61, v54;
	v46 =	vadd.f32 v5, v9;
	v3 =	vmul.f32 v9, v9;
	v4 =	vld [tilespmem:s24+$0xC410]  }
0x4a0: {  	v56 =	vmul.f32 v10, v10;
	v7 =	vadd.f32 v1, v2;
	v1 =	vmul.f32 v5, v5;
	[tilespmem:$0x1F0C0] =	vst v11  }
0x4a1: {  	v53 =	vadd.f32 v8, v0;
	v54 =	vmul.f32 v0, v0;
	v0 =	vmul.f32 v11, v11;
	v5 =	vld [tilespmem:s24+$0x4420]  }
0x4a2: {  	v2 =	vld [tilespmem:s24+$0xC420];
	v16 =	vadd.f32 v1, v3;
	v3 =	vadd.f32 v59, v48  }
0x4a3: {  	v55 =	vmul.f32 v8, v8;
	v14 =	vadd.f32 v0, v56;
	v8 =	vld [tilespmem:s24+$0x4430];
	v0 =	vadd.f32 v7, v27  }
0x4a4: {  	v58 =	vadd.f32 v4, v6;
	v6 =	vld [tilespmem:s24+$0xC430];
	[tilespmem:$0x1F0D0] =	vst v3  }
0x4a5: {  	[tilespmem:$0x1F0E0] =	vst v0  }
0x4a6: {  	v20 =	vadd.f32 v44, v20;
	v4 =	vmul.f32 v0, v0;
	v0 =	vadd.f32 v0, v3;
	v7 =	vld [tilespmem:s24+$0x4440]  }
0x4a7: {  	v9 =	vadd.f32 v2, v5;
	v2 =	vld [tilespmem:s24+$0xC440]  }
0x4a8: {  	v1 =	vmul.f32 v3, v3;
	v5 =	vadd.f32 v11, v10;
	v3 =	vld [tilespmem:s24+$0x4450];
	v10 =	vadd.f32 v20, v49  }
0x4a9: {  	v20 =	vld [tilespmem:s24+$0xC450];
	v11 =	vadd.f32 v58, v50  }
0x4aa: {  	v12 =	vadd.f32 v0, v5;
	v5 =	vmul.f32 v10, v10;
	[tilespmem:$0x1F110] =	vst v10;
	v0 =	vmov v10;
	v10 =	vld [tilespmem:$0x1ED60]  }
0x4ab: {  	v13 =	vadd.f32 v4, v1;
	v4 =	vadd.f32 v6, v8;
	v8 =	vld [tilespmem:$0x1ED50];
	_ =	sdelay $0x1  }
0x4ac: {  	v6 =	vmul.f32 v11, v11;
	_ =	sdelay $0x1  }
0x4ad: {  	v1 =	vmov v11;
	[tilespmem:$0x1F120] =	vst v11;
	v11 =	vadd.f32 v6, v5;
	v6 =	vld [tilespmem:$0x1ED80]  }
0x4ae: {  	v8 =	vadd.f32 v10, v8;
	v10 =	vld [tilespmem:$0x1ED70]  }
0x4af: {  	v2 =	vadd.f32 v2, v7;
	v7 =	vld [tilespmem:s24+$0x4460]  }
0x4b0: {  	v3 =	vadd.f32 v20, v3;
	v5 =	vld [tilespmem:s24+$0xC460];
	_ =	sdelay $0x1  }
0x4b1: {  	v20 =	vadd.f32 v2, v26;
	v26 =	vadd.f32 v3, v51  }
0x4b2: {  	v41 =	vadd.f32 v41, v10;
	v10 =	vadd.f32 v43, v6  }
0x4b3: {  	v6 =	vadd.f32 v9, v28;
	v9 =	vadd.f32 v4, v30  }
0x4b4: {  	v2 =	vadd.f32 v1, v0;
	v5 =	vadd.f32 v5, v7  }
0x4b5: {  	v3 =	vadd.f32 v9, v6;
	v7 =	vmul.f32 v6, v6;
	v0 =	vmul.f32 v9, v9  }
0x4b6: {  	v59 =	vld [tilespmem:s24+$0x4470]  }
0x4b7: {  	[tilespmem:$0x1F130] =	vst v6;
	v6 =	vadd.f32 v3, v2;
	v2 =	vadd.f32 v0, v7;
	v0 =	vld [tilespmem:$0x1ED90]  }
0x4b8: {  	v7 =	vld [tilespmem:$0x1EDA0];
	_ =	sdelay $0x1  }
0x4b9: {  	v1 =	vmul.f32 v26, v26;
	v3 =	vmul.f32 v20, v20;
	_ =	sdelay $0x1  }
0x4ba: {  	v1 =	vadd.f32 v1, v3;
	v3 =	vld [tilespmem:$0x1EDC0]  }
0x4bb: {  	v60 =	vadd.f32 v7, v0;
	v0 =	vld [tilespmem:$0x1EDB0];
	_ =	sdelay $0x4  }
0x4bc: {  	v7 =	vadd.f32 v3, v0;
	v0 =	vld [tilespmem:$0x1EDD0]  }
0x4bd: {  	v35 =	vadd.f32 v35, v40;
	v34 =	vadd.f32 v32, v34;
	[tilespmem:$0x1F140] =	vst v9  }
0x4be: {  	v24 =	vadd.f32 v24, v45;
	v62 =	vadd.f32 v33, v38;
	v4 =	vld [tilespmem:s24+$0xC470]  }
0x4bf: {  	v22 =	vadd.f32 v22, v36;
	v17 =	vadd.f32 v53, v46  }
0x4c0: {  	v19 =	vadd.f32 v19, v21;
	v15 =	vadd.f32 v55, v54  }
0x4c1: {  	v12 =	vadd.f32 v12, v17;
	v42 =	vadd.f32 v42, v0;
	v0 =	vld [tilespmem:$0x1EDE0]  }
0x4c2: {  	v15 =	vadd.f32 v15, v16;
	v13 =	vadd.f32 v13, v14  }
0x4c3: {  	v18 =	vadd.f32 v29, v18;
	v17 =	vperm.xlane v12, v57;
	v4 =	vadd.f32 v4, v59  }
0x4c4: {  	v13 =	vadd.f32 v13, v15;
	v9 =	vadd.f32 v5, v48  }
0x4c5: {  	v12 =	vadd.f32 v12, v17;
	v27 =	vadd.f32 v4, v27  }
0x4c6: {  	v30 =	vadd.f32 v39, v63;
	v61 =	vmul.f32 v9, v9;
	v3 =	vadd.f32 $9.999999960e-13, v0  }
0x4c7: {  	v4 =	vadd.f32 v26, v20;
	v48 =	vadd.f32 v27, v9;
	v0 =	vmul.f32 v27, v27  }
0x4c8: {  	v15 =	vperm.xlane v30, v57;
	v44 =	vshrl.u32 v3, $0x1;
	v46 =	vmul.f32 $5.000000000e-01, v3  }
0x4c9: {  	v3 =	vadd.f32 v48, v4;
	v0 =	vadd.f32 v0, v61;
	v4 =	vsub.s32 $0x5F3759DF, v44  }
0x4ca: {  	v15 =	vadd.f32 v30, v15;
	v2 =	vadd.f32 v2, v11;
	v28 =	vmul.f32 v4, v46  }
0x4cb: {  	[tilespmem:$0x1F160] =	vst v26;
	v26 =	vadd.f32 v52, v37;
	v0 =	vadd.f32 v0, v1  }
0x4cc: {  	v1 =	vadd.f32 v10, v41;
	v10 =	vperm.xlane v8, v57;
	v21 =	vmul.f32 v4, v28  }
0x4cd: {  	v16 =	vperm.xlane v60, v57;
	v11 =	vadd.f32 v24, v26;
	v6 =	vadd.f32 v3, v6  }
0x4ce: {  	v8 =	vadd.f32 v8, v10;
	v10 =	vperm.xlane v35, v57;
	v14 =	vsub.f32 $1.500000000e+00, v21  }
0x4cf: {  	v0 =	vadd.f32 v0, v2;
	v2 =	vadd.f32 v60, v16;
	v16 =	vperm.xlane v22, v57  }
0x4d0: {  	v10 =	vadd.f32 v35, v10;
	v3 =	vmul.f32 v4, v14;
	v4 =	vadd.f32 v42, v7  }
0x4d1: {  	v7 =	vadd.f32 v62, v34;
	v14 =	vadd.f32 v18, v19;
	v18 =	vperm.xlane v6, v57  }
0x4d2: {  	v16 =	vadd.f32 v22, v16;
	v21 =	vperm.xlane v8, v47;
	v17 =	vperm.xlane v4, v57  }
0x4d3: {  	v19 =	vperm.xlane v1, v57;
	v6 =	vadd.f32 v6, v18;
	v18 =	vperm.xlane v7, v57  }
0x4d4: {  	v8 =	vadd.f32 v8, v21;
	v4 =	vadd.f32 v4, v17;
	v17 =	vperm.xlane v11, v57  }
0x4d5: {  	v1 =	vadd.f32 v1, v19;
	v7 =	vadd.f32 v7, v18;
	v18 =	vperm.xlane v13, v57  }
0x4d6: {  	v19 =	vperm.xlane v14, v57;
	v11 =	vadd.f32 v11, v17;
	v17 =	vperm.xlane v0, v57  }
0x4d7: {  	v21 =	vperm.xlane v12, v47;
	v13 =	vadd.f32 v13, v18;
	v18 =	vperm.xlane v2, v47  }
0x4d8: {  	v14 =	vadd.f32 v14, v19;
	v0 =	vadd.f32 v0, v17;
	v17 =	vperm.xlane v10, v47  }
0x4d9: {  	v19 =	vperm.xlane v15, v47;
	v2 =	vadd.f32 v2, v18;
	v18 =	vperm.xlane v16, v47  }
0x4da: {  	v12 =	vadd.f32 v12, v21;
	v10 =	vadd.f32 v10, v17;
	v17 =	vperm.xlane v6, v47  }
0x4db: {  	v15 =	vadd.f32 v15, v19;
	v16 =	vadd.f32 v16, v18;
	v18 =	vperm.xlane v1, v47  }
0x4dc: {  	v19 =	vperm.xlane v7, v47;
	v6 =	vadd.f32 v6, v17;
	v17 =	vperm.xlane v4, v47  }
0x4dd: {  	v21 =	vperm.xlane v14, v47;
	v1 =	vadd.f32 v1, v18;
	v18 =	vperm.xlane v11, v47  }
0x4de: {  	v7 =	vadd.f32 v7, v19;
	v4 =	vadd.f32 v4, v17;
	v17 =	vperm.xlane v13, v47  }
0x4df: {  	v14 =	vadd.f32 v14, v21;
	v11 =	vadd.f32 v11, v18;
	v18 =	vperm.xlane v8, v23  }
0x4e0: {  	v21 =	vperm.xlane v15, v23;
	v13 =	vadd.f32 v13, v17;
	v17 =	vperm.xlane v0, v47  }
0x4e1: {  	v19 =	vperm.xlane v2, v23;
	v8 =	vadd.f32 v8, v18;
	v18 =	vperm.xlane v10, v23  }
0x4e2: {  	v15 =	vadd.f32 v15, v21;
	v0 =	vadd.f32 v0, v17;
	v17 =	vperm.xlane v16, v23  }
0x4e3: {  	v21 =	vperm.xlane v7, v23;
	v10 =	vadd.f32 v10, v18;
	v18 =	vperm.xlane v12, v23  }
0x4e4: {  	v2 =	vadd.f32 v2, v19;
	v16 =	vadd.f32 v16, v17;
	v17 =	vperm.xlane v6, v23  }
0x4e5: {  	v19 =	vperm.xlane v1, v23;
	v12 =	vadd.f32 v12, v18;
	v18 =	vperm.xlane v4, v23  }
0x4e6: {  	v7 =	vadd.f32 v7, v21;
	v6 =	vadd.f32 v6, v17;
	v17 =	vperm.xlane v11, v23  }
0x4e7: {  	v1 =	vadd.f32 v1, v19;
	v4 =	vadd.f32 v4, v18;
	v18 =	vperm.xlane v14, v23  }
0x4e8: {  	v19 =	vperm.xlane v0, v23;
	v11 =	vadd.f32 v11, v17;
	v17 =	vperm.xlane v13, v23  }
0x4e9: {  	v21 =	vperm.xlane v2, v25;
	v14 =	vadd.f32 v14, v18;
	v18 =	vperm.xlane v8, v25  }
0x4ea: {  	v13 =	vadd.f32 v13, v17;
	v17 =	vadd.f32 v0, v19;
	v0 =	vperm.xlane v10, v25  }
0x4eb: {  	v2 =	vadd.f32 v2, v21;
	v8 =	vadd.f32 v8, v18;
	v18 =	vperm.xlane v15, v25  }
0x4ec: {  	v21 =	vperm.xlane v6, v25;
	v19 =	vperm.xlane v12, v25;
	v0 =	vadd.f32 v10, v0  }
0x4ed: {  	v10 =	vperm.xlane v16, v25;
	v15 =	vadd.f32 v15, v18;
	v18 =	vmul.f32 v3, v46  }
0x4ee: {  	v12 =	vadd.f32 v12, v19;
	v19 =	vadd.f32 v6, v21;
	v6 =	vperm.xlane v4, v25  }
0x4ef: {  	v8 =	vmul.f32 $7.812500000e-03, v8;
	v21 =	vperm.xlane v17, v25  }
0x4f0: {  	v10 =	vadd.f32 v16, v10;
	v16 =	vperm.xlane v1, v25;
	v18 =	vmul.f32 v18, v3  }
0x4f1: {  	v4 =	vadd.f32 v4, v6;
	v6 =	vmul.f32 $7.812500000e-03, v2;
	v2 =	vperm.xlane v11, v25  }
0x4f2: {  	v0 =	vmul.f32 $7.812500000e-03, v0;
	v48 =	vmul.f32 $7.812500000e-03, v12  }
0x4f3: {  	v12 =	vadd.f32 v17, v21;
	v1 =	vadd.f32 v1, v16;
	v16 =	vperm.xlane v7, v25  }
0x4f4: {  	v11 =	vadd.f32 v11, v2;
	v2 =	vmul.f32 $7.812500000e-03, v15;
	v15 =	vperm.xlane v13, v25  }
0x4f5: {  	v4 =	vmul.f32 $7.812500000e-03, v4;
	v12 =	vmul.f32 $7.812500000e-03, v12;
	v7 =	vadd.f32 v7, v16  }
0x4f6: {  	v16 =	vperm.xlane v14, v25;
	v13 =	vadd.f32 v13, v15;
	v15 =	vmul.f32 v6, v6  }
0x4f7: {  	v18 =	vsub.f32 $1.500000000e+00, v18;
	v1 =	vmul.f32 $7.812500000e-03, v1;
	v11 =	vmul.f32 $7.812500000e-03, v11  }
0x4f8: {  	v14 =	vadd.f32 v14, v16;
	v16 =	vmul.f32 v8, v8;
	v4 =	vsub.f32 v4, v15  }
0x4f9: {  	v7 =	vmul.f32 $7.812500000e-03, v7;
	v15 =	vmul.f32 v0, v0  }
0x4fa: {  	[tilespmem:$0x1F150] =	vst v20;
	v20 =	vmul.f32 v18, v3;
	v16 =	vsub.f32 v1, v16;
	v4 =	vadd.f32 $9.999999960e-13, v4  }
0x4fb: {  	v1 =	vmul.f32 $7.812500000e-03, v10;
	v10 =	vmul.f32 $7.812500000e-03, v19;
	v7 =	vsub.f32 v7, v15  }
0x4fc: {  	v14 =	vmul.f32 $7.812500000e-03, v14;
	v16 =	vadd.f32 $9.999999960e-13, v16;
	v19 =	vmul.f32 $5.000000000e-01, v4  }
0x4fd: {  	v17 =	vshrl.u32 v4, $0x1;
	v4 =	vmul.f32 v2, v2;
	v24 =	vmul.f32 v10, v10  }
0x4fe: {  	v17 =	vsub.s32 $0x5F3759DF, v17;
	v15 =	vshrl.u32 v16, $0x1;
	v16 =	vmul.f32 $5.000000000e-01, v16  }
0x4ff: {  	v11 =	vsub.f32 v11, v4;
	v4 =	vmul.f32 v17, v19;
	v15 =	vsub.s32 $0x5F3759DF, v15  }
0x500: {  	v21 =	vmul.f32 v1, v1;
	v22 =	vmul.f32 v15, v16  }
0x501: {  	v13 =	vmul.f32 $7.812500000e-03, v13;
	v3 =	vsub.f32 v12, v24;
	v23 =	vmul.f32 v17, v4  }
0x502: {  	v14 =	vsub.f32 v14, v21;
	v21 =	vmul.f32 v15, v22;
	v22 =	vmul.f32 v48, v48  }
0x503: {  	v3 =	vadd.f32 $9.999999960e-13, v3;
	v12 =	vsub.f32 $1.500000000e+00, v23  }
0x504: {  	v7 =	vadd.f32 $9.999999960e-13, v7;
	v13 =	vsub.f32 v13, v22  }
0x505: {  	v24 =	vshrl.u32 v3, $0x1;
	v12 =	vmul.f32 v17, v12  }
0x506: {  	v17 =	vshrl.u32 v7, $0x1;
	v7 =	vmul.f32 $5.000000000e-01, v7;
	v13 =	vadd.f32 $9.999999960e-13, v13  }
0x507: {  	v3 =	vmul.f32 $5.000000000e-01, v3;
	v24 =	vsub.s32 $0x5F3759DF, v24;
	v17 =	vsub.s32 $0x5F3759DF, v17  }
0x508: {  	v23 =	vmul.f32 v17, v7;
	v22 =	vshrl.u32 v13, $0x1;
	v13 =	vmul.f32 $5.000000000e-01, v13  }
0x509: {  	v29 =	vmul.f32 v24, v3;
	v22 =	vsub.s32 $0x5F3759DF, v22  }
0x50a: {  	v23 =	vmul.f32 v17, v23;
	v28 =	vmul.f32 v22, v13  }
0x50b: {  	v4 =	vld [tilespmem:$0x1EDF0];
	v21 =	vsub.f32 $1.500000000e+00, v21  }
0x50c: {  	v29 =	vmul.f32 v24, v29;
	v23 =	vsub.f32 $1.500000000e+00, v23;
	v28 =	vmul.f32 v22, v28  }
0x50d: {  	v15 =	vmul.f32 v15, v21  }
0x50e: {  	v17 =	vmul.f32 v17, v23;
	v23 =	vsub.f32 $1.500000000e+00, v28;
	v28 =	vsub.f32 $1.500000000e+00, v29  }
0x50f: {  	v11 =	vadd.f32 $9.999999960e-13, v11;
	v16 =	vmul.f32 v15, v16  }
0x510: {  	v22 =	vmul.f32 v22, v23;
	v23 =	vmul.f32 v24, v28;
	v24 =	vsub.f32 v4, v8;
	v4 =	vld [tilespmem:$0x1EE00]  }
0x511: {  	v16 =	vmul.f32 v16, v15  }
0x512: {  	v18 =	vshrl.u32 v11, $0x1;
	v11 =	vmul.f32 $5.000000000e-01, v11  }
0x513: {  	v18 =	vsub.s32 $0x5F3759DF, v18;
	v16 =	vsub.f32 $1.500000000e+00, v16  }
0x514: {  	v25 =	vmul.f32 v18, v11  }
0x515: {  	v14 =	vadd.f32 $9.999999960e-13, v14;
	v15 =	vmul.f32 v16, v15;
	v16 =	vsub.f32 v4, v8;
	v4 =	vld [tilespmem:$0x1EE10]  }
0x516: {  	v25 =	vmul.f32 v18, v25  }
0x517: {  	v21 =	vshrl.u32 v14, $0x1;
	v14 =	vmul.f32 $5.000000000e-01, v14  }
0x518: {  	v21 =	vsub.s32 $0x5F3759DF, v21;
	v25 =	vsub.f32 $1.500000000e+00, v25  }
0x519: {  	v26 =	vmul.f32 v21, v14  }
0x51a: {  	v18 =	vmul.f32 v18, v25;
	v25 =	vsub.f32 v4, v8;
	v4 =	vld [tilespmem:$0x1EE20]  }
0x51b: {  	v26 =	vmul.f32 v21, v26;
	_ =	sdelay $0x1  }
0x51c: {  	v26 =	vsub.f32 $1.500000000e+00, v26;
	_ =	sdelay $0x1  }
0x51d: {  	v21 =	vmul.f32 v21, v26;
	v26 =	vsub.f32 v4, v8;
	v4 =	vld [tilespmem:$0x1EE30];
	_ =	sdelay $0x4  }
0x51e: {  	v28 =	vsub.f32 v4, v8;
	v4 =	vld [tilespmem:$0x1EE40];
	_ =	sdelay $0x4  }
0x51f: {  	v29 =	vsub.f32 v4, v8;
	v4 =	vld [tilespmem:$0x1EE50];
	_ =	sdelay $0x4  }
0x520: {  	v30 =	vsub.f32 v4, v8;
	v4 =	vld [tilespmem:$0x1EE60];
	_ =	sdelay $0x3  }
0x521: {  	v7 =	vmul.f32 v17, v7  }
0x522: {  	v8 =	vsub.f32 v4, v8;
	v4 =	vld [tilespmem:$0x1EE70]  }
0x523: {  	v7 =	vmul.f32 v7, v17;
	_ =	sdelay $0x1  }
0x524: {  	v7 =	vsub.f32 $1.500000000e+00, v7  }
0x525: {  	v11 =	vmul.f32 v18, v11  }
0x526: {  	v7 =	vmul.f32 v7, v17;
	v17 =	vsub.f32 v4, v6;
	v4 =	vld [tilespmem:$0x1EE80]  }
0x527: {  	v11 =	vmul.f32 v11, v18;
	_ =	sdelay $0x1  }
0x528: {  	v11 =	vsub.f32 $1.500000000e+00, v11  }
0x529: {  	v19 =	vmul.f32 v12, v19  }
0x52a: {  	v11 =	vmul.f32 v11, v18;
	v18 =	vsub.f32 v4, v6;
	v4 =	vld [tilespmem:$0x1EE90]  }
0x52b: {  	v19 =	vmul.f32 v19, v12;
	_ =	sdelay $0x1  }
0x52c: {  	v19 =	vsub.f32 $1.500000000e+00, v19  }
0x52d: {  	v14 =	vmul.f32 v21, v14  }
0x52e: {  	v12 =	vmul.f32 v19, v12;
	v19 =	vsub.f32 v4, v6;
	v4 =	vld [tilespmem:$0x1EEA0]  }
0x52f: {  	v14 =	vmul.f32 v14, v21;
	_ =	sdelay $0x1  }
0x530: {  	v14 =	vsub.f32 $1.500000000e+00, v14  }
0x531: {  	v13 =	vmul.f32 v22, v13  }
0x532: {  	v14 =	vmul.f32 v14, v21;
	v21 =	vsub.f32 v4, v6;
	v4 =	vld [tilespmem:$0x1EEB0]  }
0x533: {  	v13 =	vmul.f32 v13, v22;
	_ =	sdelay $0x1  }
0x534: {  	v13 =	vsub.f32 $1.500000000e+00, v13  }
0x535: {  	v3 =	vmul.f32 v23, v3  }
0x536: {  	v13 =	vmul.f32 v13, v22;
	v22 =	vsub.f32 v4, v6;
	v4 =	vld [tilespmem:$0x1EEC0]  }
0x537: {  	v3 =	vmul.f32 v3, v23;
	_ =	sdelay $0x1  }
0x538: {  	v3 =	vsub.f32 $1.500000000e+00, v3;
	_ =	sdelay $0x1  }
0x539: {  	v3 =	vmul.f32 v3, v23;
	v23 =	vsub.f32 v4, v6;
	v4 =	vld [tilespmem:$0x1EED0];
	_ =	sdelay $0x4  }
0x53a: {  	v62 =	vmul.f32 v15, v24;
	v24 =	vsub.f32 v4, v6;
	v4 =	vld [tilespmem:$0x1EEE0];
	_ =	sdelay $0x4  }
0x53b: {  	v6 =	vsub.f32 v4, v6;
	v4 =	vld [tilespmem:$0x1EEF0];
	_ =	sdelay $0x4  }
0x53c: {  	v32 =	vmul.f32 v15, v16;
	v16 =	vsub.f32 v4, v0;
	v4 =	vld [tilespmem:$0x1EF00];
	_ =	sdelay $0x4  }
0x53d: {  	v46 =	vmul.f32 v15, v8;
	v8 =	vsub.f32 v4, v0;
	v4 =	vld [tilespmem:$0x1EF10];
	_ =	sdelay $0x2  }
0x53e: {  	v33 =	vmul.f32 v15, v25  }
0x53f: {  	v34 =	vmul.f32 v15, v26;
	v28 =	vmul.f32 v15, v28  }
0x540: {  	v35 =	vmul.f32 v15, v29;
	v30 =	vmul.f32 v15, v30;
	v15 =	vsub.f32 v4, v0;
	v4 =	vld [tilespmem:$0x1EF20];
	_ =	sdelay $0x4  }
0x541: {  	v25 =	vsub.f32 v4, v0;
	v4 =	vld [tilespmem:$0x1EF30];
	_ =	sdelay $0x4  }
0x542: {  	v26 =	vsub.f32 v4, v0;
	v4 =	vld [tilespmem:$0x1EF40];
	_ =	sdelay $0x4  }
0x543: {  	v38 =	vmul.f32 v12, v17;
	v17 =	vsub.f32 v4, v0;
	v4 =	vld [tilespmem:$0x1EF50];
	_ =	sdelay $0x4  }
0x544: {  	v40 =	vmul.f32 v12, v18;
	v18 =	vsub.f32 v4, v0;
	v4 =	vld [tilespmem:$0x1EF60];
	_ =	sdelay $0x4  }
0x545: {  	v0 =	vsub.f32 v4, v0;
	v4 =	vld [tilespmem:$0x1EF70];
	_ =	sdelay $0x4  }
0x546: {  	v51 =	vmul.f32 v12, v6;
	v6 =	vsub.f32 v4, v2;
	v4 =	vld [tilespmem:$0x1EF80];
	_ =	sdelay $0x2  }
0x547: {  	v41 =	vmul.f32 v12, v19  }
0x548: {  	v42 =	vmul.f32 v12, v21;
	v43 =	vmul.f32 v12, v22  }
0x549: {  	v44 =	vmul.f32 v12, v23;
	v39 =	vmul.f32 v12, v24;
	v12 =	vsub.f32 v4, v2;
	v4 =	vld [tilespmem:$0x1EF90];
	_ =	sdelay $0x4  }
0x54a: {  	v19 =	vsub.f32 v4, v2;
	v4 =	vld [tilespmem:$0x1EFA0];
	_ =	sdelay $0x4  }
0x54b: {  	v21 =	vsub.f32 v4, v2;
	v4 =	vld [tilespmem:$0x1EFB0];
	_ =	sdelay $0x4  }
0x54c: {  	v29 =	vmul.f32 v7, v16;
	v16 =	vsub.f32 v4, v2;
	v4 =	vld [tilespmem:$0x1EFC0];
	_ =	sdelay $0x4  }
0x54d: {  	v36 =	vmul.f32 v7, v8;
	v8 =	vsub.f32 v4, v2;
	v4 =	vld [tilespmem:$0x1EFD0];
	_ =	sdelay $0x4  }
0x54e: {  	v37 =	vmul.f32 v7, v15;
	v15 =	vsub.f32 v4, v2;
	v4 =	vld [tilespmem:$0x1EFE0];
	_ =	sdelay $0x4  }
0x54f: {  	v2 =	vsub.f32 v4, v2;
	v4 =	vld [tilespmem:$0x1F000];
	_ =	sdelay $0x1  }
0x550: {  	v2 =	vmul.f32 v11, v2;
	_ =	sdelay $0x1  }
0x551: {  	[tilespmem:$0x1F2B0] =	vst v2;
	v2 =	vld [tilespmem:$0x1F020]  }
0x552: {  	v53 =	vmul.f32 v11, v6;
	v6 =	vsub.f32 v4, v1;
	v4 =	vld [tilespmem:$0x1F010];
	_ =	sdelay $0x1  }
0x553: {  	v45 =	vmul.f32 v7, v25  }
0x554: {  	v49 =	vmul.f32 v7, v26;
	v61 =	vmul.f32 v7, v17  }
0x555: {  	v50 =	vmul.f32 v7, v18;
	v52 =	vmul.f32 v7, v0  }
0x556: {  	v7 =	vsub.f32 v4, v1;
	v4 =	vmul.f32 v11, v8;
	v8 =	vsub.f32 v2, v1;
	v2 =	vld [tilespmem:$0x1F030];
	_ =	sdelay $0x2  }
0x557: {  	v54 =	vmul.f32 v11, v12  }
0x558: {  	v55 =	vmul.f32 v11, v19;
	v63 =	vmul.f32 v11, v21  }
0x559: {  	v58 =	vmul.f32 v11, v16;
	[tilespmem:$0x1F290] =	vst v4;
	v4 =	vmul.f32 v11, v15;
	v11 =	vsub.f32 v2, v1;
	v2 =	vld [tilespmem:$0x1F040];
	_ =	sdelay $0x4  }
0x55a: {  	v12 =	vsub.f32 v2, v1;
	v2 =	vld [tilespmem:$0x1F050];
	_ =	sdelay $0x4  }
0x55b: {  	v15 =	vsub.f32 v2, v1;
	v2 =	vmul.f32 v14, v8;
	_ =	sdelay $0x1  }
0x55c: {  	[tilespmem:$0x1F2C0] =	vst v2;
	v2 =	vmul.f32 v14, v11;
	_ =	sdelay $0x1  }
0x55d: {  	[tilespmem:$0x1F2D0] =	vst v2;
	v2 =	vld [tilespmem:$0x1F080];
	_ =	sdelay $0x2  }
0x55e: {  	v0 =	vld [tilespmem:$0x1EFF0];
	_ =	sdelay $0x1  }
0x55f: {  	v59 =	vmul.f32 v14, v6;
	v6 =	vsub.f32 v2, v48;
	v2 =	vmul.f32 v14, v12;
	_ =	sdelay $0x1  }
0x560: {  	[tilespmem:$0x1F2E0] =	vst v2;
	v2 =	vmul.f32 v14, v15  }
0x561: {  	v0 =	vsub.f32 v0, v1  }
0x562: {  	[tilespmem:$0x1F2F0] =	vst v2;
	v2 =	vld [tilespmem:$0x1F0A0]  }
0x563: {  	v56 =	vmul.f32 v14, v0;
	v0 =	vld [tilespmem:$0x1F060];
	_ =	sdelay $0x3  }
0x564: {  	v60 =	vmul.f32 v14, v7;
	v7 =	vsub.f32 v2, v48;
	v2 =	vld [tilespmem:$0x1F0B0]  }
0x565: {  	v0 =	vsub.f32 v0, v1;
	_ =	sdelay $0x1  }
0x566: {  	v23 =	vmul.f32 v14, v0;
	v0 =	vld [tilespmem:$0x1F090]  }
0x567: {  	v1 =	vld [tilespmem:$0x1F070]  }
0x568: {  	v8 =	vsub.f32 v2, v48;
	v2 =	vld [tilespmem:$0x1F0C0];
	_ =	sdelay $0x3  }
0x569: {  	v0 =	vsub.f32 v0, v48  }
0x56a: {  	v1 =	vsub.f32 v1, v48;
	v11 =	vsub.f32 v2, v48;
	v2 =	vld [tilespmem:$0x1F0F0]  }
0x56b: {  	v25 =	vmul.f32 v13, v0;
	v0 =	vld [tilespmem:$0x1F0E0]  }
0x56c: {  	v26 =	vmul.f32 v13, v1;
	v1 =	vld [tilespmem:$0x1F0D0];
	_ =	sdelay $0x2  }
0x56d: {  	[tilespmem:$0x1F2A0] =	vst v4;
	v4 =	vsub.f32 v2, v31;
	v2 =	vld [tilespmem:$0x1F130]  }
0x56e: {  	v0 =	vsub.f32 v0, v48  }
0x56f: {  	v1 =	vsub.f32 v1, v48  }
0x570: {  	v0 =	vmul.f32 v13, v0;
	v24 =	vmul.f32 v13, v6  }
0x571: {  	v6 =	vmul.f32 v13, v1;
	v7 =	vmul.f32 v13, v7  }
0x572: {  	v22 =	vmul.f32 v13, v8;
	v5 =	vmul.f32 v13, v11;
	v13 =	vsub.f32 v2, v10;
	v2 =	vld [tilespmem:$0x1F140];
	_ =	sdelay $0x4  }
0x573: {  	v8 =	vsub.f32 v2, v10;
	v2 =	vld [tilespmem:$0x1F150];
	_ =	sdelay $0x1  }
0x574: {  	[tilespmem:$0x1F100] =	vst v0;
	v0 =	vld [tilespmem:$0x1F110];
	_ =	sdelay $0x1  }
0x575: {  	v1 =	vld [tilespmem:$0x1F120]  }
0x576: {  	v11 =	vsub.f32 v2, v10;
	v2 =	vld [tilespmem:$0x1F160];
	_ =	sdelay $0x1  }
0x577: {  	v0 =	vsub.f32 v0, v10;
	_ =	sdelay $0x1  }
0x578: {  	v1 =	vsub.f32 v1, v10;
	v19 =	vmul.f32 v20, v4;
	v4 =	vmul.f32 v3, v0  }
0x579: {  	v0 =	vsub.f32 v9, v10;
	v12 =	vsub.f32 v2, v10;
	v2 =	vmul.f32 v3, v8;
	_ =	sdelay $0x1  }
0x57a: {  	v9 =	vmul.f32 v3, v1;
	v1 =	vsub.f32 v27, v10;
	v0 =	vmul.f32 v3, v0;
	[tilespmem:$0x1F170] =	vst v2;
	v2 =	vld [tilespmem:$0x1F180];
	_ =	sdelay $0x1  }
0x57b: {  	[tilespmem:$0x1F1A0] =	vst v0;
	v0 =	vmul.f32 v3, v1;
	_ =	sdelay $0x1  }
0x57c: {  	[tilespmem:$0x1F1B0] =	vst v0;
	v0 =	vld [tilespmem:$0x1F1C0]  }
0x57d: {  	v16 =	vsub.f32 v2, v31;
	v2 =	vmul.f32 v3, v12  }
0x57e: {  	v14 =	vld [tilespmem:$0x1FDB0]  }
0x57f: {  	[tilespmem:$0x1F190] =	vst v2;
	v2 =	vld [tilespmem:$0x1F1E0];
	_ =	sdelay $0x1  }
0x580: {  	v0 =	vsub.f32 v0, v31;
	_ =	sdelay $0x1  }
0x581: {  	v1 =	vld [tilespmem:$0x1F1D0];
	v17 =	vmul.f32 v3, v13;
	v0 =	vmul.f32 v20, v0  }
0x582: {  	v15 =	vmul.f32 v3, v11;
	v3 =	vmul.f32 v19, v14;
	v19 =	vsub.f32 v2, v31;
	v2 =	vld [tilespmem:$0x1F1F0]  }
0x583: {  	[tilespmem:$0x1F220] =	vst v0;
	v0 =	vld [tilespmem:$0x1F230];
	_ =	sdelay $0x2  }
0x584: {  	v1 =	vsub.f32 v1, v31  }
0x585: {  	v48 =	vsub.f32 v2, v31;
	v2 =	vld [tilespmem:$0x1F200]  }
0x586: {  	v27 =	vsub.f32 v0, v31;
	v0 =	vmul.f32 v20, v1;
	_ =	sdelay $0x1  }
0x587: {  	[tilespmem:$0x1F240] =	vst v0;
	v0 =	vmul.f32 v20, v19;
	_ =	sdelay $0x1  }
0x588: {  	[tilespmem:$0x1F250] =	vst v0;
	v0 =	vmul.f32 v20, v48;
	v47 =	vsub.f32 v2, v31;
	_ =	sdelay $0x1  }
0x589: {  	[tilespmem:$0x1F260] =	vst v0;
	v0 =	vmul.f32 v20, v47;
	v47 =	vld [tilespmem:$0x1FE80]  }
0x58a: {  	v2 =	vmul.f32 v20, v16;
	v16 =	vld [tilespmem:$0x1FE70];
	_ =	sdelay $0x1  }
0x58b: {  	[tilespmem:$0x1F270] =	vst v0;
	v0 =	vmul.f32 v20, v27;
	v20 =	vld [tilespmem:$0x1FEB0]  }
0x58c: {  	v10 =	vld [tilespmem:$0x1FEA0]  }
0x58d: {  	v8 =	vld [tilespmem:$0x1FEC0];
	[tilespmem:$0x1F210] =	vst v2;
	v3 =	vadd.f32 v3, v47  }
0x58e: {  	v12 =	vld [tilespmem:$0x1FED0];
	v1 =	vmul.f32 v62, v16;
	[tilespmem:$0x1F280] =	vst v0  }
0x58f: {  	v0 =	vld [tilespmem:$0x1FE90];
	[tilespmem:s24+$0x44F0] =	vst v3  }
0x590: {  	v1 =	vadd.f32 v1, v20;
	v19 =	vld [tilespmem:$0x1FEE0]  }
0x591: {  	v11 =	vld [tilespmem:$0x1FEF0]  }
0x592: {  	v13 =	vld [tilespmem:$0x1FF00];
	[tilespmem:s24+$0x4100] =	vst v1  }
0x593: {  	v21 =	vld [tilespmem:$0x1FF10];
	_ =	sdelay $0x1  }
0x594: {  	v27 =	vmul.f32 v32, v0  }
0x595: {  	v31 =	vmul.f32 v33, v10  }
0x596: {  	v3 =	vadd.f32 v27, v19  }
0x597: {  	v1 =	vadd.f32 v31, v21  }
0x598: {  	[tilespmem:s24+$0x4110] =	vst v3  }
0x599: {  	v18 =	vld [tilespmem:$0x1FF20];
	[tilespmem:s24+$0x4120] =	vst v1  }
0x59a: {  	v2 =	vld [tilespmem:$0x1FF30];
	_ =	sdelay $0x1  }
0x59b: {  	v62 =	vmul.f32 v34, v8  }
0x59c: {  	v28 =	vmul.f32 v28, v12  }
0x59d: {  	v3 =	vadd.f32 v62, v18  }
0x59e: {  	v1 =	vadd.f32 v28, v2  }
0x59f: {  	[tilespmem:s24+$0x4130] =	vst v3  }
0x5a0: {  	v62 =	vld [tilespmem:$0x1FF40];
	[tilespmem:s24+$0x4140] =	vst v1  }
0x5a1: {  	v48 =	vld [tilespmem:$0x1FF50];
	_ =	sdelay $0x1  }
0x5a2: {  	v27 =	vmul.f32 v35, v11  }
0x5a3: {  	v30 =	vmul.f32 v30, v13  }
0x5a4: {  	v31 =	vmul.f32 v46, v14;
	v3 =	vadd.f32 v27, v62  }
0x5a5: {  	v46 =	vmul.f32 v38, v16;
	v1 =	vadd.f32 v30, v48  }
0x5a6: {  	v32 =	vmul.f32 v40, v0;
	[tilespmem:s24+$0x4150] =	vst v3;
	v3 =	vadd.f32 v31, v47  }
0x5a7: {  	v34 =	vmul.f32 v41, v10;
	[tilespmem:s24+$0x4160] =	vst v1;
	v1 =	vadd.f32 v46, v20  }
0x5a8: {  	v28 =	vmul.f32 v42, v8;
	[tilespmem:s24+$0x4170] =	vst v3;
	v3 =	vadd.f32 v32, v19  }
0x5a9: {  	[tilespmem:s24+$0x4180] =	vst v1;
	v1 =	vadd.f32 v34, v21  }
0x5aa: {  	[tilespmem:s24+$0x4190] =	vst v3;
	v3 =	vadd.f32 v28, v18  }
0x5ab: {  	[tilespmem:s24+$0x41A0] =	vst v1  }
0x5ac: {  	[tilespmem:s24+$0x41B0] =	vst v3  }
0x5ad: {  	v1 =	vld [tilespmem:$0x1F290]  }
0x5ae: {  	v35 =	vmul.f32 v43, v12;
	_ =	sdelay $0x1  }
0x5af: {  	v28 =	vadd.f32 v35, v2;
	_ =	sdelay $0x1  }
0x5b0: {  	v27 =	vmul.f32 v44, v11;
	v33 =	vmul.f32 v1, v11;
	v1 =	vld [tilespmem:$0x1F2A0];
	[tilespmem:s24+$0x41C0] =	vst v28  }
0x5b1: {  	v38 =	vmul.f32 v39, v13;
	v2 =	vld [tilespmem:$0x1F2B0]  }
0x5b2: {  	v27 =	vadd.f32 v27, v62  }
0x5b3: {  	v57 =	vmul.f32 v37, v10;
	v28 =	vadd.f32 v38, v48  }
0x5b4: {  	v40 =	vmul.f32 v29, v16;
	v30 =	vmul.f32 v51, v14;
	[tilespmem:s24+$0x41D0] =	vst v27  }
0x5b5: {  	v41 =	vmul.f32 v36, v0;
	v37 =	vmul.f32 v54, v0;
	[tilespmem:s24+$0x41E0] =	vst v28  }
0x5b6: {  	v29 =	vmul.f32 v2, v14;
	v2 =	vadd.f32 v30, v47;
	v30 =	vmul.f32 v59, v0;
	v0 =	vld [tilespmem:$0x1F2C0];
	_ =	sdelay $0x4  }
0x5b7: {  	v31 =	vmul.f32 v0, v8;
	v0 =	vld [tilespmem:$0x1F2D0];
	_ =	sdelay $0x3  }
0x5b8: {  	[tilespmem:s24+$0x41F0] =	vst v2  }
0x5b9: {  	v28 =	vmul.f32 v0, v12;
	v0 =	vld [tilespmem:$0x1F2E0];
	_ =	sdelay $0x3  }
0x5ba: {  	v43 =	vmul.f32 v50, v13;
	v50 =	vmul.f32 v55, v10  }
0x5bb: {  	v39 =	vmul.f32 v53, v16;
	v32 =	vmul.f32 v0, v11;
	v0 =	vld [tilespmem:$0x1F2F0]  }
0x5bc: {  	v42 =	vmul.f32 v52, v14;
	v44 =	vmul.f32 v61, v11  }
0x5bd: {  	v46 =	vmul.f32 v45, v8;
	v45 =	vmul.f32 v49, v12  }
0x5be: {  	v35 =	vmul.f32 v63, v8;
	v34 =	vmul.f32 v58, v12  }
0x5bf: {  	v3 =	vmul.f32 v56, v16;
	v38 =	vadd.f32 v40, v20;
	v27 =	vmul.f32 v60, v10  }
0x5c0: {  	s25 =	simm.s32 $0x80;
	s26 =	simm.s32 $0x1000;
	v40 =	vadd.f32 v41, v19;
	v1 =	vmul.f32 v1, v13;
	v2 =	vmul.f32 v0, v13  }
.LBB2_4:
0x5c1: {  	v61 =	vld [tilespmem:$0x1FEC0];
	_ =	sdelay $0x1  }
0x5c2: {  	v51 =	vld [tilespmem:$0x1FF50]  }
0x5c3: {  	v48 =	vld [tilespmem:$0x1FEA0];
	_ =	sdelay $0x1  }
0x5c4: {  	v49 =	vld [tilespmem:$0x1FED0];
	v7 =	vmul.f32 v7, v61  }
0x5c5: {  	v20 =	vld [tilespmem:$0x1FE70]  }
0x5c6: {  	v19 =	vadd.f32 v43, v51;
	[tilespmem:$0x1EAA0] =	vst v7;
	v7 =	vld [tilespmem:$0x1FEF0]  }
0x5c7: {  	v59 =	vld [tilespmem:$0x1FE90];
	v11 =	vmul.f32 v25, v48  }
0x5c8: {  	[tilespmem:s24+$0x4260] =	vst v19;
	v19 =	vld [tilespmem:$0x1FEB0]  }
0x5c9: {  	v0 =	vld [tilespmem:$0x1FF10];
	[tilespmem:$0x1EA90] =	vst v11;
	v11 =	vmul.f32 v22, v49  }
0x5ca: {  	v4 =	vmul.f32 v4, v20  }
0x5cb: {  	[tilespmem:$0x1EAB0] =	vst v11;
	v11 =	vmul.f32 v5, v7  }
0x5cc: {  	[tilespmem:$0x1EAF0] =	vst v4;
	v4 =	vmul.f32 v9, v59  }
0x5cd: {  	v10 =	vld [tilespmem:$0x1FDB0];
	[tilespmem:$0x1EAC0] =	vst v11;
	v11 =	vadd.f32 v39, v19  }
0x5ce: {  	v63 =	vld [tilespmem:$0x1FF00];
	v57 =	vadd.f32 v57, v0;
	[tilespmem:$0x1EB00] =	vst v4  }
0x5cf: {  	v4 =	vmul.f32 v17, v48;
	v17 =	vmov v0;
	[tilespmem:s24+$0x4280] =	vst v11;
	v11 =	vadd.f32 v50, v0;
	v0 =	vld [tilespmem:$0x1F1B0];
	_ =	sdelay $0x3  }
0x5d0: {  	v6 =	vmul.f32 v6, v63;
	v5 =	vmov v10  }
0x5d1: {  	v0 =	vmul.f32 v0, v5  }
0x5d2: {  	[tilespmem:$0x1EAD0] =	vst v6;
	v6 =	vld [tilespmem:$0x1F100]  }
0x5d3: {  	[tilespmem:$0x1EB60] =	vst v0;
	v0 =	vld [tilespmem:$0x1F210];
	_ =	sdelay $0x2  }
0x5d4: {  	v8 =	vld [tilespmem:$0x1FF20]  }
0x5d5: {  	v36 =	vld [tilespmem:$0x1FF30];
	v23 =	vmul.f32 v23, v10;
	v10 =	vmul.f32 v6, v10;
	v6 =	vmov v20  }
0x5d6: {  	v62 =	vld [tilespmem:$0x1FF40];
	v0 =	vmul.f32 v0, v6  }
0x5d7: {  	v54 =	vld [tilespmem:$0x1F9D0]  }
0x5d8: {  	s28 =	sshra.s32 s26, $0x2;
	[tilespmem:$0x1EB70] =	vst v0;
	v0 =	vld [tilespmem:$0x1F220]  }
0x5d9: {  	v41 =	vld [tilespmem:s28+$0x4480]  }
0x5da: {  	v21 =	vld [tilespmem:s28+$0x4490]  }
0x5db: {  	v18 =	vld [tilespmem:s28+$0xC490]  }
0x5dc: {  	v14 =	vld [tilespmem:s28+$0x44A0]  }
0x5dd: {  	v16 =	vld [tilespmem:s28+$0xC4A0];
	v0 =	vmul.f32 v0, v59  }
0x5de: {  	v13 =	vld [tilespmem:s28+$0x44B0]  }
0x5df: {  	[tilespmem:$0x1EB80] =	vst v0;
	v0 =	vld [tilespmem:$0x1F240]  }
0x5e0: {  	v25 =	vld [tilespmem:s28+$0xC480]  }
0x5e1: {  	v1 =	vadd.f32 v1, v51;
	v2 =	vadd.f32 v2, v51;
	v51 =	vld [tilespmem:$0x1F9C0]  }
0x5e2: {  	v60 =	vadd.f32 v45, v36;
	v45 =	vld [tilespmem:$0x1FFF0]  }
0x5e3: {  	v58 =	vadd.f32 v46, v8;
	v12 =	vadd.f32 v35, v8;
	v9 =	vmul.f32 v15, v49;
	v15 =	vmovc v8;
	v8 =	vld [tilespmem:s28+$0xC4C0]  }
0x5e4: {  	[tilespmem:s24+$0x4360] =	vst v2;
	v2 =	vld [tilespmem:s28+$0x4130];
	v0 =	vmul.f32 v0, v48  }
0x5e5: {  	[tilespmem:s24+$0x4230] =	vst v58;
	v58 =	vld [tilespmem:$0x1F970]  }
0x5e6: {  	[tilespmem:$0x1EBA0] =	vst v0;
	v0 =	vld [tilespmem:$0x1F250]  }
0x5e7: {  	v22 =	vadd.f32 v44, v62;
	[tilespmem:s24+$0x42B0] =	vst v12;
	v44 =	vld [tilespmem:$0x1F990]  }
0x5e8: {  	[tilespmem:s24+$0x42E0] =	vst v1;
	v12 =	vadd.f32 v31, v15;
	v15 =	vld [tilespmem:s28+$0x44F0]  }
0x5e9: {  	[tilespmem:s24+$0x4250] =	vst v22;
	v22 =	vld [tilespmem:$0x1FE80]  }
0x5ea: {  	v1 =	vadd.f32 v27, v17;
	[tilespmem:$0x1EB10] =	vst v4;
	v4 =	vld [tilespmem:$0x1F170]  }
0x5eb: {  	[tilespmem:s24+$0x4330] =	vst v12;
	v12 =	vld [tilespmem:s28+$0xC110];
	v0 =	vmul.f32 v0, v61  }
0x5ec: {  	v3 =	vadd.f32 v3, v19;
	[tilespmem:s24+$0x4320] =	vst v1;
	v1 =	vld [tilespmem:s28+$0x4110]  }
0x5ed: {  	[tilespmem:$0x1EBB0] =	vst v0;
	v0 =	vld [tilespmem:$0x1F260]  }
0x5ee: {  	[tilespmem:s24+$0x4300] =	vst v3;
	v3 =	vadd.f32 v23, v22;
	v23 =	vld [tilespmem:s28+$0xC100]  }
0x5ef: {  	[tilespmem:$0x1EAE0] =	vst v10;
	v10 =	vmul.f32 v4, v61;
	v4 =	vmov v7;
	v7 =	vld [tilespmem:$0x1F190]  }
0x5f0: {  	v26 =	vmul.f32 v26, v20;
	v20 =	vadd.f32 v42, v22;
	v39 =	vld [tilespmem:$0x1FFC0]  }
0x5f1: {  	v42 =	vld [tilespmem:$0x1FFD0]  }
0x5f2: {  	[tilespmem:s24+$0x4270] =	vst v20;
	v20 =	vld [tilespmem:$0x1FEE0];
	v0 =	vmul.f32 v0, v49  }
0x5f3: {  	[tilespmem:s24+$0x4370] =	vst v3;
	v3 =	vld [tilespmem:s28+$0xC130]  }
0x5f4: {  	v7 =	vmul.f32 v7, v4;
	[tilespmem:$0x1EBC0] =	vst v0;
	v0 =	vld [tilespmem:$0x1F270]  }
0x5f5: {  	v50 =	vld [tilespmem:$0x1F9B0]  }
0x5f6: {  	[tilespmem:$0x1EB40] =	vst v7;
	v7 =	vld [tilespmem:$0x1F1A0]  }
0x5f7: {  	v1 =	vadd.f32 v12, v1;
	v12 =	vld [tilespmem:s28+$0x4180]  }
0x5f8: {  	[tilespmem:$0x1EB20] =	vst v10;
	v10 =	vld [tilespmem:s28+$0xC4B0]  }
0x5f9: {  	[tilespmem:s24+$0x42A0] =	vst v11;
	v11 =	vld [tilespmem:s28+$0xC4E0];
	v0 =	vmul.f32 v0, v4  }
0x5fa: {  	[tilespmem:$0x1EB30] =	vst v9;
	v9 =	vadd.f32 v37, v20;
	v5 =	vld [tilespmem:s28+$0x44D0]  }
0x5fb: {  	v7 =	vmul.f32 v7, v63;
	[tilespmem:$0x1EBE0] =	vst v0;
	v0 =	vld [tilespmem:$0x1F280]  }
0x5fc: {  	v2 =	vadd.f32 v3, v2;
	v3 =	vld [tilespmem:s28+$0x4190];
	[tilespmem:s24+$0x4290] =	vst v9;
	v6 =	vadd.f32 v33, v62  }
0x5fd: {  	v9 =	vadd.f32 v34, v36;
	[tilespmem:$0x1EB50] =	vst v7;
	v7 =	vld [tilespmem:s28+$0x44C0]  }
0x5fe: {  	v14 =	vadd.f32 v16, v14;
	v52 =	vmov v20;
	[tilespmem:s24+$0x42D0] =	vst v6;
	v6 =	vadd.f32 v30, v20;
	v20 =	vld [tilespmem:s28+$0x4100]  }
0x5ff: {  	v24 =	vmul.f32 v24, v59;
	v17 =	vadd.f32 v32, v62;
	[tilespmem:s24+$0x42C0] =	vst v9;
	v9 =	vld [tilespmem:s28+$0x44E0]  }
0x600: {  	v16 =	vadd.f32 v14, v58;
	v4 =	vadd.f32 v29, v22;
	v29 =	vmovc v19;
	v19 =	vld [tilespmem:s28+$0xC4F0];
	v0 =	vmul.f32 v0, v63  }
0x601: {  	[tilespmem:s24+$0x4350] =	vst v17;
	v22 =	vadd.f32 v24, v52;
	v24 =	vadd.f32 v25, v41;
	v41 =	vld [tilespmem:$0x1F980]  }
0x602: {  	v18 =	vadd.f32 v18, v21;
	v7 =	vadd.f32 v8, v7;
	[tilespmem:$0x1EC10] =	vst v0;
	v0 =	vld [tilespmem:s28+$0xC4D0]  }
0x603: {  	[tilespmem:$0x1EA40] =	vst v16;
	v10 =	vadd.f32 v10, v13;
	v20 =	vadd.f32 v23, v20;
	v52 =	vld [tilespmem:$0x1F9F0]  }
0x604: {  	[tilespmem:s24+$0x4310] =	vst v6;
	v21 =	vadd.f32 v7, v44;
	v48 =	vld [tilespmem:$0x1F9A0];
	v6 =	vadd.f32 v26, v29  }
0x605: {  	v37 =	vld [tilespmem:$0x1FFE0];
	[tilespmem:s24+$0x42F0] =	vst v4;
	v4 =	vadd.f32 v28, v36;
	v8 =	vadd.f32 v19, v15  }
0x606: {  	[tilespmem:s24+$0x4380] =	vst v6;
	v6 =	vld [tilespmem:s28+$0x4140];
	v15 =	vadd.f32 v18, v54;
	v18 =	vadd.f32 v10, v41  }
0x607: {  	[tilespmem:s24+$0x4340] =	vst v4;
	v4 =	vld [tilespmem:s28+$0x4120];
	v0 =	vadd.f32 v0, v5;
	v5 =	vadd.f32 v11, v9  }
0x608: {  	[tilespmem:$0x1EA60] =	vst v21;
	v19 =	vmul.f32 v21, v21;
	v26 =	vadd.f32 v20, v52;
	v9 =	vld [tilespmem:s28+$0xC120];
	v11 =	vadd.f32 v24, v52  }
0x609: {  	[tilespmem:$0x1EA30] =	vst v15;
	v14 =	vmul.f32 v15, v15;
	v24 =	vadd.f32 v0, v48;
	v25 =	vadd.f32 v5, v50;
	v5 =	vld [tilespmem:s28+$0xC140]  }
0x60a: {  	[tilespmem:$0x1EA20] =	vst v11;
	v0 =	vadd.f32 v8, v51;
	v7 =	vadd.f32 v15, v11;
	v10 =	vmul.f32 v11, v11;
	v11 =	vld [tilespmem:s28+$0x4150]  }
0x60b: {  	[tilespmem:$0x1EA50] =	vst v18;
	v8 =	vadd.f32 v18, v16;
	v15 =	vmul.f32 v16, v16;
	v16 =	vld [tilespmem:s28+$0xC150];
	v18 =	vmul.f32 v18, v18  }
0x60c: {  	[tilespmem:s24+$0x4390] =	vst v22;
	v13 =	vadd.f32 v24, v21;
	v17 =	vadd.f32 v0, v25;
	v21 =	vld [tilespmem:s28+$0x4160];
	v22 =	vmul.f32 v24, v24  }
0x60d: {  	[tilespmem:$0x1EA70] =	vst v24;
	v23 =	vmul.f32 v25, v25;
	v24 =	vld [tilespmem:s28+$0xC160];
	v7 =	vadd.f32 v8, v7;
	v10 =	vadd.f32 v14, v10  }
0x60e: {  	v14 =	vadd.f32 v18, v15;
	v15 =	vld [tilespmem:s28+$0xC170];
	v8 =	vadd.f32 v17, v13;
	v13 =	vmul.f32 v0, v0  }
0x60f: {  	v4 =	vadd.f32 v9, v4;
	v17 =	vld [tilespmem:s28+$0x4170];
	v18 =	vadd.f32 v22, v19  }
0x610: {  	v10 =	vadd.f32 v14, v10;
	v14 =	vld [tilespmem:s28+$0x41A0];
	v13 =	vadd.f32 v13, v23  }
0x611: {  	v11 =	vadd.f32 v16, v11;
	v7 =	vadd.f32 v8, v7;
	v8 =	vld [tilespmem:s28+$0xC180]  }
0x612: {  	v5 =	vadd.f32 v5, v6;
	v6 =	vld [tilespmem:s28+$0xC190];
	v13 =	vadd.f32 v13, v18  }
0x613: {  	[tilespmem:$0x1EA80] =	vst v25;
	v25 =	vadd.f32 v4, v58;
	v23 =	vadd.f32 v11, v48;
	v11 =	vld [tilespmem:s28+$0xC1D0];
	v9 =	vperm.xlane v7, v37  }
0x614: {  	v18 =	vld [tilespmem:s28+$0xC1B0];
	v16 =	vadd.f32 v15, v17;
	v10 =	vadd.f32 v13, v10  }
0x615: {  	v17 =	vld [tilespmem:s28+$0xC1A0];
	v13 =	vadd.f32 v24, v21;
	v7 =	vadd.f32 v7, v9  }
0x616: {  	[tilespmem:s24+$0x4200] =	vst v38;
	v24 =	vadd.f32 v1, v54;
	v8 =	vadd.f32 v8, v12;
	v12 =	vld [tilespmem:s28+$0x41B0];
	v9 =	vperm.xlane v10, v37  }
0x617: {  	[tilespmem:s24+$0x4210] =	vst v40;
	v4 =	vmul.f32 v26, v26;
	v3 =	vadd.f32 v6, v3;
	v6 =	vld [tilespmem:s28+$0x41C0];
	v21 =	vadd.f32 v2, v41  }
0x618: {  	[tilespmem:s24+$0x4220] =	vst v57;
	v19 =	vadd.f32 v16, v51;
	v16 =	vld [tilespmem:s28+$0xC1E0];
	v1 =	vperm.xlane v7, v39;
	v9 =	vadd.f32 v10, v9  }
0x619: {  	[tilespmem:$0x1E6E0] =	vst v4;
	v28 =	vadd.f32 v5, v44;
	v10 =	vld [tilespmem:s28+$0xC1C0]  }
0x61a: {  	v20 =	vmovc v21;
	v4 =	vadd.f32 v7, v1;
	v5 =	vadd.f32 v17, v14;
	v7 =	vld [tilespmem:s28+$0x41D0];
	v2 =	vperm.xlane v9, v39  }
0x61b: {  	[tilespmem:$0x1E760] =	vst v21;
	v1 =	vmul.f32 v21, v21;
	v21 =	vadd.f32 v8, v52;
	v8 =	vld [tilespmem:s28+$0x41F0];
	v12 =	vadd.f32 v18, v12  }
0x61c: {  	[tilespmem:s24+$0x4240] =	vst v60;
	v14 =	vperm.xlane v4, v42;
	v9 =	vadd.f32 v9, v2;
	v2 =	vadd.f32 v13, v50;
	v13 =	vld [tilespmem:s28+$0x41E0]  }
0x61d: {  	v29 =	vadd.f32 v12, v41;
	v12 =	vld [tilespmem:s28+$0xC200]  }
0x61e: {  	v14 =	vadd.f32 v4, v14;
	v6 =	vadd.f32 v10, v6;
	v10 =	vld [tilespmem:s28+$0xC1F0];
	v17 =	vperm.xlane v9, v42  }
0x61f: {  	v27 =	vadd.f32 v3, v54;
	v7 =	vadd.f32 v11, v7;
	v11 =	vld [tilespmem:s28+$0x4200]  }
0x620: {  	v20 =	vadd.f32 v20, v25;
	v18 =	vperm.xlane v14, v45;
	v9 =	vadd.f32 v9, v17  }
0x621: {  	v3 =	vmul.f32 v28, v28;
	v53 =	vadd.f32 v6, v44;
	v55 =	vadd.f32 v7, v48;
	v7 =	vld [tilespmem:s28+$0xC210]  }
0x622: {  	v14 =	vadd.f32 v14, v18;
	v6 =	vadd.f32 v16, v13;
	v13 =	vld [tilespmem:s28+$0x4210];
	v17 =	vperm.xlane v9, v45  }
0x623: {  	v47 =	vmul.f32 v25, v25;
	[tilespmem:$0x1E6F0] =	vst v3;
	v22 =	vadd.f32 v5, v58;
	v18 =	vld [tilespmem:s28+$0xC220];
	v30 =	vadd.f32 v10, v8  }
0x624: {  	[tilespmem:$0x1E7B0] =	vst v21;
	v4 =	vmovc v2;
	v16 =	vld [tilespmem:s28+$0x4220];
	v57 =	vmul.f32 $7.812500000e-03, v14;
	v11 =	vadd.f32 v12, v11;
	v14 =	vadd.f32 v9, v17  }
0x625: {  	[tilespmem:$0x1E790] =	vst v2;
	v12 =	vld [tilespmem:s28+$0x4230];
	v9 =	vmul.f32 v2, v2;
	v2 =	vadd.f32 v6, v50;
	v17 =	vadd.f32 v24, v26  }
0x626: {  	v3 =	vadd.f32 v30, v51;
	v30 =	vmul.f32 v21, v21;
	v60 =	vadd.f32 v11, v52;
	v6 =	vmovc v21;
	v21 =	vld [tilespmem:s28+$0xC230]  }
0x627: {  	[tilespmem:$0x1E7D0] =	vst v22;
	v8 =	vmul.f32 $7.812500000e-03, v14;
	v14 =	vmul.f32 v57, v57;
	v11 =	vadd.f32 v7, v13;
	v13 =	vld [tilespmem:s28+$0x4240]  }
0x628: {  	v38 =	vmul.f32 v22, v22;
	v0 =	vsub.f32 v0, v57;
	v7 =	vmovc v22;
	v22 =	vld [tilespmem:s28+$0xC240];
	v59 =	vadd.f32 v3, v2  }
0x629: {  	[tilespmem:$0x1E730] =	vst v26;
	v63 =	vld [tilespmem:s28+$0xC270];
	v15 =	vmul.f32 v24, v24;
	v8 =	vsub.f32 v8, v14;
	v14 =	vadd.f32 v23, v28  }
0x62a: {  	[tilespmem:$0x1E740] =	vst v24;
	v62 =	vmul.f32 v27, v27;
	v24 =	vld [tilespmem:s28+$0xC250];
	v61 =	vadd.f32 v11, v54;
	v11 =	vadd.f32 v18, v16  }
0x62b: {  	[tilespmem:$0x1E780] =	vst v23;
	v5 =	vmul.f32 v23, v23;
	v16 =	vld [tilespmem:s28+$0x4250];
	v18 =	vadd.f32 v19, v4;
	v23 =	vadd.f32 $9.999999960e-13, v8  }
0x62c: {  	[tilespmem:$0x1E7A0] =	vst v19;
	v10 =	vmul.f32 v19, v19;
	v19 =	vadd.f32 v11, v58;
	v11 =	vadd.f32 v21, v12;
	v21 =	vld [tilespmem:s28+$0x4260]  }
0x62d: {  	[tilespmem:$0x1E750] =	vst v25;
	v49 =	vmul.f32 v3, v3;
	v56 =	vmul.f32 v60, v60;
	v13 =	vadd.f32 v22, v13;
	v22 =	vld [tilespmem:s28+$0x4270]  }
0x62e: {  	[tilespmem:$0x1E770] =	vst v28;
	v31 =	vadd.f32 v29, v7;
	v25 =	vshrl.u32 v23, $0x1;
	v26 =	vmul.f32 $5.000000000e-01, v23;
	v23 =	vld [tilespmem:s28+$0xC260]  }
0x62f: {  	v33 =	vld [tilespmem:s28+$0xC280];
	[tilespmem:$0x1E7C0] =	vst v27;
	v28 =	vadd.f32 v27, v6;
	v8 =	vmul.f32 v29, v29;
	v25 =	vsub.s32 $0x5F3759DF, v25  }
0x630: {  	[tilespmem:$0x1E7E0] =	vst v29;
	v29 =	vadd.f32 v13, v44;
	v13 =	vadd.f32 v24, v16;
	v16 =	vld [tilespmem:s28+$0x4280];
	v27 =	vmul.f32 v25, v26  }
0x631: {  	[tilespmem:$0x1E7F0] =	vst v53;
	v6 =	vadd.f32 v55, v53;
	v34 =	vadd.f32 v18, v14;
	v24 =	vmul.f32 v2, v2  }
0x632: {  	v43 =	vld [tilespmem:s28+$0xC290];
	[tilespmem:$0x1E810] =	vst v2;
	v2 =	vadd.f32 v61, v60;
	v40 =	vadd.f32 v13, v48;
	v27 =	vmul.f32 v25, v27  }
0x633: {  	v46 =	vld [tilespmem:s28+$0xC2A0];
	[tilespmem:$0x1E800] =	vst v55;
	v4 =	vmul.f32 v55, v55;
	v22 =	vadd.f32 v63, v22;
	v13 =	vadd.f32 v23, v21  }
0x634: {  	[tilespmem:$0x1E830] =	vst v60;
	v12 =	vmul.f32 v53, v53;
	v21 =	vld [tilespmem:s28+$0x4290];
	v60 =	vadd.f32 v40, v29;
	v27 =	vsub.f32 $1.500000000e+00, v27  }
0x635: {  	v7 =	vmov v29;
	[tilespmem:$0x1E870] =	vst v29;
	v29 =	vadd.f32 v22, v51;
	v22 =	vadd.f32 v33, v16;
	v33 =	vld [tilespmem:s28+$0x42B0]  }
0x636: {  	[tilespmem:$0x1E820] =	vst v3;
	v11 =	vadd.f32 v11, v41;
	v3 =	vmovc v19;
	v23 =	vmov v61;
	v35 =	vmul.f32 v25, v27;
	v27 =	vld [tilespmem:s28+$0x42A0]  }
0x637: {  	[tilespmem:$0x1E840] =	vst v61;
	v55 =	vmul.f32 v23, v23;
	v23 =	vmul.f32 v3, v3;
	v3 =	vadd.f32 v20, v17;
	v17 =	vld [tilespmem:s28+$0xC2B0]  }
0x638: {  	[tilespmem:$0x1E850] =	vst v19;
	v53 =	vadd.f32 v11, v19;
	v13 =	vadd.f32 v13, v50;
	v26 =	vmul.f32 v35, v26  }
0x639: {  	v19 =	vmov v40;
	[tilespmem:$0x1E880] =	vst v40;
	v61 =	vmul.f32 v11, v11;
	v40 =	vld [tilespmem:s28+$0xC2C0];
	v21 =	vadd.f32 v43, v21  }
0x63a: {  	[tilespmem:$0x1E860] =	vst v11;
	v11 =	vadd.f32 v22, v52;
	v22 =	vld [tilespmem:s28+$0x42C0];
	v63 =	vadd.f32 v29, v13;
	v20 =	vmul.f32 v26, v35  }
0x63b: {  	[tilespmem:$0x1E700] =	vst v3;
	v25 =	vmul.f32 v7, v7;
	v43 =	vld [tilespmem:s28+$0x42D0];
	v7 =	vadd.f32 v21, v54;
	v21 =	vadd.f32 v46, v27  }
0x63c: {  	[tilespmem:$0x1E890] =	vst v13;
	v16 =	vmul.f32 v13, v13;
	v17 =	vadd.f32 v17, v33;
	v46 =	vld [tilespmem:s28+$0xC2D0];
	v20 =	vsub.f32 $1.500000000e+00, v20  }
0x63d: {  	v14 =	vld [tilespmem:s28+$0xC2E0];
	[tilespmem:$0x1E8B0] =	vst v11;
	v33 =	vadd.f32 v1, v47;
	v26 =	vmul.f32 v19, v19;
	v21 =	vadd.f32 v21, v58  }
0x63e: {  	v1 =	vld [tilespmem:$0x1FDB0];
	v27 =	vmul.f32 v11, v11;
	v13 =	vadd.f32 v17, v41;
	[tilespmem:$0x1E8C0] =	vst v7;
	v3 =	vmul.f32 v20, v35  }
0x63f: {  	v17 =	vadd.f32 v40, v22;
	v19 =	vmul.f32 v7, v7;
	v7 =	vadd.f32 v7, v11;
	v20 =	vld [tilespmem:s28+$0x42E0];
	[tilespmem:$0x1E8D0] =	vst v21  }
0x640: {  	v11 =	vmov v21;
	[tilespmem:$0x1EB90] =	vst v3;
	v0 =	vmul.f32 v3, v0;
	v3 =	vmul.f32 v21, v21;
	v21 =	vld [tilespmem:$0x1E6E0]  }
0x641: {  	v40 =	vadd.f32 v17, v44;
	v17 =	vadd.f32 v46, v43;
	v46 =	vld [tilespmem:$0x1E6F0]  }
0x642: {  	v18 =	vld [tilespmem:s28+$0x42F0];
	v53 =	vadd.f32 v53, v2;
	v23 =	vadd.f32 v61, v23  }
0x643: {  	v35 =	vadd.f32 v4, v12;
	v43 =	vadd.f32 v10, v9;
	v9 =	vld [tilespmem:s28+$0xC310];
	v0 =	vmul.f32 v0, v1;
	v1 =	vmovc v13  }
0x644: {  	v17 =	vadd.f32 v17, v48;
	v1 =	vadd.f32 v1, v11;
	v11 =	vld [tilespmem:$0x1FE80]  }
0x645: {  	v14 =	vadd.f32 v14, v20;
	v20 =	vld [tilespmem:s28+$0x4310];
	v36 =	vadd.f32 v15, v21  }
0x646: {  	v47 =	vld [tilespmem:s28+$0xC300];
	v5 =	vadd.f32 v5, v46;
	v46 =	vadd.f32 v55, v56  }
0x647: {  	[tilespmem:$0x1E8E0] =	vst v13;
	v21 =	vld [tilespmem:s28+$0xC2F0];
	v32 =	vadd.f32 v14, v50;
	v14 =	vadd.f32 v31, v28  }
0x648: {  	v22 =	vld [tilespmem:s28+$0x4300];
	[tilespmem:$0x1E8F0] =	vst v40;
	v13 =	vmul.f32 v13, v13;
	v33 =	vadd.f32 v33, v36;
	v23 =	vadd.f32 v23, v46  }
0x649: {  	v15 =	vmul.f32 v40, v40;
	v0 =	vadd.f32 v0, v11;
	v11 =	vmovc v40;
	v40 =	vadd.f32 v59, v6  }
0x64a: {  	v10 =	vld [tilespmem:s28+$0x4320];
	v59 =	vadd.f32 v62, v30;
	v9 =	vadd.f32 v9, v20  }
0x64b: {  	[tilespmem:$0x1E720] =	vst v14;
	v14 =	vld [tilespmem:s28+$0xC320];
	v20 =	vadd.f32 v19, v27;
	v19 =	vadd.f32 v13, v3  }
0x64c: {  	v30 =	vld [tilespmem:s28+$0xC330];
	v28 =	vadd.f32 v17, v11;
	[tilespmem:s28+$0x44F0] =	vst v0;
	v0 =	vadd.f32 v21, v18  }
0x64d: {  	[tilespmem:$0x1E900] =	vst v17;
	v21 =	vadd.f32 v47, v22;
	v22 =	vld [tilespmem:s28+$0x4330];
	v47 =	vadd.f32 v8, v38  }
0x64e: {  	[tilespmem:$0x1E710] =	vst v5;
	v5 =	vmul.f32 v17, v17;
	v8 =	vld [tilespmem:s28+$0xC340];
	v17 =	vadd.f32 v9, v54;
	v19 =	vadd.f32 v19, v20  }
0x64f: {  	v18 =	vadd.f32 v0, v51;
	v6 =	vadd.f32 v21, v52;
	v0 =	vld [tilespmem:s28+$0x4340]  }
0x650: {  	v12 =	vld [tilespmem:s28+$0xC350];
	v9 =	vadd.f32 v14, v10;
	v21 =	vadd.f32 v1, v7  }
0x651: {  	v62 =	vld [tilespmem:s28+$0x4350];
	v59 =	vadd.f32 v47, v59;
	v38 =	vadd.f32 v18, v32  }
0x652: {  	[tilespmem:$0x1E910] =	vst v32;
	v11 =	vmul.f32 v32, v32;
	v32 =	vadd.f32 v49, v24;
	v10 =	vadd.f32 v9, v58;
	v49 =	vld [tilespmem:s28+$0xC360]  }
0x653: {  	v24 =	vadd.f32 v17, v6;
	v9 =	vadd.f32 v30, v22;
	v30 =	vld [tilespmem:s28+$0x4360]  }
0x654: {  	[tilespmem:$0x1E930] =	vst v6;
	v22 =	vadd.f32 v63, v60;
	v0 =	vadd.f32 v8, v0  }
0x655: {  	v55 =	vld [tilespmem:s28+$0xC370];
	v14 =	vmul.f32 v6, v6;
	v2 =	vmovc v10;
	v32 =	vadd.f32 v32, v35;
	v6 =	vadd.f32 v9, v41  }
0x656: {  	[tilespmem:$0x1E950] =	vst v10;
	v9 =	vld [tilespmem:s28+$0x4370];
	v8 =	vmul.f32 v10, v10;
	v10 =	vadd.f32 v0, v44;
	v0 =	vadd.f32 v12, v62  }
0x657: {  	[tilespmem:$0x1E8A0] =	vst v29;
	v29 =	vmul.f32 v29, v29;
	v22 =	vadd.f32 v22, v53;
	v61 =	vadd.f32 v6, v2  }
0x658: {  	[tilespmem:$0x1E940] =	vst v17;
	v4 =	vmul.f32 v17, v17;
	v12 =	vld [tilespmem:s28+$0x4380];
	v17 =	vadd.f32 v0, v48;
	v0 =	vadd.f32 v49, v30  }
0x659: {  	[tilespmem:$0x1E920] =	vst v18;
	v31 =	vmul.f32 v18, v18;
	v62 =	vld [tilespmem:s28+$0xC380];
	v49 =	vadd.f32 v26, v25;
	v30 =	vadd.f32 v29, v16  }
0x65a: {  	[tilespmem:$0x1E960] =	vst v6;
	v60 =	vmul.f32 v6, v6;
	v2 =	vld [tilespmem:s28+$0x4390];
	v25 =	vadd.f32 v5, v15;
	v18 =	vadd.f32 v61, v24  }
0x65b: {  	v6 =	vmovc v10;
	v63 =	vmul.f32 v10, v10;
	v16 =	vld [tilespmem:s28+$0xC390];
	v10 =	vadd.f32 v0, v50;
	v0 =	vadd.f32 v55, v9  }
0x65c: {  	v15 =	vadd.f32 v60, v8;
	v9 =	vadd.f32 v17, v6  }
0x65d: {  	v1 =	vld [tilespmem:s28+$0xC3A0];
	[tilespmem:$0x1E970] =	vst v17;
	v55 =	vmul.f32 v17, v17;
	v30 =	vadd.f32 v30, v49;
	v17 =	vadd.f32 v0, v51  }
0x65e: {  	v29 =	vld [tilespmem:s28+$0x43A0];
	v0 =	vadd.f32 v62, v12;
	v62 =	vadd.f32 v38, v28  }
0x65f: {  	v26 =	vmov v6;
	v12 =	vld [tilespmem:s28+$0x43B0];
	v55 =	vadd.f32 v55, v63;
	v23 =	vadd.f32 v30, v23  }
0x660: {  	v6 =	vmovc v10;
	v7 =	vmul.f32 v10, v10;
	v28 =	vld [tilespmem:s28+$0xC3B0];
	v10 =	vadd.f32 v0, v52;
	v0 =	vadd.f32 v16, v2  }
0x661: {  	[tilespmem:$0x1E980] =	vst v17;
	v38 =	vmul.f32 v17, v17;
	v13 =	vadd.f32 v17, v6;
	v17 =	vadd.f32 v4, v14  }
0x662: {  	v16 =	vld [tilespmem:s28+$0x43C0];
	v21 =	vadd.f32 v62, v21;
	v3 =	vadd.f32 v0, v54  }
0x663: {  	v2 =	vld [tilespmem:s28+$0xC3C0];
	v0 =	vadd.f32 v1, v29;
	v29 =	vadd.f32 v31, v11  }
0x664: {  	v63 =	vadd.f32 v38, v7;
	v15 =	vadd.f32 v15, v17  }
0x665: {  	v27 =	vmovc v6;
	v1 =	vld [tilespmem:s28+$0x43D0];
	v6 =	vmov v10;
	v11 =	vadd.f32 v28, v12;
	v0 =	vadd.f32 v0, v58  }
0x666: {  	v31 =	vld [tilespmem:s28+$0xC3D0];
	[tilespmem:$0x1E9A0] =	vst v3;
	v28 =	vmul.f32 v3, v3;
	v3 =	vadd.f32 v3, v6;
	v20 =	vadd.f32 v29, v25  }
0x667: {  	v56 =	vld [tilespmem:s28+$0xC3E0];
	[tilespmem:$0x1E990] =	vst v10;
	v10 =	vmul.f32 v10, v10;
	v17 =	vadd.f32 v63, v55;
	v6 =	vadd.f32 v11, v41  }
0x668: {  	v12 =	vld [tilespmem:s28+$0x43E0];
	v2 =	vadd.f32 v2, v16;
	v16 =	vadd.f32 v13, v9  }
0x669: {  	v28 =	vadd.f32 v28, v10;
	v19 =	vadd.f32 v20, v19  }
0x66a: {  	v11 =	vld [tilespmem:s28+$0x43F0];
	v24 =	vmovc v0;
	v15 =	vadd.f32 v17, v15;
	v17 =	vperm.xlane v23, v37;
	v9 =	vadd.f32 v2, v44  }
0x66b: {  	v13 =	vld [tilespmem:s28+$0xC3F0];
	v5 =	vmul.f32 v0, v0;
	v1 =	vadd.f32 v31, v1;
	v60 =	vadd.f32 v6, v24  }
0x66c: {  	[tilespmem:$0x1E9B0] =	vst v0;
	v0 =	vmul.f32 v6, v6;
	v31 =	vld [tilespmem:s28+$0x4400];
	v16 =	vadd.f32 v16, v18;
	v17 =	vadd.f32 v23, v17  }
0x66d: {  	v2 =	vld [tilespmem:s28+$0xC400];
	v18 =	vperm.xlane v21, v37;
	v8 =	vadd.f32 v1, v48;
	v1 =	vadd.f32 v56, v12  }
0x66e: {  	v61 =	vld [tilespmem:s28+$0x4410];
	v12 =	vmul.f32 v9, v9;
	v14 =	vadd.f32 v60, v3;
	v10 =	vadd.f32 v0, v5  }
0x66f: {  	v38 =	vld [tilespmem:s28+$0xC410];
	v29 =	vperm.xlane v16, v37;
	v18 =	vadd.f32 v21, v18;
	v7 =	vadd.f32 v1, v50  }
0x670: {  	[tilespmem:$0x1E9C0] =	vst v6;
	v6 =	vld [tilespmem:s28+$0x4420];
	v21 =	vperm.xlane v19, v37;
	v1 =	vadd.f32 v13, v11;
	v11 =	vadd.f32 v8, v9  }
0x671: {  	v3 =	vld [tilespmem:s28+$0xC420];
	v13 =	vmul.f32 v8, v8;
	v10 =	vadd.f32 v10, v28;
	v16 =	vadd.f32 v16, v29  }
0x672: {  	v36 =	vld [tilespmem:s28+$0xC470];
	v23 =	vperm.xlane v18, v39;
	v19 =	vadd.f32 v19, v21;
	v2 =	vadd.f32 v2, v31  }
0x673: {  	v5 =	vld [tilespmem:s28+$0xC430];
	v1 =	vadd.f32 v1, v51;
	v4 =	vmul.f32 v7, v7;
	v13 =	vadd.f32 v13, v12  }
0x674: {  	v31 =	vld [tilespmem:s28+$0x4430];
	v21 =	vperm.xlane v16, v39;
	v56 =	vadd.f32 v2, v52;
	v2 =	vadd.f32 v38, v61  }
0x675: {  	[tilespmem:$0x1E9D0] =	vst v9;
	v18 =	vadd.f32 v18, v23;
	v23 =	vperm.xlane v19, v39;
	v38 =	vld [tilespmem:s28+$0x4440];
	v52 =	vadd.f32 v1, v7  }
0x676: {  	[tilespmem:$0x1E9E0] =	vst v8;
	v0 =	vmul.f32 v1, v1;
	v9 =	vadd.f32 v2, v54;
	v2 =	vadd.f32 v3, v6;
	v3 =	vld [tilespmem:$0x1E700]  }
0x677: {  	[tilespmem:$0x1EA00] =	vst v1;
	v1 =	vld [tilespmem:s28+$0xC440];
	v16 =	vadd.f32 v16, v21;
	v19 =	vadd.f32 v19, v23  }
0x678: {  	[tilespmem:$0x1E9F0] =	vst v7;
	v7 =	vld [tilespmem:s28+$0x4450];
	v6 =	vmul.f32 v56, v56;
	v61 =	vadd.f32 v52, v11;
	v8 =	vadd.f32 v0, v4  }
0x679: {  	v4 =	vld [tilespmem:s28+$0xC450];
	v23 =	vperm.xlane v16, v42;
	v60 =	vadd.f32 v2, v58;
	v2 =	vadd.f32 v5, v31  }
0x67a: {  	v5 =	vld [tilespmem:s28+$0x4460];
	v0 =	vmul.f32 v9, v9;
	v14 =	vadd.f32 v61, v14;
	v8 =	vadd.f32 v8, v13  }
0x67b: {  	v16 =	vadd.f32 v16, v23;
	v11 =	vadd.f32 v34, v3;
	v34 =	vld [tilespmem:s28+$0xC460]  }
0x67c: {  	v1 =	vadd.f32 v1, v38;
	v0 =	vadd.f32 v0, v6;
	v6 =	vld [tilespmem:$0x1E710]  }
0x67d: {  	v58 =	vadd.f32 v2, v41;
	v2 =	vld [tilespmem:s28+$0x4470];
	v3 =	vadd.f32 v9, v56;
	v13 =	vperm.xlane v14, v37  }
0x67e: {  	v38 =	vmul.f32 v60, v60;
	v54 =	vadd.f32 v1, v44;
	v1 =	vadd.f32 v4, v7  }
0x67f: {  	v8 =	vadd.f32 v8, v10;
	v4 =	vmul.f32 v58, v58;
	v13 =	vadd.f32 v14, v13  }
0x680: {  	v52 =	vadd.f32 v1, v48;
	v1 =	vadd.f32 v34, v5  }
0x681: {  	[tilespmem:$0x1EA10] =	vst v9;
	v9 =	vperm.xlane v11, v37;
	v4 =	vadd.f32 v4, v38;
	v6 =	vadd.f32 v43, v6  }
0x682: {  	v31 =	vadd.f32 v1, v50;
	v1 =	vadd.f32 v36, v2  }
0x683: {  	v43 =	vadd.f32 v58, v60;
	v9 =	vadd.f32 v11, v9  }
0x684: {  	v7 =	vld [tilespmem:$0x1E720];
	v5 =	vmul.f32 v54, v54;
	v0 =	vadd.f32 v4, v0;
	v50 =	vadd.f32 v1, v51  }
0x685: {  	v4 =	vadd.f32 v32, v59;
	v2 =	vmul.f32 v52, v52;
	v36 =	vadd.f32 v52, v54  }
0x686: {  	v1 =	vmul.f32 v31, v31;
	v38 =	vadd.f32 v50, v31;
	v48 =	vmul.f32 v50, v50  }
0x687: {  	v14 =	vperm.xlane v8, v37;
	v3 =	vadd.f32 v43, v3;
	v2 =	vadd.f32 v2, v5  }
0x688: {  	v49 =	vperm.xlane v22, v37;
	v36 =	vadd.f32 v38, v36;
	v1 =	vadd.f32 v48, v1  }
0x689: {  	v8 =	vadd.f32 v8, v14;
	v34 =	vadd.f32 v40, v7;
	v29 =	vperm.xlane v9, v39  }
0x68a: {  	v10 =	vperm.xlane v4, v37;
	v3 =	vadd.f32 v36, v3;
	v1 =	vadd.f32 v1, v2  }
0x68b: {  	v9 =	vadd.f32 v9, v29;
	v5 =	vperm.xlane v34, v37;
	v2 =	vadd.f32 v6, v33  }
0x68c: {  	v4 =	vadd.f32 v4, v10;
	v28 =	vperm.xlane v3, v37;
	v0 =	vadd.f32 v1, v0  }
0x68d: {  	v20 =	vperm.xlane v2, v37;
	v1 =	vadd.f32 v34, v5;
	v5 =	vadd.f32 v22, v49  }
0x68e: {  	v22 =	vperm.xlane v15, v37;
	v3 =	vadd.f32 v3, v28;
	v28 =	vperm.xlane v0, v37  }
0x68f: {  	v2 =	vadd.f32 v2, v20;
	v20 =	vperm.xlane v1, v39;
	v10 =	vperm.xlane v5, v39  }
0x690: {  	v15 =	vadd.f32 v15, v22;
	v22 =	vperm.xlane v13, v39;
	v14 =	vperm.xlane v3, v39  }
0x691: {  	v29 =	vperm.xlane v2, v39;
	v0 =	vadd.f32 v0, v28;
	v1 =	vadd.f32 v1, v20  }
0x692: {  	v21 =	vperm.xlane v15, v39;
	v13 =	vadd.f32 v13, v22;
	v22 =	vperm.xlane v8, v39  }
0x693: {  	v28 =	vperm.xlane v9, v42;
	v3 =	vadd.f32 v3, v14;
	v14 =	vperm.xlane v0, v39  }
0x694: {  	v2 =	vadd.f32 v2, v29;
	v15 =	vadd.f32 v15, v21;
	v21 =	vperm.xlane v13, v42  }
0x695: {  	v8 =	vadd.f32 v8, v22;
	v9 =	vadd.f32 v9, v28;
	v22 =	vperm.xlane v3, v42  }
0x696: {  	v0 =	vadd.f32 v0, v14;
	v14 =	vperm.xlane v2, v42;
	v23 =	vperm.xlane v15, v42  }
0x697: {  	v13 =	vadd.f32 v13, v21;
	v21 =	vperm.xlane v8, v42;
	v22 =	vadd.f32 v3, v22  }
0x698: {  	v3 =	vperm.xlane v9, v45;
	v2 =	vadd.f32 v2, v14;
	v14 =	vperm.xlane v0, v42  }
0x699: {  	v6 =	vld [tilespmem:$0x1E740];
	v20 =	vperm.xlane v4, v39;
	v15 =	vadd.f32 v15, v23;
	v8 =	vadd.f32 v8, v21  }
0x69a: {  	v23 =	vperm.xlane v13, v45;
	v14 =	vadd.f32 v0, v14;
	v0 =	vadd.f32 v9, v3  }
0x69b: {  	v5 =	vadd.f32 v5, v10;
	v10 =	vperm.xlane v17, v39;
	v29 =	vperm.xlane v1, v42  }
0x69c: {  	v13 =	vadd.f32 v13, v23;
	v23 =	vperm.xlane v8, v45;
	v3 =	vmul.f32 $7.812500000e-03, v0  }
0x69d: {  	v4 =	vadd.f32 v4, v20;
	v20 =	vperm.xlane v5, v42;
	v10 =	vadd.f32 v17, v10  }
0x69e: {  	v17 =	vperm.xlane v18, v42;
	v8 =	vadd.f32 v8, v23;
	v23 =	vsub.f32 v6, v3;
	v6 =	vld [tilespmem:$0x1E750]  }
0x69f: {  	v1 =	vadd.f32 v1, v29;
	v28 =	vperm.xlane v4, v42  }
0x6a0: {  	v5 =	vadd.f32 v5, v20;
	v20 =	vperm.xlane v10, v42;
	v17 =	vadd.f32 v18, v17  }
0x6a1: {  	v18 =	vperm.xlane v19, v42;
	v29 =	vperm.xlane v1, v45;
	v4 =	vadd.f32 v4, v28  }
0x6a2: {  	v28 =	vperm.xlane v5, v45;
	v10 =	vadd.f32 v10, v20;
	v20 =	vperm.xlane v17, v45  }
0x6a3: {  	v18 =	vadd.f32 v19, v18;
	v19 =	vperm.xlane v16, v45;
	v32 =	vsub.f32 v6, v3;
	v6 =	vld [tilespmem:$0x1E760]  }
0x6a4: {  	v21 =	vperm.xlane v22, v45;
	v9 =	vperm.xlane v2, v45  }
0x6a5: {  	v1 =	vadd.f32 v1, v29;
	v29 =	vperm.xlane v4, v45;
	v5 =	vadd.f32 v5, v28  }
0x6a6: {  	v28 =	vperm.xlane v10, v45;
	v17 =	vadd.f32 v17, v20;
	v20 =	vperm.xlane v18, v45  }
0x6a7: {  	v16 =	vadd.f32 v16, v19;
	v19 =	vperm.xlane v15, v45;
	v21 =	vadd.f32 v22, v21  }
0x6a8: {  	v22 =	vperm.xlane v14, v45;
	v2 =	vadd.f32 v2, v9;
	v34 =	vsub.f32 v6, v3;
	v6 =	vld [tilespmem:$0x1E770]  }
0x6a9: {  	v0 =	vmul.f32 $7.812500000e-03, v1;
	v4 =	vadd.f32 v4, v29;
	v1 =	vmul.f32 $7.812500000e-03, v5  }
0x6aa: {  	v5 =	vadd.f32 v10, v28;
	v44 =	vmul.f32 $7.812500000e-03, v17;
	v43 =	vmul.f32 $7.812500000e-03, v16  }
0x6ab: {  	v9 =	vadd.f32 v18, v20;
	v42 =	vmul.f32 $7.812500000e-03, v13;
	v41 =	vmul.f32 $7.812500000e-03, v21  }
0x6ac: {  	v10 =	vadd.f32 v15, v19;
	v13 =	vmul.f32 $7.812500000e-03, v2;
	v15 =	vmul.f32 v3, v3  }
0x6ad: {  	v4 =	vmul.f32 $7.812500000e-03, v4;
	v16 =	vmul.f32 v0, v0;
	v59 =	vsub.f32 v6, v3;
	v6 =	vld [tilespmem:$0x1E780]  }
0x6ae: {  	v5 =	vmul.f32 $7.812500000e-03, v5;
	v13 =	vsub.f32 v13, v15;
	v15 =	vmul.f32 v1, v1  }
0x6af: {  	v9 =	vmul.f32 $7.812500000e-03, v9;
	v4 =	vsub.f32 v4, v16;
	v16 =	vmul.f32 v44, v44  }
0x6b0: {  	v14 =	vadd.f32 v14, v22;
	v10 =	vmul.f32 $7.812500000e-03, v10;
	v5 =	vsub.f32 v5, v15  }
0x6b1: {  	v8 =	vmul.f32 $7.812500000e-03, v8;
	v15 =	vmul.f32 v43, v43;
	v9 =	vsub.f32 v9, v16  }
0x6b2: {  	v14 =	vmul.f32 $7.812500000e-03, v14;
	v5 =	vadd.f32 $9.999999960e-13, v5;
	v62 =	vsub.f32 v6, v3;
	v6 =	vld [tilespmem:$0x1E790]  }
0x6b3: {  	v16 =	vmul.f32 v42, v42;
	v13 =	vadd.f32 $9.999999960e-13, v13;
	v10 =	vsub.f32 v10, v15  }
0x6b4: {  	v15 =	vmul.f32 v41, v41;
	v17 =	vshrl.u32 v5, $0x1;
	v5 =	vmul.f32 $5.000000000e-01, v5  }
0x6b5: {  	v4 =	vadd.f32 $9.999999960e-13, v4;
	v8 =	vsub.f32 v8, v16;
	v17 =	vsub.s32 $0x5F3759DF, v17  }
0x6b6: {  	v2 =	vld [tilespmem:$0x1E730];
	v9 =	vadd.f32 $9.999999960e-13, v9;
	v14 =	vsub.f32 v14, v15;
	v29 =	vmul.f32 v17, v5  }
0x6b7: {  	v15 =	vshrl.u32 v13, $0x1;
	v13 =	vmul.f32 $5.000000000e-01, v13;
	v35 =	vsub.f32 v6, v3;
	v6 =	vld [tilespmem:$0x1E7A0]  }
0x6b8: {  	v16 =	vshrl.u32 v4, $0x1;
	v15 =	vsub.s32 $0x5F3759DF, v15;
	v29 =	vmul.f32 v17, v29  }
0x6b9: {  	v18 =	vshrl.u32 v9, $0x1;
	v9 =	vmul.f32 $5.000000000e-01, v9;
	v22 =	vmul.f32 v15, v13  }
0x6ba: {  	v4 =	vmul.f32 $5.000000000e-01, v4;
	v18 =	vsub.s32 $0x5F3759DF, v18;
	v29 =	vsub.f32 $1.500000000e+00, v29  }
0x6bb: {  	v2 =	vsub.f32 v2, v3;
	v30 =	vmul.f32 v18, v9;
	v22 =	vmul.f32 v15, v22  }
0x6bc: {  	v8 =	vadd.f32 $9.999999960e-13, v8;
	v17 =	vmul.f32 v17, v29;
	v29 =	vsub.f32 v6, v3;
	v3 =	vld [tilespmem:$0x1E7B0]  }
0x6bd: {  	v16 =	vsub.s32 $0x5F3759DF, v16;
	v30 =	vmul.f32 v18, v30;
	v22 =	vsub.f32 $1.500000000e+00, v22  }
0x6be: {  	v28 =	vmul.f32 v16, v4;
	v20 =	vshrl.u32 v8, $0x1;
	v8 =	vmul.f32 $5.000000000e-01, v8  }
0x6bf: {  	v20 =	vsub.s32 $0x5F3759DF, v20;
	v15 =	vmul.f32 v15, v22;
	v22 =	vsub.f32 $1.500000000e+00, v30  }
0x6c0: {  	v28 =	vmul.f32 v16, v28;
	v53 =	vmul.f32 v20, v8  }
0x6c1: {  	v18 =	vmul.f32 v18, v22;
	v22 =	vsub.f32 v3, v0;
	v3 =	vld [tilespmem:$0x1E7C0]  }
0x6c2: {  	v28 =	vsub.f32 $1.500000000e+00, v28;
	v36 =	vmul.f32 v20, v53  }
0x6c3: {  	v14 =	vadd.f32 $9.999999960e-13, v14  }
0x6c4: {  	v16 =	vmul.f32 v16, v28;
	v28 =	vsub.f32 $1.500000000e+00, v36  }
0x6c5: {  	v21 =	vshrl.u32 v14, $0x1;
	v14 =	vmul.f32 $5.000000000e-01, v14  }
0x6c6: {  	v21 =	vsub.s32 $0x5F3759DF, v21;
	v20 =	vmul.f32 v20, v28;
	v28 =	vsub.f32 v3, v0;
	v3 =	vld [tilespmem:$0x1E7D0]  }
0x6c7: {  	v55 =	vmul.f32 v21, v14;
	_ =	sdelay $0x1  }
0x6c8: {  	v37 =	vmul.f32 v21, v55;
	_ =	sdelay $0x1  }
0x6c9: {  	v63 =	vsub.f32 $1.500000000e+00, v37;
	v37 =	vsub.f32 v3, v0;
	v3 =	vld [tilespmem:$0x1E7E0];
	_ =	sdelay $0x4  }
0x6ca: {  	v38 =	vsub.f32 v3, v0;
	v3 =	vld [tilespmem:$0x1E7F0];
	_ =	sdelay $0x3  }
0x6cb: {  	v10 =	vadd.f32 $9.999999960e-13, v10  }
0x6cc: {  	v39 =	vsub.f32 v3, v0;
	v3 =	vld [tilespmem:$0x1E800]  }
0x6cd: {  	v19 =	vshrl.u32 v10, $0x1;
	v10 =	vmul.f32 $5.000000000e-01, v10  }
0x6ce: {  	v19 =	vsub.s32 $0x5F3759DF, v19;
	v4 =	vmul.f32 v16, v4  }
0x6cf: {  	v51 =	vmul.f32 v19, v10;
	v13 =	vmul.f32 v15, v13  }
0x6d0: {  	v4 =	vmul.f32 v4, v16;
	v21 =	vmul.f32 v21, v63  }
0x6d1: {  	v8 =	vmul.f32 v20, v8;
	v13 =	vmul.f32 v13, v15;
	v40 =	vsub.f32 v3, v0;
	v3 =	vld [tilespmem:$0x1E810]  }
0x6d2: {  	v33 =	vmul.f32 v19, v51;
	v14 =	vmul.f32 v21, v14  }
0x6d3: {  	v4 =	vsub.f32 $1.500000000e+00, v4;
	v13 =	vsub.f32 $1.500000000e+00, v13;
	v8 =	vmul.f32 v8, v20  }
0x6d4: {  	v30 =	vsub.f32 $1.500000000e+00, v33;
	v5 =	vmul.f32 v17, v5;
	v14 =	vmul.f32 v14, v21  }
0x6d5: {  	v13 =	vmul.f32 v13, v15;
	v15 =	vmul.f32 v4, v16;
	v4 =	vsub.f32 $1.500000000e+00, v8  }
0x6d6: {  	v8 =	vsub.f32 $1.500000000e+00, v14;
	v14 =	vsub.f32 v3, v0;
	v3 =	vld [tilespmem:$0x1E820]  }
0x6d7: {  	v5 =	vmul.f32 v5, v17  }
0x6d8: {  	v19 =	vmul.f32 v19, v30  }
0x6d9: {  	v5 =	vsub.f32 $1.500000000e+00, v5  }
0x6da: {  	v10 =	vmul.f32 v19, v10  }
0x6db: {  	v16 =	vmul.f32 v5, v17;
	v17 =	vsub.f32 v3, v0;
	v0 =	vld [tilespmem:$0x1E830]  }
0x6dc: {  	v10 =	vmul.f32 v10, v19  }
0x6dd: {  	v2 =	vmul.f32 v13, v2  }
0x6de: {  	v9 =	vmul.f32 v18, v9;
	v10 =	vsub.f32 $1.500000000e+00, v10  }
0x6df: {  	[tilespmem:$0x1EBD0] =	vst v2;
	v2 =	vld [tilespmem:$0x1E850]  }
0x6e0: {  	v9 =	vmul.f32 v9, v18;
	v5 =	vmul.f32 v10, v19;
	v10 =	vsub.f32 v0, v1;
	v0 =	vld [tilespmem:$0x1E840];
	_ =	sdelay $0x1  }
0x6e1: {  	v9 =	vsub.f32 $1.500000000e+00, v9;
	_ =	sdelay $0x1  }
0x6e2: {  	v9 =	vmul.f32 v9, v18  }
0x6e3: {  	v18 =	vsub.f32 v0, v1;
	v0 =	vmul.f32 v8, v21;
	v8 =	vsub.f32 v2, v1;
	v2 =	vld [tilespmem:$0x1E860];
	_ =	sdelay $0x4  }
0x6e4: {  	v19 =	vsub.f32 v2, v1;
	v2 =	vmul.f32 v13, v23;
	_ =	sdelay $0x1  }
0x6e5: {  	[tilespmem:$0x1EBF0] =	vst v2;
	v2 =	vld [tilespmem:$0x1E870];
	_ =	sdelay $0x4  }
0x6e6: {  	v4 =	vmul.f32 v4, v20;
	v20 =	vsub.f32 v2, v1;
	v2 =	vld [tilespmem:$0x1E880];
	_ =	sdelay $0x4  }
0x6e7: {  	v21 =	vsub.f32 v2, v1;
	v2 =	vmul.f32 v13, v32;
	_ =	sdelay $0x1  }
0x6e8: {  	[tilespmem:$0x1EC00] =	vst v2;
	v2 =	vld [tilespmem:$0x1E890];
	_ =	sdelay $0x1  }
0x6e9: {  	v12 =	vmul.f32 v13, v29;
	v29 =	vmul.f32 v15, v38;
	_ =	sdelay $0x1  }
0x6ea: {  	[tilespmem:$0x1ECA0] =	vst v29;
	v29 =	vld [tilespmem:$0x1E990]  }
0x6eb: {  	v23 =	vsub.f32 v2, v1;
	v2 =	vld [tilespmem:$0x1E8A0];
	_ =	sdelay $0x4  }
0x6ec: {  	v55 =	vsub.f32 v2, v1;
	v1 =	vmul.f32 v13, v34;
	v34 =	vsub.f32 v29, v42;
	v29 =	vld [tilespmem:$0x1E9A0];
	_ =	sdelay $0x4  }
0x6ed: {  	v32 =	vsub.f32 v29, v42;
	v29 =	vmul.f32 v15, v39  }
0x6ee: {  	v14 =	vmul.f32 v15, v14  }
0x6ef: {  	[tilespmem:$0x1ECB0] =	vst v29;
	v29 =	vld [tilespmem:$0x1E9B0]  }
0x6f0: {  	[tilespmem:$0x1ECD0] =	vst v14;
	v14 =	vld [tilespmem:$0x1E9F0];
	_ =	sdelay $0x3  }
0x6f1: {  	v7 =	vmul.f32 v13, v35;
	v35 =	vsub.f32 v29, v42;
	v29 =	vld [tilespmem:$0x1E9C0]  }
0x6f2: {  	v39 =	vsub.f32 v14, v42;
	v14 =	vld [tilespmem:$0x1EA00];
	_ =	sdelay $0x3  }
0x6f3: {  	v36 =	vsub.f32 v29, v42  }
0x6f4: {  	v29 =	vmul.f32 v15, v40;
	v40 =	vsub.f32 v14, v42;
	v14 =	vmul.f32 v15, v17;
	_ =	sdelay $0x1  }
0x6f5: {  	[tilespmem:$0x1ECE0] =	vst v14;
	v14 =	vld [tilespmem:$0x1EA10]  }
0x6f6: {  	[tilespmem:$0x1ECC0] =	vst v29;
	v29 =	vld [tilespmem:$0x1E9D0];
	_ =	sdelay $0x1  }
0x6f7: {  	v24 =	vld [tilespmem:$0x1E960]  }
0x6f8: {  	v11 =	vld [tilespmem:$0x1E920];
	v10 =	vmul.f32 v16, v10  }
0x6f9: {  	v33 =	vld [tilespmem:$0x1FF20];
	v17 =	vsub.f32 v14, v41;
	v14 =	vmul.f32 v16, v18  }
0x6fa: {  	v25 =	vmul.f32 v15, v28;
	v28 =	vmul.f32 v15, v37;
	[tilespmem:$0x1ECF0] =	vst v10;
	v37 =	vsub.f32 v29, v42;
	v29 =	vld [tilespmem:$0x1E9E0]  }
0x6fb: {  	v2 =	vmul.f32 v13, v59;
	[tilespmem:$0x1ED00] =	vst v14;
	v14 =	vld [tilespmem:$0x1EA20]  }
0x6fc: {  	v48 =	vsub.f32 v54, v41;
	[tilespmem:$0x1EC20] =	vst v1;
	v1 =	vld [tilespmem:$0x1E8B0]  }
0x6fd: {  	v49 =	vsub.f32 v52, v41;
	v22 =	vmul.f32 v15, v22;
	v10 =	vsub.f32 v60, v41;
	[tilespmem:$0x1EC30] =	vst v2;
	v2 =	vld [tilespmem:$0x1E8D0]  }
0x6fe: {  	v3 =	vld [tilespmem:$0x1E8E0];
	v45 =	vmul.f32 v16, v8;
	v8 =	vsub.f32 v31, v41;
	v15 =	vsub.f32 v56, v41  }
0x6ff: {  	[tilespmem:$0x1EC50] =	vst v7;
	v7 =	vld [tilespmem:$0x1E910];
	v18 =	vsub.f32 v50, v41;
	v38 =	vsub.f32 v29, v42  }
0x700: {  	v42 =	vsub.f32 v58, v41;
	v41 =	vsub.f32 v14, v57;
	v14 =	vld [tilespmem:$0x1EA30]  }
0x701: {  	v6 =	vld [tilespmem:$0x1E900]  }
0x702: {  	[tilespmem:$0x1EC60] =	vst v12;
	v12 =	vld [tilespmem:$0x1E930];
	v61 =	vsub.f32 v1, v44;
	v2 =	vsub.f32 v2, v44  }
0x703: {  	[tilespmem:$0x1EC70] =	vst v22;
	v22 =	vld [tilespmem:$0x1E950];
	v59 =	vsub.f32 v3, v44;
	v3 =	vmul.f32 v13, v62  }
0x704: {  	v62 =	vmul.f32 v9, v61;
	v61 =	vmul.f32 v9, v2;
	v2 =	vld [tilespmem:$0x1EAA0]  }
0x705: {  	v46 =	vmul.f32 v16, v19;
	v19 =	vsub.f32 v14, v57;
	v14 =	vld [tilespmem:$0x1EA40]  }
0x706: {  	[tilespmem:$0x1EC80] =	vst v25;
	v25 =	vsub.f32 v26, v43;
	v26 =	vld [tilespmem:$0x1E970]  }
0x707: {  	[tilespmem:$0x1EC40] =	vst v3;
	v3 =	vld [tilespmem:$0x1E8F0]  }
0x708: {  	v11 =	vsub.f32 v11, v44;
	[tilespmem:$0x1EC90] =	vst v28;
	v28 =	vld [tilespmem:$0x1E980]  }
0x709: {  	v24 =	vsub.f32 v24, v43;
	v13 =	vsub.f32 v12, v43;
	v12 =	vld [tilespmem:$0x1E940]  }
0x70a: {  	v51 =	vmul.f32 v16, v20;
	v2 =	vadd.f32 v2, v33;
	v20 =	vsub.f32 v14, v57;
	v14 =	vld [tilespmem:$0x1EA50]  }
0x70b: {  	v27 =	vsub.f32 v27, v43;
	v30 =	vld [tilespmem:$0x1FF40];
	v7 =	vsub.f32 v7, v44  }
0x70c: {  	v6 =	vsub.f32 v6, v44;
	v3 =	vsub.f32 v3, v44;
	[tilespmem:s24+$0x43B0] =	vst v2;
	v2 =	vld [tilespmem:$0x1EAC0]  }
0x70d: {  	v22 =	vsub.f32 v22, v43;
	v26 =	vsub.f32 v26, v43;
	v31 =	vld [tilespmem:$0x1FF30]  }
0x70e: {  	v28 =	vsub.f32 v28, v43;
	v54 =	vmul.f32 v9, v3;
	v3 =	vmul.f32 v9, v6;
	v6 =	vld [tilespmem:$0x1EAB0]  }
0x70f: {  	v53 =	vmul.f32 v16, v55;
	v12 =	vsub.f32 v12, v43;
	v43 =	vsub.f32 v14, v57;
	v14 =	vld [tilespmem:$0x1EA60]  }
0x710: {  	v55 =	vmul.f32 v9, v7;
	v7 =	vmul.f32 v9, v11  }
0x711: {  	v47 =	vld [tilespmem:$0x1FE80];
	v2 =	vadd.f32 v2, v30  }
0x712: {  	[tilespmem:$0x1ED10] =	vst v7;
	v1 =	vld [tilespmem:$0x1E8C0]  }
0x713: {  	v7 =	vmul.f32 v5, v12;
	[tilespmem:s24+$0x43D0] =	vst v2;
	v2 =	vld [tilespmem:$0x1EAE0]  }
0x714: {  	v52 =	vmul.f32 v16, v21;
	v6 =	vadd.f32 v6, v31;
	v21 =	vsub.f32 v14, v57;
	v14 =	vld [tilespmem:$0x1EA70]  }
0x715: {  	[tilespmem:$0x1ED20] =	vst v7  }
0x716: {  	v7 =	vmul.f32 v5, v24;
	[tilespmem:s24+$0x43C0] =	vst v6;
	v6 =	vld [tilespmem:$0x1EAD0]  }
0x717: {  	v56 =	vmul.f32 v5, v13;
	v13 =	vld [tilespmem:$0x1FF50]  }
0x718: {  	[tilespmem:$0x1ED30] =	vst v7;
	v7 =	vadd.f32 v2, v47;
	v2 =	vmul.f32 v5, v26;
	v29 =	vld [tilespmem:$0x1FEB0]  }
0x719: {  	v1 =	vsub.f32 v1, v44;
	v44 =	vsub.f32 v14, v57;
	v14 =	vld [tilespmem:$0x1EA80]  }
0x71a: {  	[tilespmem:$0x1ED40] =	vst v2;
	v2 =	vld [tilespmem:$0x1EAF0];
	_ =	sdelay $0x2  }
0x71b: {  	v6 =	vadd.f32 v6, v13;
	v50 =	vmul.f32 v9, v1;
	v1 =	vld [tilespmem:$0x1EA90]  }
0x71c: {  	v63 =	vmul.f32 v16, v23;
	v16 =	vsub.f32 v14, v57;
	v14 =	vld [tilespmem:$0x1FF10]  }
0x71d: {  	[tilespmem:s24+$0x43E0] =	vst v6;
	v6 =	vadd.f32 v2, v29;
	v2 =	vld [tilespmem:$0x1EB00]  }
0x71e: {  	v57 =	vld [tilespmem:$0x1FEE0];
	_ =	sdelay $0x2  }
0x71f: {  	v60 =	vmul.f32 v5, v27;
	v23 =	vadd.f32 v1, v14  }
0x720: {  	v58 =	vmul.f32 v5, v22;
	v1 =	vmul.f32 v9, v59  }
0x721: {  	v59 =	vmul.f32 v5, v25;
	[tilespmem:s24+$0x43A0] =	vst v23;
	v23 =	vmul.f32 v5, v28;
	v5 =	vadd.f32 v2, v57;
	v2 =	vld [tilespmem:$0x1EB10];
	_ =	sdelay $0x4  }
0x722: {  	[tilespmem:s24+$0x4400] =	vst v6;
	v6 =	vadd.f32 v2, v14;
	v2 =	vld [tilespmem:$0x1EB20];
	_ =	sdelay $0x4  }
0x723: {  	v9 =	vadd.f32 v2, v33;
	v2 =	vld [tilespmem:$0x1EB30];
	_ =	sdelay $0x4  }
0x724: {  	v11 =	vadd.f32 v2, v31;
	v2 =	vmul.f32 v4, v40;
	_ =	sdelay $0x1  }
0x725: {  	[tilespmem:$0x1F100] =	vst v2;
	v2 =	vld [tilespmem:$0x1EB40];
	_ =	sdelay $0x2  }
0x726: {  	v8 =	vmul.f32 v0, v8  }
0x727: {  	v24 =	vmul.f32 v4, v32;
	v26 =	vmul.f32 v4, v34;
	[tilespmem:s24+$0x43F0] =	vst v7  }
0x728: {  	v22 =	vmul.f32 v4, v37;
	v7 =	vmul.f32 v4, v36;
	[tilespmem:s24+$0x4410] =	vst v5;
	v12 =	vadd.f32 v2, v30;
	v2 =	vld [tilespmem:$0x1EB50]  }
0x729: {  	v25 =	vmul.f32 v4, v35;
	v5 =	vmul.f32 v4, v38;
	[tilespmem:s24+$0x4420] =	vst v6  }
0x72a: {  	v6 =	vmul.f32 v4, v39;
	[tilespmem:s24+$0x4430] =	vst v9;
	v9 =	vmul.f32 v0, v17  }
0x72b: {  	v17 =	vmul.f32 v0, v10;
	v10 =	vmul.f32 v0, v49  }
0x72c: {  	v4 =	vmul.f32 v0, v15;
	v15 =	vmul.f32 v0, v48  }
0x72d: {  	[tilespmem:s24+$0x4440] =	vst v11;
	v11 =	vadd.f32 v2, v13;
	v2 =	vmul.f32 v0, v42;
	v0 =	vmul.f32 v0, v18  }
0x72e: {  	[tilespmem:$0x1F1A0] =	vst v8;
	v8 =	vld [tilespmem:$0x1EB90]  }
0x72f: {  	[tilespmem:$0x1F1B0] =	vst v0;
	v0 =	vld [tilespmem:$0x1EB80];
	_ =	sdelay $0x4  }
0x730: {  	v28 =	vadd.f32 v0, v57;
	v0 =	vmul.f32 v8, v41;
	_ =	sdelay $0x1  }
0x731: {  	[tilespmem:$0x1F210] =	vst v0;
	v0 =	vmul.f32 v8, v19;
	_ =	sdelay $0x1  }
0x732: {  	[tilespmem:$0x1F220] =	vst v0;
	v0 =	vld [tilespmem:$0x1EBA0];
	_ =	sdelay $0x4  }
0x733: {  	v18 =	vadd.f32 v0, v14;
	v0 =	vmul.f32 v8, v20;
	_ =	sdelay $0x1  }
0x734: {  	[tilespmem:$0x1F240] =	vst v0;
	v0 =	vmul.f32 v8, v43;
	_ =	sdelay $0x1  }
0x735: {  	[tilespmem:$0x1F250] =	vst v0;
	v0 =	vld [tilespmem:$0x1EBB0];
	_ =	sdelay $0x4  }
0x736: {  	v19 =	vadd.f32 v0, v33;
	v0 =	vmul.f32 v8, v21;
	_ =	sdelay $0x1  }
0x737: {  	[tilespmem:$0x1F260] =	vst v0;
	v0 =	vmul.f32 v8, v44;
	_ =	sdelay $0x1  }
0x738: {  	[tilespmem:$0x1F270] =	vst v0;
	v0 =	vld [tilespmem:$0x1EBC0];
	_ =	sdelay $0x3  }
0x739: {  	v43 =	vld [tilespmem:$0x1FE70]  }
0x73a: {  	[tilespmem:s24+$0x44A0] =	vst v18;
	v18 =	vadd.f32 v0, v31;
	v0 =	vld [tilespmem:$0x1EBD0];
	_ =	sdelay $0x4  }
0x73b: {  	v20 =	vmul.f32 v0, v43;
	v0 =	vmul.f32 v8, v16;
	_ =	sdelay $0x1  }
0x73c: {  	[tilespmem:$0x1F280] =	vst v0;
	v0 =	vld [tilespmem:$0x1EBE0]  }
0x73d: {  	[tilespmem:$0x1F170] =	vst v2;
	v2 =	vld [tilespmem:$0x1EB60];
	_ =	sdelay $0x3  }
0x73e: {  	[tilespmem:s24+$0x4460] =	vst v11;
	v11 =	vmov v30;
	v16 =	vadd.f32 v0, v30;
	v30 =	vld [tilespmem:$0x1FE90]  }
0x73f: {  	[tilespmem:s24+$0x4450] =	vst v12;
	v12 =	vadd.f32 v2, v47;
	v0 =	vld [tilespmem:$0x1EBF0];
	_ =	sdelay $0x3  }
0x740: {  	[tilespmem:s24+$0x4470] =	vst v12;
	v12 =	vmov v31;
	v31 =	vld [tilespmem:$0x1FEA0]  }
0x741: {  	[tilespmem:s24+$0x44B0] =	vst v19;
	v19 =	vmul.f32 v0, v30;
	v0 =	vld [tilespmem:$0x1EC00];
	_ =	sdelay $0x4  }
0x742: {  	v21 =	vmul.f32 v0, v31;
	v0 =	vld [tilespmem:$0x1EC10];
	_ =	sdelay $0x1  }
0x743: {  	[tilespmem:$0x1F190] =	vst v10;
	v10 =	vld [tilespmem:$0x1EB70];
	_ =	sdelay $0x1  }
0x744: {  	v38 =	vmov v13  }
0x745: {  	[tilespmem:s24+$0x44C0] =	vst v18;
	v18 =	vadd.f32 v0, v38  }
0x746: {  	v44 =	vld [tilespmem:$0x1FDB0]  }
0x747: {  	v39 =	vmov v14;
	v27 =	vadd.f32 v10, v29;
	[tilespmem:s24+$0x44E0] =	vst v18;
	v18 =	vadd.f32 v21, v14;
	v14 =	vld [tilespmem:$0x1EC60];
	_ =	sdelay $0x1  }
0x748: {  	[tilespmem:s24+$0x4480] =	vst v27  }
0x749: {  	[tilespmem:s24+$0x4490] =	vst v28;
	v20 =	vadd.f32 v20, v29  }
0x74a: {  	[tilespmem:s24+$0x44D0] =	vst v16;
	s24 =	smov.u32 s28  }
0x74b: {  	[tilespmem:s24+$0x4100] =	vst v20;
	v20 =	vmul.f32 v14, v44;
	v14 =	vld [tilespmem:$0x1EC70];
	_ =	sdelay $0x1  }
0x74c: {  	v32 =	vld [tilespmem:$0x1FEC0]  }
0x74d: {  	v0 =	vld [tilespmem:$0x1EC20];
	_ =	sdelay $0x1  }
0x74e: {  	v21 =	vmul.f32 v14, v43;
	v14 =	vld [tilespmem:$0x1EC80];
	_ =	sdelay $0x2  }
0x74f: {  	v16 =	vadd.f32 v19, v57;
	v27 =	vmul.f32 v0, v32  }
0x750: {  	v13 =	vmov v33  }
0x751: {  	[tilespmem:s24+$0x4110] =	vst v16;
	v16 =	vadd.f32 v27, v13;
	v27 =	vmul.f32 v14, v30;
	v14 =	vld [tilespmem:$0x1EC90];
	_ =	sdelay $0x1  }
0x752: {  	v8 =	vld [tilespmem:$0x1FED0]  }
0x753: {  	v0 =	vld [tilespmem:$0x1EC30];
	_ =	sdelay $0x1  }
0x754: {  	v34 =	vmul.f32 v14, v31;
	v14 =	vld [tilespmem:$0x1ECA0];
	_ =	sdelay $0x2  }
0x755: {  	v28 =	vmul.f32 v0, v8;
	_ =	sdelay $0x1  }
0x756: {  	[tilespmem:s24+$0x4120] =	vst v18;
	v18 =	vadd.f32 v28, v12;
	v28 =	vmul.f32 v14, v32;
	v14 =	vld [tilespmem:$0x1ECB0];
	_ =	sdelay $0x1  }
0x757: {  	v19 =	vld [tilespmem:$0x1EC40]  }
0x758: {  	v0 =	vld [tilespmem:$0x1FEF0];
	_ =	sdelay $0x1  }
0x759: {  	v35 =	vmul.f32 v14, v8;
	v14 =	vld [tilespmem:$0x1ECC0];
	_ =	sdelay $0x2  }
0x75a: {  	v19 =	vmul.f32 v19, v0  }
0x75b: {  	v36 =	vld [tilespmem:$0x1FF00]  }
0x75c: {  	[tilespmem:s24+$0x4130] =	vst v16;
	v16 =	vadd.f32 v19, v11;
	v19 =	vmul.f32 v14, v0;
	v14 =	vld [tilespmem:$0x1ECD0];
	_ =	sdelay $0x2  }
0x75d: {  	v2 =	vmov v47  }
0x75e: {  	[tilespmem:s24+$0x4150] =	vst v16;
	v16 =	vadd.f32 v20, v2  }
0x75f: {  	v10 =	vmov v57;
	v49 =	vmul.f32 v14, v36;
	v14 =	vld [tilespmem:$0x1ECE0]  }
0x760: {  	[tilespmem:s24+$0x4170] =	vst v16;
	v16 =	vadd.f32 v27, v10;
	_ =	sdelay $0x1  }
0x761: {  	v47 =	vmov v29;
	v29 =	vld [tilespmem:$0x1EC50];
	[tilespmem:s24+$0x4190] =	vst v16;
	v16 =	vadd.f32 v28, v13;
	_ =	sdelay $0x1  }
0x762: {  	[tilespmem:s24+$0x41B0] =	vst v16;
	v16 =	vadd.f32 v19, v11;
	v14 =	vmul.f32 v14, v44  }
0x763: {  	v20 =	vld [tilespmem:$0x1ED00]  }
0x764: {  	[tilespmem:s24+$0x41D0] =	vst v16;
	v16 =	vadd.f32 v14, v2;
	v2 =	vld [tilespmem:$0x1ED20]  }
0x765: {  	v29 =	vmul.f32 v29, v36;
	v57 =	vld [tilespmem:$0x1ECF0];
	_ =	sdelay $0x1  }
0x766: {  	[tilespmem:s24+$0x4140] =	vst v18;
	v18 =	vadd.f32 v29, v38  }
0x767: {  	v33 =	vmov v43;
	v37 =	vmul.f32 v50, v30  }
0x768: {  	[tilespmem:s24+$0x4160] =	vst v18;
	v18 =	vadd.f32 v21, v47;
	v20 =	vmul.f32 v20, v30;
	v30 =	vmul.f32 v2, v30;
	v2 =	vld [tilespmem:$0x1ED30]  }
0x769: {  	v46 =	vmul.f32 v46, v32;
	v48 =	vmul.f32 v57, v33;
	v21 =	vmov v33  }
0x76a: {  	[tilespmem:s24+$0x4180] =	vst v18;
	v18 =	vadd.f32 v34, v39;
	v39 =	vmul.f32 v62, v33;
	v33 =	vmul.f32 v3, v0;
	v3 =	vld [tilespmem:$0x1ED10]  }
0x76b: {  	v50 =	vmul.f32 v61, v31;
	v57 =	vmul.f32 v45, v31  }
0x76c: {  	s25 =	sadd.s32 $0x8, s25;
	v45 =	vmul.f32 v51, v8;
	v43 =	vmul.f32 v63, v36;
	v29 =	vmov v44  }
0x76d: {  	p0 =	slt.u32 s25, $0xF8;
	v27 =	vmul.f32 v58, v31;
	[tilespmem:s24+$0x41A0] =	vst v18;
	v18 =	vadd.f32 v35, v12;
	v31 =	vmul.f32 v2, v32;
	v2 =	vld [tilespmem:$0x1ED40]  }
.Ltmp1:
0x76e: {  	v42 =	vmul.f32 v53, v29;
	v34 =	vmul.f32 v54, v8;
	(pc) =	sbr.rel @p0 .LBB2_4-.Ltmp1, $4  }
0x76f: {  	v29 =	vmul.f32 v3, v29;
	v3 =	vmul.f32 v56, v21;
	[tilespmem:s24+$0x41C0] =	vst v18;
	v18 =	vadd.f32 v49, v38  }
0x770: {  	v28 =	vmul.f32 v59, v8;
	v35 =	vmul.f32 v1, v32  }
0x771: {  	v40 =	vadd.f32 v20, v10;
	v1 =	vmul.f32 v55, v36;
	[tilespmem:s24+$0x41E0] =	vst v18;
	v44 =	vmul.f32 v52, v0  }
0x772: {  	s26 =	sadd.s32 $0x1000, s26;
	v38 =	vadd.f32 v48, v47;
	[tilespmem:s24+$0x41F0] =	vst v16;
	v32 =	vmul.f32 v2, v0;
	v2 =	vmul.f32 v60, v36  }
0x773: {  	_ = 	snop  }
0x774: {  	[tilespmem:s24+$0x4200] =	vst v38  }
0x775: {  	v41 =	vld [tilespmem:$0x1FF10];
	_ =	sdelay $0x3  }
0x776: {  	[tilespmem:s24+$0x4210] =	vst v40  }
0x777: {  	v40 =	vld [tilespmem:$0x1FF20];
	v16 =	vadd.f32 v57, v41;
	_ =	sdelay $0x1  }
0x778: {  	[tilespmem:s24+$0x4220] =	vst v16  }
0x779: {  	v38 =	vld [tilespmem:$0x1FF30];
	_ =	sdelay $0x1  }
0x77a: {  	v18 =	vadd.f32 v46, v40;
	_ =	sdelay $0x1  }
0x77b: {  	[tilespmem:s24+$0x4230] =	vst v18  }
0x77c: {  	v20 =	vld [tilespmem:$0x1FF40];
	v8 =	vadd.f32 v45, v38;
	_ =	sdelay $0x1  }
0x77d: {  	[tilespmem:s24+$0x4240] =	vst v8  }
0x77e: {  	v19 =	vld [tilespmem:$0x1FF50];
	_ =	sdelay $0x1  }
0x77f: {  	v10 =	vadd.f32 v44, v20;
	_ =	sdelay $0x1  }
0x780: {  	[tilespmem:s24+$0x4250] =	vst v10  }
0x781: {  	v11 =	vadd.f32 v43, v19;
	v43 =	vld [tilespmem:$0x1FE80];
	_ =	sdelay $0x3  }
0x782: {  	[tilespmem:s24+$0x4260] =	vst v11  }
0x783: {  	v12 =	vadd.f32 v42, v43;
	v42 =	vld [tilespmem:$0x1FEB0];
	_ =	sdelay $0x2  }
0x784: {  	v21 =	vadd.f32 v50, v41  }
0x785: {  	v35 =	vadd.f32 v35, v40;
	[tilespmem:s24+$0x4270] =	vst v12  }
0x786: {  	v36 =	vadd.f32 v34, v38;
	v13 =	vadd.f32 v39, v42;
	v39 =	vld [tilespmem:$0x1FEE0];
	[tilespmem:s24+$0x42A0] =	vst v21  }
0x787: {  	v1 =	vadd.f32 v1, v19;
	[tilespmem:s24+$0x42B0] =	vst v35  }
0x788: {  	v44 =	vadd.f32 v29, v43;
	[tilespmem:s24+$0x42C0] =	vst v36  }
0x789: {  	v46 =	vadd.f32 v27, v41;
	[tilespmem:s24+$0x42E0] =	vst v1  }
0x78a: {  	[tilespmem:s24+$0x42F0] =	vst v44  }
0x78b: {  	v3 =	vadd.f32 v3, v42;
	[tilespmem:s24+$0x4320] =	vst v46  }
0x78c: {  	[tilespmem:s24+$0x4280] =	vst v13;
	v14 =	vadd.f32 v37, v39  }
0x78d: {  	[tilespmem:s24+$0x4300] =	vst v3;
	v37 =	vadd.f32 v33, v20  }
0x78e: {  	v45 =	vadd.f32 v30, v39;
	[tilespmem:s24+$0x4290] =	vst v14  }
0x78f: {  	v47 =	vadd.f32 v31, v40;
	[tilespmem:s24+$0x42D0] =	vst v37  }
0x790: {  	v48 =	vadd.f32 v28, v38;
	[tilespmem:s24+$0x4310] =	vst v45  }
0x791: {  	v51 =	vadd.f32 v32, v20;
	v49 =	vld [tilespmem:$0x1FDB0];
	[tilespmem:s24+$0x4330] =	vst v47  }
0x792: {  	v52 =	vld [tilespmem:$0x1FE70];
	[tilespmem:s24+$0x4340] =	vst v48  }
0x793: {  	v54 =	vld [tilespmem:$0x1FE90];
	[tilespmem:s24+$0x4350] =	vst v51  }
0x794: {  	v56 =	vld [tilespmem:$0x1FEA0];
	_ =	sdelay $0x1  }
0x795: {  	v50 =	vmul.f32 v23, v49  }
0x796: {  	v2 =	vadd.f32 v2, v19;
	v53 =	vmul.f32 v26, v52  }
0x797: {  	v55 =	vmul.f32 v24, v54;
	v16 =	vadd.f32 v50, v43  }
0x798: {  	[tilespmem:s24+$0x4360] =	vst v2;
	v57 =	vmul.f32 v25, v56;
	v3 =	vadd.f32 v53, v42  }
0x799: {  	v58 =	vld [tilespmem:$0x1FEC0];
	v1 =	vadd.f32 v55, v39;
	[tilespmem:s24+$0x4370] =	vst v16  }
0x79a: {  	v21 =	vld [tilespmem:$0x1FED0];
	[tilespmem:s24+$0x4380] =	vst v3;
	v61 =	vadd.f32 v57, v41  }
0x79b: {  	v62 =	vld [tilespmem:$0x1FEF0];
	[tilespmem:s24+$0x4390] =	vst v1  }
0x79c: {  	v16 =	vld [tilespmem:$0x1FF00];
	[tilespmem:s24+$0x43A0] =	vst v61  }
0x79d: {  	v0 =	vld [tilespmem:$0x1F100]  }
0x79e: {  	v59 =	vmul.f32 v7, v58  }
0x79f: {  	v60 =	vmul.f32 v22, v21  }
0x7a0: {  	v63 =	vadd.f32 v59, v40;
	v5 =	vmul.f32 v5, v62  }
0x7a1: {  	v10 =	vmul.f32 v6, v16;
	v11 =	vadd.f32 v60, v38  }
0x7a2: {  	[tilespmem:s24+$0x43B0] =	vst v63;
	v12 =	vmul.f32 v0, v49;
	v13 =	vadd.f32 v5, v20  }
0x7a3: {  	v4 =	vmul.f32 v4, v52;
	[tilespmem:s24+$0x43C0] =	vst v11;
	v2 =	vadd.f32 v10, v19  }
0x7a4: {  	v14 =	vmul.f32 v9, v54;
	[tilespmem:s24+$0x43D0] =	vst v13;
	v22 =	vadd.f32 v12, v43  }
0x7a5: {  	v25 =	vmul.f32 v17, v56;
	v29 =	vadd.f32 v4, v42;
	[tilespmem:s24+$0x43E0] =	vst v2  }
0x7a6: {  	v32 =	vadd.f32 v14, v39;
	v30 =	vld [tilespmem:$0x1F170];
	[tilespmem:s24+$0x43F0] =	vst v22  }
0x7a7: {  	v34 =	vadd.f32 v25, v41;
	[tilespmem:s24+$0x4400] =	vst v29  }
0x7a8: {  	v35 =	vld [tilespmem:$0x1F190];
	[tilespmem:s24+$0x4410] =	vst v32  }
0x7a9: {  	v44 =	vld [tilespmem:$0x1F1A0];
	[tilespmem:s24+$0x4420] =	vst v34  }
0x7aa: {  	v47 =	vld [tilespmem:$0x1F1B0]  }
0x7ab: {  	v31 =	vmul.f32 v30, v58  }
0x7ac: {  	v33 =	vmul.f32 v15, v21  }
0x7ad: {  	v36 =	vmul.f32 v35, v62;
	v37 =	vadd.f32 v31, v40  }
0x7ae: {  	v46 =	vadd.f32 v33, v38  }
0x7af: {  	v48 =	vmul.f32 v47, v49;
	v49 =	vadd.f32 v36, v20;
	[tilespmem:s24+$0x4430] =	vst v37  }
0x7b0: {  	v50 =	vld [tilespmem:$0x1F210];
	[tilespmem:s24+$0x4440] =	vst v46  }
0x7b1: {  	v53 =	vld [tilespmem:$0x1F220];
	[tilespmem:s24+$0x4450] =	vst v49  }
0x7b2: {  	v55 =	vld [tilespmem:$0x1F240]  }
0x7b3: {  	v45 =	vmul.f32 v44, v16;
	_ =	sdelay $0x1  }
0x7b4: {  	v51 =	vmul.f32 v50, v52;
	v52 =	vadd.f32 v45, v19  }
0x7b5: {  	v0 =	vmul.f32 v53, v54;
	v54 =	vadd.f32 v48, v43  }
0x7b6: {  	v3 =	vmul.f32 v55, v56;
	[tilespmem:s24+$0x4460] =	vst v52;
	v56 =	vadd.f32 v51, v42  }
0x7b7: {  	v57 =	vld [tilespmem:$0x1F250];
	[tilespmem:s24+$0x4470] =	vst v54;
	v0 =	vadd.f32 v0, v39  }
0x7b8: {  	v1 =	vld [tilespmem:$0x1F260];
	[tilespmem:s24+$0x4480] =	vst v56  }
0x7b9: {  	v59 =	vld [tilespmem:$0x1F270];
	[tilespmem:s24+$0x4490] =	vst v0  }
0x7ba: {  	v61 =	vld [tilespmem:$0x1F280];
	_ =	sdelay $0x1  }
0x7bb: {  	v4 =	vmul.f32 v57, v58  }
0x7bc: {  	v58 =	vadd.f32 v3, v41;
	v1 =	vmul.f32 v1, v21  }
0x7bd: {  	v3 =	vmul.f32 v59, v62;
	v60 =	vadd.f32 v4, v40  }
0x7be: {  	[tilespmem:s24+$0x44A0] =	vst v58;
	v4 =	vmul.f32 v61, v16;
	v1 =	vadd.f32 v1, v38  }
0x7bf: {  	[tilespmem:s24+$0x44B0] =	vst v60;
	v62 =	vadd.f32 v3, v20  }
0x7c0: {  	[tilespmem:s24+$0x44C0] =	vst v1;
	v63 =	vadd.f32 v4, v19  }
0x7c1: {  	[tilespmem:s24+$0x44D0] =	vst v62  }
0x7c2: {  	[tilespmem:s24+$0x44E0] =	vst v63  }
0x7c3: {  	[hbm4b:s10+s6] =	stream.linear.scatter [tilespmem:s15], [sflag:$0x2], $0x4000, $0x38;
	[tilespmem:$0x10280] =	vst v63  }
0x7c4: {  	_ =	swait.ge [sflag:s22], $0x4000  }
0x7c5: {  	s23 =	sadd.s32 $0x1, s23;
	[sflag:s22] =	ssyncset.done $0x0  }
0x7c6: {  	p0 =	sne.s32 s23, s11;
	[sflag:s22] =	ssyncadd.s32 $0xFFFFC000  }
.Ltmp2:
0x7c7: {  	_ =	swait.ge [sflag:s22], $0x4000;
	(pc) =	sbr.rel @p0 .LBB2_1-.Ltmp2, $4  }
0x7c8: {  	v33 =	vld [tilespmem:$0x1FFE0]  }
0x7c9: {  	v59 =	vld [tilespmem:$0x1FFC0]  }
0x7ca: {  	[sflag:s22] =	ssyncset.done $0x0;
	v40 =	vld [tilespmem:$0x1FFD0]  }
0x7cb: {  	v41 =	vld [tilespmem:$0x1FFF0];
	[sflag:s22] =	ssyncadd.s32 $0xFFFFC000  }
0x7cc: {  	_ =	sfence.sel $0x180000  }
0x7cd: {  	[bflag:$0x0] =	sbarrier.arrive $0xFFFF  }
0x7ce: {  	p0 =	sne.s32 s5, $0x0;
	_ =	strace $0x90000047  }
0x7cf: {  	s0 =	sadd.s32 @!p0 $0x100000, s1;
	[bflag:$0x2] =	sbarrier.arrive $0xFFFF  }
0x7d0: {  	[sflag:s0] =	ssyncadd.tile.s32 @!p0 $0x1;
	_ =	shalt  }
.Lfunc_end2:
_tile_overlayer_lowered:
.L_overlay_start_2:
0x7d1: {  	(tag) =	ssettag $0x2  }
0x7d2: {  	s0 =	rddreg [dreg:$0x0];
	s2 =	stileid.u32  }
0x7d3: {  	s1 =	rddreg [dreg:$0x1];
	p0 =	sne.s32 s2, $0x0  }
0x7d4: {  	s3 =	rddreg [dreg:$0x2];
	[bflag:$0x3] =	sbarrier.arrive $0xFFFF;
	s2 =	simm.s32 @!p0 $0x1C04  }
0x7d5: {  	[timem:s3], [sflag:s2] =	dma.local @!p0 [hbm:s0], s1  }
0x7d6: {  	s0 =	simm.s32 @!p0 $0x4  }
0x7d7: {  	_ =	swait.ge @!p0 [sflag:s0], s1  }
0x7d8: {  	s1 =	ssub.s32 @!p0 $0x0, s1;
	[sflag:s0] =	ssyncset.done @!p0 $0x0  }
0x7d9: {  	[sflag:s0] =	ssyncadd.s32 @!p0 s1  }
0x7da: {  	[bflag:$0x3] =	sbarrier.arrive $0xFFFF  }
0x7db: {  	_ =	shalt  }

</sc_bundles>
